<compile_context>
chip_gen: v7x
topology: tpu7x:2x2x1
jax: 0.10.2.dev20260603
libtpu: 0.0.44.dev20260713+nightly
codegen_flags: <defaults>
</compile_context>

<pallas_src>
import functools

import jax
import jax.numpy as jnp
from jax import lax
from jax.experimental import pallas as pl
from jax.experimental.pallas import tpu as pltpu
from jax.experimental.pallas import tpu_sc as plsc

BATCH_SIZE = 16384
EMBED_DIM = 32

_info = plsc.get_sparse_core_info()
_NC, _NS, _LANES = _info.num_cores, _info.num_subcores, _info.num_lanes
_NW = _NC * _NS
_BPW = BATCH_SIZE // _NW
_GROUPS = _BPW // 16
_RING = 8


def _vperm(x, idx):
    return lax.gather(
        x,
        idx[:, None],
        lax.GatherDimensionNumbers(
            offset_dims=(), collapsed_slice_dims=(0,), start_index_map=(0,)),
        (1,),
        mode=lax.GatherScatterMode.PROMISE_IN_BOUNDS,
    )


def _sc_body(uid_hbm, mid_hbm, uembT_hbm, membT_hbm, ubT_hbm, mbT_hbm,
             out_hbm, uid_v, mid_v, ring_u, ring_m, ring_ub, ring_mb, out_v,
             sem):
    wid = lax.axis_index("s") * _NC + lax.axis_index("c")
    base = wid * _BPW

    pltpu.sync_copy(uid_hbm.at[pl.ds(base, _BPW)], uid_v)
    pltpu.sync_copy(mid_hbm.at[pl.ds(base, _BPW)], mid_v)

    def fire(cu, cm, slot):
        bu = pl.multiple_of(cu & jnp.int32(-128), 128)
        bm = pl.multiple_of(cm & jnp.int32(-128), 128)
        pltpu.async_copy(uembT_hbm.at[:, pl.ds(bu, 128)], ring_u.at[slot], sem)
        pltpu.async_copy(membT_hbm.at[:, pl.ds(bm, 128)], ring_m.at[slot], sem)
        pltpu.async_copy(ubT_hbm.at[:, pl.ds(bu, 128)], ring_ub.at[slot], sem)
        pltpu.async_copy(mbT_hbm.at[:, pl.ds(bm, 128)], ring_mb.at[slot], sem)

    cvec_u0 = uid_v[pl.ds(0, 16)]
    cvec_m0 = mid_v[pl.ds(0, 16)]
    for k in range(_RING):
        fire(cvec_u0[k], cvec_m0[k], k)

    iota = lax.iota(jnp.int32, _LANES)
    perms = [iota ^ sh for sh in (8, 4, 2, 1)]
    iota_lo = iota
    iota_hi = iota + 16
    zero16 = jnp.zeros((_LANES,), jnp.int32)

    def group(g, carry):
        b0 = g * 16
        gnext = jnp.minimum(g + 1, _GROUPS - 1)
        cvec_u = uid_v[pl.ds(b0, 16)]
        cvec_m = mid_v[pl.ds(b0, 16)]
        cnext_u = uid_v[pl.ds(gnext * 16, 16)]
        cnext_m = mid_v[pl.ds(gnext * 16, 16)]
        acc = jnp.zeros((_LANES,), jnp.float32)
        for k in range(16):
            slot = k % _RING
            pltpu.make_async_copy(
                uembT_hbm.at[:, pl.ds(0, 128)], ring_u.at[slot], sem).wait()
            pltpu.make_async_copy(
                membT_hbm.at[:, pl.ds(0, 128)], ring_m.at[slot], sem).wait()
            pltpu.make_async_copy(
                ubT_hbm.at[:, pl.ds(0, 128)], ring_ub.at[slot], sem).wait()
            pltpu.make_async_copy(
                mbT_hbm.at[:, pl.ds(0, 128)], ring_mb.at[slot], sem).wait()
            lu = jnp.full((_LANES,), cvec_u[k] & 127, jnp.int32)
            lm = jnp.full((_LANES,), cvec_m[k] & 127, jnp.int32)
            u0 = plsc.load_gather(ring_u.at[slot], [iota_lo, lu])
            u1 = plsc.load_gather(ring_u.at[slot], [iota_hi, lu])
            m0 = plsc.load_gather(ring_m.at[slot], [iota_lo, lm])
            m1 = plsc.load_gather(ring_m.at[slot], [iota_hi, lm])
            ubv = plsc.load_gather(ring_ub.at[slot], [zero16, lu])
            mbv = plsc.load_gather(ring_mb.at[slot], [zero16, lm])
            p = u0 * m0 + u1 * m1
            for pm in perms:
                p = p + _vperm(p, pm)
            acc = jnp.where(iota == k, p + ubv + mbv, acc)
            if k < 16 - _RING:
                fire(cvec_u[k + _RING], cvec_m[k + _RING], slot)
            else:
                @pl.when(g < _GROUPS - 1)
                def _():
                    fire(cnext_u[k + _RING - 16], cnext_m[k + _RING - 16], slot)
        out_v[pl.ds(b0, 16)] = acc
        return carry

    lax.fori_loop(0, _GROUPS, group, 0)

    pltpu.sync_copy(out_v, out_hbm.at[pl.ds(base, _BPW)])


_sc_kernel = functools.partial(
    pl.kernel,
    out_type=jax.ShapeDtypeStruct((BATCH_SIZE,), jnp.float32),
    mesh=plsc.VectorSubcoreMesh(core_axis_name="c", subcore_axis_name="s"),
    compiler_params=pltpu.CompilerParams(
        use_tc_tiling_on_sc=True, needs_layout_passes=False),
    scratch_types=[
        pltpu.VMEM((_BPW,), jnp.int32),
        pltpu.VMEM((_BPW,), jnp.int32),
        pltpu.VMEM((_RING, EMBED_DIM, 128), jnp.float32),
        pltpu.VMEM((_RING, EMBED_DIM, 128), jnp.float32),
        pltpu.VMEM((_RING, 1, 128), jnp.float32),
        pltpu.VMEM((_RING, 1, 128), jnp.float32),
        pltpu.VMEM((_BPW,), jnp.float32),
        pltpu.SemaphoreType.DMA,
    ],
)(_sc_body)


def kernel(inputs, user_emb, movie_emb, user_bias, movie_bias):
    idx = inputs.astype(jnp.int32)
    uid = idx[:, 0]
    mid = idx[:, 1]
    return _sc_kernel(uid, mid, user_emb.T, movie_emb.T,
                      user_bias.T, movie_bias.T)

# --- scband reference (transcript-rebuilt; emitter-appended) ---
"""Pipeline reference for scband-recommender-net-19963007992246 (READ-ONLY COPY).

The authoritative reference and input builder live on the scoring server;
editing this copy changes nothing except your own understanding.
"""

import jax, jax.numpy as jnp
import numpy as np

NUM_USERS = 1000000
NUM_MOVIES = 1000000
EMBED = 32
BATCH = 16384

def setup_inputs(seed: int = 0) -> dict:
    key = jax.random.key(seed)
    k0, k1, k2, k3, k4 = jax.random.split(key, 5)
    inputs = jax.random.randint(k0, (BATCH, 2), 0, NUM_USERS, dtype=jnp.int64) if jax.config.jax_enable_x64 else jax.random.randint(k0, (BATCH, 2), 0, NUM_USERS, dtype=jnp.int32)
    user_emb = jax.random.normal(k1, (NUM_USERS, EMBED), dtype=jnp.float32) * 0.05
    movie_emb = jax.random.normal(k2, (NUM_MOVIES, EMBED), dtype=jnp.float32) * 0.05
    user_bias = jax.random.normal(k3, (NUM_USERS, 1), dtype=jnp.float32) * 0.01
    movie_bias = jax.random.normal(k4, (NUM_MOVIES, 1), dtype=jnp.float32) * 0.01
    return {"inputs": inputs, "user_emb": user_emb, "movie_emb": movie_emb, "user_bias": user_bias, "movie_bias": movie_bias}

def reference(inputs, user_emb, movie_emb, user_bias, movie_bias):
    uid = inputs[:, 0]
    mid = inputs[:, 1]
    user_vector = jnp.take(user_emb, uid, axis=0)      # [B, E]
    movie_vector = jnp.take(movie_emb, mid, axis=0)    # [B, E]
    ub = jnp.take(user_bias, uid, axis=0)              # [B, 1]
    mb = jnp.take(movie_bias, mid, axis=0)             # [B, 1]
    dot = jnp.sum(user_vector * movie_vector, axis=1, keepdims=True)  # [B, 1]
    return jnp.squeeze(dot + ub + mb, axis=1)          # [B]

if __name__ == "__main__":
    import jax
    _d = setup_inputs()
    print(jax.jit(kernel)(*tuple(_d.values())))

</pallas_src>

<mosaic_0001>
#map = affine_map<(d0, d1) -> (0)>
#map1 = affine_map<(d0, d1) -> (0, 0)>
module attributes {stable_mosaic.version = 14 : i64} {
  func.func @_sc_body(%arg0: i32, %arg1: i32, %arg2: memref<16384xi32, #tpu.memory_space<hbm>>, %arg3: memref<16384xi32, #tpu.memory_space<hbm>>, %arg4: memref<32x1000000xf32, #tpu.memory_space<hbm>>, %arg5: memref<32x1000000xf32, #tpu.memory_space<hbm>>, %arg6: memref<1x1000000xf32, #tpu.memory_space<hbm>>, %arg7: memref<1x1000000xf32, #tpu.memory_space<hbm>>, %arg8: memref<16384xf32, #tpu.memory_space<hbm>>, %arg9: memref<512xi32, #tpu.memory_space<vmem>>, %arg10: memref<512xi32, #tpu.memory_space<vmem>>, %arg11: memref<8x32x128xf32, #tpu.memory_space<vmem>>, %arg12: memref<8x32x128xf32, #tpu.memory_space<vmem>>, %arg13: memref<8x1x128xf32, #tpu.memory_space<vmem>>, %arg14: memref<8x1x128xf32, #tpu.memory_space<vmem>>, %arg15: memref<512xf32, #tpu.memory_space<vmem>>, %arg16: memref<!tpu.dma_semaphore, #tpu.memory_space<semaphore_mem>>) attributes {dimension_semantics = [#tpu.dimension_semantics<core_parallel>, #tpu.dimension_semantics<subcore_parallel>], iteration_bounds = array<i64: 2, 16>, scalar_prefetch = 0 : i64, scratch_operands = 8 : i64, tpu.core_type = #tpu.core_type<sc_vector_subcore>, window_params = [{transform_indices = #map}, {transform_indices = #map}, {transform_indices = #map1}, {transform_indices = #map1}, {transform_indices = #map1}, {transform_indices = #map1}, {transform_indices = #map}]} {
    %mul3A = arith.constant 2 : i32
    %mul3A_0 = arith.muli %arg1, %mul3A : i32
    %add3A = arith.addi %mul3A_0, %arg0 : i32
    %mul3A_1 = arith.constant 512 : i32
    %mul3A_2 = arith.muli %add3A, %mul3A_1 : i32
    "tpu.region"() ({
      %run_scoped3A = tpu.sem_alloc : memref<!tpu.dma_semaphore, #tpu.memory_space<semaphore_mem>>
      %dma_start3A_517 = tpu.memref_slice %arg2[%mul3A_2] : memref<16384xi32, #tpu.memory_space<hbm>> -> memref<512xi32, #tpu.memory_space<hbm>>
      %dma_start3A_518 = tpu.memref_slice %arg2[%mul3A_2] : memref<16384xi32, #tpu.memory_space<hbm>> -> memref<512xi32, #tpu.memory_space<hbm>>
      tpu.enqueue_dma source(%dma_start3A_518 : memref<512xi32, #tpu.memory_space<hbm>>) target(%arg9 : memref<512xi32, #tpu.memory_space<vmem>>) target_semaphore(%run_scoped3A : memref<!tpu.dma_semaphore, #tpu.memory_space<semaphore_mem>>)
      %dma_wait3A = tpu.memref_slice %arg2[%mul3A_2] : memref<16384xi32, #tpu.memory_space<hbm>> -> memref<512xi32, #tpu.memory_space<hbm>>
      %dma_wait3A_519 = tpu.memref_slice %arg2[%mul3A_2] : memref<16384xi32, #tpu.memory_space<hbm>> -> memref<512xi32, #tpu.memory_space<hbm>>
      tpu.wait_dma2 semaphore(%run_scoped3A : memref<!tpu.dma_semaphore, #tpu.memory_space<semaphore_mem>>) src(%dma_wait3A_519 : memref<512xi32, #tpu.memory_space<hbm>>) dst(%arg9 : memref<512xi32, #tpu.memory_space<vmem>>)
      tpu.yield
    }) : () -> ()
    "tpu.region"() ({
      %run_scoped3A = tpu.sem_alloc : memref<!tpu.dma_semaphore, #tpu.memory_space<semaphore_mem>>
      %dma_start3A_517 = tpu.memref_slice %arg3[%mul3A_2] : memref<16384xi32, #tpu.memory_space<hbm>> -> memref<512xi32, #tpu.memory_space<hbm>>
      %dma_start3A_518 = tpu.memref_slice %arg3[%mul3A_2] : memref<16384xi32, #tpu.memory_space<hbm>> -> memref<512xi32, #tpu.memory_space<hbm>>
      tpu.enqueue_dma source(%dma_start3A_518 : memref<512xi32, #tpu.memory_space<hbm>>) target(%arg10 : memref<512xi32, #tpu.memory_space<vmem>>) target_semaphore(%run_scoped3A : memref<!tpu.dma_semaphore, #tpu.memory_space<semaphore_mem>>)
      %dma_wait3A = tpu.memref_slice %arg3[%mul3A_2] : memref<16384xi32, #tpu.memory_space<hbm>> -> memref<512xi32, #tpu.memory_space<hbm>>
      %dma_wait3A_519 = tpu.memref_slice %arg3[%mul3A_2] : memref<16384xi32, #tpu.memory_space<hbm>> -> memref<512xi32, #tpu.memory_space<hbm>>
      tpu.wait_dma2 semaphore(%run_scoped3A : memref<!tpu.dma_semaphore, #tpu.memory_space<semaphore_mem>>) src(%dma_wait3A_519 : memref<512xi32, #tpu.memory_space<hbm>>) dst(%arg10 : memref<512xi32, #tpu.memory_space<vmem>>)
      tpu.yield
    }) : () -> ()
    %get3A = arith.constant 0 : index
    %get3A_3 = tpu.vector_load %arg9[%get3A] {strides = array<i32>} : memref<512xi32, #tpu.memory_space<vmem>>, vector<16xi32>,
    %get3A_4 = arith.constant 0 : index
    %get3A_5 = tpu.vector_load %arg10[%get3A_4] {strides = array<i32>} : memref<512xi32, #tpu.memory_space<vmem>>, vector<16xi32>,
    %slice3A = vector.extract_strided_slice %get3A_3 {offsets = [0], sizes = [1], strides = [1]} : vector<16xi32> to vector<1xi32>
    %squeeze3A = vector.extract %slice3A[0] : i32 from vector<1xi32>
    %slice3A_6 = vector.extract_strided_slice %get3A_5 {offsets = [0], sizes = [1], strides = [1]} : vector<16xi32> to vector<1xi32>
    %squeeze3A_7 = vector.extract %slice3A_6[0] : i32 from vector<1xi32>
    %and3A = arith.constant -128 : i32
    %and3A_8 = arith.andi %squeeze3A, %and3A : i32
    %multiple_of3A = tpu.assume_multiple %and3A_8, 128 : i32
    %and3A_9 = arith.constant -128 : i32
    %and3A_10 = arith.andi %squeeze3A_7, %and3A_9 : i32
    %multiple_of3A_11 = tpu.assume_multiple %and3A_10, 128 : i32
    %dma_start3A = arith.constant 0 : i32
    %dma_start3A_12 = arith.constant 0 : i32
    %dma_start3A_13 = arith.constant 0 : i32
    %dma_start3A_14 = tpu.memref_slice %arg11[%dma_start3A, %dma_start3A_12, %dma_start3A_13] : memref<8x32x128xf32, #tpu.memory_space<vmem>> -> memref<1x32x128xf32, #tpu.memory_space<vmem>>
    %dma_start3A_15 = tpu.memref_squeeze %dma_start3A_14 : memref<1x32x128xf32, #tpu.memory_space<vmem>> -> memref<32x128xf32, #tpu.memory_space<vmem>>
    %dma_start3A_16 = arith.constant 0 : i32
    %dma_start3A_17 = tpu.memref_slice %arg4[%dma_start3A_16, %multiple_of3A] : memref<32x1000000xf32, #tpu.memory_space<hbm>> -> memref<32x128xf32, #tpu.memory_space<hbm>>
    %dma_start3A_18 = arith.constant 0 : i32
    %dma_start3A_19 = arith.constant 0 : i32
    %dma_start3A_20 = tpu.memref_slice %arg11[%dma_start3A, %dma_start3A_18, %dma_start3A_19] : memref<8x32x128xf32, #tpu.memory_space<vmem>> -> memref<1x32x128xf32, #tpu.memory_space<vmem>>
    %dma_start3A_21 = tpu.memref_squeeze %dma_start3A_20 : memref<1x32x128xf32, #tpu.memory_space<vmem>> -> memref<32x128xf32, #tpu.memory_space<vmem>>
    %dma_start3A_22 = arith.constant 0 : i32
    %dma_start3A_23 = tpu.memref_slice %arg4[%dma_start3A_22, %multiple_of3A] : memref<32x1000000xf32, #tpu.memory_space<hbm>> -> memref<32x128xf32, #tpu.memory_space<hbm>>
    tpu.enqueue_dma source(%dma_start3A_23 : memref<32x128xf32, #tpu.memory_space<hbm>>) target(%dma_start3A_21 : memref<32x128xf32, #tpu.memory_space<vmem>>) target_semaphore(%arg16 : memref<!tpu.dma_semaphore, #tpu.memory_space<semaphore_mem>>)
    %dma_start3A_24 = arith.constant 0 : i32
    %dma_start3A_25 = arith.constant 0 : i32
    %dma_start3A_26 = arith.constant 0 : i32
    %dma_start3A_27 = tpu.memref_slice %arg12[%dma_start3A_24, %dma_start3A_25, %dma_start3A_26] : memref<8x32x128xf32, #tpu.memory_space<vmem>> -> memref<1x32x128xf32, #tpu.memory_space<vmem>>
    %dma_start3A_28 = tpu.memref_squeeze %dma_start3A_27 : memref<1x32x128xf32, #tpu.memory_space<vmem>> -> memref<32x128xf32, #tpu.memory_space<vmem>>
    %dma_start3A_29 = arith.constant 0 : i32
    %dma_start3A_30 = tpu.memref_slice %arg5[%dma_start3A_29, %multiple_of3A_11] : memref<32x1000000xf32, #tpu.memory_space<hbm>> -> memref<32x128xf32, #tpu.memory_space<hbm>>
    %dma_start3A_31 = arith.constant 0 : i32
    %dma_start3A_32 = arith.constant 0 : i32
    %dma_start3A_33 = tpu.memref_slice %arg12[%dma_start3A_24, %dma_start3A_31, %dma_start3A_32] : memref<8x32x128xf32, #tpu.memory_space<vmem>> -> memref<1x32x128xf32, #tpu.memory_space<vmem>>
    %dma_start3A_34 = tpu.memref_squeeze %dma_start3A_33 : memref<1x32x128xf32, #tpu.memory_space<vmem>> -> memref<32x128xf32, #tpu.memory_space<vmem>>
    %dma_start3A_35 = arith.constant 0 : i32
    %dma_start3A_36 = tpu.memref_slice %arg5[%dma_start3A_35, %multiple_of3A_11] : memref<32x1000000xf32, #tpu.memory_space<hbm>> -> memref<32x128xf32, #tpu.memory_space<hbm>>
    tpu.enqueue_dma source(%dma_start3A_36 : memref<32x128xf32, #tpu.memory_space<hbm>>) target(%dma_start3A_34 : memref<32x128xf32, #tpu.memory_space<vmem>>) target_semaphore(%arg16 : memref<!tpu.dma_semaphore, #tpu.memory_space<semaphore_mem>>)
    %dma_start3A_37 = arith.constant 0 : i32
    %dma_start3A_38 = arith.constant 0 : i32
    %dma_start3A_39 = arith.constant 0 : i32
    %dma_start3A_40 = tpu.memref_slice %arg13[%dma_start3A_37, %dma_start3A_38, %dma_start3A_39] : memref<8x1x128xf32, #tpu.memory_space<vmem>> -> memref<1x1x128xf32, #tpu.memory_space<vmem>>
    %dma_start3A_41 = tpu.memref_squeeze %dma_start3A_40 : memref<1x1x128xf32, #tpu.memory_space<vmem>> -> memref<1x128xf32, #tpu.memory_space<vmem>>
    %dma_start3A_42 = arith.constant 0 : i32
    %dma_start3A_43 = tpu.memref_slice %arg6[%dma_start3A_42, %multiple_of3A] : memref<1x1000000xf32, #tpu.memory_space<hbm>> -> memref<1x128xf32, #tpu.memory_space<hbm>>
    %dma_start3A_44 = arith.constant 0 : i32
    %dma_start3A_45 = arith.constant 0 : i32
    %dma_start3A_46 = tpu.memref_slice %arg13[%dma_start3A_37, %dma_start3A_44, %dma_start3A_45] : memref<8x1x128xf32, #tpu.memory_space<vmem>> -> memref<1x1x128xf32, #tpu.memory_space<vmem>>
    %dma_start3A_47 = tpu.memref_squeeze %dma_start3A_46 : memref<1x1x128xf32, #tpu.memory_space<vmem>> -> memref<1x128xf32, #tpu.memory_space<vmem>>
    %dma_start3A_48 = arith.constant 0 : i32
    %dma_start3A_49 = tpu.memref_slice %arg6[%dma_start3A_48, %multiple_of3A] : memref<1x1000000xf32, #tpu.memory_space<hbm>> -> memref<1x128xf32, #tpu.memory_space<hbm>>
    tpu.enqueue_dma source(%dma_start3A_49 : memref<1x128xf32, #tpu.memory_space<hbm>>) target(%dma_start3A_47 : memref<1x128xf32, #tpu.memory_space<vmem>>) target_semaphore(%arg16 : memref<!tpu.dma_semaphore, #tpu.memory_space<semaphore_mem>>)
    %dma_start3A_50 = arith.constant 0 : i32
    %dma_start3A_51 = arith.constant 0 : i32
    %dma_start3A_52 = arith.constant 0 : i32
    %dma_start3A_53 = tpu.memref_slice %arg14[%dma_start3A_50, %dma_start3A_51, %dma_start3A_52] : memref<8x1x128xf32, #tpu.memory_space<vmem>> -> memref<1x1x128xf32, #tpu.memory_space<vmem>>
    %dma_start3A_54 = tpu.memref_squeeze %dma_start3A_53 : memref<1x1x128xf32, #tpu.memory_space<vmem>> -> memref<1x128xf32, #tpu.memory_space<vmem>>
    %dma_start3A_55 = arith.constant 0 : i32
    %dma_start3A_56 = tpu.memref_slice %arg7[%dma_start3A_55, %multiple_of3A_11] : memref<1x1000000xf32, #tpu.memory_space<hbm>> -> memref<1x128xf32, #tpu.memory_space<hbm>>
    %dma_start3A_57 = arith.constant 0 : i32
    %dma_start3A_58 = arith.constant 0 : i32
    %dma_start3A_59 = tpu.memref_slice %arg14[%dma_start3A_50, %dma_start3A_57, %dma_start3A_58] : memref<8x1x128xf32, #tpu.memory_space<vmem>> -> memref<1x1x128xf32, #tpu.memory_space<vmem>>
    %dma_start3A_60 = tpu.memref_squeeze %dma_start3A_59 : memref<1x1x128xf32, #tpu.memory_space<vmem>> -> memref<1x128xf32, #tpu.memory_space<vmem>>
    %dma_start3A_61 = arith.constant 0 : i32
    %dma_start3A_62 = tpu.memref_slice %arg7[%dma_start3A_61, %multiple_of3A_11] : memref<1x1000000xf32, #tpu.memory_space<hbm>> -> memref<1x128xf32, #tpu.memory_space<hbm>>
    tpu.enqueue_dma source(%dma_start3A_62 : memref<1x128xf32, #tpu.memory_space<hbm>>) target(%dma_start3A_60 : memref<1x128xf32, #tpu.memory_space<vmem>>) target_semaphore(%arg16 : memref<!tpu.dma_semaphore, #tpu.memory_space<semaphore_mem>>)
    %slice3A_63 = vector.extract_strided_slice %get3A_3 {offsets = [1], sizes = [1], strides = [1]} : vector<16xi32> to vector<1xi32>
    %squeeze3A_64 = vector.extract %slice3A_63[0] : i32 from vector<1xi32>
    %slice3A_65 = vector.extract_strided_slice %get3A_5 {offsets = [1], sizes = [1], strides = [1]} : vector<16xi32> to vector<1xi32>
    %squeeze3A_66 = vector.extract %slice3A_65[0] : i32 from vector<1xi32>
    %and3A_67 = arith.constant -128 : i32
    %and3A_68 = arith.andi %squeeze3A_64, %and3A_67 : i32
    %multiple_of3A_69 = tpu.assume_multiple %and3A_68, 128 : i32
    %and3A_70 = arith.constant -128 : i32
    %and3A_71 = arith.andi %squeeze3A_66, %and3A_70 : i32
    %multiple_of3A_72 = tpu.assume_multiple %and3A_71, 128 : i32
    %dma_start3A_73 = arith.constant 1 : i32
    %dma_start3A_74 = arith.constant 0 : i32
    %dma_start3A_75 = arith.constant 0 : i32
    %dma_start3A_76 = tpu.memref_slice %arg11[%dma_start3A_73, %dma_start3A_74, %dma_start3A_75] : memref<8x32x128xf32, #tpu.memory_space<vmem>> -> memref<1x32x128xf32, #tpu.memory_space<vmem>>
    %dma_start3A_77 = tpu.memref_squeeze %dma_start3A_76 : memref<1x32x128xf32, #tpu.memory_space<vmem>> -> memref<32x128xf32, #tpu.memory_space<vmem>>
    %dma_start3A_78 = arith.constant 0 : i32
    %dma_start3A_79 = tpu.memref_slice %arg4[%dma_start3A_78, %multiple_of3A_69] : memref<32x1000000xf32, #tpu.memory_space<hbm>> -> memref<32x128xf32, #tpu.memory_space<hbm>>
    %dma_start3A_80 = arith.constant 0 : i32
    %dma_start3A_81 = arith.constant 0 : i32
    %dma_start3A_82 = tpu.memref_slice %arg11[%dma_start3A_73, %dma_start3A_80, %dma_start3A_81] : memref<8x32x128xf32, #tpu.memory_space<vmem>> -> memref<1x32x128xf32, #tpu.memory_space<vmem>>
    %dma_start3A_83 = tpu.memref_squeeze %dma_start3A_82 : memref<1x32x128xf32, #tpu.memory_space<vmem>> -> memref<32x128xf32, #tpu.memory_space<vmem>>
    %dma_start3A_84 = arith.constant 0 : i32
    %dma_start3A_85 = tpu.memref_slice %arg4[%dma_start3A_84, %multiple_of3A_69] : memref<32x1000000xf32, #tpu.memory_space<hbm>> -> memref<32x128xf32, #tpu.memory_space<hbm>>
    tpu.enqueue_dma source(%dma_start3A_85 : memref<32x128xf32, #tpu.memory_space<hbm>>) target(%dma_start3A_83 : memref<32x128xf32, #tpu.memory_space<vmem>>) target_semaphore(%arg16 : memref<!tpu.dma_semaphore, #tpu.memory_space<semaphore_mem>>)
    %dma_start3A_86 = arith.constant 1 : i32
    %dma_start3A_87 = arith.constant 0 : i32
    %dma_start3A_88 = arith.constant 0 : i32
    %dma_start3A_89 = tpu.memref_slice %arg12[%dma_start3A_86, %dma_start3A_87, %dma_start3A_88] : memref<8x32x128xf32, #tpu.memory_space<vmem>> -> memref<1x32x128xf32, #tpu.memory_space<vmem>>
    %dma_start3A_90 = tpu.memref_squeeze %dma_start3A_89 : memref<1x32x128xf32, #tpu.memory_space<vmem>> -> memref<32x128xf32, #tpu.memory_space<vmem>>
    %dma_start3A_91 = arith.constant 0 : i32
    %dma_start3A_92 = tpu.memref_slice %arg5[%dma_start3A_91, %multiple_of3A_72] : memref<32x1000000xf32, #tpu.memory_space<hbm>> -> memref<32x128xf32, #tpu.memory_space<hbm>>
    %dma_start3A_93 = arith.constant 0 : i32
    %dma_start3A_94 = arith.constant 0 : i32
    %dma_start3A_95 = tpu.memref_slice %arg12[%dma_start3A_86, %dma_start3A_93, %dma_start3A_94] : memref<8x32x128xf32, #tpu.memory_space<vmem>> -> memref<1x32x128xf32, #tpu.memory_space<vmem>>
    %dma_start3A_96 = tpu.memref_squeeze %dma_start3A_95 : memref<1x32x128xf32, #tpu.memory_space<vmem>> -> memref<32x128xf32, #tpu.memory_space<vmem>>
    %dma_start3A_97 = arith.constant 0 : i32
    %dma_start3A_98 = tpu.memref_slice %arg5[%dma_start3A_97, %multiple_of3A_72] : memref<32x1000000xf32, #tpu.memory_space<hbm>> -> memref<32x128xf32, #tpu.memory_space<hbm>>
    tpu.enqueue_dma source(%dma_start3A_98 : memref<32x128xf32, #tpu.memory_space<hbm>>) target(%dma_start3A_96 : memref<32x128xf32, #tpu.memory_space<vmem>>) target_semaphore(%arg16 : memref<!tpu.dma_semaphore, #tpu.memory_space<semaphore_mem>>)
    %dma_start3A_99 = arith.constant 1 : i32
    %dma_start3A_100 = arith.constant 0 : i32
    %dma_start3A_101 = arith.constant 0 : i32
    %dma_start3A_102 = tpu.memref_slice %arg13[%dma_start3A_99, %dma_start3A_100, %dma_start3A_101] : memref<8x1x128xf32, #tpu.memory_space<vmem>> -> memref<1x1x128xf32, #tpu.memory_space<vmem>>
    %dma_start3A_103 = tpu.memref_squeeze %dma_start3A_102 : memref<1x1x128xf32, #tpu.memory_space<vmem>> -> memref<1x128xf32, #tpu.memory_space<vmem>>
    %dma_start3A_104 = arith.constant 0 : i32
    %dma_start3A_105 = tpu.memref_slice %arg6[%dma_start3A_104, %multiple_of3A_69] : memref<1x1000000xf32, #tpu.memory_space<hbm>> -> memref<1x128xf32, #tpu.memory_space<hbm>>
    %dma_start3A_106 = arith.constant 0 : i32
    %dma_start3A_107 = arith.constant 0 : i32
    %dma_start3A_108 = tpu.memref_slice %arg13[%dma_start3A_99, %dma_start3A_106, %dma_start3A_107] : memref<8x1x128xf32, #tpu.memory_space<vmem>> -> memref<1x1x128xf32, #tpu.memory_space<vmem>>
    %dma_start3A_109 = tpu.memref_squeeze %dma_start3A_108 : memref<1x1x128xf32, #tpu.memory_space<vmem>> -> memref<1x128xf32, #tpu.memory_space<vmem>>
    %dma_start3A_110 = arith.constant 0 : i32
    %dma_start3A_111 = tpu.memref_slice %arg6[%dma_start3A_110, %multiple_of3A_69] : memref<1x1000000xf32, #tpu.memory_space<hbm>> -> memref<1x128xf32, #tpu.memory_space<hbm>>
    tpu.enqueue_dma source(%dma_start3A_111 : memref<1x128xf32, #tpu.memory_space<hbm>>) target(%dma_start3A_109 : memref<1x128xf32, #tpu.memory_space<vmem>>) target_semaphore(%arg16 : memref<!tpu.dma_semaphore, #tpu.memory_space<semaphore_mem>>)
    %dma_start3A_112 = arith.constant 1 : i32
    %dma_start3A_113 = arith.constant 0 : i32
    %dma_start3A_114 = arith.constant 0 : i32
    %dma_start3A_115 = tpu.memref_slice %arg14[%dma_start3A_112, %dma_start3A_113, %dma_start3A_114] : memref<8x1x128xf32, #tpu.memory_space<vmem>> -> memref<1x1x128xf32, #tpu.memory_space<vmem>>
    %dma_start3A_116 = tpu.memref_squeeze %dma_start3A_115 : memref<1x1x128xf32, #tpu.memory_space<vmem>> -> memref<1x128xf32, #tpu.memory_space<vmem>>
    %dma_start3A_117 = arith.constant 0 : i32
    %dma_start3A_118 = tpu.memref_slice %arg7[%dma_start3A_117, %multiple_of3A_72] : memref<1x1000000xf32, #tpu.memory_space<hbm>> -> memref<1x128xf32, #tpu.memory_space<hbm>>
    %dma_start3A_119 = arith.constant 0 : i32
    %dma_start3A_120 = arith.constant 0 : i32
    %dma_start3A_121 = tpu.memref_slice %arg14[%dma_start3A_112, %dma_start3A_119, %dma_start3A_120] : memref<8x1x128xf32, #tpu.memory_space<vmem>> -> memref<1x1x128xf32, #tpu.memory_space<vmem>>
    %dma_start3A_122 = tpu.memref_squeeze %dma_start3A_121 : memref<1x1x128xf32, #tpu.memory_space<vmem>> -> memref<1x128xf32, #tpu.memory_space<vmem>>
    %dma_start3A_123 = arith.constant 0 : i32
    %dma_start3A_124 = tpu.memref_slice %arg7[%dma_start3A_123, %multiple_of3A_72] : memref<1x1000000xf32, #tpu.memory_space<hbm>> -> memref<1x128xf32, #tpu.memory_space<hbm>>
    tpu.enqueue_dma source(%dma_start3A_124 : memref<1x128xf32, #tpu.memory_space<hbm>>) target(%dma_start3A_122 : memref<1x128xf32, #tpu.memory_space<vmem>>) target_semaphore(%arg16 : memref<!tpu.dma_semaphore, #tpu.memory_space<semaphore_mem>>)
    %slice3A_125 = vector.extract_strided_slice %get3A_3 {offsets = [2], sizes = [1], strides = [1]} : vector<16xi32> to vector<1xi32>
    %squeeze3A_126 = vector.extract %slice3A_125[0] : i32 from vector<1xi32>
    %slice3A_127 = vector.extract_strided_slice %get3A_5 {offsets = [2], sizes = [1], strides = [1]} : vector<16xi32> to vector<1xi32>
    %squeeze3A_128 = vector.extract %slice3A_127[0] : i32 from vector<1xi32>
    %and3A_129 = arith.constant -128 : i32
    %and3A_130 = arith.andi %squeeze3A_126, %and3A_129 : i32
    %multiple_of3A_131 = tpu.assume_multiple %and3A_130, 128 : i32
    %and3A_132 = arith.constant -128 : i32
    %and3A_133 = arith.andi %squeeze3A_128, %and3A_132 : i32
    %multiple_of3A_134 = tpu.assume_multiple %and3A_133, 128 : i32
    %dma_start3A_135 = arith.constant 2 : i32
    %dma_start3A_136 = arith.constant 0 : i32
    %dma_start3A_137 = arith.constant 0 : i32
    %dma_start3A_138 = tpu.memref_slice %arg11[%dma_start3A_135, %dma_start3A_136, %dma_start3A_137] : memref<8x32x128xf32, #tpu.memory_space<vmem>> -> memref<1x32x128xf32, #tpu.memory_space<vmem>>
    %dma_start3A_139 = tpu.memref_squeeze %dma_start3A_138 : memref<1x32x128xf32, #tpu.memory_space<vmem>> -> memref<32x128xf32, #tpu.memory_space<vmem>>
    %dma_start3A_140 = arith.constant 0 : i32
    %dma_start3A_141 = tpu.memref_slice %arg4[%dma_start3A_140, %multiple_of3A_131] : memref<32x1000000xf32, #tpu.memory_space<hbm>> -> memref<32x128xf32, #tpu.memory_space<hbm>>
    %dma_start3A_142 = arith.constant 0 : i32
    %dma_start3A_143 = arith.constant 0 : i32
    %dma_start3A_144 = tpu.memref_slice %arg11[%dma_start3A_135, %dma_start3A_142, %dma_start3A_143] : memref<8x32x128xf32, #tpu.memory_space<vmem>> -> memref<1x32x128xf32, #tpu.memory_space<vmem>>
    %dma_start3A_145 = tpu.memref_squeeze %dma_start3A_144 : memref<1x32x128xf32, #tpu.memory_space<vmem>> -> memref<32x128xf32, #tpu.memory_space<vmem>>
    %dma_start3A_146 = arith.constant 0 : i32
    %dma_start3A_147 = tpu.memref_slice %arg4[%dma_start3A_146, %multiple_of3A_131] : memref<32x1000000xf32, #tpu.memory_space<hbm>> -> memref<32x128xf32, #tpu.memory_space<hbm>>
    tpu.enqueue_dma source(%dma_start3A_147 : memref<32x128xf32, #tpu.memory_space<hbm>>) target(%dma_start3A_145 : memref<32x128xf32, #tpu.memory_space<vmem>>) target_semaphore(%arg16 : memref<!tpu.dma_semaphore, #tpu.memory_space<semaphore_mem>>)
    %dma_start3A_148 = arith.constant 2 : i32
    %dma_start3A_149 = arith.constant 0 : i32
    %dma_start3A_150 = arith.constant 0 : i32
    %dma_start3A_151 = tpu.memref_slice %arg12[%dma_start3A_148, %dma_start3A_149, %dma_start3A_150] : memref<8x32x128xf32, #tpu.memory_space<vmem>> -> memref<1x32x128xf32, #tpu.memory_space<vmem>>
    %dma_start3A_152 = tpu.memref_squeeze %dma_start3A_151 : memref<1x32x128xf32, #tpu.memory_space<vmem>> -> memref<32x128xf32, #tpu.memory_space<vmem>>
    %dma_start3A_153 = arith.constant 0 : i32
    %dma_start3A_154 = tpu.memref_slice %arg5[%dma_start3A_153, %multiple_of3A_134] : memref<32x1000000xf32, #tpu.memory_space<hbm>> -> memref<32x128xf32, #tpu.memory_space<hbm>>
    %dma_start3A_155 = arith.constant 0 : i32
    %dma_start3A_156 = arith.constant 0 : i32
    %dma_start3A_157 = tpu.memref_slice %arg12[%dma_start3A_148, %dma_start3A_155, %dma_start3A_156] : memref<8x32x128xf32, #tpu.memory_space<vmem>> -> memref<1x32x128xf32, #tpu.memory_space<vmem>>
    %dma_start3A_158 = tpu.memref_squeeze %dma_start3A_157 : memref<1x32x128xf32, #tpu.memory_space<vmem>> -> memref<32x128xf32, #tpu.memory_space<vmem>>
    %dma_start3A_159 = arith.constant 0 : i32
    %dma_start3A_160 = tpu.memref_slice %arg5[%dma_start3A_159, %multiple_of3A_134] : memref<32x1000000xf32, #tpu.memory_space<hbm>> -> memref<32x128xf32, #tpu.memory_space<hbm>>
    tpu.enqueue_dma source(%dma_start3A_160 : memref<32x128xf32, #tpu.memory_space<hbm>>) target(%dma_start3A_158 : memref<32x128xf32, #tpu.memory_space<vmem>>) target_semaphore(%arg16 : memref<!tpu.dma_semaphore, #tpu.memory_space<semaphore_mem>>)
    %dma_start3A_161 = arith.constant 2 : i32
    %dma_start3A_162 = arith.constant 0 : i32
    %dma_start3A_163 = arith.constant 0 : i32
    %dma_start3A_164 = tpu.memref_slice %arg13[%dma_start3A_161, %dma_start3A_162, %dma_start3A_163] : memref<8x1x128xf32, #tpu.memory_space<vmem>> -> memref<1x1x128xf32, #tpu.memory_space<vmem>>
    %dma_start3A_165 = tpu.memref_squeeze %dma_start3A_164 : memref<1x1x128xf32, #tpu.memory_space<vmem>> -> memref<1x128xf32, #tpu.memory_space<vmem>>
    %dma_start3A_166 = arith.constant 0 : i32
    %dma_start3A_167 = tpu.memref_slice %arg6[%dma_start3A_166, %multiple_of3A_131] : memref<1x1000000xf32, #tpu.memory_space<hbm>> -> memref<1x128xf32, #tpu.memory_space<hbm>>
    %dma_start3A_168 = arith.constant 0 : i32
    %dma_start3A_169 = arith.constant 0 : i32
    %dma_start3A_170 = tpu.memref_slice %arg13[%dma_start3A_161, %dma_start3A_168, %dma_start3A_169] : memref<8x1x128xf32, #tpu.memory_space<vmem>> -> memref<1x1x128xf32, #tpu.memory_space<vmem>>
    %dma_start3A_171 = tpu.memref_squeeze %dma_start3A_170 : memref<1x1x128xf32, #tpu.memory_space<vmem>> -> memref<1x128xf32, #tpu.memory_space<vmem>>
    %dma_start3A_172 = arith.constant 0 : i32
    %dma_start3A_173 = tpu.memref_slice %arg6[%dma_start3A_172, %multiple_of3A_131] : memref<1x1000000xf32, #tpu.memory_space<hbm>> -> memref<1x128xf32, #tpu.memory_space<hbm>>
    tpu.enqueue_dma source(%dma_start3A_173 : memref<1x128xf32, #tpu.memory_space<hbm>>) target(%dma_start3A_171 : memref<1x128xf32, #tpu.memory_space<vmem>>) target_semaphore(%arg16 : memref<!tpu.dma_semaphore, #tpu.memory_space<semaphore_mem>>)
    %dma_start3A_174 = arith.constant 2 : i32
    %dma_start3A_175 = arith.constant 0 : i32
    %dma_start3A_176 = arith.constant 0 : i32
    %dma_start3A_177 = tpu.memref_slice %arg14[%dma_start3A_174, %dma_start3A_175, %dma_start3A_176] : memref<8x1x128xf32, #tpu.memory_space<vmem>> -> memref<1x1x128xf32, #tpu.memory_space<vmem>>
    %dma_start3A_178 = tpu.memref_squeeze %dma_start3A_177 : memref<1x1x128xf32, #tpu.memory_space<vmem>> -> memref<1x128xf32, #tpu.memory_space<vmem>>
    %dma_start3A_179 = arith.constant 0 : i32
    %dma_start3A_180 = tpu.memref_slice %arg7[%dma_start3A_179, %multiple_of3A_134] : memref<1x1000000xf32, #tpu.memory_space<hbm>> -> memref<1x128xf32, #tpu.memory_space<hbm>>
    %dma_start3A_181 = arith.constant 0 : i32
    %dma_start3A_182 = arith.constant 0 : i32
    %dma_start3A_183 = tpu.memref_slice %arg14[%dma_start3A_174, %dma_start3A_181, %dma_start3A_182] : memref<8x1x128xf32, #tpu.memory_space<vmem>> -> memref<1x1x128xf32, #tpu.memory_space<vmem>>
    %dma_start3A_184 = tpu.memref_squeeze %dma_start3A_183 : memref<1x1x128xf32, #tpu.memory_space<vmem>> -> memref<1x128xf32, #tpu.memory_space<vmem>>
    %dma_start3A_185 = arith.constant 0 : i32
    %dma_start3A_186 = tpu.memref_slice %arg7[%dma_start3A_185, %multiple_of3A_134] : memref<1x1000000xf32, #tpu.memory_space<hbm>> -> memref<1x128xf32, #tpu.memory_space<hbm>>
    tpu.enqueue_dma source(%dma_start3A_186 : memref<1x128xf32, #tpu.memory_space<hbm>>) target(%dma_start3A_184 : memref<1x128xf32, #tpu.memory_space<vmem>>) target_semaphore(%arg16 : memref<!tpu.dma_semaphore, #tpu.memory_space<semaphore_mem>>)
    %slice3A_187 = vector.extract_strided_slice %get3A_3 {offsets = [3], sizes = [1], strides = [1]} : vector<16xi32> to vector<1xi32>
    %squeeze3A_188 = vector.extract %slice3A_187[0] : i32 from vector<1xi32>
    %slice3A_189 = vector.extract_strided_slice %get3A_5 {offsets = [3], sizes = [1], strides = [1]} : vector<16xi32> to vector<1xi32>
    %squeeze3A_190 = vector.extract %slice3A_189[0] : i32 from vector<1xi32>
    %and3A_191 = arith.constant -128 : i32
    %and3A_192 = arith.andi %squeeze3A_188, %and3A_191 : i32
    %multiple_of3A_193 = tpu.assume_multiple %and3A_192, 128 : i32
    %and3A_194 = arith.constant -128 : i32
    %and3A_195 = arith.andi %squeeze3A_190, %and3A_194 : i32
    %multiple_of3A_196 = tpu.assume_multiple %and3A_195, 128 : i32
    %dma_start3A_197 = arith.constant 3 : i32
    %dma_start3A_198 = arith.constant 0 : i32
    %dma_start3A_199 = arith.constant 0 : i32
    %dma_start3A_200 = tpu.memref_slice %arg11[%dma_start3A_197, %dma_start3A_198, %dma_start3A_199] : memref<8x32x128xf32, #tpu.memory_space<vmem>> -> memref<1x32x128xf32, #tpu.memory_space<vmem>>
    %dma_start3A_201 = tpu.memref_squeeze %dma_start3A_200 : memref<1x32x128xf32, #tpu.memory_space<vmem>> -> memref<32x128xf32, #tpu.memory_space<vmem>>
    %dma_start3A_202 = arith.constant 0 : i32
    %dma_start3A_203 = tpu.memref_slice %arg4[%dma_start3A_202, %multiple_of3A_193] : memref<32x1000000xf32, #tpu.memory_space<hbm>> -> memref<32x128xf32, #tpu.memory_space<hbm>>
    %dma_start3A_204 = arith.constant 0 : i32
    %dma_start3A_205 = arith.constant 0 : i32
    %dma_start3A_206 = tpu.memref_slice %arg11[%dma_start3A_197, %dma_start3A_204, %dma_start3A_205] : memref<8x32x128xf32, #tpu.memory_space<vmem>> -> memref<1x32x128xf32, #tpu.memory_space<vmem>>
    %dma_start3A_207 = tpu.memref_squeeze %dma_start3A_206 : memref<1x32x128xf32, #tpu.memory_space<vmem>> -> memref<32x128xf32, #tpu.memory_space<vmem>>
    %dma_start3A_208 = arith.constant 0 : i32
    %dma_start3A_209 = tpu.memref_slice %arg4[%dma_start3A_208, %multiple_of3A_193] : memref<32x1000000xf32, #tpu.memory_space<hbm>> -> memref<32x128xf32, #tpu.memory_space<hbm>>
    tpu.enqueue_dma source(%dma_start3A_209 : memref<32x128xf32, #tpu.memory_space<hbm>>) target(%dma_start3A_207 : memref<32x128xf32, #tpu.memory_space<vmem>>) target_semaphore(%arg16 : memref<!tpu.dma_semaphore, #tpu.memory_space<semaphore_mem>>)
    %dma_start3A_210 = arith.constant 3 : i32
    %dma_start3A_211 = arith.constant 0 : i32
    %dma_start3A_212 = arith.constant 0 : i32
    %dma_start3A_213 = tpu.memref_slice %arg12[%dma_start3A_210, %dma_start3A_211, %dma_start3A_212] : memref<8x32x128xf32, #tpu.memory_space<vmem>> -> memref<1x32x128xf32, #tpu.memory_space<vmem>>
    %dma_start3A_214 = tpu.memref_squeeze %dma_start3A_213 : memref<1x32x128xf32, #tpu.memory_space<vmem>> -> memref<32x128xf32, #tpu.memory_space<vmem>>
    %dma_start3A_215 = arith.constant 0 : i32
    %dma_start3A_216 = tpu.memref_slice %arg5[%dma_start3A_215, %multiple_of3A_196] : memref<32x1000000xf32, #tpu.memory_space<hbm>> -> memref<32x128xf32, #tpu.memory_space<hbm>>
    %dma_start3A_217 = arith.constant 0 : i32
    %dma_start3A_218 = arith.constant 0 : i32
    %dma_start3A_219 = tpu.memref_slice %arg12[%dma_start3A_210, %dma_start3A_217, %dma_start3A_218] : memref<8x32x128xf32, #tpu.memory_space<vmem>> -> memref<1x32x128xf32, #tpu.memory_space<vmem>>
    %dma_start3A_220 = tpu.memref_squeeze %dma_start3A_219 : memref<1x32x128xf32, #tpu.memory_space<vmem>> -> memref<32x128xf32, #tpu.memory_space<vmem>>
    %dma_start3A_221 = arith.constant 0 : i32
    %dma_start3A_222 = tpu.memref_slice %arg5[%dma_start3A_221, %multiple_of3A_196] : memref<32x1000000xf32, #tpu.memory_space<hbm>> -> memref<32x128xf32, #tpu.memory_space<hbm>>
    tpu.enqueue_dma source(%dma_start3A_222 : memref<32x128xf32, #tpu.memory_space<hbm>>) target(%dma_start3A_220 : memref<32x128xf32, #tpu.memory_space<vmem>>) target_semaphore(%arg16 : memref<!tpu.dma_semaphore, #tpu.memory_space<semaphore_mem>>)
    %dma_start3A_223 = arith.constant 3 : i32
    %dma_start3A_224 = arith.constant 0 : i32
    %dma_start3A_225 = arith.constant 0 : i32
    %dma_start3A_226 = tpu.memref_slice %arg13[%dma_start3A_223, %dma_start3A_224, %dma_start3A_225] : memref<8x1x128xf32, #tpu.memory_space<vmem>> -> memref<1x1x128xf32, #tpu.memory_space<vmem>>
    %dma_start3A_227 = tpu.memref_squeeze %dma_start3A_226 : memref<1x1x128xf32, #tpu.memory_space<vmem>> -> memref<1x128xf32, #tpu.memory_space<vmem>>
    %dma_start3A_228 = arith.constant 0 : i32
    %dma_start3A_229 = tpu.memref_slice %arg6[%dma_start3A_228, %multiple_of3A_193] : memref<1x1000000xf32, #tpu.memory_space<hbm>> -> memref<1x128xf32, #tpu.memory_space<hbm>>
    %dma_start3A_230 = arith.constant 0 : i32
    %dma_start3A_231 = arith.constant 0 : i32
    %dma_start3A_232 = tpu.memref_slice %arg13[%dma_start3A_223, %dma_start3A_230, %dma_start3A_231] : memref<8x1x128xf32, #tpu.memory_space<vmem>> -> memref<1x1x128xf32, #tpu.memory_space<vmem>>
    %dma_start3A_233 = tpu.memref_squeeze %dma_start3A_232 : memref<1x1x128xf32, #tpu.memory_space<vmem>> -> memref<1x128xf32, #tpu.memory_space<vmem>>
    %dma_start3A_234 = arith.constant 0 : i32
    %dma_start3A_235 = tpu.memref_slice %arg6[%dma_start3A_234, %multiple_of3A_193] : memref<1x1000000xf32, #tpu.memory_space<hbm>> -> memref<1x128xf32, #tpu.memory_space<hbm>>
    tpu.enqueue_dma source(%dma_start3A_235 : memref<1x128xf32, #tpu.memory_space<hbm>>) target(%dma_start3A_233 : memref<1x128xf32, #tpu.memory_space<vmem>>) target_semaphore(%arg16 : memref<!tpu.dma_semaphore, #tpu.memory_space<semaphore_mem>>)
    %dma_start3A_236 = arith.constant 3 : i32
    %dma_start3A_237 = arith.constant 0 : i32
    %dma_start3A_238 = arith.constant 0 : i32
    %dma_start3A_239 = tpu.memref_slice %arg14[%dma_start3A_236, %dma_start3A_237, %dma_start3A_238] : memref<8x1x128xf32, #tpu.memory_space<vmem>> -> memref<1x1x128xf32, #tpu.memory_space<vmem>>
    %dma_start3A_240 = tpu.memref_squeeze %dma_start3A_239 : memref<1x1x128xf32, #tpu.memory_space<vmem>> -> memref<1x128xf32, #tpu.memory_space<vmem>>
    %dma_start3A_241 = arith.constant 0 : i32
    %dma_start3A_242 = tpu.memref_slice %arg7[%dma_start3A_241, %multiple_of3A_196] : memref<1x1000000xf32, #tpu.memory_space<hbm>> -> memref<1x128xf32, #tpu.memory_space<hbm>>
    %dma_start3A_243 = arith.constant 0 : i32
    %dma_start3A_244 = arith.constant 0 : i32
    %dma_start3A_245 = tpu.memref_slice %arg14[%dma_start3A_236, %dma_start3A_243, %dma_start3A_244] : memref<8x1x128xf32, #tpu.memory_space<vmem>> -> memref<1x1x128xf32, #tpu.memory_space<vmem>>
    %dma_start3A_246 = tpu.memref_squeeze %dma_start3A_245 : memref<1x1x128xf32, #tpu.memory_space<vmem>> -> memref<1x128xf32, #tpu.memory_space<vmem>>
    %dma_start3A_247 = arith.constant 0 : i32
    %dma_start3A_248 = tpu.memref_slice %arg7[%dma_start3A_247, %multiple_of3A_196] : memref<1x1000000xf32, #tpu.memory_space<hbm>> -> memref<1x128xf32, #tpu.memory_space<hbm>>
    tpu.enqueue_dma source(%dma_start3A_248 : memref<1x128xf32, #tpu.memory_space<hbm>>) target(%dma_start3A_246 : memref<1x128xf32, #tpu.memory_space<vmem>>) target_semaphore(%arg16 : memref<!tpu.dma_semaphore, #tpu.memory_space<semaphore_mem>>)
    %slice3A_249 = vector.extract_strided_slice %get3A_3 {offsets = [4], sizes = [1], strides = [1]} : vector<16xi32> to vector<1xi32>
    %squeeze3A_250 = vector.extract %slice3A_249[0] : i32 from vector<1xi32>
    %slice3A_251 = vector.extract_strided_slice %get3A_5 {offsets = [4], sizes = [1], strides = [1]} : vector<16xi32> to vector<1xi32>
    %squeeze3A_252 = vector.extract %slice3A_251[0] : i32 from vector<1xi32>
    %and3A_253 = arith.constant -128 : i32
    %and3A_254 = arith.andi %squeeze3A_250, %and3A_253 : i32
    %multiple_of3A_255 = tpu.assume_multiple %and3A_254, 128 : i32
    %and3A_256 = arith.constant -128 : i32
    %and3A_257 = arith.andi %squeeze3A_252, %and3A_256 : i32
    %multiple_of3A_258 = tpu.assume_multiple %and3A_257, 128 : i32
    %dma_start3A_259 = arith.constant 4 : i32
    %dma_start3A_260 = arith.constant 0 : i32
    %dma_start3A_261 = arith.constant 0 : i32
    %dma_start3A_262 = tpu.memref_slice %arg11[%dma_start3A_259, %dma_start3A_260, %dma_start3A_261] : memref<8x32x128xf32, #tpu.memory_space<vmem>> -> memref<1x32x128xf32, #tpu.memory_space<vmem>>
    %dma_start3A_263 = tpu.memref_squeeze %dma_start3A_262 : memref<1x32x128xf32, #tpu.memory_space<vmem>> -> memref<32x128xf32, #tpu.memory_space<vmem>>
    %dma_start3A_264 = arith.constant 0 : i32
    %dma_start3A_265 = tpu.memref_slice %arg4[%dma_start3A_264, %multiple_of3A_255] : memref<32x1000000xf32, #tpu.memory_space<hbm>> -> memref<32x128xf32, #tpu.memory_space<hbm>>
    %dma_start3A_266 = arith.constant 0 : i32
    %dma_start3A_267 = arith.constant 0 : i32
    %dma_start3A_268 = tpu.memref_slice %arg11[%dma_start3A_259, %dma_start3A_266, %dma_start3A_267] : memref<8x32x128xf32, #tpu.memory_space<vmem>> -> memref<1x32x128xf32, #tpu.memory_space<vmem>>
    %dma_start3A_269 = tpu.memref_squeeze %dma_start3A_268 : memref<1x32x128xf32, #tpu.memory_space<vmem>> -> memref<32x128xf32, #tpu.memory_space<vmem>>
    %dma_start3A_270 = arith.constant 0 : i32
    %dma_start3A_271 = tpu.memref_slice %arg4[%dma_start3A_270, %multiple_of3A_255] : memref<32x1000000xf32, #tpu.memory_space<hbm>> -> memref<32x128xf32, #tpu.memory_space<hbm>>
    tpu.enqueue_dma source(%dma_start3A_271 : memref<32x128xf32, #tpu.memory_space<hbm>>) target(%dma_start3A_269 : memref<32x128xf32, #tpu.memory_space<vmem>>) target_semaphore(%arg16 : memref<!tpu.dma_semaphore, #tpu.memory_space<semaphore_mem>>)
    %dma_start3A_272 = arith.constant 4 : i32
    %dma_start3A_273 = arith.constant 0 : i32
    %dma_start3A_274 = arith.constant 0 : i32
    %dma_start3A_275 = tpu.memref_slice %arg12[%dma_start3A_272, %dma_start3A_273, %dma_start3A_274] : memref<8x32x128xf32, #tpu.memory_space<vmem>> -> memref<1x32x128xf32, #tpu.memory_space<vmem>>
    %dma_start3A_276 = tpu.memref_squeeze %dma_start3A_275 : memref<1x32x128xf32, #tpu.memory_space<vmem>> -> memref<32x128xf32, #tpu.memory_space<vmem>>
    %dma_start3A_277 = arith.constant 0 : i32
    %dma_start3A_278 = tpu.memref_slice %arg5[%dma_start3A_277, %multiple_of3A_258] : memref<32x1000000xf32, #tpu.memory_space<hbm>> -> memref<32x128xf32, #tpu.memory_space<hbm>>
    %dma_start3A_279 = arith.constant 0 : i32
    %dma_start3A_280 = arith.constant 0 : i32
    %dma_start3A_281 = tpu.memref_slice %arg12[%dma_start3A_272, %dma_start3A_279, %dma_start3A_280] : memref<8x32x128xf32, #tpu.memory_space<vmem>> -> memref<1x32x128xf32, #tpu.memory_space<vmem>>
    %dma_start3A_282 = tpu.memref_squeeze %dma_start3A_281 : memref<1x32x128xf32, #tpu.memory_space<vmem>> -> memref<32x128xf32, #tpu.memory_space<vmem>>
    %dma_start3A_283 = arith.constant 0 : i32
    %dma_start3A_284 = tpu.memref_slice %arg5[%dma_start3A_283, %multiple_of3A_258] : memref<32x1000000xf32, #tpu.memory_space<hbm>> -> memref<32x128xf32, #tpu.memory_space<hbm>>
    tpu.enqueue_dma source(%dma_start3A_284 : memref<32x128xf32, #tpu.memory_space<hbm>>) target(%dma_start3A_282 : memref<32x128xf32, #tpu.memory_space<vmem>>) target_semaphore(%arg16 : memref<!tpu.dma_semaphore, #tpu.memory_space<semaphore_mem>>)
    %dma_start3A_285 = arith.constant 4 : i32
    %dma_start3A_286 = arith.constant 0 : i32
    %dma_start3A_287 = arith.constant 0 : i32
    %dma_start3A_288 = tpu.memref_slice %arg13[%dma_start3A_285, %dma_start3A_286, %dma_start3A_287] : memref<8x1x128xf32, #tpu.memory_space<vmem>> -> memref<1x1x128xf32, #tpu.memory_space<vmem>>
    %dma_start3A_289 = tpu.memref_squeeze %dma_start3A_288 : memref<1x1x128xf32, #tpu.memory_space<vmem>> -> memref<1x128xf32, #tpu.memory_space<vmem>>
    %dma_start3A_290 = arith.constant 0 : i32
    %dma_start3A_291 = tpu.memref_slice %arg6[%dma_start3A_290, %multiple_of3A_255] : memref<1x1000000xf32, #tpu.memory_space<hbm>> -> memref<1x128xf32, #tpu.memory_space<hbm>>
    %dma_start3A_292 = arith.constant 0 : i32
    %dma_start3A_293 = arith.constant 0 : i32
    %dma_start3A_294 = tpu.memref_slice %arg13[%dma_start3A_285, %dma_start3A_292, %dma_start3A_293] : memref<8x1x128xf32, #tpu.memory_space<vmem>> -> memref<1x1x128xf32, #tpu.memory_space<vmem>>
    %dma_start3A_295 = tpu.memref_squeeze %dma_start3A_294 : memref<1x1x128xf32, #tpu.memory_space<vmem>> -> memref<1x128xf32, #tpu.memory_space<vmem>>
    %dma_start3A_296 = arith.constant 0 : i32
    %dma_start3A_297 = tpu.memref_slice %arg6[%dma_start3A_296, %multiple_of3A_255] : memref<1x1000000xf32, #tpu.memory_space<hbm>> -> memref<1x128xf32, #tpu.memory_space<hbm>>
    tpu.enqueue_dma source(%dma_start3A_297 : memref<1x128xf32, #tpu.memory_space<hbm>>) target(%dma_start3A_295 : memref<1x128xf32, #tpu.memory_space<vmem>>) target_semaphore(%arg16 : memref<!tpu.dma_semaphore, #tpu.memory_space<semaphore_mem>>)
    %dma_start3A_298 = arith.constant 4 : i32
    %dma_start3A_299 = arith.constant 0 : i32
    %dma_start3A_300 = arith.constant 0 : i32
    %dma_start3A_301 = tpu.memref_slice %arg14[%dma_start3A_298, %dma_start3A_299, %dma_start3A_300] : memref<8x1x128xf32, #tpu.memory_space<vmem>> -> memref<1x1x128xf32, #tpu.memory_space<vmem>>
    %dma_start3A_302 = tpu.memref_squeeze %dma_start3A_301 : memref<1x1x128xf32, #tpu.memory_space<vmem>> -> memref<1x128xf32, #tpu.memory_space<vmem>>
    %dma_start3A_303 = arith.constant 0 : i32
    %dma_start3A_304 = tpu.memref_slice %arg7[%dma_start3A_303, %multiple_of3A_258] : memref<1x1000000xf32, #tpu.memory_space<hbm>> -> memref<1x128xf32, #tpu.memory_space<hbm>>
    %dma_start3A_305 = arith.constant 0 : i32
    %dma_start3A_306 = arith.constant 0 : i32
    %dma_start3A_307 = tpu.memref_slice %arg14[%dma_start3A_298, %dma_start3A_305, %dma_start3A_306] : memref<8x1x128xf32, #tpu.memory_space<vmem>> -> memref<1x1x128xf32, #tpu.memory_space<vmem>>
    %dma_start3A_308 = tpu.memref_squeeze %dma_start3A_307 : memref<1x1x128xf32, #tpu.memory_space<vmem>> -> memref<1x128xf32, #tpu.memory_space<vmem>>
    %dma_start3A_309 = arith.constant 0 : i32
    %dma_start3A_310 = tpu.memref_slice %arg7[%dma_start3A_309, %multiple_of3A_258] : memref<1x1000000xf32, #tpu.memory_space<hbm>> -> memref<1x128xf32, #tpu.memory_space<hbm>>
    tpu.enqueue_dma source(%dma_start3A_310 : memref<1x128xf32, #tpu.memory_space<hbm>>) target(%dma_start3A_308 : memref<1x128xf32, #tpu.memory_space<vmem>>) target_semaphore(%arg16 : memref<!tpu.dma_semaphore, #tpu.memory_space<semaphore_mem>>)
    %slice3A_311 = vector.extract_strided_slice %get3A_3 {offsets = [5], sizes = [1], strides = [1]} : vector<16xi32> to vector<1xi32>
    %squeeze3A_312 = vector.extract %slice3A_311[0] : i32 from vector<1xi32>
    %slice3A_313 = vector.extract_strided_slice %get3A_5 {offsets = [5], sizes = [1], strides = [1]} : vector<16xi32> to vector<1xi32>
    %squeeze3A_314 = vector.extract %slice3A_313[0] : i32 from vector<1xi32>
    %and3A_315 = arith.constant -128 : i32
    %and3A_316 = arith.andi %squeeze3A_312, %and3A_315 : i32
    %multiple_of3A_317 = tpu.assume_multiple %and3A_316, 128 : i32
    %and3A_318 = arith.constant -128 : i32
    %and3A_319 = arith.andi %squeeze3A_314, %and3A_318 : i32
    %multiple_of3A_320 = tpu.assume_multiple %and3A_319, 128 : i32
    %dma_start3A_321 = arith.constant 5 : i32
    %dma_start3A_322 = arith.constant 0 : i32
    %dma_start3A_323 = arith.constant 0 : i32
    %dma_start3A_324 = tpu.memref_slice %arg11[%dma_start3A_321, %dma_start3A_322, %dma_start3A_323] : memref<8x32x128xf32, #tpu.memory_space<vmem>> -> memref<1x32x128xf32, #tpu.memory_space<vmem>>
    %dma_start3A_325 = tpu.memref_squeeze %dma_start3A_324 : memref<1x32x128xf32, #tpu.memory_space<vmem>> -> memref<32x128xf32, #tpu.memory_space<vmem>>
    %dma_start3A_326 = arith.constant 0 : i32
    %dma_start3A_327 = tpu.memref_slice %arg4[%dma_start3A_326, %multiple_of3A_317] : memref<32x1000000xf32, #tpu.memory_space<hbm>> -> memref<32x128xf32, #tpu.memory_space<hbm>>
    %dma_start3A_328 = arith.constant 0 : i32
    %dma_start3A_329 = arith.constant 0 : i32
    %dma_start3A_330 = tpu.memref_slice %arg11[%dma_start3A_321, %dma_start3A_328, %dma_start3A_329] : memref<8x32x128xf32, #tpu.memory_space<vmem>> -> memref<1x32x128xf32, #tpu.memory_space<vmem>>
    %dma_start3A_331 = tpu.memref_squeeze %dma_start3A_330 : memref<1x32x128xf32, #tpu.memory_space<vmem>> -> memref<32x128xf32, #tpu.memory_space<vmem>>
    %dma_start3A_332 = arith.constant 0 : i32
    %dma_start3A_333 = tpu.memref_slice %arg4[%dma_start3A_332, %multiple_of3A_317] : memref<32x1000000xf32, #tpu.memory_space<hbm>> -> memref<32x128xf32, #tpu.memory_space<hbm>>
    tpu.enqueue_dma source(%dma_start3A_333 : memref<32x128xf32, #tpu.memory_space<hbm>>) target(%dma_start3A_331 : memref<32x128xf32, #tpu.memory_space<vmem>>) target_semaphore(%arg16 : memref<!tpu.dma_semaphore, #tpu.memory_space<semaphore_mem>>)
    %dma_start3A_334 = arith.constant 5 : i32
    %dma_start3A_335 = arith.constant 0 : i32
    %dma_start3A_336 = arith.constant 0 : i32
    %dma_start3A_337 = tpu.memref_slice %arg12[%dma_start3A_334, %dma_start3A_335, %dma_start3A_336] : memref<8x32x128xf32, #tpu.memory_space<vmem>> -> memref<1x32x128xf32, #tpu.memory_space<vmem>>
    %dma_start3A_338 = tpu.memref_squeeze %dma_start3A_337 : memref<1x32x128xf32, #tpu.memory_space<vmem>> -> memref<32x128xf32, #tpu.memory_space<vmem>>
    %dma_start3A_339 = arith.constant 0 : i32
    %dma_start3A_340 = tpu.memref_slice %arg5[%dma_start3A_339, %multiple_of3A_320] : memref<32x1000000xf32, #tpu.memory_space<hbm>> -> memref<32x128xf32, #tpu.memory_space<hbm>>
    %dma_start3A_341 = arith.constant 0 : i32
    %dma_start3A_342 = arith.constant 0 : i32
    %dma_start3A_343 = tpu.memref_slice %arg12[%dma_start3A_334, %dma_start3A_341, %dma_start3A_342] : memref<8x32x128xf32, #tpu.memory_space<vmem>> -> memref<1x32x128xf32, #tpu.memory_space<vmem>>
    %dma_start3A_344 = tpu.memref_squeeze %dma_start3A_343 : memref<1x32x128xf32, #tpu.memory_space<vmem>> -> memref<32x128xf32, #tpu.memory_space<vmem>>
    %dma_start3A_345 = arith.constant 0 : i32
    %dma_start3A_346 = tpu.memref_slice %arg5[%dma_start3A_345, %multiple_of3A_320] : memref<32x1000000xf32, #tpu.memory_space<hbm>> -> memref<32x128xf32, #tpu.memory_space<hbm>>
    tpu.enqueue_dma source(%dma_start3A_346 : memref<32x128xf32, #tpu.memory_space<hbm>>) target(%dma_start3A_344 : memref<32x128xf32, #tpu.memory_space<vmem>>) target_semaphore(%arg16 : memref<!tpu.dma_semaphore, #tpu.memory_space<semaphore_mem>>)
    %dma_start3A_347 = arith.constant 5 : i32
    %dma_start3A_348 = arith.constant 0 : i32
    %dma_start3A_349 = arith.constant 0 : i32
    %dma_start3A_350 = tpu.memref_slice %arg13[%dma_start3A_347, %dma_start3A_348, %dma_start3A_349] : memref<8x1x128xf32, #tpu.memory_space<vmem>> -> memref<1x1x128xf32, #tpu.memory_space<vmem>>
    %dma_start3A_351 = tpu.memref_squeeze %dma_start3A_350 : memref<1x1x128xf32, #tpu.memory_space<vmem>> -> memref<1x128xf32, #tpu.memory_space<vmem>>
    %dma_start3A_352 = arith.constant 0 : i32
    %dma_start3A_353 = tpu.memref_slice %arg6[%dma_start3A_352, %multiple_of3A_317] : memref<1x1000000xf32, #tpu.memory_space<hbm>> -> memref<1x128xf32, #tpu.memory_space<hbm>>
    %dma_start3A_354 = arith.constant 0 : i32
    %dma_start3A_355 = arith.constant 0 : i32
    %dma_start3A_356 = tpu.memref_slice %arg13[%dma_start3A_347, %dma_start3A_354, %dma_start3A_355] : memref<8x1x128xf32, #tpu.memory_space<vmem>> -> memref<1x1x128xf32, #tpu.memory_space<vmem>>
    %dma_start3A_357 = tpu.memref_squeeze %dma_start3A_356 : memref<1x1x128xf32, #tpu.memory_space<vmem>> -> memref<1x128xf32, #tpu.memory_space<vmem>>
    %dma_start3A_358 = arith.constant 0 : i32
    %dma_start3A_359 = tpu.memref_slice %arg6[%dma_start3A_358, %multiple_of3A_317] : memref<1x1000000xf32, #tpu.memory_space<hbm>> -> memref<1x128xf32, #tpu.memory_space<hbm>>
    tpu.enqueue_dma source(%dma_start3A_359 : memref<1x128xf32, #tpu.memory_space<hbm>>) target(%dma_start3A_357 : memref<1x128xf32, #tpu.memory_space<vmem>>) target_semaphore(%arg16 : memref<!tpu.dma_semaphore, #tpu.memory_space<semaphore_mem>>)
    %dma_start3A_360 = arith.constant 5 : i32
    %dma_start3A_361 = arith.constant 0 : i32
    %dma_start3A_362 = arith.constant 0 : i32
    %dma_start3A_363 = tpu.memref_slice %arg14[%dma_start3A_360, %dma_start3A_361, %dma_start3A_362] : memref<8x1x128xf32, #tpu.memory_space<vmem>> -> memref<1x1x128xf32, #tpu.memory_space<vmem>>
    %dma_start3A_364 = tpu.memref_squeeze %dma_start3A_363 : memref<1x1x128xf32, #tpu.memory_space<vmem>> -> memref<1x128xf32, #tpu.memory_space<vmem>>
    %dma_start3A_365 = arith.constant 0 : i32
    %dma_start3A_366 = tpu.memref_slice %arg7[%dma_start3A_365, %multiple_of3A_320] : memref<1x1000000xf32, #tpu.memory_space<hbm>> -> memref<1x128xf32, #tpu.memory_space<hbm>>
    %dma_start3A_367 = arith.constant 0 : i32
    %dma_start3A_368 = arith.constant 0 : i32
    %dma_start3A_369 = tpu.memref_slice %arg14[%dma_start3A_360, %dma_start3A_367, %dma_start3A_368] : memref<8x1x128xf32, #tpu.memory_space<vmem>> -> memref<1x1x128xf32, #tpu.memory_space<vmem>>
    %dma_start3A_370 = tpu.memref_squeeze %dma_start3A_369 : memref<1x1x128xf32, #tpu.memory_space<vmem>> -> memref<1x128xf32, #tpu.memory_space<vmem>>
    %dma_start3A_371 = arith.constant 0 : i32
    %dma_start3A_372 = tpu.memref_slice %arg7[%dma_start3A_371, %multiple_of3A_320] : memref<1x1000000xf32, #tpu.memory_space<hbm>> -> memref<1x128xf32, #tpu.memory_space<hbm>>
    tpu.enqueue_dma source(%dma_start3A_372 : memref<1x128xf32, #tpu.memory_space<hbm>>) target(%dma_start3A_370 : memref<1x128xf32, #tpu.memory_space<vmem>>) target_semaphore(%arg16 : memref<!tpu.dma_semaphore, #tpu.memory_space<semaphore_mem>>)
    %slice3A_373 = vector.extract_strided_slice %get3A_3 {offsets = [6], sizes = [1], strides = [1]} : vector<16xi32> to vector<1xi32>
    %squeeze3A_374 = vector.extract %slice3A_373[0] : i32 from vector<1xi32>
    %slice3A_375 = vector.extract_strided_slice %get3A_5 {offsets = [6], sizes = [1], strides = [1]} : vector<16xi32> to vector<1xi32>
    %squeeze3A_376 = vector.extract %slice3A_375[0] : i32 from vector<1xi32>
    %and3A_377 = arith.constant -128 : i32
    %and3A_378 = arith.andi %squeeze3A_374, %and3A_377 : i32
    %multiple_of3A_379 = tpu.assume_multiple %and3A_378, 128 : i32
    %and3A_380 = arith.constant -128 : i32
    %and3A_381 = arith.andi %squeeze3A_376, %and3A_380 : i32
    %multiple_of3A_382 = tpu.assume_multiple %and3A_381, 128 : i32
    %dma_start3A_383 = arith.constant 6 : i32
    %dma_start3A_384 = arith.constant 0 : i32
    %dma_start3A_385 = arith.constant 0 : i32
    %dma_start3A_386 = tpu.memref_slice %arg11[%dma_start3A_383, %dma_start3A_384, %dma_start3A_385] : memref<8x32x128xf32, #tpu.memory_space<vmem>> -> memref<1x32x128xf32, #tpu.memory_space<vmem>>
    %dma_start3A_387 = tpu.memref_squeeze %dma_start3A_386 : memref<1x32x128xf32, #tpu.memory_space<vmem>> -> memref<32x128xf32, #tpu.memory_space<vmem>>
    %dma_start3A_388 = arith.constant 0 : i32
    %dma_start3A_389 = tpu.memref_slice %arg4[%dma_start3A_388, %multiple_of3A_379] : memref<32x1000000xf32, #tpu.memory_space<hbm>> -> memref<32x128xf32, #tpu.memory_space<hbm>>
    %dma_start3A_390 = arith.constant 0 : i32
    %dma_start3A_391 = arith.constant 0 : i32
    %dma_start3A_392 = tpu.memref_slice %arg11[%dma_start3A_383, %dma_start3A_390, %dma_start3A_391] : memref<8x32x128xf32, #tpu.memory_space<vmem>> -> memref<1x32x128xf32, #tpu.memory_space<vmem>>
    %dma_start3A_393 = tpu.memref_squeeze %dma_start3A_392 : memref<1x32x128xf32, #tpu.memory_space<vmem>> -> memref<32x128xf32, #tpu.memory_space<vmem>>
    %dma_start3A_394 = arith.constant 0 : i32
    %dma_start3A_395 = tpu.memref_slice %arg4[%dma_start3A_394, %multiple_of3A_379] : memref<32x1000000xf32, #tpu.memory_space<hbm>> -> memref<32x128xf32, #tpu.memory_space<hbm>>
    tpu.enqueue_dma source(%dma_start3A_395 : memref<32x128xf32, #tpu.memory_space<hbm>>) target(%dma_start3A_393 : memref<32x128xf32, #tpu.memory_space<vmem>>) target_semaphore(%arg16 : memref<!tpu.dma_semaphore, #tpu.memory_space<semaphore_mem>>)
    %dma_start3A_396 = arith.constant 6 : i32
    %dma_start3A_397 = arith.constant 0 : i32
    %dma_start3A_398 = arith.constant 0 : i32
    %dma_start3A_399 = tpu.memref_slice %arg12[%dma_start3A_396, %dma_start3A_397, %dma_start3A_398] : memref<8x32x128xf32, #tpu.memory_space<vmem>> -> memref<1x32x128xf32, #tpu.memory_space<vmem>>
    %dma_start3A_400 = tpu.memref_squeeze %dma_start3A_399 : memref<1x32x128xf32, #tpu.memory_space<vmem>> -> memref<32x128xf32, #tpu.memory_space<vmem>>
    %dma_start3A_401 = arith.constant 0 : i32
    %dma_start3A_402 = tpu.memref_slice %arg5[%dma_start3A_401, %multiple_of3A_382] : memref<32x1000000xf32, #tpu.memory_space<hbm>> -> memref<32x128xf32, #tpu.memory_space<hbm>>
    %dma_start3A_403 = arith.constant 0 : i32
    %dma_start3A_404 = arith.constant 0 : i32
    %dma_start3A_405 = tpu.memref_slice %arg12[%dma_start3A_396, %dma_start3A_403, %dma_start3A_404] : memref<8x32x128xf32, #tpu.memory_space<vmem>> -> memref<1x32x128xf32, #tpu.memory_space<vmem>>
    %dma_start3A_406 = tpu.memref_squeeze %dma_start3A_405 : memref<1x32x128xf32, #tpu.memory_space<vmem>> -> memref<32x128xf32, #tpu.memory_space<vmem>>
    %dma_start3A_407 = arith.constant 0 : i32
    %dma_start3A_408 = tpu.memref_slice %arg5[%dma_start3A_407, %multiple_of3A_382] : memref<32x1000000xf32, #tpu.memory_space<hbm>> -> memref<32x128xf32, #tpu.memory_space<hbm>>
    tpu.enqueue_dma source(%dma_start3A_408 : memref<32x128xf32, #tpu.memory_space<hbm>>) target(%dma_start3A_406 : memref<32x128xf32, #tpu.memory_space<vmem>>) target_semaphore(%arg16 : memref<!tpu.dma_semaphore, #tpu.memory_space<semaphore_mem>>)
    %dma_start3A_409 = arith.constant 6 : i32
    %dma_start3A_410 = arith.constant 0 : i32
    %dma_start3A_411 = arith.constant 0 : i32
    %dma_start3A_412 = tpu.memref_slice %arg13[%dma_start3A_409, %dma_start3A_410, %dma_start3A_411] : memref<8x1x128xf32, #tpu.memory_space<vmem>> -> memref<1x1x128xf32, #tpu.memory_space<vmem>>
    %dma_start3A_413 = tpu.memref_squeeze %dma_start3A_412 : memref<1x1x128xf32, #tpu.memory_space<vmem>> -> memref<1x128xf32, #tpu.memory_space<vmem>>
    %dma_start3A_414 = arith.constant 0 : i32
    %dma_start3A_415 = tpu.memref_slice %arg6[%dma_start3A_414, %multiple_of3A_379] : memref<1x1000000xf32, #tpu.memory_space<hbm>> -> memref<1x128xf32, #tpu.memory_space<hbm>>
    %dma_start3A_416 = arith.constant 0 : i32
    %dma_start3A_417 = arith.constant 0 : i32
    %dma_start3A_418 = tpu.memref_slice %arg13[%dma_start3A_409, %dma_start3A_416, %dma_start3A_417] : memref<8x1x128xf32, #tpu.memory_space<vmem>> -> memref<1x1x128xf32, #tpu.memory_space<vmem>>
    %dma_start3A_419 = tpu.memref_squeeze %dma_start3A_418 : memref<1x1x128xf32, #tpu.memory_space<vmem>> -> memref<1x128xf32, #tpu.memory_space<vmem>>
    %dma_start3A_420 = arith.constant 0 : i32
    %dma_start3A_421 = tpu.memref_slice %arg6[%dma_start3A_420, %multiple_of3A_379] : memref<1x1000000xf32, #tpu.memory_space<hbm>> -> memref<1x128xf32, #tpu.memory_space<hbm>>
    tpu.enqueue_dma source(%dma_start3A_421 : memref<1x128xf32, #tpu.memory_space<hbm>>) target(%dma_start3A_419 : memref<1x128xf32, #tpu.memory_space<vmem>>) target_semaphore(%arg16 : memref<!tpu.dma_semaphore, #tpu.memory_space<semaphore_mem>>)
    %dma_start3A_422 = arith.constant 6 : i32
    %dma_start3A_423 = arith.constant 0 : i32
    %dma_start3A_424 = arith.constant 0 : i32
    %dma_start3A_425 = tpu.memref_slice %arg14[%dma_start3A_422, %dma_start3A_423, %dma_start3A_424] : memref<8x1x128xf32, #tpu.memory_space<vmem>> -> memref<1x1x128xf32, #tpu.memory_space<vmem>>
    %dma_start3A_426 = tpu.memref_squeeze %dma_start3A_425 : memref<1x1x128xf32, #tpu.memory_space<vmem>> -> memref<1x128xf32, #tpu.memory_space<vmem>>
    %dma_start3A_427 = arith.constant 0 : i32
    %dma_start3A_428 = tpu.memref_slice %arg7[%dma_start3A_427, %multiple_of3A_382] : memref<1x1000000xf32, #tpu.memory_space<hbm>> -> memref<1x128xf32, #tpu.memory_space<hbm>>
    %dma_start3A_429 = arith.constant 0 : i32
    %dma_start3A_430 = arith.constant 0 : i32
    %dma_start3A_431 = tpu.memref_slice %arg14[%dma_start3A_422, %dma_start3A_429, %dma_start3A_430] : memref<8x1x128xf32, #tpu.memory_space<vmem>> -> memref<1x1x128xf32, #tpu.memory_space<vmem>>
    %dma_start3A_432 = tpu.memref_squeeze %dma_start3A_431 : memref<1x1x128xf32, #tpu.memory_space<vmem>> -> memref<1x128xf32, #tpu.memory_space<vmem>>
    %dma_start3A_433 = arith.constant 0 : i32
    %dma_start3A_434 = tpu.memref_slice %arg7[%dma_start3A_433, %multiple_of3A_382] : memref<1x1000000xf32, #tpu.memory_space<hbm>> -> memref<1x128xf32, #tpu.memory_space<hbm>>
    tpu.enqueue_dma source(%dma_start3A_434 : memref<1x128xf32, #tpu.memory_space<hbm>>) target(%dma_start3A_432 : memref<1x128xf32, #tpu.memory_space<vmem>>) target_semaphore(%arg16 : memref<!tpu.dma_semaphore, #tpu.memory_space<semaphore_mem>>)
    %slice3A_435 = vector.extract_strided_slice %get3A_3 {offsets = [7], sizes = [1], strides = [1]} : vector<16xi32> to vector<1xi32>
    %squeeze3A_436 = vector.extract %slice3A_435[0] : i32 from vector<1xi32>
    %slice3A_437 = vector.extract_strided_slice %get3A_5 {offsets = [7], sizes = [1], strides = [1]} : vector<16xi32> to vector<1xi32>
    %squeeze3A_438 = vector.extract %slice3A_437[0] : i32 from vector<1xi32>
    %and3A_439 = arith.constant -128 : i32
    %and3A_440 = arith.andi %squeeze3A_436, %and3A_439 : i32
    %multiple_of3A_441 = tpu.assume_multiple %and3A_440, 128 : i32
    %and3A_442 = arith.constant -128 : i32
    %and3A_443 = arith.andi %squeeze3A_438, %and3A_442 : i32
    %multiple_of3A_444 = tpu.assume_multiple %and3A_443, 128 : i32
    %dma_start3A_445 = arith.constant 7 : i32
    %dma_start3A_446 = arith.constant 0 : i32
    %dma_start3A_447 = arith.constant 0 : i32
    %dma_start3A_448 = tpu.memref_slice %arg11[%dma_start3A_445, %dma_start3A_446, %dma_start3A_447] : memref<8x32x128xf32, #tpu.memory_space<vmem>> -> memref<1x32x128xf32, #tpu.memory_space<vmem>>
    %dma_start3A_449 = tpu.memref_squeeze %dma_start3A_448 : memref<1x32x128xf32, #tpu.memory_space<vmem>> -> memref<32x128xf32, #tpu.memory_space<vmem>>
    %dma_start3A_450 = arith.constant 0 : i32
    %dma_start3A_451 = tpu.memref_slice %arg4[%dma_start3A_450, %multiple_of3A_441] : memref<32x1000000xf32, #tpu.memory_space<hbm>> -> memref<32x128xf32, #tpu.memory_space<hbm>>
    %dma_start3A_452 = arith.constant 0 : i32
    %dma_start3A_453 = arith.constant 0 : i32
    %dma_start3A_454 = tpu.memref_slice %arg11[%dma_start3A_445, %dma_start3A_452, %dma_start3A_453] : memref<8x32x128xf32, #tpu.memory_space<vmem>> -> memref<1x32x128xf32, #tpu.memory_space<vmem>>
    %dma_start3A_455 = tpu.memref_squeeze %dma_start3A_454 : memref<1x32x128xf32, #tpu.memory_space<vmem>> -> memref<32x128xf32, #tpu.memory_space<vmem>>
    %dma_start3A_456 = arith.constant 0 : i32
    %dma_start3A_457 = tpu.memref_slice %arg4[%dma_start3A_456, %multiple_of3A_441] : memref<32x1000000xf32, #tpu.memory_space<hbm>> -> memref<32x128xf32, #tpu.memory_space<hbm>>
    tpu.enqueue_dma source(%dma_start3A_457 : memref<32x128xf32, #tpu.memory_space<hbm>>) target(%dma_start3A_455 : memref<32x128xf32, #tpu.memory_space<vmem>>) target_semaphore(%arg16 : memref<!tpu.dma_semaphore, #tpu.memory_space<semaphore_mem>>)
    %dma_start3A_458 = arith.constant 7 : i32
    %dma_start3A_459 = arith.constant 0 : i32
    %dma_start3A_460 = arith.constant 0 : i32
    %dma_start3A_461 = tpu.memref_slice %arg12[%dma_start3A_458, %dma_start3A_459, %dma_start3A_460] : memref<8x32x128xf32, #tpu.memory_space<vmem>> -> memref<1x32x128xf32, #tpu.memory_space<vmem>>
    %dma_start3A_462 = tpu.memref_squeeze %dma_start3A_461 : memref<1x32x128xf32, #tpu.memory_space<vmem>> -> memref<32x128xf32, #tpu.memory_space<vmem>>
    %dma_start3A_463 = arith.constant 0 : i32
    %dma_start3A_464 = tpu.memref_slice %arg5[%dma_start3A_463, %multiple_of3A_444] : memref<32x1000000xf32, #tpu.memory_space<hbm>> -> memref<32x128xf32, #tpu.memory_space<hbm>>
    %dma_start3A_465 = arith.constant 0 : i32
    %dma_start3A_466 = arith.constant 0 : i32
    %dma_start3A_467 = tpu.memref_slice %arg12[%dma_start3A_458, %dma_start3A_465, %dma_start3A_466] : memref<8x32x128xf32, #tpu.memory_space<vmem>> -> memref<1x32x128xf32, #tpu.memory_space<vmem>>
    %dma_start3A_468 = tpu.memref_squeeze %dma_start3A_467 : memref<1x32x128xf32, #tpu.memory_space<vmem>> -> memref<32x128xf32, #tpu.memory_space<vmem>>
    %dma_start3A_469 = arith.constant 0 : i32
    %dma_start3A_470 = tpu.memref_slice %arg5[%dma_start3A_469, %multiple_of3A_444] : memref<32x1000000xf32, #tpu.memory_space<hbm>> -> memref<32x128xf32, #tpu.memory_space<hbm>>
    tpu.enqueue_dma source(%dma_start3A_470 : memref<32x128xf32, #tpu.memory_space<hbm>>) target(%dma_start3A_468 : memref<32x128xf32, #tpu.memory_space<vmem>>) target_semaphore(%arg16 : memref<!tpu.dma_semaphore, #tpu.memory_space<semaphore_mem>>)
    %dma_start3A_471 = arith.constant 7 : i32
    %dma_start3A_472 = arith.constant 0 : i32
    %dma_start3A_473 = arith.constant 0 : i32
    %dma_start3A_474 = tpu.memref_slice %arg13[%dma_start3A_471, %dma_start3A_472, %dma_start3A_473] : memref<8x1x128xf32, #tpu.memory_space<vmem>> -> memref<1x1x128xf32, #tpu.memory_space<vmem>>
    %dma_start3A_475 = tpu.memref_squeeze %dma_start3A_474 : memref<1x1x128xf32, #tpu.memory_space<vmem>> -> memref<1x128xf32, #tpu.memory_space<vmem>>
    %dma_start3A_476 = arith.constant 0 : i32
    %dma_start3A_477 = tpu.memref_slice %arg6[%dma_start3A_476, %multiple_of3A_441] : memref<1x1000000xf32, #tpu.memory_space<hbm>> -> memref<1x128xf32, #tpu.memory_space<hbm>>
    %dma_start3A_478 = arith.constant 0 : i32
    %dma_start3A_479 = arith.constant 0 : i32
    %dma_start3A_480 = tpu.memref_slice %arg13[%dma_start3A_471, %dma_start3A_478, %dma_start3A_479] : memref<8x1x128xf32, #tpu.memory_space<vmem>> -> memref<1x1x128xf32, #tpu.memory_space<vmem>>
    %dma_start3A_481 = tpu.memref_squeeze %dma_start3A_480 : memref<1x1x128xf32, #tpu.memory_space<vmem>> -> memref<1x128xf32, #tpu.memory_space<vmem>>
    %dma_start3A_482 = arith.constant 0 : i32
    %dma_start3A_483 = tpu.memref_slice %arg6[%dma_start3A_482, %multiple_of3A_441] : memref<1x1000000xf32, #tpu.memory_space<hbm>> -> memref<1x128xf32, #tpu.memory_space<hbm>>
    tpu.enqueue_dma source(%dma_start3A_483 : memref<1x128xf32, #tpu.memory_space<hbm>>) target(%dma_start3A_481 : memref<1x128xf32, #tpu.memory_space<vmem>>) target_semaphore(%arg16 : memref<!tpu.dma_semaphore, #tpu.memory_space<semaphore_mem>>)
    %dma_start3A_484 = arith.constant 7 : i32
    %dma_start3A_485 = arith.constant 0 : i32
    %dma_start3A_486 = arith.constant 0 : i32
    %dma_start3A_487 = tpu.memref_slice %arg14[%dma_start3A_484, %dma_start3A_485, %dma_start3A_486] : memref<8x1x128xf32, #tpu.memory_space<vmem>> -> memref<1x1x128xf32, #tpu.memory_space<vmem>>
    %dma_start3A_488 = tpu.memref_squeeze %dma_start3A_487 : memref<1x1x128xf32, #tpu.memory_space<vmem>> -> memref<1x128xf32, #tpu.memory_space<vmem>>
    %dma_start3A_489 = arith.constant 0 : i32
    %dma_start3A_490 = tpu.memref_slice %arg7[%dma_start3A_489, %multiple_of3A_444] : memref<1x1000000xf32, #tpu.memory_space<hbm>> -> memref<1x128xf32, #tpu.memory_space<hbm>>
    %dma_start3A_491 = arith.constant 0 : i32
    %dma_start3A_492 = arith.constant 0 : i32
    %dma_start3A_493 = tpu.memref_slice %arg14[%dma_start3A_484, %dma_start3A_491, %dma_start3A_492] : memref<8x1x128xf32, #tpu.memory_space<vmem>> -> memref<1x1x128xf32, #tpu.memory_space<vmem>>
    %dma_start3A_494 = tpu.memref_squeeze %dma_start3A_493 : memref<1x1x128xf32, #tpu.memory_space<vmem>> -> memref<1x128xf32, #tpu.memory_space<vmem>>
    %dma_start3A_495 = arith.constant 0 : i32
    %dma_start3A_496 = tpu.memref_slice %arg7[%dma_start3A_495, %multiple_of3A_444] : memref<1x1000000xf32, #tpu.memory_space<hbm>> -> memref<1x128xf32, #tpu.memory_space<hbm>>
    tpu.enqueue_dma source(%dma_start3A_496 : memref<1x128xf32, #tpu.memory_space<hbm>>) target(%dma_start3A_494 : memref<1x128xf32, #tpu.memory_space<vmem>>) target_semaphore(%arg16 : memref<!tpu.dma_semaphore, #tpu.memory_space<semaphore_mem>>)
    %iota3A = tpu.iota {dimensions = array<i32: 0>} : vector<16xi32>
    %xor3A = arith.constant 8 : i32
    %xor3A_497 = vector.broadcast %xor3A : i32 to vector<16xi32>
    %xor3A_498 = arith.xori %iota3A, %xor3A_497 : vector<16xi32>
    %xor3A_499 = arith.constant 4 : i32
    %xor3A_500 = vector.broadcast %xor3A_499 : i32 to vector<16xi32>
    %xor3A_501 = arith.xori %iota3A, %xor3A_500 : vector<16xi32>
    %xor3A_502 = arith.constant 2 : i32
    %xor3A_503 = vector.broadcast %xor3A_502 : i32 to vector<16xi32>
    %xor3A_504 = arith.xori %iota3A, %xor3A_503 : vector<16xi32>
    %xor3A_505 = arith.constant 1 : i32
    %xor3A_506 = vector.broadcast %xor3A_505 : i32 to vector<16xi32>
    %xor3A_507 = arith.xori %iota3A, %xor3A_506 : vector<16xi32>
    %add3A_508 = arith.constant 16 : i32
    %add3A_509 = vector.broadcast %add3A_508 : i32 to vector<16xi32>
    %add3A_510 = arith.addi %iota3A, %add3A_509 : vector<16xi32>
    %broadcast_in_dim3A = arith.constant 0 : i32
    %broadcast_in_dim3A_511 = vector.broadcast %broadcast_in_dim3A : i32 to vector<16xi32>
    %scan3A = arith.constant 0 : i32
    %scan3A_512 = arith.constant 0 : i32
    %scan3A_513 = arith.constant 32 : i32
    %scan3A_514 = arith.addi %scan3A_512, %scan3A_513 : i32
    %scan3A_515 = arith.constant 1 : i32
    scf.for %scan3A_517 = %scan3A_512 to %scan3A_514 step %scan3A_515  : i32 {
      %mul3A_518 = arith.constant 16 : i32
      %mul3A_519 = arith.muli %scan3A_517, %mul3A_518 : i32
      %add3A_520 = arith.constant 1 : i32
      %add3A_521 = arith.addi %scan3A_517, %add3A_520 : i32
      %min3A = arith.constant 31 : i32
      %min3A_522 = arith.minsi %add3A_521, %min3A : i32
      %get3A_523 = arith.index_cast %mul3A_519 : i32 to index
      %get3A_524 = tpu.vector_load %arg9[%get3A_523] {strides = array<i32>} : memref<512xi32, #tpu.memory_space<vmem>>, vector<16xi32>,
      %get3A_525 = arith.index_cast %mul3A_519 : i32 to index
      %get3A_526 = tpu.vector_load %arg10[%get3A_525] {strides = array<i32>} : memref<512xi32, #tpu.memory_space<vmem>>, vector<16xi32>,
      %mul3A_527 = arith.constant 16 : i32
      %mul3A_528 = arith.muli %min3A_522, %mul3A_527 : i32
      %get3A_529 = arith.index_cast %mul3A_528 : i32 to index
      %get3A_530 = tpu.vector_load %arg9[%get3A_529] {strides = array<i32>} : memref<512xi32, #tpu.memory_space<vmem>>, vector<16xi32>,
      %mul3A_531 = arith.constant 16 : i32
      %mul3A_532 = arith.muli %min3A_522, %mul3A_531 : i32
      %get3A_533 = arith.index_cast %mul3A_532 : i32 to index
      %get3A_534 = tpu.vector_load %arg10[%get3A_533] {strides = array<i32>} : memref<512xi32, #tpu.memory_space<vmem>>, vector<16xi32>,
      %broadcast_in_dim3A_535 = arith.constant 0.000000e+00 : f32
      %broadcast_in_dim3A_536 = vector.broadcast %broadcast_in_dim3A_535 : f32 to vector<16xf32>
      %dma_wait3A = arith.constant 0 : i32
      %dma_wait3A_537 = arith.constant 0 : i32
      %dma_wait3A_538 = arith.constant 0 : i32
      %dma_wait3A_539 = tpu.memref_slice %arg11[%dma_wait3A, %dma_wait3A_537, %dma_wait3A_538] : memref<8x32x128xf32, #tpu.memory_space<vmem>> -> memref<1x32x128xf32, #tpu.memory_space<vmem>>
      %dma_wait3A_540 = tpu.memref_squeeze %dma_wait3A_539 : memref<1x32x128xf32, #tpu.memory_space<vmem>> -> memref<32x128xf32, #tpu.memory_space<vmem>>
      %dma_wait3A_541 = arith.constant 0 : i32
      %dma_wait3A_542 = arith.constant 0 : i32
      %dma_wait3A_543 = tpu.memref_slice %arg4[%dma_wait3A_541, %dma_wait3A_542] : memref<32x1000000xf32, #tpu.memory_space<hbm>> -> memref<32x128xf32, #tpu.memory_space<hbm>>
      %dma_wait3A_544 = arith.constant 0 : i32
      %dma_wait3A_545 = arith.constant 0 : i32
      %dma_wait3A_546 = tpu.memref_slice %arg11[%dma_wait3A, %dma_wait3A_544, %dma_wait3A_545] : memref<8x32x128xf32, #tpu.memory_space<vmem>> -> memref<1x32x128xf32, #tpu.memory_space<vmem>>
      %dma_wait3A_547 = tpu.memref_squeeze %dma_wait3A_546 : memref<1x32x128xf32, #tpu.memory_space<vmem>> -> memref<32x128xf32, #tpu.memory_space<vmem>>
      %dma_wait3A_548 = arith.constant 0 : i32
      %dma_wait3A_549 = arith.constant 0 : i32
      %dma_wait3A_550 = tpu.memref_slice %arg4[%dma_wait3A_548, %dma_wait3A_549] : memref<32x1000000xf32, #tpu.memory_space<hbm>> -> memref<32x128xf32, #tpu.memory_space<hbm>>
      tpu.wait_dma2 semaphore(%arg16 : memref<!tpu.dma_semaphore, #tpu.memory_space<semaphore_mem>>) src(%dma_wait3A_550 : memref<32x128xf32, #tpu.memory_space<hbm>>) dst(%dma_wait3A_547 : memref<32x128xf32, #tpu.memory_space<vmem>>)
      %dma_wait3A_551 = arith.constant 0 : i32
      %dma_wait3A_552 = arith.constant 0 : i32
      %dma_wait3A_553 = arith.constant 0 : i32
      %dma_wait3A_554 = tpu.memref_slice %arg12[%dma_wait3A_551, %dma_wait3A_552, %dma_wait3A_553] : memref<8x32x128xf32, #tpu.memory_space<vmem>> -> memref<1x32x128xf32, #tpu.memory_space<vmem>>
      %dma_wait3A_555 = tpu.memref_squeeze %dma_wait3A_554 : memref<1x32x128xf32, #tpu.memory_space<vmem>> -> memref<32x128xf32, #tpu.memory_space<vmem>>
      %dma_wait3A_556 = arith.constant 0 : i32
      %dma_wait3A_557 = arith.constant 0 : i32
      %dma_wait3A_558 = tpu.memref_slice %arg5[%dma_wait3A_556, %dma_wait3A_557] : memref<32x1000000xf32, #tpu.memory_space<hbm>> -> memref<32x128xf32, #tpu.memory_space<hbm>>
      %dma_wait3A_559 = arith.constant 0 : i32
      %dma_wait3A_560 = arith.constant 0 : i32
      %dma_wait3A_561 = tpu.memref_slice %arg12[%dma_wait3A_551, %dma_wait3A_559, %dma_wait3A_560] : memref<8x32x128xf32, #tpu.memory_space<vmem>> -> memref<1x32x128xf32, #tpu.memory_space<vmem>>
      %dma_wait3A_562 = tpu.memref_squeeze %dma_wait3A_561 : memref<1x32x128xf32, #tpu.memory_space<vmem>> -> memref<32x128xf32, #tpu.memory_space<vmem>>
      %dma_wait3A_563 = arith.constant 0 : i32
      %dma_wait3A_564 = arith.constant 0 : i32
      %dma_wait3A_565 = tpu.memref_slice %arg5[%dma_wait3A_563, %dma_wait3A_564] : memref<32x1000000xf32, #tpu.memory_space<hbm>> -> memref<32x128xf32, #tpu.memory_space<hbm>>
      tpu.wait_dma2 semaphore(%arg16 : memref<!tpu.dma_semaphore, #tpu.memory_space<semaphore_mem>>) src(%dma_wait3A_565 : memref<32x128xf32, #tpu.memory_space<hbm>>) dst(%dma_wait3A_562 : memref<32x128xf32, #tpu.memory_space<vmem>>)
      %dma_wait3A_566 = arith.constant 0 : i32
      %dma_wait3A_567 = arith.constant 0 : i32
      %dma_wait3A_568 = arith.constant 0 : i32
      %dma_wait3A_569 = tpu.memref_slice %arg13[%dma_wait3A_566, %dma_wait3A_567, %dma_wait3A_568] : memref<8x1x128xf32, #tpu.memory_space<vmem>> -> memref<1x1x128xf32, #tpu.memory_space<vmem>>
      %dma_wait3A_570 = tpu.memref_squeeze %dma_wait3A_569 : memref<1x1x128xf32, #tpu.memory_space<vmem>> -> memref<1x128xf32, #tpu.memory_space<vmem>>
      %dma_wait3A_571 = arith.constant 0 : i32
      %dma_wait3A_572 = arith.constant 0 : i32
      %dma_wait3A_573 = tpu.memref_slice %arg6[%dma_wait3A_571, %dma_wait3A_572] : memref<1x1000000xf32, #tpu.memory_space<hbm>> -> memref<1x128xf32, #tpu.memory_space<hbm>>
      %dma_wait3A_574 = arith.constant 0 : i32
      %dma_wait3A_575 = arith.constant 0 : i32
      %dma_wait3A_576 = tpu.memref_slice %arg13[%dma_wait3A_566, %dma_wait3A_574, %dma_wait3A_575] : memref<8x1x128xf32, #tpu.memory_space<vmem>> -> memref<1x1x128xf32, #tpu.memory_space<vmem>>
      %dma_wait3A_577 = tpu.memref_squeeze %dma_wait3A_576 : memref<1x1x128xf32, #tpu.memory_space<vmem>> -> memref<1x128xf32, #tpu.memory_space<vmem>>
      %dma_wait3A_578 = arith.constant 0 : i32
      %dma_wait3A_579 = arith.constant 0 : i32
      %dma_wait3A_580 = tpu.memref_slice %arg6[%dma_wait3A_578, %dma_wait3A_579] : memref<1x1000000xf32, #tpu.memory_space<hbm>> -> memref<1x128xf32, #tpu.memory_space<hbm>>
      tpu.wait_dma2 semaphore(%arg16 : memref<!tpu.dma_semaphore, #tpu.memory_space<semaphore_mem>>) src(%dma_wait3A_580 : memref<1x128xf32, #tpu.memory_space<hbm>>) dst(%dma_wait3A_577 : memref<1x128xf32, #tpu.memory_space<vmem>>)
      %dma_wait3A_581 = arith.constant 0 : i32
      %dma_wait3A_582 = arith.constant 0 : i32
      %dma_wait3A_583 = arith.constant 0 : i32
      %dma_wait3A_584 = tpu.memref_slice %arg14[%dma_wait3A_581, %dma_wait3A_582, %dma_wait3A_583] : memref<8x1x128xf32, #tpu.memory_space<vmem>> -> memref<1x1x128xf32, #tpu.memory_space<vmem>>
      %dma_wait3A_585 = tpu.memref_squeeze %dma_wait3A_584 : memref<1x1x128xf32, #tpu.memory_space<vmem>> -> memref<1x128xf32, #tpu.memory_space<vmem>>
      %dma_wait3A_586 = arith.constant 0 : i32
      %dma_wait3A_587 = arith.constant 0 : i32
      %dma_wait3A_588 = tpu.memref_slice %arg7[%dma_wait3A_586, %dma_wait3A_587] : memref<1x1000000xf32, #tpu.memory_space<hbm>> -> memref<1x128xf32, #tpu.memory_space<hbm>>
      %dma_wait3A_589 = arith.constant 0 : i32
      %dma_wait3A_590 = arith.constant 0 : i32
      %dma_wait3A_591 = tpu.memref_slice %arg14[%dma_wait3A_581, %dma_wait3A_589, %dma_wait3A_590] : memref<8x1x128xf32, #tpu.memory_space<vmem>> -> memref<1x1x128xf32, #tpu.memory_space<vmem>>
      %dma_wait3A_592 = tpu.memref_squeeze %dma_wait3A_591 : memref<1x1x128xf32, #tpu.memory_space<vmem>> -> memref<1x128xf32, #tpu.memory_space<vmem>>
      %dma_wait3A_593 = arith.constant 0 : i32
      %dma_wait3A_594 = arith.constant 0 : i32
      %dma_wait3A_595 = tpu.memref_slice %arg7[%dma_wait3A_593, %dma_wait3A_594] : memref<1x1000000xf32, #tpu.memory_space<hbm>> -> memref<1x128xf32, #tpu.memory_space<hbm>>
      tpu.wait_dma2 semaphore(%arg16 : memref<!tpu.dma_semaphore, #tpu.memory_space<semaphore_mem>>) src(%dma_wait3A_595 : memref<1x128xf32, #tpu.memory_space<hbm>>) dst(%dma_wait3A_592 : memref<1x128xf32, #tpu.memory_space<vmem>>)
      %slice3A_596 = vector.extract_strided_slice %get3A_524 {offsets = [0], sizes = [1], strides = [1]} : vector<16xi32> to vector<1xi32>
      %squeeze3A_597 = vector.extract %slice3A_596[0] : i32 from vector<1xi32>
      %and3A_598 = arith.constant 127 : i32
      %and3A_599 = arith.andi %squeeze3A_597, %and3A_598 : i32
      %broadcast_in_dim3A_600 = vector.broadcast %and3A_599 : i32 to vector<16xi32>
      %slice3A_601 = vector.extract_strided_slice %get3A_526 {offsets = [0], sizes = [1], strides = [1]} : vector<16xi32> to vector<1xi32>
      %squeeze3A_602 = vector.extract %slice3A_601[0] : i32 from vector<1xi32>
      %and3A_603 = arith.constant 127 : i32
      %and3A_604 = arith.andi %squeeze3A_602, %and3A_603 : i32
      %broadcast_in_dim3A_605 = vector.broadcast %and3A_604 : i32 to vector<16xi32>
      %gather3A = arith.constant 0 : i32
      %gather3A_606 = arith.constant 0 : i32
      %gather3A_607 = arith.constant 0 : i32
      %gather3A_608 = tpu.memref_slice %arg11[%gather3A, %gather3A_606, %gather3A_607] : memref<8x32x128xf32, #tpu.memory_space<vmem>> -> memref<1x32x128xf32, #tpu.memory_space<vmem>>
      %gather3A_609 = tpu.memref_squeeze %gather3A_608 : memref<1x32x128xf32, #tpu.memory_space<vmem>> -> memref<32x128xf32, #tpu.memory_space<vmem>>
      %gather3A_610 = tpu.vector_load_idx %gather3A_609[%iota3A, %broadcast_in_dim3A_600] : memref<32x128xf32, #tpu.memory_space<vmem>>[vector<16xi32>, vector<16xi32>], vector<16xf32>,
      %gather3A_611 = arith.constant 0 : i32
      %gather3A_612 = arith.constant 0 : i32
      %gather3A_613 = arith.constant 0 : i32
      %gather3A_614 = tpu.memref_slice %arg11[%gather3A_611, %gather3A_612, %gather3A_613] : memref<8x32x128xf32, #tpu.memory_space<vmem>> -> memref<1x32x128xf32, #tpu.memory_space<vmem>>
      %gather3A_615 = tpu.memref_squeeze %gather3A_614 : memref<1x32x128xf32, #tpu.memory_space<vmem>> -> memref<32x128xf32, #tpu.memory_space<vmem>>
      %gather3A_616 = tpu.vector_load_idx %gather3A_615[%add3A_510, %broadcast_in_dim3A_600] : memref<32x128xf32, #tpu.memory_space<vmem>>[vector<16xi32>, vector<16xi32>], vector<16xf32>,
      %gather3A_617 = arith.constant 0 : i32
      %gather3A_618 = arith.constant 0 : i32
      %gather3A_619 = arith.constant 0 : i32
      %gather3A_620 = tpu.memref_slice %arg12[%gather3A_617, %gather3A_618, %gather3A_619] : memref<8x32x128xf32, #tpu.memory_space<vmem>> -> memref<1x32x128xf32, #tpu.memory_space<vmem>>
      %gather3A_621 = tpu.memref_squeeze %gather3A_620 : memref<1x32x128xf32, #tpu.memory_space<vmem>> -> memref<32x128xf32, #tpu.memory_space<vmem>>
      %gather3A_622 = tpu.vector_load_idx %gather3A_621[%iota3A, %broadcast_in_dim3A_605] : memref<32x128xf32, #tpu.memory_space<vmem>>[vector<16xi32>, vector<16xi32>], vector<16xf32>,
      %gather3A_623 = arith.constant 0 : i32
      %gather3A_624 = arith.constant 0 : i32
      %gather3A_625 = arith.constant 0 : i32
      %gather3A_626 = tpu.memref_slice %arg12[%gather3A_623, %gather3A_624, %gather3A_625] : memref<8x32x128xf32, #tpu.memory_space<vmem>> -> memref<1x32x128xf32, #tpu.memory_space<vmem>>
      %gather3A_627 = tpu.memref_squeeze %gather3A_626 : memref<1x32x128xf32, #tpu.memory_space<vmem>> -> memref<32x128xf32, #tpu.memory_space<vmem>>
      %gather3A_628 = tpu.vector_load_idx %gather3A_627[%add3A_510, %broadcast_in_dim3A_605] : memref<32x128xf32, #tpu.memory_space<vmem>>[vector<16xi32>, vector<16xi32>], vector<16xf32>,
      %gather3A_629 = arith.constant 0 : i32
      %gather3A_630 = arith.constant 0 : i32
      %gather3A_631 = arith.constant 0 : i32
      %gather3A_632 = tpu.memref_slice %arg13[%gather3A_629, %gather3A_630, %gather3A_631] : memref<8x1x128xf32, #tpu.memory_space<vmem>> -> memref<1x1x128xf32, #tpu.memory_space<vmem>>
      %gather3A_633 = tpu.memref_squeeze %gather3A_632 : memref<1x1x128xf32, #tpu.memory_space<vmem>> -> memref<1x128xf32, #tpu.memory_space<vmem>>
      %gather3A_634 = tpu.vector_load_idx %gather3A_633[%broadcast_in_dim3A_511, %broadcast_in_dim3A_600] : memref<1x128xf32, #tpu.memory_space<vmem>>[vector<16xi32>, vector<16xi32>], vector<16xf32>,
      %gather3A_635 = arith.constant 0 : i32
      %gather3A_636 = arith.constant 0 : i32
      %gather3A_637 = arith.constant 0 : i32
      %gather3A_638 = tpu.memref_slice %arg14[%gather3A_635, %gather3A_636, %gather3A_637] : memref<8x1x128xf32, #tpu.memory_space<vmem>> -> memref<1x1x128xf32, #tpu.memory_space<vmem>>
      %gather3A_639 = tpu.memref_squeeze %gather3A_638 : memref<1x1x128xf32, #tpu.memory_space<vmem>> -> memref<1x128xf32, #tpu.memory_space<vmem>>
      %gather3A_640 = tpu.vector_load_idx %gather3A_639[%broadcast_in_dim3A_511, %broadcast_in_dim3A_605] : memref<1x128xf32, #tpu.memory_space<vmem>>[vector<16xi32>, vector<16xi32>], vector<16xf32>,
      %mul3A_641 = arith.mulf %gather3A_610, %gather3A_622 : vector<16xf32>
      %mul3A_642 = arith.mulf %gather3A_616, %gather3A_628 : vector<16xf32>
      %add3A_643 = arith.addf %mul3A_641, %mul3A_642 : vector<16xf32>
      %broadcast_in_dim3A_644 = vector.shape_cast %xor3A_498 : vector<16xi32> to vector<16x1xi32>
      %gather3A_645 = vector.shape_cast %broadcast_in_dim3A_644 : vector<16x1xi32> to vector<16xi32>
      %gather3A_646 = tpu.dynamic_gather %add3A_643[%gather3A_645] in [0] : vector<16xf32>, vector<16xi32> -> vector<16xf32>
      %add3A_647 = arith.addf %add3A_643, %gather3A_646 : vector<16xf32>
      %broadcast_in_dim3A_648 = vector.shape_cast %xor3A_501 : vector<16xi32> to vector<16x1xi32>
      %gather3A_649 = vector.shape_cast %broadcast_in_dim3A_648 : vector<16x1xi32> to vector<16xi32>
      %gather3A_650 = tpu.dynamic_gather %add3A_647[%gather3A_649] in [0] : vector<16xf32>, vector<16xi32> -> vector<16xf32>
      %add3A_651 = arith.addf %add3A_647, %gather3A_650 : vector<16xf32>
      %broadcast_in_dim3A_652 = vector.shape_cast %xor3A_504 : vector<16xi32> to vector<16x1xi32>
      %gather3A_653 = vector.shape_cast %broadcast_in_dim3A_652 : vector<16x1xi32> to vector<16xi32>
      %gather3A_654 = tpu.dynamic_gather %add3A_651[%gather3A_653] in [0] : vector<16xf32>, vector<16xi32> -> vector<16xf32>
      %add3A_655 = arith.addf %add3A_651, %gather3A_654 : vector<16xf32>
      %broadcast_in_dim3A_656 = vector.shape_cast %xor3A_507 : vector<16xi32> to vector<16x1xi32>
      %gather3A_657 = vector.shape_cast %broadcast_in_dim3A_656 : vector<16x1xi32> to vector<16xi32>
      %gather3A_658 = tpu.dynamic_gather %add3A_655[%gather3A_657] in [0] : vector<16xf32>, vector<16xi32> -> vector<16xf32>
      %add3A_659 = arith.addf %add3A_655, %gather3A_658 : vector<16xf32>
      %eq3A = arith.constant 0 : i32
      %eq3A_660 = vector.broadcast %eq3A : i32 to vector<16xi32>
      %eq3A_661 = arith.cmpi eq, %iota3A, %eq3A_660 : vector<16xi32>
      %add3A_662 = arith.addf %add3A_659, %gather3A_634 : vector<16xf32>
      %add3A_663 = arith.addf %add3A_662, %gather3A_640 : vector<16xf32>
      %select_n3A = arith.select %eq3A_661, %add3A_663, %broadcast_in_dim3A_536 : vector<16xi1>, vector<16xf32>
      %slice3A_664 = vector.extract_strided_slice %get3A_524 {offsets = [8], sizes = [1], strides = [1]} : vector<16xi32> to vector<1xi32>
      %squeeze3A_665 = vector.extract %slice3A_664[0] : i32 from vector<1xi32>
      %slice3A_666 = vector.extract_strided_slice %get3A_526 {offsets = [8], sizes = [1], strides = [1]} : vector<16xi32> to vector<1xi32>
      %squeeze3A_667 = vector.extract %slice3A_666[0] : i32 from vector<1xi32>
      %and3A_668 = arith.constant -128 : i32
      %and3A_669 = arith.andi %squeeze3A_665, %and3A_668 : i32
      %multiple_of3A_670 = tpu.assume_multiple %and3A_669, 128 : i32
      %and3A_671 = arith.constant -128 : i32
      %and3A_672 = arith.andi %squeeze3A_667, %and3A_671 : i32
      %multiple_of3A_673 = tpu.assume_multiple %and3A_672, 128 : i32
      %dma_start3A_674 = arith.constant 0 : i32
      %dma_start3A_675 = arith.constant 0 : i32
      %dma_start3A_676 = arith.constant 0 : i32
      %dma_start3A_677 = tpu.memref_slice %arg11[%dma_start3A_674, %dma_start3A_675, %dma_start3A_676] : memref<8x32x128xf32, #tpu.memory_space<vmem>> -> memref<1x32x128xf32, #tpu.memory_space<vmem>>
      %dma_start3A_678 = tpu.memref_squeeze %dma_start3A_677 : memref<1x32x128xf32, #tpu.memory_space<vmem>> -> memref<32x128xf32, #tpu.memory_space<vmem>>
      %dma_start3A_679 = arith.constant 0 : i32
      %dma_start3A_680 = tpu.memref_slice %arg4[%dma_start3A_679, %multiple_of3A_670] : memref<32x1000000xf32, #tpu.memory_space<hbm>> -> memref<32x128xf32, #tpu.memory_space<hbm>>
      %dma_start3A_681 = arith.constant 0 : i32
      %dma_start3A_682 = arith.constant 0 : i32
      %dma_start3A_683 = tpu.memref_slice %arg11[%dma_start3A_674, %dma_start3A_681, %dma_start3A_682] : memref<8x32x128xf32, #tpu.memory_space<vmem>> -> memref<1x32x128xf32, #tpu.memory_space<vmem>>
      %dma_start3A_684 = tpu.memref_squeeze %dma_start3A_683 : memref<1x32x128xf32, #tpu.memory_space<vmem>> -> memref<32x128xf32, #tpu.memory_space<vmem>>
      %dma_start3A_685 = arith.constant 0 : i32
      %dma_start3A_686 = tpu.memref_slice %arg4[%dma_start3A_685, %multiple_of3A_670] : memref<32x1000000xf32, #tpu.memory_space<hbm>> -> memref<32x128xf32, #tpu.memory_space<hbm>>
      tpu.enqueue_dma source(%dma_start3A_686 : memref<32x128xf32, #tpu.memory_space<hbm>>) target(%dma_start3A_684 : memref<32x128xf32, #tpu.memory_space<vmem>>) target_semaphore(%arg16 : memref<!tpu.dma_semaphore, #tpu.memory_space<semaphore_mem>>)
      %dma_start3A_687 = arith.constant 0 : i32
      %dma_start3A_688 = arith.constant 0 : i32
      %dma_start3A_689 = arith.constant 0 : i32
      %dma_start3A_690 = tpu.memref_slice %arg12[%dma_start3A_687, %dma_start3A_688, %dma_start3A_689] : memref<8x32x128xf32, #tpu.memory_space<vmem>> -> memref<1x32x128xf32, #tpu.memory_space<vmem>>
      %dma_start3A_691 = tpu.memref_squeeze %dma_start3A_690 : memref<1x32x128xf32, #tpu.memory_space<vmem>> -> memref<32x128xf32, #tpu.memory_space<vmem>>
      %dma_start3A_692 = arith.constant 0 : i32
      %dma_start3A_693 = tpu.memref_slice %arg5[%dma_start3A_692, %multiple_of3A_673] : memref<32x1000000xf32, #tpu.memory_space<hbm>> -> memref<32x128xf32, #tpu.memory_space<hbm>>
      %dma_start3A_694 = arith.constant 0 : i32
      %dma_start3A_695 = arith.constant 0 : i32
      %dma_start3A_696 = tpu.memref_slice %arg12[%dma_start3A_687, %dma_start3A_694, %dma_start3A_695] : memref<8x32x128xf32, #tpu.memory_space<vmem>> -> memref<1x32x128xf32, #tpu.memory_space<vmem>>
      %dma_start3A_697 = tpu.memref_squeeze %dma_start3A_696 : memref<1x32x128xf32, #tpu.memory_space<vmem>> -> memref<32x128xf32, #tpu.memory_space<vmem>>
      %dma_start3A_698 = arith.constant 0 : i32
      %dma_start3A_699 = tpu.memref_slice %arg5[%dma_start3A_698, %multiple_of3A_673] : memref<32x1000000xf32, #tpu.memory_space<hbm>> -> memref<32x128xf32, #tpu.memory_space<hbm>>
      tpu.enqueue_dma source(%dma_start3A_699 : memref<32x128xf32, #tpu.memory_space<hbm>>) target(%dma_start3A_697 : memref<32x128xf32, #tpu.memory_space<vmem>>) target_semaphore(%arg16 : memref<!tpu.dma_semaphore, #tpu.memory_space<semaphore_mem>>)
      %dma_start3A_700 = arith.constant 0 : i32
      %dma_start3A_701 = arith.constant 0 : i32
      %dma_start3A_702 = arith.constant 0 : i32
      %dma_start3A_703 = tpu.memref_slice %arg13[%dma_start3A_700, %dma_start3A_701, %dma_start3A_702] : memref<8x1x128xf32, #tpu.memory_space<vmem>> -> memref<1x1x128xf32, #tpu.memory_space<vmem>>
      %dma_start3A_704 = tpu.memref_squeeze %dma_start3A_703 : memref<1x1x128xf32, #tpu.memory_space<vmem>> -> memref<1x128xf32, #tpu.memory_space<vmem>>
      %dma_start3A_705 = arith.constant 0 : i32
      %dma_start3A_706 = tpu.memref_slice %arg6[%dma_start3A_705, %multiple_of3A_670] : memref<1x1000000xf32, #tpu.memory_space<hbm>> -> memref<1x128xf32, #tpu.memory_space<hbm>>
      %dma_start3A_707 = arith.constant 0 : i32
      %dma_start3A_708 = arith.constant 0 : i32
      %dma_start3A_709 = tpu.memref_slice %arg13[%dma_start3A_700, %dma_start3A_707, %dma_start3A_708] : memref<8x1x128xf32, #tpu.memory_space<vmem>> -> memref<1x1x128xf32, #tpu.memory_space<vmem>>
      %dma_start3A_710 = tpu.memref_squeeze %dma_start3A_709 : memref<1x1x128xf32, #tpu.memory_space<vmem>> -> memref<1x128xf32, #tpu.memory_space<vmem>>
      %dma_start3A_711 = arith.constant 0 : i32
      %dma_start3A_712 = tpu.memref_slice %arg6[%dma_start3A_711, %multiple_of3A_670] : memref<1x1000000xf32, #tpu.memory_space<hbm>> -> memref<1x128xf32, #tpu.memory_space<hbm>>
      tpu.enqueue_dma source(%dma_start3A_712 : memref<1x128xf32, #tpu.memory_space<hbm>>) target(%dma_start3A_710 : memref<1x128xf32, #tpu.memory_space<vmem>>) target_semaphore(%arg16 : memref<!tpu.dma_semaphore, #tpu.memory_space<semaphore_mem>>)
      %dma_start3A_713 = arith.constant 0 : i32
      %dma_start3A_714 = arith.constant 0 : i32
      %dma_start3A_715 = arith.constant 0 : i32
      %dma_start3A_716 = tpu.memref_slice %arg14[%dma_start3A_713, %dma_start3A_714, %dma_start3A_715] : memref<8x1x128xf32, #tpu.memory_space<vmem>> -> memref<1x1x128xf32, #tpu.memory_space<vmem>>
      %dma_start3A_717 = tpu.memref_squeeze %dma_start3A_716 : memref<1x1x128xf32, #tpu.memory_space<vmem>> -> memref<1x128xf32, #tpu.memory_space<vmem>>
      %dma_start3A_718 = arith.constant 0 : i32
      %dma_start3A_719 = tpu.memref_slice %arg7[%dma_start3A_718, %multiple_of3A_673] : memref<1x1000000xf32, #tpu.memory_space<hbm>> -> memref<1x128xf32, #tpu.memory_space<hbm>>
      %dma_start3A_720 = arith.constant 0 : i32
      %dma_start3A_721 = arith.constant 0 : i32
      %dma_start3A_722 = tpu.memref_slice %arg14[%dma_start3A_713, %dma_start3A_720, %dma_start3A_721] : memref<8x1x128xf32, #tpu.memory_space<vmem>> -> memref<1x1x128xf32, #tpu.memory_space<vmem>>
      %dma_start3A_723 = tpu.memref_squeeze %dma_start3A_722 : memref<1x1x128xf32, #tpu.memory_space<vmem>> -> memref<1x128xf32, #tpu.memory_space<vmem>>
      %dma_start3A_724 = arith.constant 0 : i32
      %dma_start3A_725 = tpu.memref_slice %arg7[%dma_start3A_724, %multiple_of3A_673] : memref<1x1000000xf32, #tpu.memory_space<hbm>> -> memref<1x128xf32, #tpu.memory_space<hbm>>
      tpu.enqueue_dma source(%dma_start3A_725 : memref<1x128xf32, #tpu.memory_space<hbm>>) target(%dma_start3A_723 : memref<1x128xf32, #tpu.memory_space<vmem>>) target_semaphore(%arg16 : memref<!tpu.dma_semaphore, #tpu.memory_space<semaphore_mem>>)
      %dma_wait3A_726 = arith.constant 1 : i32
      %dma_wait3A_727 = arith.constant 0 : i32
      %dma_wait3A_728 = arith.constant 0 : i32
      %dma_wait3A_729 = tpu.memref_slice %arg11[%dma_wait3A_726, %dma_wait3A_727, %dma_wait3A_728] : memref<8x32x128xf32, #tpu.memory_space<vmem>> -> memref<1x32x128xf32, #tpu.memory_space<vmem>>
      %dma_wait3A_730 = tpu.memref_squeeze %dma_wait3A_729 : memref<1x32x128xf32, #tpu.memory_space<vmem>> -> memref<32x128xf32, #tpu.memory_space<vmem>>
      %dma_wait3A_731 = arith.constant 0 : i32
      %dma_wait3A_732 = arith.constant 0 : i32
      %dma_wait3A_733 = tpu.memref_slice %arg4[%dma_wait3A_731, %dma_wait3A_732] : memref<32x1000000xf32, #tpu.memory_space<hbm>> -> memref<32x128xf32, #tpu.memory_space<hbm>>
      %dma_wait3A_734 = arith.constant 0 : i32
      %dma_wait3A_735 = arith.constant 0 : i32
      %dma_wait3A_736 = tpu.memref_slice %arg11[%dma_wait3A_726, %dma_wait3A_734, %dma_wait3A_735] : memref<8x32x128xf32, #tpu.memory_space<vmem>> -> memref<1x32x128xf32, #tpu.memory_space<vmem>>
      %dma_wait3A_737 = tpu.memref_squeeze %dma_wait3A_736 : memref<1x32x128xf32, #tpu.memory_space<vmem>> -> memref<32x128xf32, #tpu.memory_space<vmem>>
      %dma_wait3A_738 = arith.constant 0 : i32
      %dma_wait3A_739 = arith.constant 0 : i32
      %dma_wait3A_740 = tpu.memref_slice %arg4[%dma_wait3A_738, %dma_wait3A_739] : memref<32x1000000xf32, #tpu.memory_space<hbm>> -> memref<32x128xf32, #tpu.memory_space<hbm>>
      tpu.wait_dma2 semaphore(%arg16 : memref<!tpu.dma_semaphore, #tpu.memory_space<semaphore_mem>>) src(%dma_wait3A_740 : memref<32x128xf32, #tpu.memory_space<hbm>>) dst(%dma_wait3A_737 : memref<32x128xf32, #tpu.memory_space<vmem>>)
      %dma_wait3A_741 = arith.constant 1 : i32
      %dma_wait3A_742 = arith.constant 0 : i32
      %dma_wait3A_743 = arith.constant 0 : i32
      %dma_wait3A_744 = tpu.memref_slice %arg12[%dma_wait3A_741, %dma_wait3A_742, %dma_wait3A_743] : memref<8x32x128xf32, #tpu.memory_space<vmem>> -> memref<1x32x128xf32, #tpu.memory_space<vmem>>
      %dma_wait3A_745 = tpu.memref_squeeze %dma_wait3A_744 : memref<1x32x128xf32, #tpu.memory_space<vmem>> -> memref<32x128xf32, #tpu.memory_space<vmem>>
      %dma_wait3A_746 = arith.constant 0 : i32
      %dma_wait3A_747 = arith.constant 0 : i32
      %dma_wait3A_748 = tpu.memref_slice %arg5[%dma_wait3A_746, %dma_wait3A_747] : memref<32x1000000xf32, #tpu.memory_space<hbm>> -> memref<32x128xf32, #tpu.memory_space<hbm>>
      %dma_wait3A_749 = arith.constant 0 : i32
      %dma_wait3A_750 = arith.constant 0 : i32
      %dma_wait3A_751 = tpu.memref_slice %arg12[%dma_wait3A_741, %dma_wait3A_749, %dma_wait3A_750] : memref<8x32x128xf32, #tpu.memory_space<vmem>> -> memref<1x32x128xf32, #tpu.memory_space<vmem>>
      %dma_wait3A_752 = tpu.memref_squeeze %dma_wait3A_751 : memref<1x32x128xf32, #tpu.memory_space<vmem>> -> memref<32x128xf32, #tpu.memory_space<vmem>>
      %dma_wait3A_753 = arith.constant 0 : i32
      %dma_wait3A_754 = arith.constant 0 : i32
      %dma_wait3A_755 = tpu.memref_slice %arg5[%dma_wait3A_753, %dma_wait3A_754] : memref<32x1000000xf32, #tpu.memory_space<hbm>> -> memref<32x128xf32, #tpu.memory_space<hbm>>
      tpu.wait_dma2 semaphore(%arg16 : memref<!tpu.dma_semaphore, #tpu.memory_space<semaphore_mem>>) src(%dma_wait3A_755 : memref<32x128xf32, #tpu.memory_space<hbm>>) dst(%dma_wait3A_752 : memref<32x128xf32, #tpu.memory_space<vmem>>)
      %dma_wait3A_756 = arith.constant 1 : i32
      %dma_wait3A_757 = arith.constant 0 : i32
      %dma_wait3A_758 = arith.constant 0 : i32
      %dma_wait3A_759 = tpu.memref_slice %arg13[%dma_wait3A_756, %dma_wait3A_757, %dma_wait3A_758] : memref<8x1x128xf32, #tpu.memory_space<vmem>> -> memref<1x1x128xf32, #tpu.memory_space<vmem>>
      %dma_wait3A_760 = tpu.memref_squeeze %dma_wait3A_759 : memref<1x1x128xf32, #tpu.memory_space<vmem>> -> memref<1x128xf32, #tpu.memory_space<vmem>>
      %dma_wait3A_761 = arith.constant 0 : i32
      %dma_wait3A_762 = arith.constant 0 : i32
      %dma_wait3A_763 = tpu.memref_slice %arg6[%dma_wait3A_761, %dma_wait3A_762] : memref<1x1000000xf32, #tpu.memory_space<hbm>> -> memref<1x128xf32, #tpu.memory_space<hbm>>
      %dma_wait3A_764 = arith.constant 0 : i32
      %dma_wait3A_765 = arith.constant 0 : i32
      %dma_wait3A_766 = tpu.memref_slice %arg13[%dma_wait3A_756, %dma_wait3A_764, %dma_wait3A_765] : memref<8x1x128xf32, #tpu.memory_space<vmem>> -> memref<1x1x128xf32, #tpu.memory_space<vmem>>
      %dma_wait3A_767 = tpu.memref_squeeze %dma_wait3A_766 : memref<1x1x128xf32, #tpu.memory_space<vmem>> -> memref<1x128xf32, #tpu.memory_space<vmem>>
      %dma_wait3A_768 = arith.constant 0 : i32
      %dma_wait3A_769 = arith.constant 0 : i32
      %dma_wait3A_770 = tpu.memref_slice %arg6[%dma_wait3A_768, %dma_wait3A_769] : memref<1x1000000xf32, #tpu.memory_space<hbm>> -> memref<1x128xf32, #tpu.memory_space<hbm>>
      tpu.wait_dma2 semaphore(%arg16 : memref<!tpu.dma_semaphore, #tpu.memory_space<semaphore_mem>>) src(%dma_wait3A_770 : memref<1x128xf32, #tpu.memory_space<hbm>>) dst(%dma_wait3A_767 : memref<1x128xf32, #tpu.memory_space<vmem>>)
      %dma_wait3A_771 = arith.constant 1 : i32
      %dma_wait3A_772 = arith.constant 0 : i32
      %dma_wait3A_773 = arith.constant 0 : i32
      %dma_wait3A_774 = tpu.memref_slice %arg14[%dma_wait3A_771, %dma_wait3A_772, %dma_wait3A_773] : memref<8x1x128xf32, #tpu.memory_space<vmem>> -> memref<1x1x128xf32, #tpu.memory_space<vmem>>
      %dma_wait3A_775 = tpu.memref_squeeze %dma_wait3A_774 : memref<1x1x128xf32, #tpu.memory_space<vmem>> -> memref<1x128xf32, #tpu.memory_space<vmem>>
      %dma_wait3A_776 = arith.constant 0 : i32
      %dma_wait3A_777 = arith.constant 0 : i32
      %dma_wait3A_778 = tpu.memref_slice %arg7[%dma_wait3A_776, %dma_wait3A_777] : memref<1x1000000xf32, #tpu.memory_space<hbm>> -> memref<1x128xf32, #tpu.memory_space<hbm>>
      %dma_wait3A_779 = arith.constant 0 : i32
      %dma_wait3A_780 = arith.constant 0 : i32
      %dma_wait3A_781 = tpu.memref_slice %arg14[%dma_wait3A_771, %dma_wait3A_779, %dma_wait3A_780] : memref<8x1x128xf32, #tpu.memory_space<vmem>> -> memref<1x1x128xf32, #tpu.memory_space<vmem>>
      %dma_wait3A_782 = tpu.memref_squeeze %dma_wait3A_781 : memref<1x1x128xf32, #tpu.memory_space<vmem>> -> memref<1x128xf32, #tpu.memory_space<vmem>>
      %dma_wait3A_783 = arith.constant 0 : i32
      %dma_wait3A_784 = arith.constant 0 : i32
      %dma_wait3A_785 = tpu.memref_slice %arg7[%dma_wait3A_783, %dma_wait3A_784] : memref<1x1000000xf32, #tpu.memory_space<hbm>> -> memref<1x128xf32, #tpu.memory_space<hbm>>
      tpu.wait_dma2 semaphore(%arg16 : memref<!tpu.dma_semaphore, #tpu.memory_space<semaphore_mem>>) src(%dma_wait3A_785 : memref<1x128xf32, #tpu.memory_space<hbm>>) dst(%dma_wait3A_782 : memref<1x128xf32, #tpu.memory_space<vmem>>)
      %slice3A_786 = vector.extract_strided_slice %get3A_524 {offsets = [1], sizes = [1], strides = [1]} : vector<16xi32> to vector<1xi32>
      %squeeze3A_787 = vector.extract %slice3A_786[0] : i32 from vector<1xi32>
      %and3A_788 = arith.constant 127 : i32
      %and3A_789 = arith.andi %squeeze3A_787, %and3A_788 : i32
      %broadcast_in_dim3A_790 = vector.broadcast %and3A_789 : i32 to vector<16xi32>
      %slice3A_791 = vector.extract_strided_slice %get3A_526 {offsets = [1], sizes = [1], strides = [1]} : vector<16xi32> to vector<1xi32>
      %squeeze3A_792 = vector.extract %slice3A_791[0] : i32 from vector<1xi32>
      %and3A_793 = arith.constant 127 : i32
      %and3A_794 = arith.andi %squeeze3A_792, %and3A_793 : i32
      %broadcast_in_dim3A_795 = vector.broadcast %and3A_794 : i32 to vector<16xi32>
      %gather3A_796 = arith.constant 1 : i32
      %gather3A_797 = arith.constant 0 : i32
      %gather3A_798 = arith.constant 0 : i32
      %gather3A_799 = tpu.memref_slice %arg11[%gather3A_796, %gather3A_797, %gather3A_798] : memref<8x32x128xf32, #tpu.memory_space<vmem>> -> memref<1x32x128xf32, #tpu.memory_space<vmem>>
      %gather3A_800 = tpu.memref_squeeze %gather3A_799 : memref<1x32x128xf32, #tpu.memory_space<vmem>> -> memref<32x128xf32, #tpu.memory_space<vmem>>
      %gather3A_801 = tpu.vector_load_idx %gather3A_800[%iota3A, %broadcast_in_dim3A_790] : memref<32x128xf32, #tpu.memory_space<vmem>>[vector<16xi32>, vector<16xi32>], vector<16xf32>,
      %gather3A_802 = arith.constant 1 : i32
      %gather3A_803 = arith.constant 0 : i32
      %gather3A_804 = arith.constant 0 : i32
      %gather3A_805 = tpu.memref_slice %arg11[%gather3A_802, %gather3A_803, %gather3A_804] : memref<8x32x128xf32, #tpu.memory_space<vmem>> -> memref<1x32x128xf32, #tpu.memory_space<vmem>>
      %gather3A_806 = tpu.memref_squeeze %gather3A_805 : memref<1x32x128xf32, #tpu.memory_space<vmem>> -> memref<32x128xf32, #tpu.memory_space<vmem>>
      %gather3A_807 = tpu.vector_load_idx %gather3A_806[%add3A_510, %broadcast_in_dim3A_790] : memref<32x128xf32, #tpu.memory_space<vmem>>[vector<16xi32>, vector<16xi32>], vector<16xf32>,
      %gather3A_808 = arith.constant 1 : i32
      %gather3A_809 = arith.constant 0 : i32
      %gather3A_810 = arith.constant 0 : i32
      %gather3A_811 = tpu.memref_slice %arg12[%gather3A_808, %gather3A_809, %gather3A_810] : memref<8x32x128xf32, #tpu.memory_space<vmem>> -> memref<1x32x128xf32, #tpu.memory_space<vmem>>
      %gather3A_812 = tpu.memref_squeeze %gather3A_811 : memref<1x32x128xf32, #tpu.memory_space<vmem>> -> memref<32x128xf32, #tpu.memory_space<vmem>>
      %gather3A_813 = tpu.vector_load_idx %gather3A_812[%iota3A, %broadcast_in_dim3A_795] : memref<32x128xf32, #tpu.memory_space<vmem>>[vector<16xi32>, vector<16xi32>], vector<16xf32>,
      %gather3A_814 = arith.constant 1 : i32
      %gather3A_815 = arith.constant 0 : i32
      %gather3A_816 = arith.constant 0 : i32
      %gather3A_817 = tpu.memref_slice %arg12[%gather3A_814, %gather3A_815, %gather3A_816] : memref<8x32x128xf32, #tpu.memory_space<vmem>> -> memref<1x32x128xf32, #tpu.memory_space<vmem>>
      %gather3A_818 = tpu.memref_squeeze %gather3A_817 : memref<1x32x128xf32, #tpu.memory_space<vmem>> -> memref<32x128xf32, #tpu.memory_space<vmem>>
      %gather3A_819 = tpu.vector_load_idx %gather3A_818[%add3A_510, %broadcast_in_dim3A_795] : memref<32x128xf32, #tpu.memory_space<vmem>>[vector<16xi32>, vector<16xi32>], vector<16xf32>,
      %gather3A_820 = arith.constant 1 : i32
      %gather3A_821 = arith.constant 0 : i32
      %gather3A_822 = arith.constant 0 : i32
      %gather3A_823 = tpu.memref_slice %arg13[%gather3A_820, %gather3A_821, %gather3A_822] : memref<8x1x128xf32, #tpu.memory_space<vmem>> -> memref<1x1x128xf32, #tpu.memory_space<vmem>>
      %gather3A_824 = tpu.memref_squeeze %gather3A_823 : memref<1x1x128xf32, #tpu.memory_space<vmem>> -> memref<1x128xf32, #tpu.memory_space<vmem>>
      %gather3A_825 = tpu.vector_load_idx %gather3A_824[%broadcast_in_dim3A_511, %broadcast_in_dim3A_790] : memref<1x128xf32, #tpu.memory_space<vmem>>[vector<16xi32>, vector<16xi32>], vector<16xf32>,
      %gather3A_826 = arith.constant 1 : i32
      %gather3A_827 = arith.constant 0 : i32
      %gather3A_828 = arith.constant 0 : i32
      %gather3A_829 = tpu.memref_slice %arg14[%gather3A_826, %gather3A_827, %gather3A_828] : memref<8x1x128xf32, #tpu.memory_space<vmem>> -> memref<1x1x128xf32, #tpu.memory_space<vmem>>
      %gather3A_830 = tpu.memref_squeeze %gather3A_829 : memref<1x1x128xf32, #tpu.memory_space<vmem>> -> memref<1x128xf32, #tpu.memory_space<vmem>>
      %gather3A_831 = tpu.vector_load_idx %gather3A_830[%broadcast_in_dim3A_511, %broadcast_in_dim3A_795] : memref<1x128xf32, #tpu.memory_space<vmem>>[vector<16xi32>, vector<16xi32>], vector<16xf32>,
      %mul3A_832 = arith.mulf %gather3A_801, %gather3A_813 : vector<16xf32>
      %mul3A_833 = arith.mulf %gather3A_807, %gather3A_819 : vector<16xf32>
      %add3A_834 = arith.addf %mul3A_832, %mul3A_833 : vector<16xf32>
      %broadcast_in_dim3A_835 = vector.shape_cast %xor3A_498 : vector<16xi32> to vector<16x1xi32>
      %gather3A_836 = vector.shape_cast %broadcast_in_dim3A_835 : vector<16x1xi32> to vector<16xi32>
      %gather3A_837 = tpu.dynamic_gather %add3A_834[%gather3A_836] in [0] : vector<16xf32>, vector<16xi32> -> vector<16xf32>
      %add3A_838 = arith.addf %add3A_834, %gather3A_837 : vector<16xf32>
      %broadcast_in_dim3A_839 = vector.shape_cast %xor3A_501 : vector<16xi32> to vector<16x1xi32>
      %gather3A_840 = vector.shape_cast %broadcast_in_dim3A_839 : vector<16x1xi32> to vector<16xi32>
      %gather3A_841 = tpu.dynamic_gather %add3A_838[%gather3A_840] in [0] : vector<16xf32>, vector<16xi32> -> vector<16xf32>
      %add3A_842 = arith.addf %add3A_838, %gather3A_841 : vector<16xf32>
      %broadcast_in_dim3A_843 = vector.shape_cast %xor3A_504 : vector<16xi32> to vector<16x1xi32>
      %gather3A_844 = vector.shape_cast %broadcast_in_dim3A_843 : vector<16x1xi32> to vector<16xi32>
      %gather3A_845 = tpu.dynamic_gather %add3A_842[%gather3A_844] in [0] : vector<16xf32>, vector<16xi32> -> vector<16xf32>
      %add3A_846 = arith.addf %add3A_842, %gather3A_845 : vector<16xf32>
      %broadcast_in_dim3A_847 = vector.shape_cast %xor3A_507 : vector<16xi32> to vector<16x1xi32>
      %gather3A_848 = vector.shape_cast %broadcast_in_dim3A_847 : vector<16x1xi32> to vector<16xi32>
      %gather3A_849 = tpu.dynamic_gather %add3A_846[%gather3A_848] in [0] : vector<16xf32>, vector<16xi32> -> vector<16xf32>
      %add3A_850 = arith.addf %add3A_846, %gather3A_849 : vector<16xf32>
      %eq3A_851 = arith.constant 1 : i32
      %eq3A_852 = vector.broadcast %eq3A_851 : i32 to vector<16xi32>
      %eq3A_853 = arith.cmpi eq, %iota3A, %eq3A_852 : vector<16xi32>
      %add3A_854 = arith.addf %add3A_850, %gather3A_825 : vector<16xf32>
      %add3A_855 = arith.addf %add3A_854, %gather3A_831 : vector<16xf32>
      %select_n3A_856 = arith.select %eq3A_853, %add3A_855, %select_n3A : vector<16xi1>, vector<16xf32>
      %slice3A_857 = vector.extract_strided_slice %get3A_524 {offsets = [9], sizes = [1], strides = [1]} : vector<16xi32> to vector<1xi32>
      %squeeze3A_858 = vector.extract %slice3A_857[0] : i32 from vector<1xi32>
      %slice3A_859 = vector.extract_strided_slice %get3A_526 {offsets = [9], sizes = [1], strides = [1]} : vector<16xi32> to vector<1xi32>
      %squeeze3A_860 = vector.extract %slice3A_859[0] : i32 from vector<1xi32>
      %and3A_861 = arith.constant -128 : i32
      %and3A_862 = arith.andi %squeeze3A_858, %and3A_861 : i32
      %multiple_of3A_863 = tpu.assume_multiple %and3A_862, 128 : i32
      %and3A_864 = arith.constant -128 : i32
      %and3A_865 = arith.andi %squeeze3A_860, %and3A_864 : i32
      %multiple_of3A_866 = tpu.assume_multiple %and3A_865, 128 : i32
      %dma_start3A_867 = arith.constant 1 : i32
      %dma_start3A_868 = arith.constant 0 : i32
      %dma_start3A_869 = arith.constant 0 : i32
      %dma_start3A_870 = tpu.memref_slice %arg11[%dma_start3A_867, %dma_start3A_868, %dma_start3A_869] : memref<8x32x128xf32, #tpu.memory_space<vmem>> -> memref<1x32x128xf32, #tpu.memory_space<vmem>>
      %dma_start3A_871 = tpu.memref_squeeze %dma_start3A_870 : memref<1x32x128xf32, #tpu.memory_space<vmem>> -> memref<32x128xf32, #tpu.memory_space<vmem>>
      %dma_start3A_872 = arith.constant 0 : i32
      %dma_start3A_873 = tpu.memref_slice %arg4[%dma_start3A_872, %multiple_of3A_863] : memref<32x1000000xf32, #tpu.memory_space<hbm>> -> memref<32x128xf32, #tpu.memory_space<hbm>>
      %dma_start3A_874 = arith.constant 0 : i32
      %dma_start3A_875 = arith.constant 0 : i32
      %dma_start3A_876 = tpu.memref_slice %arg11[%dma_start3A_867, %dma_start3A_874, %dma_start3A_875] : memref<8x32x128xf32, #tpu.memory_space<vmem>> -> memref<1x32x128xf32, #tpu.memory_space<vmem>>
      %dma_start3A_877 = tpu.memref_squeeze %dma_start3A_876 : memref<1x32x128xf32, #tpu.memory_space<vmem>> -> memref<32x128xf32, #tpu.memory_space<vmem>>
      %dma_start3A_878 = arith.constant 0 : i32
      %dma_start3A_879 = tpu.memref_slice %arg4[%dma_start3A_878, %multiple_of3A_863] : memref<32x1000000xf32, #tpu.memory_space<hbm>> -> memref<32x128xf32, #tpu.memory_space<hbm>>
      tpu.enqueue_dma source(%dma_start3A_879 : memref<32x128xf32, #tpu.memory_space<hbm>>) target(%dma_start3A_877 : memref<32x128xf32, #tpu.memory_space<vmem>>) target_semaphore(%arg16 : memref<!tpu.dma_semaphore, #tpu.memory_space<semaphore_mem>>)
      %dma_start3A_880 = arith.constant 1 : i32
      %dma_start3A_881 = arith.constant 0 : i32
      %dma_start3A_882 = arith.constant 0 : i32
      %dma_start3A_883 = tpu.memref_slice %arg12[%dma_start3A_880, %dma_start3A_881, %dma_start3A_882] : memref<8x32x128xf32, #tpu.memory_space<vmem>> -> memref<1x32x128xf32, #tpu.memory_space<vmem>>
      %dma_start3A_884 = tpu.memref_squeeze %dma_start3A_883 : memref<1x32x128xf32, #tpu.memory_space<vmem>> -> memref<32x128xf32, #tpu.memory_space<vmem>>
      %dma_start3A_885 = arith.constant 0 : i32
      %dma_start3A_886 = tpu.memref_slice %arg5[%dma_start3A_885, %multiple_of3A_866] : memref<32x1000000xf32, #tpu.memory_space<hbm>> -> memref<32x128xf32, #tpu.memory_space<hbm>>
      %dma_start3A_887 = arith.constant 0 : i32
      %dma_start3A_888 = arith.constant 0 : i32
      %dma_start3A_889 = tpu.memref_slice %arg12[%dma_start3A_880, %dma_start3A_887, %dma_start3A_888] : memref<8x32x128xf32, #tpu.memory_space<vmem>> -> memref<1x32x128xf32, #tpu.memory_space<vmem>>
      %dma_start3A_890 = tpu.memref_squeeze %dma_start3A_889 : memref<1x32x128xf32, #tpu.memory_space<vmem>> -> memref<32x128xf32, #tpu.memory_space<vmem>>
      %dma_start3A_891 = arith.constant 0 : i32
      %dma_start3A_892 = tpu.memref_slice %arg5[%dma_start3A_891, %multiple_of3A_866] : memref<32x1000000xf32, #tpu.memory_space<hbm>> -> memref<32x128xf32, #tpu.memory_space<hbm>>
      tpu.enqueue_dma source(%dma_start3A_892 : memref<32x128xf32, #tpu.memory_space<hbm>>) target(%dma_start3A_890 : memref<32x128xf32, #tpu.memory_space<vmem>>) target_semaphore(%arg16 : memref<!tpu.dma_semaphore, #tpu.memory_space<semaphore_mem>>)
      %dma_start3A_893 = arith.constant 1 : i32
      %dma_start3A_894 = arith.constant 0 : i32
      %dma_start3A_895 = arith.constant 0 : i32
      %dma_start3A_896 = tpu.memref_slice %arg13[%dma_start3A_893, %dma_start3A_894, %dma_start3A_895] : memref<8x1x128xf32, #tpu.memory_space<vmem>> -> memref<1x1x128xf32, #tpu.memory_space<vmem>>
      %dma_start3A_897 = tpu.memref_squeeze %dma_start3A_896 : memref<1x1x128xf32, #tpu.memory_space<vmem>> -> memref<1x128xf32, #tpu.memory_space<vmem>>
      %dma_start3A_898 = arith.constant 0 : i32
      %dma_start3A_899 = tpu.memref_slice %arg6[%dma_start3A_898, %multiple_of3A_863] : memref<1x1000000xf32, #tpu.memory_space<hbm>> -> memref<1x128xf32, #tpu.memory_space<hbm>>
      %dma_start3A_900 = arith.constant 0 : i32
      %dma_start3A_901 = arith.constant 0 : i32
      %dma_start3A_902 = tpu.memref_slice %arg13[%dma_start3A_893, %dma_start3A_900, %dma_start3A_901] : memref<8x1x128xf32, #tpu.memory_space<vmem>> -> memref<1x1x128xf32, #tpu.memory_space<vmem>>
      %dma_start3A_903 = tpu.memref_squeeze %dma_start3A_902 : memref<1x1x128xf32, #tpu.memory_space<vmem>> -> memref<1x128xf32, #tpu.memory_space<vmem>>
      %dma_start3A_904 = arith.constant 0 : i32
      %dma_start3A_905 = tpu.memref_slice %arg6[%dma_start3A_904, %multiple_of3A_863] : memref<1x1000000xf32, #tpu.memory_space<hbm>> -> memref<1x128xf32, #tpu.memory_space<hbm>>
      tpu.enqueue_dma source(%dma_start3A_905 : memref<1x128xf32, #tpu.memory_space<hbm>>) target(%dma_start3A_903 : memref<1x128xf32, #tpu.memory_space<vmem>>) target_semaphore(%arg16 : memref<!tpu.dma_semaphore, #tpu.memory_space<semaphore_mem>>)
      %dma_start3A_906 = arith.constant 1 : i32
      %dma_start3A_907 = arith.constant 0 : i32
      %dma_start3A_908 = arith.constant 0 : i32
      %dma_start3A_909 = tpu.memref_slice %arg14[%dma_start3A_906, %dma_start3A_907, %dma_start3A_908] : memref<8x1x128xf32, #tpu.memory_space<vmem>> -> memref<1x1x128xf32, #tpu.memory_space<vmem>>
      %dma_start3A_910 = tpu.memref_squeeze %dma_start3A_909 : memref<1x1x128xf32, #tpu.memory_space<vmem>> -> memref<1x128xf32, #tpu.memory_space<vmem>>
      %dma_start3A_911 = arith.constant 0 : i32
      %dma_start3A_912 = tpu.memref_slice %arg7[%dma_start3A_911, %multiple_of3A_866] : memref<1x1000000xf32, #tpu.memory_space<hbm>> -> memref<1x128xf32, #tpu.memory_space<hbm>>
      %dma_start3A_913 = arith.constant 0 : i32
      %dma_start3A_914 = arith.constant 0 : i32
      %dma_start3A_915 = tpu.memref_slice %arg14[%dma_start3A_906, %dma_start3A_913, %dma_start3A_914] : memref<8x1x128xf32, #tpu.memory_space<vmem>> -> memref<1x1x128xf32, #tpu.memory_space<vmem>>
      %dma_start3A_916 = tpu.memref_squeeze %dma_start3A_915 : memref<1x1x128xf32, #tpu.memory_space<vmem>> -> memref<1x128xf32, #tpu.memory_space<vmem>>
      %dma_start3A_917 = arith.constant 0 : i32
      %dma_start3A_918 = tpu.memref_slice %arg7[%dma_start3A_917, %multiple_of3A_866] : memref<1x1000000xf32, #tpu.memory_space<hbm>> -> memref<1x128xf32, #tpu.memory_space<hbm>>
      tpu.enqueue_dma source(%dma_start3A_918 : memref<1x128xf32, #tpu.memory_space<hbm>>) target(%dma_start3A_916 : memref<1x128xf32, #tpu.memory_space<vmem>>) target_semaphore(%arg16 : memref<!tpu.dma_semaphore, #tpu.memory_space<semaphore_mem>>)
      %dma_wait3A_919 = arith.constant 2 : i32
      %dma_wait3A_920 = arith.constant 0 : i32
      %dma_wait3A_921 = arith.constant 0 : i32
      %dma_wait3A_922 = tpu.memref_slice %arg11[%dma_wait3A_919, %dma_wait3A_920, %dma_wait3A_921] : memref<8x32x128xf32, #tpu.memory_space<vmem>> -> memref<1x32x128xf32, #tpu.memory_space<vmem>>
      %dma_wait3A_923 = tpu.memref_squeeze %dma_wait3A_922 : memref<1x32x128xf32, #tpu.memory_space<vmem>> -> memref<32x128xf32, #tpu.memory_space<vmem>>
      %dma_wait3A_924 = arith.constant 0 : i32
      %dma_wait3A_925 = arith.constant 0 : i32
      %dma_wait3A_926 = tpu.memref_slice %arg4[%dma_wait3A_924, %dma_wait3A_925] : memref<32x1000000xf32, #tpu.memory_space<hbm>> -> memref<32x128xf32, #tpu.memory_space<hbm>>
      %dma_wait3A_927 = arith.constant 0 : i32
      %dma_wait3A_928 = arith.constant 0 : i32
      %dma_wait3A_929 = tpu.memref_slice %arg11[%dma_wait3A_919, %dma_wait3A_927, %dma_wait3A_928] : memref<8x32x128xf32, #tpu.memory_space<vmem>> -> memref<1x32x128xf32, #tpu.memory_space<vmem>>
      %dma_wait3A_930 = tpu.memref_squeeze %dma_wait3A_929 : memref<1x32x128xf32, #tpu.memory_space<vmem>> -> memref<32x128xf32, #tpu.memory_space<vmem>>
      %dma_wait3A_931 = arith.constant 0 : i32
      %dma_wait3A_932 = arith.constant 0 : i32
      %dma_wait3A_933 = tpu.memref_slice %arg4[%dma_wait3A_931, %dma_wait3A_932] : memref<32x1000000xf32, #tpu.memory_space<hbm>> -> memref<32x128xf32, #tpu.memory_space<hbm>>
      tpu.wait_dma2 semaphore(%arg16 : memref<!tpu.dma_semaphore, #tpu.memory_space<semaphore_mem>>) src(%dma_wait3A_933 : memref<32x128xf32, #tpu.memory_space<hbm>>) dst(%dma_wait3A_930 : memref<32x128xf32, #tpu.memory_space<vmem>>)
      %dma_wait3A_934 = arith.constant 2 : i32
      %dma_wait3A_935 = arith.constant 0 : i32
      %dma_wait3A_936 = arith.constant 0 : i32
      %dma_wait3A_937 = tpu.memref_slice %arg12[%dma_wait3A_934, %dma_wait3A_935, %dma_wait3A_936] : memref<8x32x128xf32, #tpu.memory_space<vmem>> -> memref<1x32x128xf32, #tpu.memory_space<vmem>>
      %dma_wait3A_938 = tpu.memref_squeeze %dma_wait3A_937 : memref<1x32x128xf32, #tpu.memory_space<vmem>> -> memref<32x128xf32, #tpu.memory_space<vmem>>
      %dma_wait3A_939 = arith.constant 0 : i32
      %dma_wait3A_940 = arith.constant 0 : i32
      %dma_wait3A_941 = tpu.memref_slice %arg5[%dma_wait3A_939, %dma_wait3A_940] : memref<32x1000000xf32, #tpu.memory_space<hbm>> -> memref<32x128xf32, #tpu.memory_space<hbm>>
      %dma_wait3A_942 = arith.constant 0 : i32
      %dma_wait3A_943 = arith.constant 0 : i32
      %dma_wait3A_944 = tpu.memref_slice %arg12[%dma_wait3A_934, %dma_wait3A_942, %dma_wait3A_943] : memref<8x32x128xf32, #tpu.memory_space<vmem>> -> memref<1x32x128xf32, #tpu.memory_space<vmem>>
      %dma_wait3A_945 = tpu.memref_squeeze %dma_wait3A_944 : memref<1x32x128xf32, #tpu.memory_space<vmem>> -> memref<32x128xf32, #tpu.memory_space<vmem>>
      %dma_wait3A_946 = arith.constant 0 : i32
      %dma_wait3A_947 = arith.constant 0 : i32
      %dma_wait3A_948 = tpu.memref_slice %arg5[%dma_wait3A_946, %dma_wait3A_947] : memref<32x1000000xf32, #tpu.memory_space<hbm>> -> memref<32x128xf32, #tpu.memory_space<hbm>>
      tpu.wait_dma2 semaphore(%arg16 : memref<!tpu.dma_semaphore, #tpu.memory_space<semaphore_mem>>) src(%dma_wait3A_948 : memref<32x128xf32, #tpu.memory_space<hbm>>) dst(%dma_wait3A_945 : memref<32x128xf32, #tpu.memory_space<vmem>>)
      %dma_wait3A_949 = arith.constant 2 : i32
      %dma_wait3A_950 = arith.constant 0 : i32
      %dma_wait3A_951 = arith.constant 0 : i32
      %dma_wait3A_952 = tpu.memref_slice %arg13[%dma_wait3A_949, %dma_wait3A_950, %dma_wait3A_951] : memref<8x1x128xf32, #tpu.memory_space<vmem>> -> memref<1x1x128xf32, #tpu.memory_space<vmem>>
      %dma_wait3A_953 = tpu.memref_squeeze %dma_wait3A_952 : memref<1x1x128xf32, #tpu.memory_space<vmem>> -> memref<1x128xf32, #tpu.memory_space<vmem>>
      %dma_wait3A_954 = arith.constant 0 : i32
      %dma_wait3A_955 = arith.constant 0 : i32
      %dma_wait3A_956 = tpu.memref_slice %arg6[%dma_wait3A_954, %dma_wait3A_955] : memref<1x1000000xf32, #tpu.memory_space<hbm>> -> memref<1x128xf32, #tpu.memory_space<hbm>>
      %dma_wait3A_957 = arith.constant 0 : i32
      %dma_wait3A_958 = arith.constant 0 : i32
      %dma_wait3A_959 = tpu.memref_slice %arg13[%dma_wait3A_949, %dma_wait3A_957, %dma_wait3A_958] : memref<8x1x128xf32, #tpu.memory_space<vmem>> -> memref<1x1x128xf32, #tpu.memory_space<vmem>>
      %dma_wait3A_960 = tpu.memref_squeeze %dma_wait3A_959 : memref<1x1x128xf32, #tpu.memory_space<vmem>> -> memref<1x128xf32, #tpu.memory_space<vmem>>
      %dma_wait3A_961 = arith.constant 0 : i32
      %dma_wait3A_962 = arith.constant 0 : i32
      %dma_wait3A_963 = tpu.memref_slice %arg6[%dma_wait3A_961, %dma_wait3A_962] : memref<1x1000000xf32, #tpu.memory_space<hbm>> -> memref<1x128xf32, #tpu.memory_space<hbm>>
      tpu.wait_dma2 semaphore(%arg16 : memref<!tpu.dma_semaphore, #tpu.memory_space<semaphore_mem>>) src(%dma_wait3A_963 : memref<1x128xf32, #tpu.memory_space<hbm>>) dst(%dma_wait3A_960 : memref<1x128xf32, #tpu.memory_space<vmem>>)
      %dma_wait3A_964 = arith.constant 2 : i32
      %dma_wait3A_965 = arith.constant 0 : i32
      %dma_wait3A_966 = arith.constant 0 : i32
      %dma_wait3A_967 = tpu.memref_slice %arg14[%dma_wait3A_964, %dma_wait3A_965, %dma_wait3A_966] : memref<8x1x128xf32, #tpu.memory_space<vmem>> -> memref<1x1x128xf32, #tpu.memory_space<vmem>>
      %dma_wait3A_968 = tpu.memref_squeeze %dma_wait3A_967 : memref<1x1x128xf32, #tpu.memory_space<vmem>> -> memref<1x128xf32, #tpu.memory_space<vmem>>
      %dma_wait3A_969 = arith.constant 0 : i32
      %dma_wait3A_970 = arith.constant 0 : i32
      %dma_wait3A_971 = tpu.memref_slice %arg7[%dma_wait3A_969, %dma_wait3A_970] : memref<1x1000000xf32, #tpu.memory_space<hbm>> -> memref<1x128xf32, #tpu.memory_space<hbm>>
      %dma_wait3A_972 = arith.constant 0 : i32
      %dma_wait3A_973 = arith.constant 0 : i32
      %dma_wait3A_974 = tpu.memref_slice %arg14[%dma_wait3A_964, %dma_wait3A_972, %dma_wait3A_973] : memref<8x1x128xf32, #tpu.memory_space<vmem>> -> memref<1x1x128xf32, #tpu.memory_space<vmem>>
      %dma_wait3A_975 = tpu.memref_squeeze %dma_wait3A_974 : memref<1x1x128xf32, #tpu.memory_space<vmem>> -> memref<1x128xf32, #tpu.memory_space<vmem>>
      %dma_wait3A_976 = arith.constant 0 : i32
      %dma_wait3A_977 = arith.constant 0 : i32
      %dma_wait3A_978 = tpu.memref_slice %arg7[%dma_wait3A_976, %dma_wait3A_977] : memref<1x1000000xf32, #tpu.memory_space<hbm>> -> memref<1x128xf32, #tpu.memory_space<hbm>>
      tpu.wait_dma2 semaphore(%arg16 : memref<!tpu.dma_semaphore, #tpu.memory_space<semaphore_mem>>) src(%dma_wait3A_978 : memref<1x128xf32, #tpu.memory_space<hbm>>) dst(%dma_wait3A_975 : memref<1x128xf32, #tpu.memory_space<vmem>>)
      %slice3A_979 = vector.extract_strided_slice %get3A_524 {offsets = [2], sizes = [1], strides = [1]} : vector<16xi32> to vector<1xi32>
      %squeeze3A_980 = vector.extract %slice3A_979[0] : i32 from vector<1xi32>
      %and3A_981 = arith.constant 127 : i32
      %and3A_982 = arith.andi %squeeze3A_980, %and3A_981 : i32
      %broadcast_in_dim3A_983 = vector.broadcast %and3A_982 : i32 to vector<16xi32>
      %slice3A_984 = vector.extract_strided_slice %get3A_526 {offsets = [2], sizes = [1], strides = [1]} : vector<16xi32> to vector<1xi32>
      %squeeze3A_985 = vector.extract %slice3A_984[0] : i32 from vector<1xi32>
      %and3A_986 = arith.constant 127 : i32
      %and3A_987 = arith.andi %squeeze3A_985, %and3A_986 : i32
      %broadcast_in_dim3A_988 = vector.broadcast %and3A_987 : i32 to vector<16xi32>
      %gather3A_989 = arith.constant 2 : i32
      %gather3A_990 = arith.constant 0 : i32
      %gather3A_991 = arith.constant 0 : i32
      %gather3A_992 = tpu.memref_slice %arg11[%gather3A_989, %gather3A_990, %gather3A_991] : memref<8x32x128xf32, #tpu.memory_space<vmem>> -> memref<1x32x128xf32, #tpu.memory_space<vmem>>
      %gather3A_993 = tpu.memref_squeeze %gather3A_992 : memref<1x32x128xf32, #tpu.memory_space<vmem>> -> memref<32x128xf32, #tpu.memory_space<vmem>>
      %gather3A_994 = tpu.vector_load_idx %gather3A_993[%iota3A, %broadcast_in_dim3A_983] : memref<32x128xf32, #tpu.memory_space<vmem>>[vector<16xi32>, vector<16xi32>], vector<16xf32>,
      %gather3A_995 = arith.constant 2 : i32
      %gather3A_996 = arith.constant 0 : i32
      %gather3A_997 = arith.constant 0 : i32
      %gather3A_998 = tpu.memref_slice %arg11[%gather3A_995, %gather3A_996, %gather3A_997] : memref<8x32x128xf32, #tpu.memory_space<vmem>> -> memref<1x32x128xf32, #tpu.memory_space<vmem>>
      %gather3A_999 = tpu.memref_squeeze %gather3A_998 : memref<1x32x128xf32, #tpu.memory_space<vmem>> -> memref<32x128xf32, #tpu.memory_space<vmem>>
      %gather3A_1000 = tpu.vector_load_idx %gather3A_999[%add3A_510, %broadcast_in_dim3A_983] : memref<32x128xf32, #tpu.memory_space<vmem>>[vector<16xi32>, vector<16xi32>], vector<16xf32>,
      %gather3A_1001 = arith.constant 2 : i32
      %gather3A_1002 = arith.constant 0 : i32
      %gather3A_1003 = arith.constant 0 : i32
      %gather3A_1004 = tpu.memref_slice %arg12[%gather3A_1001, %gather3A_1002, %gather3A_1003] : memref<8x32x128xf32, #tpu.memory_space<vmem>> -> memref<1x32x128xf32, #tpu.memory_space<vmem>>
      %gather3A_1005 = tpu.memref_squeeze %gather3A_1004 : memref<1x32x128xf32, #tpu.memory_space<vmem>> -> memref<32x128xf32, #tpu.memory_space<vmem>>
      %gather3A_1006 = tpu.vector_load_idx %gather3A_1005[%iota3A, %broadcast_in_dim3A_988] : memref<32x128xf32, #tpu.memory_space<vmem>>[vector<16xi32>, vector<16xi32>], vector<16xf32>,
      %gather3A_1007 = arith.constant 2 : i32
      %gather3A_1008 = arith.constant 0 : i32
      %gather3A_1009 = arith.constant 0 : i32
      %gather3A_1010 = tpu.memref_slice %arg12[%gather3A_1007, %gather3A_1008, %gather3A_1009] : memref<8x32x128xf32, #tpu.memory_space<vmem>> -> memref<1x32x128xf32, #tpu.memory_space<vmem>>
      %gather3A_1011 = tpu.memref_squeeze %gather3A_1010 : memref<1x32x128xf32, #tpu.memory_space<vmem>> -> memref<32x128xf32, #tpu.memory_space<vmem>>
      %gather3A_1012 = tpu.vector_load_idx %gather3A_1011[%add3A_510, %broadcast_in_dim3A_988] : memref<32x128xf32, #tpu.memory_space<vmem>>[vector<16xi32>, vector<16xi32>], vector<16xf32>,
      %gather3A_1013 = arith.constant 2 : i32
      %gather3A_1014 = arith.constant 0 : i32
      %gather3A_1015 = arith.constant 0 : i32
      %gather3A_1016 = tpu.memref_slice %arg13[%gather3A_1013, %gather3A_1014, %gather3A_1015] : memref<8x1x128xf32, #tpu.memory_space<vmem>> -> memref<1x1x128xf32, #tpu.memory_space<vmem>>
      %gather3A_1017 = tpu.memref_squeeze %gather3A_1016 : memref<1x1x128xf32, #tpu.memory_space<vmem>> -> memref<1x128xf32, #tpu.memory_space<vmem>>
      %gather3A_1018 = tpu.vector_load_idx %gather3A_1017[%broadcast_in_dim3A_511, %broadcast_in_dim3A_983] : memref<1x128xf32, #tpu.memory_space<vmem>>[vector<16xi32>, vector<16xi32>], vector<16xf32>,
      %gather3A_1019 = arith.constant 2 : i32
      %gather3A_1020 = arith.constant 0 : i32
      %gather3A_1021 = arith.constant 0 : i32
      %gather3A_1022 = tpu.memref_slice %arg14[%gather3A_1019, %gather3A_1020, %gather3A_1021] : memref<8x1x128xf32, #tpu.memory_space<vmem>> -> memref<1x1x128xf32, #tpu.memory_space<vmem>>
      %gather3A_1023 = tpu.memref_squeeze %gather3A_1022 : memref<1x1x128xf32, #tpu.memory_space<vmem>> -> memref<1x128xf32, #tpu.memory_space<vmem>>
      %gather3A_1024 = tpu.vector_load_idx %gather3A_1023[%broadcast_in_dim3A_511, %broadcast_in_dim3A_988] : memref<1x128xf32, #tpu.memory_space<vmem>>[vector<16xi32>, vector<16xi32>], vector<16xf32>,
      %mul3A_1025 = arith.mulf %gather3A_994, %gather3A_1006 : vector<16xf32>
      %mul3A_1026 = arith.mulf %gather3A_1000, %gather3A_1012 : vector<16xf32>
      %add3A_1027 = arith.addf %mul3A_1025, %mul3A_1026 : vector<16xf32>
      %broadcast_in_dim3A_1028 = vector.shape_cast %xor3A_498 : vector<16xi32> to vector<16x1xi32>
      %gather3A_1029 = vector.shape_cast %broadcast_in_dim3A_1028 : vector<16x1xi32> to vector<16xi32>
      %gather3A_1030 = tpu.dynamic_gather %add3A_1027[%gather3A_1029] in [0] : vector<16xf32>, vector<16xi32> -> vector<16xf32>
      %add3A_1031 = arith.addf %add3A_1027, %gather3A_1030 : vector<16xf32>
      %broadcast_in_dim3A_1032 = vector.shape_cast %xor3A_501 : vector<16xi32> to vector<16x1xi32>
      %gather3A_1033 = vector.shape_cast %broadcast_in_dim3A_1032 : vector<16x1xi32> to vector<16xi32>
      %gather3A_1034 = tpu.dynamic_gather %add3A_1031[%gather3A_1033] in [0] : vector<16xf32>, vector<16xi32> -> vector<16xf32>
      %add3A_1035 = arith.addf %add3A_1031, %gather3A_1034 : vector<16xf32>
      %broadcast_in_dim3A_1036 = vector.shape_cast %xor3A_504 : vector<16xi32> to vector<16x1xi32>
      %gather3A_1037 = vector.shape_cast %broadcast_in_dim3A_1036 : vector<16x1xi32> to vector<16xi32>
      %gather3A_1038 = tpu.dynamic_gather %add3A_1035[%gather3A_1037] in [0] : vector<16xf32>, vector<16xi32> -> vector<16xf32>
      %add3A_1039 = arith.addf %add3A_1035, %gather3A_1038 : vector<16xf32>
      %broadcast_in_dim3A_1040 = vector.shape_cast %xor3A_507 : vector<16xi32> to vector<16x1xi32>
      %gather3A_1041 = vector.shape_cast %broadcast_in_dim3A_1040 : vector<16x1xi32> to vector<16xi32>
      %gather3A_1042 = tpu.dynamic_gather %add3A_1039[%gather3A_1041] in [0] : vector<16xf32>, vector<16xi32> -> vector<16xf32>
      %add3A_1043 = arith.addf %add3A_1039, %gather3A_1042 : vector<16xf32>
      %eq3A_1044 = arith.constant 2 : i32
      %eq3A_1045 = vector.broadcast %eq3A_1044 : i32 to vector<16xi32>
      %eq3A_1046 = arith.cmpi eq, %iota3A, %eq3A_1045 : vector<16xi32>
      %add3A_1047 = arith.addf %add3A_1043, %gather3A_1018 : vector<16xf32>
      %add3A_1048 = arith.addf %add3A_1047, %gather3A_1024 : vector<16xf32>
      %select_n3A_1049 = arith.select %eq3A_1046, %add3A_1048, %select_n3A_856 : vector<16xi1>, vector<16xf32>
      %slice3A_1050 = vector.extract_strided_slice %get3A_524 {offsets = [10], sizes = [1], strides = [1]} : vector<16xi32> to vector<1xi32>
      %squeeze3A_1051 = vector.extract %slice3A_1050[0] : i32 from vector<1xi32>
      %slice3A_1052 = vector.extract_strided_slice %get3A_526 {offsets = [10], sizes = [1], strides = [1]} : vector<16xi32> to vector<1xi32>
      %squeeze3A_1053 = vector.extract %slice3A_1052[0] : i32 from vector<1xi32>
      %and3A_1054 = arith.constant -128 : i32
      %and3A_1055 = arith.andi %squeeze3A_1051, %and3A_1054 : i32
      %multiple_of3A_1056 = tpu.assume_multiple %and3A_1055, 128 : i32
      %and3A_1057 = arith.constant -128 : i32
      %and3A_1058 = arith.andi %squeeze3A_1053, %and3A_1057 : i32
      %multiple_of3A_1059 = tpu.assume_multiple %and3A_1058, 128 : i32
      %dma_start3A_1060 = arith.constant 2 : i32
      %dma_start3A_1061 = arith.constant 0 : i32
      %dma_start3A_1062 = arith.constant 0 : i32
      %dma_start3A_1063 = tpu.memref_slice %arg11[%dma_start3A_1060, %dma_start3A_1061, %dma_start3A_1062] : memref<8x32x128xf32, #tpu.memory_space<vmem>> -> memref<1x32x128xf32, #tpu.memory_space<vmem>>
      %dma_start3A_1064 = tpu.memref_squeeze %dma_start3A_1063 : memref<1x32x128xf32, #tpu.memory_space<vmem>> -> memref<32x128xf32, #tpu.memory_space<vmem>>
      %dma_start3A_1065 = arith.constant 0 : i32
      %dma_start3A_1066 = tpu.memref_slice %arg4[%dma_start3A_1065, %multiple_of3A_1056] : memref<32x1000000xf32, #tpu.memory_space<hbm>> -> memref<32x128xf32, #tpu.memory_space<hbm>>
      %dma_start3A_1067 = arith.constant 0 : i32
      %dma_start3A_1068 = arith.constant 0 : i32
      %dma_start3A_1069 = tpu.memref_slice %arg11[%dma_start3A_1060, %dma_start3A_1067, %dma_start3A_1068] : memref<8x32x128xf32, #tpu.memory_space<vmem>> -> memref<1x32x128xf32, #tpu.memory_space<vmem>>
      %dma_start3A_1070 = tpu.memref_squeeze %dma_start3A_1069 : memref<1x32x128xf32, #tpu.memory_space<vmem>> -> memref<32x128xf32, #tpu.memory_space<vmem>>
      %dma_start3A_1071 = arith.constant 0 : i32
      %dma_start3A_1072 = tpu.memref_slice %arg4[%dma_start3A_1071, %multiple_of3A_1056] : memref<32x1000000xf32, #tpu.memory_space<hbm>> -> memref<32x128xf32, #tpu.memory_space<hbm>>
      tpu.enqueue_dma source(%dma_start3A_1072 : memref<32x128xf32, #tpu.memory_space<hbm>>) target(%dma_start3A_1070 : memref<32x128xf32, #tpu.memory_space<vmem>>) target_semaphore(%arg16 : memref<!tpu.dma_semaphore, #tpu.memory_space<semaphore_mem>>)
      %dma_start3A_1073 = arith.constant 2 : i32
      %dma_start3A_1074 = arith.constant 0 : i32
      %dma_start3A_1075 = arith.constant 0 : i32
      %dma_start3A_1076 = tpu.memref_slice %arg12[%dma_start3A_1073, %dma_start3A_1074, %dma_start3A_1075] : memref<8x32x128xf32, #tpu.memory_space<vmem>> -> memref<1x32x128xf32, #tpu.memory_space<vmem>>
      %dma_start3A_1077 = tpu.memref_squeeze %dma_start3A_1076 : memref<1x32x128xf32, #tpu.memory_space<vmem>> -> memref<32x128xf32, #tpu.memory_space<vmem>>
      %dma_start3A_1078 = arith.constant 0 : i32
      %dma_start3A_1079 = tpu.memref_slice %arg5[%dma_start3A_1078, %multiple_of3A_1059] : memref<32x1000000xf32, #tpu.memory_space<hbm>> -> memref<32x128xf32, #tpu.memory_space<hbm>>
      %dma_start3A_1080 = arith.constant 0 : i32
      %dma_start3A_1081 = arith.constant 0 : i32
      %dma_start3A_1082 = tpu.memref_slice %arg12[%dma_start3A_1073, %dma_start3A_1080, %dma_start3A_1081] : memref<8x32x128xf32, #tpu.memory_space<vmem>> -> memref<1x32x128xf32, #tpu.memory_space<vmem>>
      %dma_start3A_1083 = tpu.memref_squeeze %dma_start3A_1082 : memref<1x32x128xf32, #tpu.memory_space<vmem>> -> memref<32x128xf32, #tpu.memory_space<vmem>>
      %dma_start3A_1084 = arith.constant 0 : i32
      %dma_start3A_1085 = tpu.memref_slice %arg5[%dma_start3A_1084, %multiple_of3A_1059] : memref<32x1000000xf32, #tpu.memory_space<hbm>> -> memref<32x128xf32, #tpu.memory_space<hbm>>
      tpu.enqueue_dma source(%dma_start3A_1085 : memref<32x128xf32, #tpu.memory_space<hbm>>) target(%dma_start3A_1083 : memref<32x128xf32, #tpu.memory_space<vmem>>) target_semaphore(%arg16 : memref<!tpu.dma_semaphore, #tpu.memory_space<semaphore_mem>>)
      %dma_start3A_1086 = arith.constant 2 : i32
      %dma_start3A_1087 = arith.constant 0 : i32
      %dma_start3A_1088 = arith.constant 0 : i32
      %dma_start3A_1089 = tpu.memref_slice %arg13[%dma_start3A_1086, %dma_start3A_1087, %dma_start3A_1088] : memref<8x1x128xf32, #tpu.memory_space<vmem>> -> memref<1x1x128xf32, #tpu.memory_space<vmem>>
      %dma_start3A_1090 = tpu.memref_squeeze %dma_start3A_1089 : memref<1x1x128xf32, #tpu.memory_space<vmem>> -> memref<1x128xf32, #tpu.memory_space<vmem>>
      %dma_start3A_1091 = arith.constant 0 : i32
      %dma_start3A_1092 = tpu.memref_slice %arg6[%dma_start3A_1091, %multiple_of3A_1056] : memref<1x1000000xf32, #tpu.memory_space<hbm>> -> memref<1x128xf32, #tpu.memory_space<hbm>>
      %dma_start3A_1093 = arith.constant 0 : i32
      %dma_start3A_1094 = arith.constant 0 : i32
      %dma_start3A_1095 = tpu.memref_slice %arg13[%dma_start3A_1086, %dma_start3A_1093, %dma_start3A_1094] : memref<8x1x128xf32, #tpu.memory_space<vmem>> -> memref<1x1x128xf32, #tpu.memory_space<vmem>>
      %dma_start3A_1096 = tpu.memref_squeeze %dma_start3A_1095 : memref<1x1x128xf32, #tpu.memory_space<vmem>> -> memref<1x128xf32, #tpu.memory_space<vmem>>
      %dma_start3A_1097 = arith.constant 0 : i32
      %dma_start3A_1098 = tpu.memref_slice %arg6[%dma_start3A_1097, %multiple_of3A_1056] : memref<1x1000000xf32, #tpu.memory_space<hbm>> -> memref<1x128xf32, #tpu.memory_space<hbm>>
      tpu.enqueue_dma source(%dma_start3A_1098 : memref<1x128xf32, #tpu.memory_space<hbm>>) target(%dma_start3A_1096 : memref<1x128xf32, #tpu.memory_space<vmem>>) target_semaphore(%arg16 : memref<!tpu.dma_semaphore, #tpu.memory_space<semaphore_mem>>)
      %dma_start3A_1099 = arith.constant 2 : i32
      %dma_start3A_1100 = arith.constant 0 : i32
      %dma_start3A_1101 = arith.constant 0 : i32
      %dma_start3A_1102 = tpu.memref_slice %arg14[%dma_start3A_1099, %dma_start3A_1100, %dma_start3A_1101] : memref<8x1x128xf32, #tpu.memory_space<vmem>> -> memref<1x1x128xf32, #tpu.memory_space<vmem>>
      %dma_start3A_1103 = tpu.memref_squeeze %dma_start3A_1102 : memref<1x1x128xf32, #tpu.memory_space<vmem>> -> memref<1x128xf32, #tpu.memory_space<vmem>>
      %dma_start3A_1104 = arith.constant 0 : i32
      %dma_start3A_1105 = tpu.memref_slice %arg7[%dma_start3A_1104, %multiple_of3A_1059] : memref<1x1000000xf32, #tpu.memory_space<hbm>> -> memref<1x128xf32, #tpu.memory_space<hbm>>
      %dma_start3A_1106 = arith.constant 0 : i32
      %dma_start3A_1107 = arith.constant 0 : i32
      %dma_start3A_1108 = tpu.memref_slice %arg14[%dma_start3A_1099, %dma_start3A_1106, %dma_start3A_1107] : memref<8x1x128xf32, #tpu.memory_space<vmem>> -> memref<1x1x128xf32, #tpu.memory_space<vmem>>
      %dma_start3A_1109 = tpu.memref_squeeze %dma_start3A_1108 : memref<1x1x128xf32, #tpu.memory_space<vmem>> -> memref<1x128xf32, #tpu.memory_space<vmem>>
      %dma_start3A_1110 = arith.constant 0 : i32
      %dma_start3A_1111 = tpu.memref_slice %arg7[%dma_start3A_1110, %multiple_of3A_1059] : memref<1x1000000xf32, #tpu.memory_space<hbm>> -> memref<1x128xf32, #tpu.memory_space<hbm>>
      tpu.enqueue_dma source(%dma_start3A_1111 : memref<1x128xf32, #tpu.memory_space<hbm>>) target(%dma_start3A_1109 : memref<1x128xf32, #tpu.memory_space<vmem>>) target_semaphore(%arg16 : memref<!tpu.dma_semaphore, #tpu.memory_space<semaphore_mem>>)
      %dma_wait3A_1112 = arith.constant 3 : i32
      %dma_wait3A_1113 = arith.constant 0 : i32
      %dma_wait3A_1114 = arith.constant 0 : i32
      %dma_wait3A_1115 = tpu.memref_slice %arg11[%dma_wait3A_1112, %dma_wait3A_1113, %dma_wait3A_1114] : memref<8x32x128xf32, #tpu.memory_space<vmem>> -> memref<1x32x128xf32, #tpu.memory_space<vmem>>
      %dma_wait3A_1116 = tpu.memref_squeeze %dma_wait3A_1115 : memref<1x32x128xf32, #tpu.memory_space<vmem>> -> memref<32x128xf32, #tpu.memory_space<vmem>>
      %dma_wait3A_1117 = arith.constant 0 : i32
      %dma_wait3A_1118 = arith.constant 0 : i32
      %dma_wait3A_1119 = tpu.memref_slice %arg4[%dma_wait3A_1117, %dma_wait3A_1118] : memref<32x1000000xf32, #tpu.memory_space<hbm>> -> memref<32x128xf32, #tpu.memory_space<hbm>>
      %dma_wait3A_1120 = arith.constant 0 : i32
      %dma_wait3A_1121 = arith.constant 0 : i32
      %dma_wait3A_1122 = tpu.memref_slice %arg11[%dma_wait3A_1112, %dma_wait3A_1120, %dma_wait3A_1121] : memref<8x32x128xf32, #tpu.memory_space<vmem>> -> memref<1x32x128xf32, #tpu.memory_space<vmem>>
      %dma_wait3A_1123 = tpu.memref_squeeze %dma_wait3A_1122 : memref<1x32x128xf32, #tpu.memory_space<vmem>> -> memref<32x128xf32, #tpu.memory_space<vmem>>
      %dma_wait3A_1124 = arith.constant 0 : i32
      %dma_wait3A_1125 = arith.constant 0 : i32
      %dma_wait3A_1126 = tpu.memref_slice %arg4[%dma_wait3A_1124, %dma_wait3A_1125] : memref<32x1000000xf32, #tpu.memory_space<hbm>> -> memref<32x128xf32, #tpu.memory_space<hbm>>
      tpu.wait_dma2 semaphore(%arg16 : memref<!tpu.dma_semaphore, #tpu.memory_space<semaphore_mem>>) src(%dma_wait3A_1126 : memref<32x128xf32, #tpu.memory_space<hbm>>) dst(%dma_wait3A_1123 : memref<32x128xf32, #tpu.memory_space<vmem>>)
      %dma_wait3A_1127 = arith.constant 3 : i32
      %dma_wait3A_1128 = arith.constant 0 : i32
      %dma_wait3A_1129 = arith.constant 0 : i32
      %dma_wait3A_1130 = tpu.memref_slice %arg12[%dma_wait3A_1127, %dma_wait3A_1128, %dma_wait3A_1129] : memref<8x32x128xf32, #tpu.memory_space<vmem>> -> memref<1x32x128xf32, #tpu.memory_space<vmem>>
      %dma_wait3A_1131 = tpu.memref_squeeze %dma_wait3A_1130 : memref<1x32x128xf32, #tpu.memory_space<vmem>> -> memref<32x128xf32, #tpu.memory_space<vmem>>
      %dma_wait3A_1132 = arith.constant 0 : i32
      %dma_wait3A_1133 = arith.constant 0 : i32
      %dma_wait3A_1134 = tpu.memref_slice %arg5[%dma_wait3A_1132, %dma_wait3A_1133] : memref<32x1000000xf32, #tpu.memory_space<hbm>> -> memref<32x128xf32, #tpu.memory_space<hbm>>
      %dma_wait3A_1135 = arith.constant 0 : i32
      %dma_wait3A_1136 = arith.constant 0 : i32
      %dma_wait3A_1137 = tpu.memref_slice %arg12[%dma_wait3A_1127, %dma_wait3A_1135, %dma_wait3A_1136] : memref<8x32x128xf32, #tpu.memory_space<vmem>> -> memref<1x32x128xf32, #tpu.memory_space<vmem>>
      %dma_wait3A_1138 = tpu.memref_squeeze %dma_wait3A_1137 : memref<1x32x128xf32, #tpu.memory_space<vmem>> -> memref<32x128xf32, #tpu.memory_space<vmem>>
      %dma_wait3A_1139 = arith.constant 0 : i32
      %dma_wait3A_1140 = arith.constant 0 : i32
      %dma_wait3A_1141 = tpu.memref_slice %arg5[%dma_wait3A_1139, %dma_wait3A_1140] : memref<32x1000000xf32, #tpu.memory_space<hbm>> -> memref<32x128xf32, #tpu.memory_space<hbm>>
      tpu.wait_dma2 semaphore(%arg16 : memref<!tpu.dma_semaphore, #tpu.memory_space<semaphore_mem>>) src(%dma_wait3A_1141 : memref<32x128xf32, #tpu.memory_space<hbm>>) dst(%dma_wait3A_1138 : memref<32x128xf32, #tpu.memory_space<vmem>>)
      %dma_wait3A_1142 = arith.constant 3 : i32
      %dma_wait3A_1143 = arith.constant 0 : i32
      %dma_wait3A_1144 = arith.constant 0 : i32
      %dma_wait3A_1145 = tpu.memref_slice %arg13[%dma_wait3A_1142, %dma_wait3A_1143, %dma_wait3A_1144] : memref<8x1x128xf32, #tpu.memory_space<vmem>> -> memref<1x1x128xf32, #tpu.memory_space<vmem>>
      %dma_wait3A_1146 = tpu.memref_squeeze %dma_wait3A_1145 : memref<1x1x128xf32, #tpu.memory_space<vmem>> -> memref<1x128xf32, #tpu.memory_space<vmem>>
      %dma_wait3A_1147 = arith.constant 0 : i32
      %dma_wait3A_1148 = arith.constant 0 : i32
      %dma_wait3A_1149 = tpu.memref_slice %arg6[%dma_wait3A_1147, %dma_wait3A_1148] : memref<1x1000000xf32, #tpu.memory_space<hbm>> -> memref<1x128xf32, #tpu.memory_space<hbm>>
      %dma_wait3A_1150 = arith.constant 0 : i32
      %dma_wait3A_1151 = arith.constant 0 : i32
      %dma_wait3A_1152 = tpu.memref_slice %arg13[%dma_wait3A_1142, %dma_wait3A_1150, %dma_wait3A_1151] : memref<8x1x128xf32, #tpu.memory_space<vmem>> -> memref<1x1x128xf32, #tpu.memory_space<vmem>>
      %dma_wait3A_1153 = tpu.memref_squeeze %dma_wait3A_1152 : memref<1x1x128xf32, #tpu.memory_space<vmem>> -> memref<1x128xf32, #tpu.memory_space<vmem>>
      %dma_wait3A_1154 = arith.constant 0 : i32
      %dma_wait3A_1155 = arith.constant 0 : i32
      %dma_wait3A_1156 = tpu.memref_slice %arg6[%dma_wait3A_1154, %dma_wait3A_1155] : memref<1x1000000xf32, #tpu.memory_space<hbm>> -> memref<1x128xf32, #tpu.memory_space<hbm>>
      tpu.wait_dma2 semaphore(%arg16 : memref<!tpu.dma_semaphore, #tpu.memory_space<semaphore_mem>>) src(%dma_wait3A_1156 : memref<1x128xf32, #tpu.memory_space<hbm>>) dst(%dma_wait3A_1153 : memref<1x128xf32, #tpu.memory_space<vmem>>)
      %dma_wait3A_1157 = arith.constant 3 : i32
      %dma_wait3A_1158 = arith.constant 0 : i32
      %dma_wait3A_1159 = arith.constant 0 : i32
      %dma_wait3A_1160 = tpu.memref_slice %arg14[%dma_wait3A_1157, %dma_wait3A_1158, %dma_wait3A_1159] : memref<8x1x128xf32, #tpu.memory_space<vmem>> -> memref<1x1x128xf32, #tpu.memory_space<vmem>>
      %dma_wait3A_1161 = tpu.memref_squeeze %dma_wait3A_1160 : memref<1x1x128xf32, #tpu.memory_space<vmem>> -> memref<1x128xf32, #tpu.memory_space<vmem>>
      %dma_wait3A_1162 = arith.constant 0 : i32
      %dma_wait3A_1163 = arith.constant 0 : i32
      %dma_wait3A_1164 = tpu.memref_slice %arg7[%dma_wait3A_1162, %dma_wait3A_1163] : memref<1x1000000xf32, #tpu.memory_space<hbm>> -> memref<1x128xf32, #tpu.memory_space<hbm>>
      %dma_wait3A_1165 = arith.constant 0 : i32
      %dma_wait3A_1166 = arith.constant 0 : i32
      %dma_wait3A_1167 = tpu.memref_slice %arg14[%dma_wait3A_1157, %dma_wait3A_1165, %dma_wait3A_1166] : memref<8x1x128xf32, #tpu.memory_space<vmem>> -> memref<1x1x128xf32, #tpu.memory_space<vmem>>
      %dma_wait3A_1168 = tpu.memref_squeeze %dma_wait3A_1167 : memref<1x1x128xf32, #tpu.memory_space<vmem>> -> memref<1x128xf32, #tpu.memory_space<vmem>>
      %dma_wait3A_1169 = arith.constant 0 : i32
      %dma_wait3A_1170 = arith.constant 0 : i32
      %dma_wait3A_1171 = tpu.memref_slice %arg7[%dma_wait3A_1169, %dma_wait3A_1170] : memref<1x1000000xf32, #tpu.memory_space<hbm>> -> memref<1x128xf32, #tpu.memory_space<hbm>>
      tpu.wait_dma2 semaphore(%arg16 : memref<!tpu.dma_semaphore, #tpu.memory_space<semaphore_mem>>) src(%dma_wait3A_1171 : memref<1x128xf32, #tpu.memory_space<hbm>>) dst(%dma_wait3A_1168 : memref<1x128xf32, #tpu.memory_space<vmem>>)
      %slice3A_1172 = vector.extract_strided_slice %get3A_524 {offsets = [3], sizes = [1], strides = [1]} : vector<16xi32> to vector<1xi32>
      %squeeze3A_1173 = vector.extract %slice3A_1172[0] : i32 from vector<1xi32>
      %and3A_1174 = arith.constant 127 : i32
      %and3A_1175 = arith.andi %squeeze3A_1173, %and3A_1174 : i32
      %broadcast_in_dim3A_1176 = vector.broadcast %and3A_1175 : i32 to vector<16xi32>
      %slice3A_1177 = vector.extract_strided_slice %get3A_526 {offsets = [3], sizes = [1], strides = [1]} : vector<16xi32> to vector<1xi32>
      %squeeze3A_1178 = vector.extract %slice3A_1177[0] : i32 from vector<1xi32>
      %and3A_1179 = arith.constant 127 : i32
      %and3A_1180 = arith.andi %squeeze3A_1178, %and3A_1179 : i32
      %broadcast_in_dim3A_1181 = vector.broadcast %and3A_1180 : i32 to vector<16xi32>
      %gather3A_1182 = arith.constant 3 : i32
      %gather3A_1183 = arith.constant 0 : i32
      %gather3A_1184 = arith.constant 0 : i32
      %gather3A_1185 = tpu.memref_slice %arg11[%gather3A_1182, %gather3A_1183, %gather3A_1184] : memref<8x32x128xf32, #tpu.memory_space<vmem>> -> memref<1x32x128xf32, #tpu.memory_space<vmem>>
      %gather3A_1186 = tpu.memref_squeeze %gather3A_1185 : memref<1x32x128xf32, #tpu.memory_space<vmem>> -> memref<32x128xf32, #tpu.memory_space<vmem>>
      %gather3A_1187 = tpu.vector_load_idx %gather3A_1186[%iota3A, %broadcast_in_dim3A_1176] : memref<32x128xf32, #tpu.memory_space<vmem>>[vector<16xi32>, vector<16xi32>], vector<16xf32>,
      %gather3A_1188 = arith.constant 3 : i32
      %gather3A_1189 = arith.constant 0 : i32
      %gather3A_1190 = arith.constant 0 : i32
      %gather3A_1191 = tpu.memref_slice %arg11[%gather3A_1188, %gather3A_1189, %gather3A_1190] : memref<8x32x128xf32, #tpu.memory_space<vmem>> -> memref<1x32x128xf32, #tpu.memory_space<vmem>>
      %gather3A_1192 = tpu.memref_squeeze %gather3A_1191 : memref<1x32x128xf32, #tpu.memory_space<vmem>> -> memref<32x128xf32, #tpu.memory_space<vmem>>
      %gather3A_1193 = tpu.vector_load_idx %gather3A_1192[%add3A_510, %broadcast_in_dim3A_1176] : memref<32x128xf32, #tpu.memory_space<vmem>>[vector<16xi32>, vector<16xi32>], vector<16xf32>,
      %gather3A_1194 = arith.constant 3 : i32
      %gather3A_1195 = arith.constant 0 : i32
      %gather3A_1196 = arith.constant 0 : i32
      %gather3A_1197 = tpu.memref_slice %arg12[%gather3A_1194, %gather3A_1195, %gather3A_1196] : memref<8x32x128xf32, #tpu.memory_space<vmem>> -> memref<1x32x128xf32, #tpu.memory_space<vmem>>
      %gather3A_1198 = tpu.memref_squeeze %gather3A_1197 : memref<1x32x128xf32, #tpu.memory_space<vmem>> -> memref<32x128xf32, #tpu.memory_space<vmem>>
      %gather3A_1199 = tpu.vector_load_idx %gather3A_1198[%iota3A, %broadcast_in_dim3A_1181] : memref<32x128xf32, #tpu.memory_space<vmem>>[vector<16xi32>, vector<16xi32>], vector<16xf32>,
      %gather3A_1200 = arith.constant 3 : i32
      %gather3A_1201 = arith.constant 0 : i32
      %gather3A_1202 = arith.constant 0 : i32
      %gather3A_1203 = tpu.memref_slice %arg12[%gather3A_1200, %gather3A_1201, %gather3A_1202] : memref<8x32x128xf32, #tpu.memory_space<vmem>> -> memref<1x32x128xf32, #tpu.memory_space<vmem>>
      %gather3A_1204 = tpu.memref_squeeze %gather3A_1203 : memref<1x32x128xf32, #tpu.memory_space<vmem>> -> memref<32x128xf32, #tpu.memory_space<vmem>>
      %gather3A_1205 = tpu.vector_load_idx %gather3A_1204[%add3A_510, %broadcast_in_dim3A_1181] : memref<32x128xf32, #tpu.memory_space<vmem>>[vector<16xi32>, vector<16xi32>], vector<16xf32>,
      %gather3A_1206 = arith.constant 3 : i32
      %gather3A_1207 = arith.constant 0 : i32
      %gather3A_1208 = arith.constant 0 : i32
      %gather3A_1209 = tpu.memref_slice %arg13[%gather3A_1206, %gather3A_1207, %gather3A_1208] : memref<8x1x128xf32, #tpu.memory_space<vmem>> -> memref<1x1x128xf32, #tpu.memory_space<vmem>>
      %gather3A_1210 = tpu.memref_squeeze %gather3A_1209 : memref<1x1x128xf32, #tpu.memory_space<vmem>> -> memref<1x128xf32, #tpu.memory_space<vmem>>
      %gather3A_1211 = tpu.vector_load_idx %gather3A_1210[%broadcast_in_dim3A_511, %broadcast_in_dim3A_1176] : memref<1x128xf32, #tpu.memory_space<vmem>>[vector<16xi32>, vector<16xi32>], vector<16xf32>,
      %gather3A_1212 = arith.constant 3 : i32
      %gather3A_1213 = arith.constant 0 : i32
      %gather3A_1214 = arith.constant 0 : i32
      %gather3A_1215 = tpu.memref_slice %arg14[%gather3A_1212, %gather3A_1213, %gather3A_1214] : memref<8x1x128xf32, #tpu.memory_space<vmem>> -> memref<1x1x128xf32, #tpu.memory_space<vmem>>
      %gather3A_1216 = tpu.memref_squeeze %gather3A_1215 : memref<1x1x128xf32, #tpu.memory_space<vmem>> -> memref<1x128xf32, #tpu.memory_space<vmem>>
      %gather3A_1217 = tpu.vector_load_idx %gather3A_1216[%broadcast_in_dim3A_511, %broadcast_in_dim3A_1181] : memref<1x128xf32, #tpu.memory_space<vmem>>[vector<16xi32>, vector<16xi32>], vector<16xf32>,
      %mul3A_1218 = arith.mulf %gather3A_1187, %gather3A_1199 : vector<16xf32>
      %mul3A_1219 = arith.mulf %gather3A_1193, %gather3A_1205 : vector<16xf32>
      %add3A_1220 = arith.addf %mul3A_1218, %mul3A_1219 : vector<16xf32>
      %broadcast_in_dim3A_1221 = vector.shape_cast %xor3A_498 : vector<16xi32> to vector<16x1xi32>
      %gather3A_1222 = vector.shape_cast %broadcast_in_dim3A_1221 : vector<16x1xi32> to vector<16xi32>
      %gather3A_1223 = tpu.dynamic_gather %add3A_1220[%gather3A_1222] in [0] : vector<16xf32>, vector<16xi32> -> vector<16xf32>
      %add3A_1224 = arith.addf %add3A_1220, %gather3A_1223 : vector<16xf32>
      %broadcast_in_dim3A_1225 = vector.shape_cast %xor3A_501 : vector<16xi32> to vector<16x1xi32>
      %gather3A_1226 = vector.shape_cast %broadcast_in_dim3A_1225 : vector<16x1xi32> to vector<16xi32>
      %gather3A_1227 = tpu.dynamic_gather %add3A_1224[%gather3A_1226] in [0] : vector<16xf32>, vector<16xi32> -> vector<16xf32>
      %add3A_1228 = arith.addf %add3A_1224, %gather3A_1227 : vector<16xf32>
      %broadcast_in_dim3A_1229 = vector.shape_cast %xor3A_504 : vector<16xi32> to vector<16x1xi32>
      %gather3A_1230 = vector.shape_cast %broadcast_in_dim3A_1229 : vector<16x1xi32> to vector<16xi32>
      %gather3A_1231 = tpu.dynamic_gather %add3A_1228[%gather3A_1230] in [0] : vector<16xf32>, vector<16xi32> -> vector<16xf32>
      %add3A_1232 = arith.addf %add3A_1228, %gather3A_1231 : vector<16xf32>
      %broadcast_in_dim3A_1233 = vector.shape_cast %xor3A_507 : vector<16xi32> to vector<16x1xi32>
      %gather3A_1234 = vector.shape_cast %broadcast_in_dim3A_1233 : vector<16x1xi32> to vector<16xi32>
      %gather3A_1235 = tpu.dynamic_gather %add3A_1232[%gather3A_1234] in [0] : vector<16xf32>, vector<16xi32> -> vector<16xf32>
      %add3A_1236 = arith.addf %add3A_1232, %gather3A_1235 : vector<16xf32>
      %eq3A_1237 = arith.constant 3 : i32
      %eq3A_1238 = vector.broadcast %eq3A_1237 : i32 to vector<16xi32>
      %eq3A_1239 = arith.cmpi eq, %iota3A, %eq3A_1238 : vector<16xi32>
      %add3A_1240 = arith.addf %add3A_1236, %gather3A_1211 : vector<16xf32>
      %add3A_1241 = arith.addf %add3A_1240, %gather3A_1217 : vector<16xf32>
      %select_n3A_1242 = arith.select %eq3A_1239, %add3A_1241, %select_n3A_1049 : vector<16xi1>, vector<16xf32>
      %slice3A_1243 = vector.extract_strided_slice %get3A_524 {offsets = [11], sizes = [1], strides = [1]} : vector<16xi32> to vector<1xi32>
      %squeeze3A_1244 = vector.extract %slice3A_1243[0] : i32 from vector<1xi32>
      %slice3A_1245 = vector.extract_strided_slice %get3A_526 {offsets = [11], sizes = [1], strides = [1]} : vector<16xi32> to vector<1xi32>
      %squeeze3A_1246 = vector.extract %slice3A_1245[0] : i32 from vector<1xi32>
      %and3A_1247 = arith.constant -128 : i32
      %and3A_1248 = arith.andi %squeeze3A_1244, %and3A_1247 : i32
      %multiple_of3A_1249 = tpu.assume_multiple %and3A_1248, 128 : i32
      %and3A_1250 = arith.constant -128 : i32
      %and3A_1251 = arith.andi %squeeze3A_1246, %and3A_1250 : i32
      %multiple_of3A_1252 = tpu.assume_multiple %and3A_1251, 128 : i32
      %dma_start3A_1253 = arith.constant 3 : i32
      %dma_start3A_1254 = arith.constant 0 : i32
      %dma_start3A_1255 = arith.constant 0 : i32
      %dma_start3A_1256 = tpu.memref_slice %arg11[%dma_start3A_1253, %dma_start3A_1254, %dma_start3A_1255] : memref<8x32x128xf32, #tpu.memory_space<vmem>> -> memref<1x32x128xf32, #tpu.memory_space<vmem>>
      %dma_start3A_1257 = tpu.memref_squeeze %dma_start3A_1256 : memref<1x32x128xf32, #tpu.memory_space<vmem>> -> memref<32x128xf32, #tpu.memory_space<vmem>>
      %dma_start3A_1258 = arith.constant 0 : i32
      %dma_start3A_1259 = tpu.memref_slice %arg4[%dma_start3A_1258, %multiple_of3A_1249] : memref<32x1000000xf32, #tpu.memory_space<hbm>> -> memref<32x128xf32, #tpu.memory_space<hbm>>
      %dma_start3A_1260 = arith.constant 0 : i32
      %dma_start3A_1261 = arith.constant 0 : i32
      %dma_start3A_1262 = tpu.memref_slice %arg11[%dma_start3A_1253, %dma_start3A_1260, %dma_start3A_1261] : memref<8x32x128xf32, #tpu.memory_space<vmem>> -> memref<1x32x128xf32, #tpu.memory_space<vmem>>
      %dma_start3A_1263 = tpu.memref_squeeze %dma_start3A_1262 : memref<1x32x128xf32, #tpu.memory_space<vmem>> -> memref<32x128xf32, #tpu.memory_space<vmem>>
      %dma_start3A_1264 = arith.constant 0 : i32
      %dma_start3A_1265 = tpu.memref_slice %arg4[%dma_start3A_1264, %multiple_of3A_1249] : memref<32x1000000xf32, #tpu.memory_space<hbm>> -> memref<32x128xf32, #tpu.memory_space<hbm>>
      tpu.enqueue_dma source(%dma_start3A_1265 : memref<32x128xf32, #tpu.memory_space<hbm>>) target(%dma_start3A_1263 : memref<32x128xf32, #tpu.memory_space<vmem>>) target_semaphore(%arg16 : memref<!tpu.dma_semaphore, #tpu.memory_space<semaphore_mem>>)
      %dma_start3A_1266 = arith.constant 3 : i32
      %dma_start3A_1267 = arith.constant 0 : i32
      %dma_start3A_1268 = arith.constant 0 : i32
      %dma_start3A_1269 = tpu.memref_slice %arg12[%dma_start3A_1266, %dma_start3A_1267, %dma_start3A_1268] : memref<8x32x128xf32, #tpu.memory_space<vmem>> -> memref<1x32x128xf32, #tpu.memory_space<vmem>>
      %dma_start3A_1270 = tpu.memref_squeeze %dma_start3A_1269 : memref<1x32x128xf32, #tpu.memory_space<vmem>> -> memref<32x128xf32, #tpu.memory_space<vmem>>
      %dma_start3A_1271 = arith.constant 0 : i32
      %dma_start3A_1272 = tpu.memref_slice %arg5[%dma_start3A_1271, %multiple_of3A_1252] : memref<32x1000000xf32, #tpu.memory_space<hbm>> -> memref<32x128xf32, #tpu.memory_space<hbm>>
      %dma_start3A_1273 = arith.constant 0 : i32
      %dma_start3A_1274 = arith.constant 0 : i32
      %dma_start3A_1275 = tpu.memref_slice %arg12[%dma_start3A_1266, %dma_start3A_1273, %dma_start3A_1274] : memref<8x32x128xf32, #tpu.memory_space<vmem>> -> memref<1x32x128xf32, #tpu.memory_space<vmem>>
      %dma_start3A_1276 = tpu.memref_squeeze %dma_start3A_1275 : memref<1x32x128xf32, #tpu.memory_space<vmem>> -> memref<32x128xf32, #tpu.memory_space<vmem>>
      %dma_start3A_1277 = arith.constant 0 : i32
      %dma_start3A_1278 = tpu.memref_slice %arg5[%dma_start3A_1277, %multiple_of3A_1252] : memref<32x1000000xf32, #tpu.memory_space<hbm>> -> memref<32x128xf32, #tpu.memory_space<hbm>>
      tpu.enqueue_dma source(%dma_start3A_1278 : memref<32x128xf32, #tpu.memory_space<hbm>>) target(%dma_start3A_1276 : memref<32x128xf32, #tpu.memory_space<vmem>>) target_semaphore(%arg16 : memref<!tpu.dma_semaphore, #tpu.memory_space<semaphore_mem>>)
      %dma_start3A_1279 = arith.constant 3 : i32
      %dma_start3A_1280 = arith.constant 0 : i32
      %dma_start3A_1281 = arith.constant 0 : i32
      %dma_start3A_1282 = tpu.memref_slice %arg13[%dma_start3A_1279, %dma_start3A_1280, %dma_start3A_1281] : memref<8x1x128xf32, #tpu.memory_space<vmem>> -> memref<1x1x128xf32, #tpu.memory_space<vmem>>
      %dma_start3A_1283 = tpu.memref_squeeze %dma_start3A_1282 : memref<1x1x128xf32, #tpu.memory_space<vmem>> -> memref<1x128xf32, #tpu.memory_space<vmem>>
      %dma_start3A_1284 = arith.constant 0 : i32
      %dma_start3A_1285 = tpu.memref_slice %arg6[%dma_start3A_1284, %multiple_of3A_1249] : memref<1x1000000xf32, #tpu.memory_space<hbm>> -> memref<1x128xf32, #tpu.memory_space<hbm>>
      %dma_start3A_1286 = arith.constant 0 : i32
      %dma_start3A_1287 = arith.constant 0 : i32
      %dma_start3A_1288 = tpu.memref_slice %arg13[%dma_start3A_1279, %dma_start3A_1286, %dma_start3A_1287] : memref<8x1x128xf32, #tpu.memory_space<vmem>> -> memref<1x1x128xf32, #tpu.memory_space<vmem>>
      %dma_start3A_1289 = tpu.memref_squeeze %dma_start3A_1288 : memref<1x1x128xf32, #tpu.memory_space<vmem>> -> memref<1x128xf32, #tpu.memory_space<vmem>>
      %dma_start3A_1290 = arith.constant 0 : i32
      %dma_start3A_1291 = tpu.memref_slice %arg6[%dma_start3A_1290, %multiple_of3A_1249] : memref<1x1000000xf32, #tpu.memory_space<hbm>> -> memref<1x128xf32, #tpu.memory_space<hbm>>
      tpu.enqueue_dma source(%dma_start3A_1291 : memref<1x128xf32, #tpu.memory_space<hbm>>) target(%dma_start3A_1289 : memref<1x128xf32, #tpu.memory_space<vmem>>) target_semaphore(%arg16 : memref<!tpu.dma_semaphore, #tpu.memory_space<semaphore_mem>>)
      %dma_start3A_1292 = arith.constant 3 : i32
      %dma_start3A_1293 = arith.constant 0 : i32
      %dma_start3A_1294 = arith.constant 0 : i32
      %dma_start3A_1295 = tpu.memref_slice %arg14[%dma_start3A_1292, %dma_start3A_1293, %dma_start3A_1294] : memref<8x1x128xf32, #tpu.memory_space<vmem>> -> memref<1x1x128xf32, #tpu.memory_space<vmem>>
      %dma_start3A_1296 = tpu.memref_squeeze %dma_start3A_1295 : memref<1x1x128xf32, #tpu.memory_space<vmem>> -> memref<1x128xf32, #tpu.memory_space<vmem>>
      %dma_start3A_1297 = arith.constant 0 : i32
      %dma_start3A_1298 = tpu.memref_slice %arg7[%dma_start3A_1297, %multiple_of3A_1252] : memref<1x1000000xf32, #tpu.memory_space<hbm>> -> memref<1x128xf32, #tpu.memory_space<hbm>>
      %dma_start3A_1299 = arith.constant 0 : i32
      %dma_start3A_1300 = arith.constant 0 : i32
      %dma_start3A_1301 = tpu.memref_slice %arg14[%dma_start3A_1292, %dma_start3A_1299, %dma_start3A_1300] : memref<8x1x128xf32, #tpu.memory_space<vmem>> -> memref<1x1x128xf32, #tpu.memory_space<vmem>>
      %dma_start3A_1302 = tpu.memref_squeeze %dma_start3A_1301 : memref<1x1x128xf32, #tpu.memory_space<vmem>> -> memref<1x128xf32, #tpu.memory_space<vmem>>
      %dma_start3A_1303 = arith.constant 0 : i32
      %dma_start3A_1304 = tpu.memref_slice %arg7[%dma_start3A_1303, %multiple_of3A_1252] : memref<1x1000000xf32, #tpu.memory_space<hbm>> -> memref<1x128xf32, #tpu.memory_space<hbm>>
      tpu.enqueue_dma source(%dma_start3A_1304 : memref<1x128xf32, #tpu.memory_space<hbm>>) target(%dma_start3A_1302 : memref<1x128xf32, #tpu.memory_space<vmem>>) target_semaphore(%arg16 : memref<!tpu.dma_semaphore, #tpu.memory_space<semaphore_mem>>)
      %dma_wait3A_1305 = arith.constant 4 : i32
      %dma_wait3A_1306 = arith.constant 0 : i32
      %dma_wait3A_1307 = arith.constant 0 : i32
      %dma_wait3A_1308 = tpu.memref_slice %arg11[%dma_wait3A_1305, %dma_wait3A_1306, %dma_wait3A_1307] : memref<8x32x128xf32, #tpu.memory_space<vmem>> -> memref<1x32x128xf32, #tpu.memory_space<vmem>>
      %dma_wait3A_1309 = tpu.memref_squeeze %dma_wait3A_1308 : memref<1x32x128xf32, #tpu.memory_space<vmem>> -> memref<32x128xf32, #tpu.memory_space<vmem>>
      %dma_wait3A_1310 = arith.constant 0 : i32
      %dma_wait3A_1311 = arith.constant 0 : i32
      %dma_wait3A_1312 = tpu.memref_slice %arg4[%dma_wait3A_1310, %dma_wait3A_1311] : memref<32x1000000xf32, #tpu.memory_space<hbm>> -> memref<32x128xf32, #tpu.memory_space<hbm>>
      %dma_wait3A_1313 = arith.constant 0 : i32
      %dma_wait3A_1314 = arith.constant 0 : i32
      %dma_wait3A_1315 = tpu.memref_slice %arg11[%dma_wait3A_1305, %dma_wait3A_1313, %dma_wait3A_1314] : memref<8x32x128xf32, #tpu.memory_space<vmem>> -> memref<1x32x128xf32, #tpu.memory_space<vmem>>
      %dma_wait3A_1316 = tpu.memref_squeeze %dma_wait3A_1315 : memref<1x32x128xf32, #tpu.memory_space<vmem>> -> memref<32x128xf32, #tpu.memory_space<vmem>>
      %dma_wait3A_1317 = arith.constant 0 : i32
      %dma_wait3A_1318 = arith.constant 0 : i32
      %dma_wait3A_1319 = tpu.memref_slice %arg4[%dma_wait3A_1317, %dma_wait3A_1318] : memref<32x1000000xf32, #tpu.memory_space<hbm>> -> memref<32x128xf32, #tpu.memory_space<hbm>>
      tpu.wait_dma2 semaphore(%arg16 : memref<!tpu.dma_semaphore, #tpu.memory_space<semaphore_mem>>) src(%dma_wait3A_1319 : memref<32x128xf32, #tpu.memory_space<hbm>>) dst(%dma_wait3A_1316 : memref<32x128xf32, #tpu.memory_space<vmem>>)
      %dma_wait3A_1320 = arith.constant 4 : i32
      %dma_wait3A_1321 = arith.constant 0 : i32
      %dma_wait3A_1322 = arith.constant 0 : i32
      %dma_wait3A_1323 = tpu.memref_slice %arg12[%dma_wait3A_1320, %dma_wait3A_1321, %dma_wait3A_1322] : memref<8x32x128xf32, #tpu.memory_space<vmem>> -> memref<1x32x128xf32, #tpu.memory_space<vmem>>
      %dma_wait3A_1324 = tpu.memref_squeeze %dma_wait3A_1323 : memref<1x32x128xf32, #tpu.memory_space<vmem>> -> memref<32x128xf32, #tpu.memory_space<vmem>>
      %dma_wait3A_1325 = arith.constant 0 : i32
      %dma_wait3A_1326 = arith.constant 0 : i32
      %dma_wait3A_1327 = tpu.memref_slice %arg5[%dma_wait3A_1325, %dma_wait3A_1326] : memref<32x1000000xf32, #tpu.memory_space<hbm>> -> memref<32x128xf32, #tpu.memory_space<hbm>>
      %dma_wait3A_1328 = arith.constant 0 : i32
      %dma_wait3A_1329 = arith.constant 0 : i32
      %dma_wait3A_1330 = tpu.memref_slice %arg12[%dma_wait3A_1320, %dma_wait3A_1328, %dma_wait3A_1329] : memref<8x32x128xf32, #tpu.memory_space<vmem>> -> memref<1x32x128xf32, #tpu.memory_space<vmem>>
      %dma_wait3A_1331 = tpu.memref_squeeze %dma_wait3A_1330 : memref<1x32x128xf32, #tpu.memory_space<vmem>> -> memref<32x128xf32, #tpu.memory_space<vmem>>
      %dma_wait3A_1332 = arith.constant 0 : i32
      %dma_wait3A_1333 = arith.constant 0 : i32
      %dma_wait3A_1334 = tpu.memref_slice %arg5[%dma_wait3A_1332, %dma_wait3A_1333] : memref<32x1000000xf32, #tpu.memory_space<hbm>> -> memref<32x128xf32, #tpu.memory_space<hbm>>
      tpu.wait_dma2 semaphore(%arg16 : memref<!tpu.dma_semaphore, #tpu.memory_space<semaphore_mem>>) src(%dma_wait3A_1334 : memref<32x128xf32, #tpu.memory_space<hbm>>) dst(%dma_wait3A_1331 : memref<32x128xf32, #tpu.memory_space<vmem>>)
      %dma_wait3A_1335 = arith.constant 4 : i32
      %dma_wait3A_1336 = arith.constant 0 : i32
      %dma_wait3A_1337 = arith.constant 0 : i32
      %dma_wait3A_1338 = tpu.memref_slice %arg13[%dma_wait3A_1335, %dma_wait3A_1336, %dma_wait3A_1337] : memref<8x1x128xf32, #tpu.memory_space<vmem>> -> memref<1x1x128xf32, #tpu.memory_space<vmem>>
      %dma_wait3A_1339 = tpu.memref_squeeze %dma_wait3A_1338 : memref<1x1x128xf32, #tpu.memory_space<vmem>> -> memref<1x128xf32, #tpu.memory_space<vmem>>
      %dma_wait3A_1340 = arith.constant 0 : i32
      %dma_wait3A_1341 = arith.constant 0 : i32
      %dma_wait3A_1342 = tpu.memref_slice %arg6[%dma_wait3A_1340, %dma_wait3A_1341] : memref<1x1000000xf32, #tpu.memory_space<hbm>> -> memref<1x128xf32, #tpu.memory_space<hbm>>
      %dma_wait3A_1343 = arith.constant 0 : i32
      %dma_wait3A_1344 = arith.constant 0 : i32
      %dma_wait3A_1345 = tpu.memref_slice %arg13[%dma_wait3A_1335, %dma_wait3A_1343, %dma_wait3A_1344] : memref<8x1x128xf32, #tpu.memory_space<vmem>> -> memref<1x1x128xf32, #tpu.memory_space<vmem>>
      %dma_wait3A_1346 = tpu.memref_squeeze %dma_wait3A_1345 : memref<1x1x128xf32, #tpu.memory_space<vmem>> -> memref<1x128xf32, #tpu.memory_space<vmem>>
      %dma_wait3A_1347 = arith.constant 0 : i32
      %dma_wait3A_1348 = arith.constant 0 : i32
      %dma_wait3A_1349 = tpu.memref_slice %arg6[%dma_wait3A_1347, %dma_wait3A_1348] : memref<1x1000000xf32, #tpu.memory_space<hbm>> -> memref<1x128xf32, #tpu.memory_space<hbm>>
      tpu.wait_dma2 semaphore(%arg16 : memref<!tpu.dma_semaphore, #tpu.memory_space<semaphore_mem>>) src(%dma_wait3A_1349 : memref<1x128xf32, #tpu.memory_space<hbm>>) dst(%dma_wait3A_1346 : memref<1x128xf32, #tpu.memory_space<vmem>>)
      %dma_wait3A_1350 = arith.constant 4 : i32
      %dma_wait3A_1351 = arith.constant 0 : i32
      %dma_wait3A_1352 = arith.constant 0 : i32
      %dma_wait3A_1353 = tpu.memref_slice %arg14[%dma_wait3A_1350, %dma_wait3A_1351, %dma_wait3A_1352] : memref<8x1x128xf32, #tpu.memory_space<vmem>> -> memref<1x1x128xf32, #tpu.memory_space<vmem>>
      %dma_wait3A_1354 = tpu.memref_squeeze %dma_wait3A_1353 : memref<1x1x128xf32, #tpu.memory_space<vmem>> -> memref<1x128xf32, #tpu.memory_space<vmem>>
      %dma_wait3A_1355 = arith.constant 0 : i32
      %dma_wait3A_1356 = arith.constant 0 : i32
      %dma_wait3A_1357 = tpu.memref_slice %arg7[%dma_wait3A_1355, %dma_wait3A_1356] : memref<1x1000000xf32, #tpu.memory_space<hbm>> -> memref<1x128xf32, #tpu.memory_space<hbm>>
      %dma_wait3A_1358 = arith.constant 0 : i32
      %dma_wait3A_1359 = arith.constant 0 : i32
      %dma_wait3A_1360 = tpu.memref_slice %arg14[%dma_wait3A_1350, %dma_wait3A_1358, %dma_wait3A_1359] : memref<8x1x128xf32, #tpu.memory_space<vmem>> -> memref<1x1x128xf32, #tpu.memory_space<vmem>>
      %dma_wait3A_1361 = tpu.memref_squeeze %dma_wait3A_1360 : memref<1x1x128xf32, #tpu.memory_space<vmem>> -> memref<1x128xf32, #tpu.memory_space<vmem>>
      %dma_wait3A_1362 = arith.constant 0 : i32
      %dma_wait3A_1363 = arith.constant 0 : i32
      %dma_wait3A_1364 = tpu.memref_slice %arg7[%dma_wait3A_1362, %dma_wait3A_1363] : memref<1x1000000xf32, #tpu.memory_space<hbm>> -> memref<1x128xf32, #tpu.memory_space<hbm>>
      tpu.wait_dma2 semaphore(%arg16 : memref<!tpu.dma_semaphore, #tpu.memory_space<semaphore_mem>>) src(%dma_wait3A_1364 : memref<1x128xf32, #tpu.memory_space<hbm>>) dst(%dma_wait3A_1361 : memref<1x128xf32, #tpu.memory_space<vmem>>)
      %slice3A_1365 = vector.extract_strided_slice %get3A_524 {offsets = [4], sizes = [1], strides = [1]} : vector<16xi32> to vector<1xi32>
      %squeeze3A_1366 = vector.extract %slice3A_1365[0] : i32 from vector<1xi32>
      %and3A_1367 = arith.constant 127 : i32
      %and3A_1368 = arith.andi %squeeze3A_1366, %and3A_1367 : i32
      %broadcast_in_dim3A_1369 = vector.broadcast %and3A_1368 : i32 to vector<16xi32>
      %slice3A_1370 = vector.extract_strided_slice %get3A_526 {offsets = [4], sizes = [1], strides = [1]} : vector<16xi32> to vector<1xi32>
      %squeeze3A_1371 = vector.extract %slice3A_1370[0] : i32 from vector<1xi32>
      %and3A_1372 = arith.constant 127 : i32
      %and3A_1373 = arith.andi %squeeze3A_1371, %and3A_1372 : i32
      %broadcast_in_dim3A_1374 = vector.broadcast %and3A_1373 : i32 to vector<16xi32>
      %gather3A_1375 = arith.constant 4 : i32
      %gather3A_1376 = arith.constant 0 : i32
      %gather3A_1377 = arith.constant 0 : i32
      %gather3A_1378 = tpu.memref_slice %arg11[%gather3A_1375, %gather3A_1376, %gather3A_1377] : memref<8x32x128xf32, #tpu.memory_space<vmem>> -> memref<1x32x128xf32, #tpu.memory_space<vmem>>
      %gather3A_1379 = tpu.memref_squeeze %gather3A_1378 : memref<1x32x128xf32, #tpu.memory_space<vmem>> -> memref<32x128xf32, #tpu.memory_space<vmem>>
      %gather3A_1380 = tpu.vector_load_idx %gather3A_1379[%iota3A, %broadcast_in_dim3A_1369] : memref<32x128xf32, #tpu.memory_space<vmem>>[vector<16xi32>, vector<16xi32>], vector<16xf32>,
      %gather3A_1381 = arith.constant 4 : i32
      %gather3A_1382 = arith.constant 0 : i32
      %gather3A_1383 = arith.constant 0 : i32
      %gather3A_1384 = tpu.memref_slice %arg11[%gather3A_1381, %gather3A_1382, %gather3A_1383] : memref<8x32x128xf32, #tpu.memory_space<vmem>> -> memref<1x32x128xf32, #tpu.memory_space<vmem>>
      %gather3A_1385 = tpu.memref_squeeze %gather3A_1384 : memref<1x32x128xf32, #tpu.memory_space<vmem>> -> memref<32x128xf32, #tpu.memory_space<vmem>>
      %gather3A_1386 = tpu.vector_load_idx %gather3A_1385[%add3A_510, %broadcast_in_dim3A_1369] : memref<32x128xf32, #tpu.memory_space<vmem>>[vector<16xi32>, vector<16xi32>], vector<16xf32>,
      %gather3A_1387 = arith.constant 4 : i32
      %gather3A_1388 = arith.constant 0 : i32
      %gather3A_1389 = arith.constant 0 : i32
      %gather3A_1390 = tpu.memref_slice %arg12[%gather3A_1387, %gather3A_1388, %gather3A_1389] : memref<8x32x128xf32, #tpu.memory_space<vmem>> -> memref<1x32x128xf32, #tpu.memory_space<vmem>>
      %gather3A_1391 = tpu.memref_squeeze %gather3A_1390 : memref<1x32x128xf32, #tpu.memory_space<vmem>> -> memref<32x128xf32, #tpu.memory_space<vmem>>
      %gather3A_1392 = tpu.vector_load_idx %gather3A_1391[%iota3A, %broadcast_in_dim3A_1374] : memref<32x128xf32, #tpu.memory_space<vmem>>[vector<16xi32>, vector<16xi32>], vector<16xf32>,
      %gather3A_1393 = arith.constant 4 : i32
      %gather3A_1394 = arith.constant 0 : i32
      %gather3A_1395 = arith.constant 0 : i32
      %gather3A_1396 = tpu.memref_slice %arg12[%gather3A_1393, %gather3A_1394, %gather3A_1395] : memref<8x32x128xf32, #tpu.memory_space<vmem>> -> memref<1x32x128xf32, #tpu.memory_space<vmem>>
      %gather3A_1397 = tpu.memref_squeeze %gather3A_1396 : memref<1x32x128xf32, #tpu.memory_space<vmem>> -> memref<32x128xf32, #tpu.memory_space<vmem>>
      %gather3A_1398 = tpu.vector_load_idx %gather3A_1397[%add3A_510, %broadcast_in_dim3A_1374] : memref<32x128xf32, #tpu.memory_space<vmem>>[vector<16xi32>, vector<16xi32>], vector<16xf32>,
      %gather3A_1399 = arith.constant 4 : i32
      %gather3A_1400 = arith.constant 0 : i32
      %gather3A_1401 = arith.constant 0 : i32
      %gather3A_1402 = tpu.memref_slice %arg13[%gather3A_1399, %gather3A_1400, %gather3A_1401] : memref<8x1x128xf32, #tpu.memory_space<vmem>> -> memref<1x1x128xf32, #tpu.memory_space<vmem>>
      %gather3A_1403 = tpu.memref_squeeze %gather3A_1402 : memref<1x1x128xf32, #tpu.memory_space<vmem>> -> memref<1x128xf32, #tpu.memory_space<vmem>>
      %gather3A_1404 = tpu.vector_load_idx %gather3A_1403[%broadcast_in_dim3A_511, %broadcast_in_dim3A_1369] : memref<1x128xf32, #tpu.memory_space<vmem>>[vector<16xi32>, vector<16xi32>], vector<16xf32>,
      %gather3A_1405 = arith.constant 4 : i32
      %gather3A_1406 = arith.constant 0 : i32
      %gather3A_1407 = arith.constant 0 : i32
      %gather3A_1408 = tpu.memref_slice %arg14[%gather3A_1405, %gather3A_1406, %gather3A_1407] : memref<8x1x128xf32, #tpu.memory_space<vmem>> -> memref<1x1x128xf32, #tpu.memory_space<vmem>>
      %gather3A_1409 = tpu.memref_squeeze %gather3A_1408 : memref<1x1x128xf32, #tpu.memory_space<vmem>> -> memref<1x128xf32, #tpu.memory_space<vmem>>
      %gather3A_1410 = tpu.vector_load_idx %gather3A_1409[%broadcast_in_dim3A_511, %broadcast_in_dim3A_1374] : memref<1x128xf32, #tpu.memory_space<vmem>>[vector<16xi32>, vector<16xi32>], vector<16xf32>,
      %mul3A_1411 = arith.mulf %gather3A_1380, %gather3A_1392 : vector<16xf32>
      %mul3A_1412 = arith.mulf %gather3A_1386, %gather3A_1398 : vector<16xf32>
      %add3A_1413 = arith.addf %mul3A_1411, %mul3A_1412 : vector<16xf32>
      %broadcast_in_dim3A_1414 = vector.shape_cast %xor3A_498 : vector<16xi32> to vector<16x1xi32>
      %gather3A_1415 = vector.shape_cast %broadcast_in_dim3A_1414 : vector<16x1xi32> to vector<16xi32>
      %gather3A_1416 = tpu.dynamic_gather %add3A_1413[%gather3A_1415] in [0] : vector<16xf32>, vector<16xi32> -> vector<16xf32>
      %add3A_1417 = arith.addf %add3A_1413, %gather3A_1416 : vector<16xf32>
      %broadcast_in_dim3A_1418 = vector.shape_cast %xor3A_501 : vector<16xi32> to vector<16x1xi32>
      %gather3A_1419 = vector.shape_cast %broadcast_in_dim3A_1418 : vector<16x1xi32> to vector<16xi32>
      %gather3A_1420 = tpu.dynamic_gather %add3A_1417[%gather3A_1419] in [0] : vector<16xf32>, vector<16xi32> -> vector<16xf32>
      %add3A_1421 = arith.addf %add3A_1417, %gather3A_1420 : vector<16xf32>
      %broadcast_in_dim3A_1422 = vector.shape_cast %xor3A_504 : vector<16xi32> to vector<16x1xi32>
      %gather3A_1423 = vector.shape_cast %broadcast_in_dim3A_1422 : vector<16x1xi32> to vector<16xi32>
      %gather3A_1424 = tpu.dynamic_gather %add3A_1421[%gather3A_1423] in [0] : vector<16xf32>, vector<16xi32> -> vector<16xf32>
      %add3A_1425 = arith.addf %add3A_1421, %gather3A_1424 : vector<16xf32>
      %broadcast_in_dim3A_1426 = vector.shape_cast %xor3A_507 : vector<16xi32> to vector<16x1xi32>
      %gather3A_1427 = vector.shape_cast %broadcast_in_dim3A_1426 : vector<16x1xi32> to vector<16xi32>
      %gather3A_1428 = tpu.dynamic_gather %add3A_1425[%gather3A_1427] in [0] : vector<16xf32>, vector<16xi32> -> vector<16xf32>
      %add3A_1429 = arith.addf %add3A_1425, %gather3A_1428 : vector<16xf32>
      %eq3A_1430 = arith.constant 4 : i32
      %eq3A_1431 = vector.broadcast %eq3A_1430 : i32 to vector<16xi32>
      %eq3A_1432 = arith.cmpi eq, %iota3A, %eq3A_1431 : vector<16xi32>
      %add3A_1433 = arith.addf %add3A_1429, %gather3A_1404 : vector<16xf32>
      %add3A_1434 = arith.addf %add3A_1433, %gather3A_1410 : vector<16xf32>
      %select_n3A_1435 = arith.select %eq3A_1432, %add3A_1434, %select_n3A_1242 : vector<16xi1>, vector<16xf32>
      %slice3A_1436 = vector.extract_strided_slice %get3A_524 {offsets = [12], sizes = [1], strides = [1]} : vector<16xi32> to vector<1xi32>
      %squeeze3A_1437 = vector.extract %slice3A_1436[0] : i32 from vector<1xi32>
      %slice3A_1438 = vector.extract_strided_slice %get3A_526 {offsets = [12], sizes = [1], strides = [1]} : vector<16xi32> to vector<1xi32>
      %squeeze3A_1439 = vector.extract %slice3A_1438[0] : i32 from vector<1xi32>
      %and3A_1440 = arith.constant -128 : i32
      %and3A_1441 = arith.andi %squeeze3A_1437, %and3A_1440 : i32
      %multiple_of3A_1442 = tpu.assume_multiple %and3A_1441, 128 : i32
      %and3A_1443 = arith.constant -128 : i32
      %and3A_1444 = arith.andi %squeeze3A_1439, %and3A_1443 : i32
      %multiple_of3A_1445 = tpu.assume_multiple %and3A_1444, 128 : i32
      %dma_start3A_1446 = arith.constant 4 : i32
      %dma_start3A_1447 = arith.constant 0 : i32
      %dma_start3A_1448 = arith.constant 0 : i32
      %dma_start3A_1449 = tpu.memref_slice %arg11[%dma_start3A_1446, %dma_start3A_1447, %dma_start3A_1448] : memref<8x32x128xf32, #tpu.memory_space<vmem>> -> memref<1x32x128xf32, #tpu.memory_space<vmem>>
      %dma_start3A_1450 = tpu.memref_squeeze %dma_start3A_1449 : memref<1x32x128xf32, #tpu.memory_space<vmem>> -> memref<32x128xf32, #tpu.memory_space<vmem>>
      %dma_start3A_1451 = arith.constant 0 : i32
      %dma_start3A_1452 = tpu.memref_slice %arg4[%dma_start3A_1451, %multiple_of3A_1442] : memref<32x1000000xf32, #tpu.memory_space<hbm>> -> memref<32x128xf32, #tpu.memory_space<hbm>>
      %dma_start3A_1453 = arith.constant 0 : i32
      %dma_start3A_1454 = arith.constant 0 : i32
      %dma_start3A_1455 = tpu.memref_slice %arg11[%dma_start3A_1446, %dma_start3A_1453, %dma_start3A_1454] : memref<8x32x128xf32, #tpu.memory_space<vmem>> -> memref<1x32x128xf32, #tpu.memory_space<vmem>>
      %dma_start3A_1456 = tpu.memref_squeeze %dma_start3A_1455 : memref<1x32x128xf32, #tpu.memory_space<vmem>> -> memref<32x128xf32, #tpu.memory_space<vmem>>
      %dma_start3A_1457 = arith.constant 0 : i32
      %dma_start3A_1458 = tpu.memref_slice %arg4[%dma_start3A_1457, %multiple_of3A_1442] : memref<32x1000000xf32, #tpu.memory_space<hbm>> -> memref<32x128xf32, #tpu.memory_space<hbm>>
      tpu.enqueue_dma source(%dma_start3A_1458 : memref<32x128xf32, #tpu.memory_space<hbm>>) target(%dma_start3A_1456 : memref<32x128xf32, #tpu.memory_space<vmem>>) target_semaphore(%arg16 : memref<!tpu.dma_semaphore, #tpu.memory_space<semaphore_mem>>)
      %dma_start3A_1459 = arith.constant 4 : i32
      %dma_start3A_1460 = arith.constant 0 : i32
      %dma_start3A_1461 = arith.constant 0 : i32
      %dma_start3A_1462 = tpu.memref_slice %arg12[%dma_start3A_1459, %dma_start3A_1460, %dma_start3A_1461] : memref<8x32x128xf32, #tpu.memory_space<vmem>> -> memref<1x32x128xf32, #tpu.memory_space<vmem>>
      %dma_start3A_1463 = tpu.memref_squeeze %dma_start3A_1462 : memref<1x32x128xf32, #tpu.memory_space<vmem>> -> memref<32x128xf32, #tpu.memory_space<vmem>>
      %dma_start3A_1464 = arith.constant 0 : i32
      %dma_start3A_1465 = tpu.memref_slice %arg5[%dma_start3A_1464, %multiple_of3A_1445] : memref<32x1000000xf32, #tpu.memory_space<hbm>> -> memref<32x128xf32, #tpu.memory_space<hbm>>
      %dma_start3A_1466 = arith.constant 0 : i32
      %dma_start3A_1467 = arith.constant 0 : i32
      %dma_start3A_1468 = tpu.memref_slice %arg12[%dma_start3A_1459, %dma_start3A_1466, %dma_start3A_1467] : memref<8x32x128xf32, #tpu.memory_space<vmem>> -> memref<1x32x128xf32, #tpu.memory_space<vmem>>
      %dma_start3A_1469 = tpu.memref_squeeze %dma_start3A_1468 : memref<1x32x128xf32, #tpu.memory_space<vmem>> -> memref<32x128xf32, #tpu.memory_space<vmem>>
      %dma_start3A_1470 = arith.constant 0 : i32
      %dma_start3A_1471 = tpu.memref_slice %arg5[%dma_start3A_1470, %multiple_of3A_1445] : memref<32x1000000xf32, #tpu.memory_space<hbm>> -> memref<32x128xf32, #tpu.memory_space<hbm>>
      tpu.enqueue_dma source(%dma_start3A_1471 : memref<32x128xf32, #tpu.memory_space<hbm>>) target(%dma_start3A_1469 : memref<32x128xf32, #tpu.memory_space<vmem>>) target_semaphore(%arg16 : memref<!tpu.dma_semaphore, #tpu.memory_space<semaphore_mem>>)
      %dma_start3A_1472 = arith.constant 4 : i32
      %dma_start3A_1473 = arith.constant 0 : i32
      %dma_start3A_1474 = arith.constant 0 : i32
      %dma_start3A_1475 = tpu.memref_slice %arg13[%dma_start3A_1472, %dma_start3A_1473, %dma_start3A_1474] : memref<8x1x128xf32, #tpu.memory_space<vmem>> -> memref<1x1x128xf32, #tpu.memory_space<vmem>>
      %dma_start3A_1476 = tpu.memref_squeeze %dma_start3A_1475 : memref<1x1x128xf32, #tpu.memory_space<vmem>> -> memref<1x128xf32, #tpu.memory_space<vmem>>
      %dma_start3A_1477 = arith.constant 0 : i32
      %dma_start3A_1478 = tpu.memref_slice %arg6[%dma_start3A_1477, %multiple_of3A_1442] : memref<1x1000000xf32, #tpu.memory_space<hbm>> -> memref<1x128xf32, #tpu.memory_space<hbm>>
      %dma_start3A_1479 = arith.constant 0 : i32
      %dma_start3A_1480 = arith.constant 0 : i32
      %dma_start3A_1481 = tpu.memref_slice %arg13[%dma_start3A_1472, %dma_start3A_1479, %dma_start3A_1480] : memref<8x1x128xf32, #tpu.memory_space<vmem>> -> memref<1x1x128xf32, #tpu.memory_space<vmem>>
      %dma_start3A_1482 = tpu.memref_squeeze %dma_start3A_1481 : memref<1x1x128xf32, #tpu.memory_space<vmem>> -> memref<1x128xf32, #tpu.memory_space<vmem>>
      %dma_start3A_1483 = arith.constant 0 : i32
      %dma_start3A_1484 = tpu.memref_slice %arg6[%dma_start3A_1483, %multiple_of3A_1442] : memref<1x1000000xf32, #tpu.memory_space<hbm>> -> memref<1x128xf32, #tpu.memory_space<hbm>>
      tpu.enqueue_dma source(%dma_start3A_1484 : memref<1x128xf32, #tpu.memory_space<hbm>>) target(%dma_start3A_1482 : memref<1x128xf32, #tpu.memory_space<vmem>>) target_semaphore(%arg16 : memref<!tpu.dma_semaphore, #tpu.memory_space<semaphore_mem>>)
      %dma_start3A_1485 = arith.constant 4 : i32
      %dma_start3A_1486 = arith.constant 0 : i32
      %dma_start3A_1487 = arith.constant 0 : i32
      %dma_start3A_1488 = tpu.memref_slice %arg14[%dma_start3A_1485, %dma_start3A_1486, %dma_start3A_1487] : memref<8x1x128xf32, #tpu.memory_space<vmem>> -> memref<1x1x128xf32, #tpu.memory_space<vmem>>
      %dma_start3A_1489 = tpu.memref_squeeze %dma_start3A_1488 : memref<1x1x128xf32, #tpu.memory_space<vmem>> -> memref<1x128xf32, #tpu.memory_space<vmem>>
      %dma_start3A_1490 = arith.constant 0 : i32
      %dma_start3A_1491 = tpu.memref_slice %arg7[%dma_start3A_1490, %multiple_of3A_1445] : memref<1x1000000xf32, #tpu.memory_space<hbm>> -> memref<1x128xf32, #tpu.memory_space<hbm>>
      %dma_start3A_1492 = arith.constant 0 : i32
      %dma_start3A_1493 = arith.constant 0 : i32
      %dma_start3A_1494 = tpu.memref_slice %arg14[%dma_start3A_1485, %dma_start3A_1492, %dma_start3A_1493] : memref<8x1x128xf32, #tpu.memory_space<vmem>> -> memref<1x1x128xf32, #tpu.memory_space<vmem>>
      %dma_start3A_1495 = tpu.memref_squeeze %dma_start3A_1494 : memref<1x1x128xf32, #tpu.memory_space<vmem>> -> memref<1x128xf32, #tpu.memory_space<vmem>>
      %dma_start3A_1496 = arith.constant 0 : i32
      %dma_start3A_1497 = tpu.memref_slice %arg7[%dma_start3A_1496, %multiple_of3A_1445] : memref<1x1000000xf32, #tpu.memory_space<hbm>> -> memref<1x128xf32, #tpu.memory_space<hbm>>
      tpu.enqueue_dma source(%dma_start3A_1497 : memref<1x128xf32, #tpu.memory_space<hbm>>) target(%dma_start3A_1495 : memref<1x128xf32, #tpu.memory_space<vmem>>) target_semaphore(%arg16 : memref<!tpu.dma_semaphore, #tpu.memory_space<semaphore_mem>>)
      %dma_wait3A_1498 = arith.constant 5 : i32
      %dma_wait3A_1499 = arith.constant 0 : i32
      %dma_wait3A_1500 = arith.constant 0 : i32
      %dma_wait3A_1501 = tpu.memref_slice %arg11[%dma_wait3A_1498, %dma_wait3A_1499, %dma_wait3A_1500] : memref<8x32x128xf32, #tpu.memory_space<vmem>> -> memref<1x32x128xf32, #tpu.memory_space<vmem>>
      %dma_wait3A_1502 = tpu.memref_squeeze %dma_wait3A_1501 : memref<1x32x128xf32, #tpu.memory_space<vmem>> -> memref<32x128xf32, #tpu.memory_space<vmem>>
      %dma_wait3A_1503 = arith.constant 0 : i32
      %dma_wait3A_1504 = arith.constant 0 : i32
      %dma_wait3A_1505 = tpu.memref_slice %arg4[%dma_wait3A_1503, %dma_wait3A_1504] : memref<32x1000000xf32, #tpu.memory_space<hbm>> -> memref<32x128xf32, #tpu.memory_space<hbm>>
      %dma_wait3A_1506 = arith.constant 0 : i32
      %dma_wait3A_1507 = arith.constant 0 : i32
      %dma_wait3A_1508 = tpu.memref_slice %arg11[%dma_wait3A_1498, %dma_wait3A_1506, %dma_wait3A_1507] : memref<8x32x128xf32, #tpu.memory_space<vmem>> -> memref<1x32x128xf32, #tpu.memory_space<vmem>>
      %dma_wait3A_1509 = tpu.memref_squeeze %dma_wait3A_1508 : memref<1x32x128xf32, #tpu.memory_space<vmem>> -> memref<32x128xf32, #tpu.memory_space<vmem>>
      %dma_wait3A_1510 = arith.constant 0 : i32
      %dma_wait3A_1511 = arith.constant 0 : i32
      %dma_wait3A_1512 = tpu.memref_slice %arg4[%dma_wait3A_1510, %dma_wait3A_1511] : memref<32x1000000xf32, #tpu.memory_space<hbm>> -> memref<32x128xf32, #tpu.memory_space<hbm>>
      tpu.wait_dma2 semaphore(%arg16 : memref<!tpu.dma_semaphore, #tpu.memory_space<semaphore_mem>>) src(%dma_wait3A_1512 : memref<32x128xf32, #tpu.memory_space<hbm>>) dst(%dma_wait3A_1509 : memref<32x128xf32, #tpu.memory_space<vmem>>)
      %dma_wait3A_1513 = arith.constant 5 : i32
      %dma_wait3A_1514 = arith.constant 0 : i32
      %dma_wait3A_1515 = arith.constant 0 : i32
      %dma_wait3A_1516 = tpu.memref_slice %arg12[%dma_wait3A_1513, %dma_wait3A_1514, %dma_wait3A_1515] : memref<8x32x128xf32, #tpu.memory_space<vmem>> -> memref<1x32x128xf32, #tpu.memory_space<vmem>>
      %dma_wait3A_1517 = tpu.memref_squeeze %dma_wait3A_1516 : memref<1x32x128xf32, #tpu.memory_space<vmem>> -> memref<32x128xf32, #tpu.memory_space<vmem>>
      %dma_wait3A_1518 = arith.constant 0 : i32
      %dma_wait3A_1519 = arith.constant 0 : i32
      %dma_wait3A_1520 = tpu.memref_slice %arg5[%dma_wait3A_1518, %dma_wait3A_1519] : memref<32x1000000xf32, #tpu.memory_space<hbm>> -> memref<32x128xf32, #tpu.memory_space<hbm>>
      %dma_wait3A_1521 = arith.constant 0 : i32
      %dma_wait3A_1522 = arith.constant 0 : i32
      %dma_wait3A_1523 = tpu.memref_slice %arg12[%dma_wait3A_1513, %dma_wait3A_1521, %dma_wait3A_1522] : memref<8x32x128xf32, #tpu.memory_space<vmem>> -> memref<1x32x128xf32, #tpu.memory_space<vmem>>
      %dma_wait3A_1524 = tpu.memref_squeeze %dma_wait3A_1523 : memref<1x32x128xf32, #tpu.memory_space<vmem>> -> memref<32x128xf32, #tpu.memory_space<vmem>>
      %dma_wait3A_1525 = arith.constant 0 : i32
      %dma_wait3A_1526 = arith.constant 0 : i32
      %dma_wait3A_1527 = tpu.memref_slice %arg5[%dma_wait3A_1525, %dma_wait3A_1526] : memref<32x1000000xf32, #tpu.memory_space<hbm>> -> memref<32x128xf32, #tpu.memory_space<hbm>>
      tpu.wait_dma2 semaphore(%arg16 : memref<!tpu.dma_semaphore, #tpu.memory_space<semaphore_mem>>) src(%dma_wait3A_1527 : memref<32x128xf32, #tpu.memory_space<hbm>>) dst(%dma_wait3A_1524 : memref<32x128xf32, #tpu.memory_space<vmem>>)
      %dma_wait3A_1528 = arith.constant 5 : i32
      %dma_wait3A_1529 = arith.constant 0 : i32
      %dma_wait3A_1530 = arith.constant 0 : i32
      %dma_wait3A_1531 = tpu.memref_slice %arg13[%dma_wait3A_1528, %dma_wait3A_1529, %dma_wait3A_1530] : memref<8x1x128xf32, #tpu.memory_space<vmem>> -> memref<1x1x128xf32, #tpu.memory_space<vmem>>
      %dma_wait3A_1532 = tpu.memref_squeeze %dma_wait3A_1531 : memref<1x1x128xf32, #tpu.memory_space<vmem>> -> memref<1x128xf32, #tpu.memory_space<vmem>>
      %dma_wait3A_1533 = arith.constant 0 : i32
      %dma_wait3A_1534 = arith.constant 0 : i32
      %dma_wait3A_1535 = tpu.memref_slice %arg6[%dma_wait3A_1533, %dma_wait3A_1534] : memref<1x1000000xf32, #tpu.memory_space<hbm>> -> memref<1x128xf32, #tpu.memory_space<hbm>>
      %dma_wait3A_1536 = arith.constant 0 : i32
      %dma_wait3A_1537 = arith.constant 0 : i32
      %dma_wait3A_1538 = tpu.memref_slice %arg13[%dma_wait3A_1528, %dma_wait3A_1536, %dma_wait3A_1537] : memref<8x1x128xf32, #tpu.memory_space<vmem>> -> memref<1x1x128xf32, #tpu.memory_space<vmem>>
      %dma_wait3A_1539 = tpu.memref_squeeze %dma_wait3A_1538 : memref<1x1x128xf32, #tpu.memory_space<vmem>> -> memref<1x128xf32, #tpu.memory_space<vmem>>
      %dma_wait3A_1540 = arith.constant 0 : i32
      %dma_wait3A_1541 = arith.constant 0 : i32
      %dma_wait3A_1542 = tpu.memref_slice %arg6[%dma_wait3A_1540, %dma_wait3A_1541] : memref<1x1000000xf32, #tpu.memory_space<hbm>> -> memref<1x128xf32, #tpu.memory_space<hbm>>
      tpu.wait_dma2 semaphore(%arg16 : memref<!tpu.dma_semaphore, #tpu.memory_space<semaphore_mem>>) src(%dma_wait3A_1542 : memref<1x128xf32, #tpu.memory_space<hbm>>) dst(%dma_wait3A_1539 : memref<1x128xf32, #tpu.memory_space<vmem>>)
      %dma_wait3A_1543 = arith.constant 5 : i32
      %dma_wait3A_1544 = arith.constant 0 : i32
      %dma_wait3A_1545 = arith.constant 0 : i32
      %dma_wait3A_1546 = tpu.memref_slice %arg14[%dma_wait3A_1543, %dma_wait3A_1544, %dma_wait3A_1545] : memref<8x1x128xf32, #tpu.memory_space<vmem>> -> memref<1x1x128xf32, #tpu.memory_space<vmem>>
      %dma_wait3A_1547 = tpu.memref_squeeze %dma_wait3A_1546 : memref<1x1x128xf32, #tpu.memory_space<vmem>> -> memref<1x128xf32, #tpu.memory_space<vmem>>
      %dma_wait3A_1548 = arith.constant 0 : i32
      %dma_wait3A_1549 = arith.constant 0 : i32
      %dma_wait3A_1550 = tpu.memref_slice %arg7[%dma_wait3A_1548, %dma_wait3A_1549] : memref<1x1000000xf32, #tpu.memory_space<hbm>> -> memref<1x128xf32, #tpu.memory_space<hbm>>
      %dma_wait3A_1551 = arith.constant 0 : i32
      %dma_wait3A_1552 = arith.constant 0 : i32
      %dma_wait3A_1553 = tpu.memref_slice %arg14[%dma_wait3A_1543, %dma_wait3A_1551, %dma_wait3A_1552] : memref<8x1x128xf32, #tpu.memory_space<vmem>> -> memref<1x1x128xf32, #tpu.memory_space<vmem>>
      %dma_wait3A_1554 = tpu.memref_squeeze %dma_wait3A_1553 : memref<1x1x128xf32, #tpu.memory_space<vmem>> -> memref<1x128xf32, #tpu.memory_space<vmem>>
      %dma_wait3A_1555 = arith.constant 0 : i32
      %dma_wait3A_1556 = arith.constant 0 : i32
      %dma_wait3A_1557 = tpu.memref_slice %arg7[%dma_wait3A_1555, %dma_wait3A_1556] : memref<1x1000000xf32, #tpu.memory_space<hbm>> -> memref<1x128xf32, #tpu.memory_space<hbm>>
      tpu.wait_dma2 semaphore(%arg16 : memref<!tpu.dma_semaphore, #tpu.memory_space<semaphore_mem>>) src(%dma_wait3A_1557 : memref<1x128xf32, #tpu.memory_space<hbm>>) dst(%dma_wait3A_1554 : memref<1x128xf32, #tpu.memory_space<vmem>>)
      %slice3A_1558 = vector.extract_strided_slice %get3A_524 {offsets = [5], sizes = [1], strides = [1]} : vector<16xi32> to vector<1xi32>
      %squeeze3A_1559 = vector.extract %slice3A_1558[0] : i32 from vector<1xi32>
      %and3A_1560 = arith.constant 127 : i32
      %and3A_1561 = arith.andi %squeeze3A_1559, %and3A_1560 : i32
      %broadcast_in_dim3A_1562 = vector.broadcast %and3A_1561 : i32 to vector<16xi32>
      %slice3A_1563 = vector.extract_strided_slice %get3A_526 {offsets = [5], sizes = [1], strides = [1]} : vector<16xi32> to vector<1xi32>
      %squeeze3A_1564 = vector.extract %slice3A_1563[0] : i32 from vector<1xi32>
      %and3A_1565 = arith.constant 127 : i32
      %and3A_1566 = arith.andi %squeeze3A_1564, %and3A_1565 : i32
      %broadcast_in_dim3A_1567 = vector.broadcast %and3A_1566 : i32 to vector<16xi32>
      %gather3A_1568 = arith.constant 5 : i32
      %gather3A_1569 = arith.constant 0 : i32
      %gather3A_1570 = arith.constant 0 : i32
      %gather3A_1571 = tpu.memref_slice %arg11[%gather3A_1568, %gather3A_1569, %gather3A_1570] : memref<8x32x128xf32, #tpu.memory_space<vmem>> -> memref<1x32x128xf32, #tpu.memory_space<vmem>>
      %gather3A_1572 = tpu.memref_squeeze %gather3A_1571 : memref<1x32x128xf32, #tpu.memory_space<vmem>> -> memref<32x128xf32, #tpu.memory_space<vmem>>
      %gather3A_1573 = tpu.vector_load_idx %gather3A_1572[%iota3A, %broadcast_in_dim3A_1562] : memref<32x128xf32, #tpu.memory_space<vmem>>[vector<16xi32>, vector<16xi32>], vector<16xf32>,
      %gather3A_1574 = arith.constant 5 : i32
      %gather3A_1575 = arith.constant 0 : i32
      %gather3A_1576 = arith.constant 0 : i32
      %gather3A_1577 = tpu.memref_slice %arg11[%gather3A_1574, %gather3A_1575, %gather3A_1576] : memref<8x32x128xf32, #tpu.memory_space<vmem>> -> memref<1x32x128xf32, #tpu.memory_space<vmem>>
      %gather3A_1578 = tpu.memref_squeeze %gather3A_1577 : memref<1x32x128xf32, #tpu.memory_space<vmem>> -> memref<32x128xf32, #tpu.memory_space<vmem>>
      %gather3A_1579 = tpu.vector_load_idx %gather3A_1578[%add3A_510, %broadcast_in_dim3A_1562] : memref<32x128xf32, #tpu.memory_space<vmem>>[vector<16xi32>, vector<16xi32>], vector<16xf32>,
      %gather3A_1580 = arith.constant 5 : i32
      %gather3A_1581 = arith.constant 0 : i32
      %gather3A_1582 = arith.constant 0 : i32
      %gather3A_1583 = tpu.memref_slice %arg12[%gather3A_1580, %gather3A_1581, %gather3A_1582] : memref<8x32x128xf32, #tpu.memory_space<vmem>> -> memref<1x32x128xf32, #tpu.memory_space<vmem>>
      %gather3A_1584 = tpu.memref_squeeze %gather3A_1583 : memref<1x32x128xf32, #tpu.memory_space<vmem>> -> memref<32x128xf32, #tpu.memory_space<vmem>>
      %gather3A_1585 = tpu.vector_load_idx %gather3A_1584[%iota3A, %broadcast_in_dim3A_1567] : memref<32x128xf32, #tpu.memory_space<vmem>>[vector<16xi32>, vector<16xi32>], vector<16xf32>,
      %gather3A_1586 = arith.constant 5 : i32
      %gather3A_1587 = arith.constant 0 : i32
      %gather3A_1588 = arith.constant 0 : i32
      %gather3A_1589 = tpu.memref_slice %arg12[%gather3A_1586, %gather3A_1587, %gather3A_1588] : memref<8x32x128xf32, #tpu.memory_space<vmem>> -> memref<1x32x128xf32, #tpu.memory_space<vmem>>
      %gather3A_1590 = tpu.memref_squeeze %gather3A_1589 : memref<1x32x128xf32, #tpu.memory_space<vmem>> -> memref<32x128xf32, #tpu.memory_space<vmem>>
      %gather3A_1591 = tpu.vector_load_idx %gather3A_1590[%add3A_510, %broadcast_in_dim3A_1567] : memref<32x128xf32, #tpu.memory_space<vmem>>[vector<16xi32>, vector<16xi32>], vector<16xf32>,
      %gather3A_1592 = arith.constant 5 : i32
      %gather3A_1593 = arith.constant 0 : i32
      %gather3A_1594 = arith.constant 0 : i32
      %gather3A_1595 = tpu.memref_slice %arg13[%gather3A_1592, %gather3A_1593, %gather3A_1594] : memref<8x1x128xf32, #tpu.memory_space<vmem>> -> memref<1x1x128xf32, #tpu.memory_space<vmem>>
      %gather3A_1596 = tpu.memref_squeeze %gather3A_1595 : memref<1x1x128xf32, #tpu.memory_space<vmem>> -> memref<1x128xf32, #tpu.memory_space<vmem>>
      %gather3A_1597 = tpu.vector_load_idx %gather3A_1596[%broadcast_in_dim3A_511, %broadcast_in_dim3A_1562] : memref<1x128xf32, #tpu.memory_space<vmem>>[vector<16xi32>, vector<16xi32>], vector<16xf32>,
      %gather3A_1598 = arith.constant 5 : i32
      %gather3A_1599 = arith.constant 0 : i32
      %gather3A_1600 = arith.constant 0 : i32
      %gather3A_1601 = tpu.memref_slice %arg14[%gather3A_1598, %gather3A_1599, %gather3A_1600] : memref<8x1x128xf32, #tpu.memory_space<vmem>> -> memref<1x1x128xf32, #tpu.memory_space<vmem>>
      %gather3A_1602 = tpu.memref_squeeze %gather3A_1601 : memref<1x1x128xf32, #tpu.memory_space<vmem>> -> memref<1x128xf32, #tpu.memory_space<vmem>>
      %gather3A_1603 = tpu.vector_load_idx %gather3A_1602[%broadcast_in_dim3A_511, %broadcast_in_dim3A_1567] : memref<1x128xf32, #tpu.memory_space<vmem>>[vector<16xi32>, vector<16xi32>], vector<16xf32>,
      %mul3A_1604 = arith.mulf %gather3A_1573, %gather3A_1585 : vector<16xf32>
      %mul3A_1605 = arith.mulf %gather3A_1579, %gather3A_1591 : vector<16xf32>
      %add3A_1606 = arith.addf %mul3A_1604, %mul3A_1605 : vector<16xf32>
      %broadcast_in_dim3A_1607 = vector.shape_cast %xor3A_498 : vector<16xi32> to vector<16x1xi32>
      %gather3A_1608 = vector.shape_cast %broadcast_in_dim3A_1607 : vector<16x1xi32> to vector<16xi32>
      %gather3A_1609 = tpu.dynamic_gather %add3A_1606[%gather3A_1608] in [0] : vector<16xf32>, vector<16xi32> -> vector<16xf32>
      %add3A_1610 = arith.addf %add3A_1606, %gather3A_1609 : vector<16xf32>
      %broadcast_in_dim3A_1611 = vector.shape_cast %xor3A_501 : vector<16xi32> to vector<16x1xi32>
      %gather3A_1612 = vector.shape_cast %broadcast_in_dim3A_1611 : vector<16x1xi32> to vector<16xi32>
      %gather3A_1613 = tpu.dynamic_gather %add3A_1610[%gather3A_1612] in [0] : vector<16xf32>, vector<16xi32> -> vector<16xf32>
      %add3A_1614 = arith.addf %add3A_1610, %gather3A_1613 : vector<16xf32>
      %broadcast_in_dim3A_1615 = vector.shape_cast %xor3A_504 : vector<16xi32> to vector<16x1xi32>
      %gather3A_1616 = vector.shape_cast %broadcast_in_dim3A_1615 : vector<16x1xi32> to vector<16xi32>
      %gather3A_1617 = tpu.dynamic_gather %add3A_1614[%gather3A_1616] in [0] : vector<16xf32>, vector<16xi32> -> vector<16xf32>
      %add3A_1618 = arith.addf %add3A_1614, %gather3A_1617 : vector<16xf32>
      %broadcast_in_dim3A_1619 = vector.shape_cast %xor3A_507 : vector<16xi32> to vector<16x1xi32>
      %gather3A_1620 = vector.shape_cast %broadcast_in_dim3A_1619 : vector<16x1xi32> to vector<16xi32>
      %gather3A_1621 = tpu.dynamic_gather %add3A_1618[%gather3A_1620] in [0] : vector<16xf32>, vector<16xi32> -> vector<16xf32>
      %add3A_1622 = arith.addf %add3A_1618, %gather3A_1621 : vector<16xf32>
      %eq3A_1623 = arith.constant 5 : i32
      %eq3A_1624 = vector.broadcast %eq3A_1623 : i32 to vector<16xi32>
      %eq3A_1625 = arith.cmpi eq, %iota3A, %eq3A_1624 : vector<16xi32>
      %add3A_1626 = arith.addf %add3A_1622, %gather3A_1597 : vector<16xf32>
      %add3A_1627 = arith.addf %add3A_1626, %gather3A_1603 : vector<16xf32>
      %select_n3A_1628 = arith.select %eq3A_1625, %add3A_1627, %select_n3A_1435 : vector<16xi1>, vector<16xf32>
      %slice3A_1629 = vector.extract_strided_slice %get3A_524 {offsets = [13], sizes = [1], strides = [1]} : vector<16xi32> to vector<1xi32>
      %squeeze3A_1630 = vector.extract %slice3A_1629[0] : i32 from vector<1xi32>
      %slice3A_1631 = vector.extract_strided_slice %get3A_526 {offsets = [13], sizes = [1], strides = [1]} : vector<16xi32> to vector<1xi32>
      %squeeze3A_1632 = vector.extract %slice3A_1631[0] : i32 from vector<1xi32>
      %and3A_1633 = arith.constant -128 : i32
      %and3A_1634 = arith.andi %squeeze3A_1630, %and3A_1633 : i32
      %multiple_of3A_1635 = tpu.assume_multiple %and3A_1634, 128 : i32
      %and3A_1636 = arith.constant -128 : i32
      %and3A_1637 = arith.andi %squeeze3A_1632, %and3A_1636 : i32
      %multiple_of3A_1638 = tpu.assume_multiple %and3A_1637, 128 : i32
      %dma_start3A_1639 = arith.constant 5 : i32
      %dma_start3A_1640 = arith.constant 0 : i32
      %dma_start3A_1641 = arith.constant 0 : i32
      %dma_start3A_1642 = tpu.memref_slice %arg11[%dma_start3A_1639, %dma_start3A_1640, %dma_start3A_1641] : memref<8x32x128xf32, #tpu.memory_space<vmem>> -> memref<1x32x128xf32, #tpu.memory_space<vmem>>
      %dma_start3A_1643 = tpu.memref_squeeze %dma_start3A_1642 : memref<1x32x128xf32, #tpu.memory_space<vmem>> -> memref<32x128xf32, #tpu.memory_space<vmem>>
      %dma_start3A_1644 = arith.constant 0 : i32
      %dma_start3A_1645 = tpu.memref_slice %arg4[%dma_start3A_1644, %multiple_of3A_1635] : memref<32x1000000xf32, #tpu.memory_space<hbm>> -> memref<32x128xf32, #tpu.memory_space<hbm>>
      %dma_start3A_1646 = arith.constant 0 : i32
      %dma_start3A_1647 = arith.constant 0 : i32
      %dma_start3A_1648 = tpu.memref_slice %arg11[%dma_start3A_1639, %dma_start3A_1646, %dma_start3A_1647] : memref<8x32x128xf32, #tpu.memory_space<vmem>> -> memref<1x32x128xf32, #tpu.memory_space<vmem>>
      %dma_start3A_1649 = tpu.memref_squeeze %dma_start3A_1648 : memref<1x32x128xf32, #tpu.memory_space<vmem>> -> memref<32x128xf32, #tpu.memory_space<vmem>>
      %dma_start3A_1650 = arith.constant 0 : i32
      %dma_start3A_1651 = tpu.memref_slice %arg4[%dma_start3A_1650, %multiple_of3A_1635] : memref<32x1000000xf32, #tpu.memory_space<hbm>> -> memref<32x128xf32, #tpu.memory_space<hbm>>
      tpu.enqueue_dma source(%dma_start3A_1651 : memref<32x128xf32, #tpu.memory_space<hbm>>) target(%dma_start3A_1649 : memref<32x128xf32, #tpu.memory_space<vmem>>) target_semaphore(%arg16 : memref<!tpu.dma_semaphore, #tpu.memory_space<semaphore_mem>>)
      %dma_start3A_1652 = arith.constant 5 : i32
      %dma_start3A_1653 = arith.constant 0 : i32
      %dma_start3A_1654 = arith.constant 0 : i32
      %dma_start3A_1655 = tpu.memref_slice %arg12[%dma_start3A_1652, %dma_start3A_1653, %dma_start3A_1654] : memref<8x32x128xf32, #tpu.memory_space<vmem>> -> memref<1x32x128xf32, #tpu.memory_space<vmem>>
      %dma_start3A_1656 = tpu.memref_squeeze %dma_start3A_1655 : memref<1x32x128xf32, #tpu.memory_space<vmem>> -> memref<32x128xf32, #tpu.memory_space<vmem>>
      %dma_start3A_1657 = arith.constant 0 : i32
      %dma_start3A_1658 = tpu.memref_slice %arg5[%dma_start3A_1657, %multiple_of3A_1638] : memref<32x1000000xf32, #tpu.memory_space<hbm>> -> memref<32x128xf32, #tpu.memory_space<hbm>>
      %dma_start3A_1659 = arith.constant 0 : i32
      %dma_start3A_1660 = arith.constant 0 : i32
      %dma_start3A_1661 = tpu.memref_slice %arg12[%dma_start3A_1652, %dma_start3A_1659, %dma_start3A_1660] : memref<8x32x128xf32, #tpu.memory_space<vmem>> -> memref<1x32x128xf32, #tpu.memory_space<vmem>>
      %dma_start3A_1662 = tpu.memref_squeeze %dma_start3A_1661 : memref<1x32x128xf32, #tpu.memory_space<vmem>> -> memref<32x128xf32, #tpu.memory_space<vmem>>
      %dma_start3A_1663 = arith.constant 0 : i32
      %dma_start3A_1664 = tpu.memref_slice %arg5[%dma_start3A_1663, %multiple_of3A_1638] : memref<32x1000000xf32, #tpu.memory_space<hbm>> -> memref<32x128xf32, #tpu.memory_space<hbm>>
      tpu.enqueue_dma source(%dma_start3A_1664 : memref<32x128xf32, #tpu.memory_space<hbm>>) target(%dma_start3A_1662 : memref<32x128xf32, #tpu.memory_space<vmem>>) target_semaphore(%arg16 : memref<!tpu.dma_semaphore, #tpu.memory_space<semaphore_mem>>)
      %dma_start3A_1665 = arith.constant 5 : i32
      %dma_start3A_1666 = arith.constant 0 : i32
      %dma_start3A_1667 = arith.constant 0 : i32
      %dma_start3A_1668 = tpu.memref_slice %arg13[%dma_start3A_1665, %dma_start3A_1666, %dma_start3A_1667] : memref<8x1x128xf32, #tpu.memory_space<vmem>> -> memref<1x1x128xf32, #tpu.memory_space<vmem>>
      %dma_start3A_1669 = tpu.memref_squeeze %dma_start3A_1668 : memref<1x1x128xf32, #tpu.memory_space<vmem>> -> memref<1x128xf32, #tpu.memory_space<vmem>>
      %dma_start3A_1670 = arith.constant 0 : i32
      %dma_start3A_1671 = tpu.memref_slice %arg6[%dma_start3A_1670, %multiple_of3A_1635] : memref<1x1000000xf32, #tpu.memory_space<hbm>> -> memref<1x128xf32, #tpu.memory_space<hbm>>
      %dma_start3A_1672 = arith.constant 0 : i32
      %dma_start3A_1673 = arith.constant 0 : i32
      %dma_start3A_1674 = tpu.memref_slice %arg13[%dma_start3A_1665, %dma_start3A_1672, %dma_start3A_1673] : memref<8x1x128xf32, #tpu.memory_space<vmem>> -> memref<1x1x128xf32, #tpu.memory_space<vmem>>
      %dma_start3A_1675 = tpu.memref_squeeze %dma_start3A_1674 : memref<1x1x128xf32, #tpu.memory_space<vmem>> -> memref<1x128xf32, #tpu.memory_space<vmem>>
      %dma_start3A_1676 = arith.constant 0 : i32
      %dma_start3A_1677 = tpu.memref_slice %arg6[%dma_start3A_1676, %multiple_of3A_1635] : memref<1x1000000xf32, #tpu.memory_space<hbm>> -> memref<1x128xf32, #tpu.memory_space<hbm>>
      tpu.enqueue_dma source(%dma_start3A_1677 : memref<1x128xf32, #tpu.memory_space<hbm>>) target(%dma_start3A_1675 : memref<1x128xf32, #tpu.memory_space<vmem>>) target_semaphore(%arg16 : memref<!tpu.dma_semaphore, #tpu.memory_space<semaphore_mem>>)
      %dma_start3A_1678 = arith.constant 5 : i32
      %dma_start3A_1679 = arith.constant 0 : i32
      %dma_start3A_1680 = arith.constant 0 : i32
      %dma_start3A_1681 = tpu.memref_slice %arg14[%dma_start3A_1678, %dma_start3A_1679, %dma_start3A_1680] : memref<8x1x128xf32, #tpu.memory_space<vmem>> -> memref<1x1x128xf32, #tpu.memory_space<vmem>>
      %dma_start3A_1682 = tpu.memref_squeeze %dma_start3A_1681 : memref<1x1x128xf32, #tpu.memory_space<vmem>> -> memref<1x128xf32, #tpu.memory_space<vmem>>
      %dma_start3A_1683 = arith.constant 0 : i32
      %dma_start3A_1684 = tpu.memref_slice %arg7[%dma_start3A_1683, %multiple_of3A_1638] : memref<1x1000000xf32, #tpu.memory_space<hbm>> -> memref<1x128xf32, #tpu.memory_space<hbm>>
      %dma_start3A_1685 = arith.constant 0 : i32
      %dma_start3A_1686 = arith.constant 0 : i32
      %dma_start3A_1687 = tpu.memref_slice %arg14[%dma_start3A_1678, %dma_start3A_1685, %dma_start3A_1686] : memref<8x1x128xf32, #tpu.memory_space<vmem>> -> memref<1x1x128xf32, #tpu.memory_space<vmem>>
      %dma_start3A_1688 = tpu.memref_squeeze %dma_start3A_1687 : memref<1x1x128xf32, #tpu.memory_space<vmem>> -> memref<1x128xf32, #tpu.memory_space<vmem>>
      %dma_start3A_1689 = arith.constant 0 : i32
      %dma_start3A_1690 = tpu.memref_slice %arg7[%dma_start3A_1689, %multiple_of3A_1638] : memref<1x1000000xf32, #tpu.memory_space<hbm>> -> memref<1x128xf32, #tpu.memory_space<hbm>>
      tpu.enqueue_dma source(%dma_start3A_1690 : memref<1x128xf32, #tpu.memory_space<hbm>>) target(%dma_start3A_1688 : memref<1x128xf32, #tpu.memory_space<vmem>>) target_semaphore(%arg16 : memref<!tpu.dma_semaphore, #tpu.memory_space<semaphore_mem>>)
      %dma_wait3A_1691 = arith.constant 6 : i32
      %dma_wait3A_1692 = arith.constant 0 : i32
      %dma_wait3A_1693 = arith.constant 0 : i32
      %dma_wait3A_1694 = tpu.memref_slice %arg11[%dma_wait3A_1691, %dma_wait3A_1692, %dma_wait3A_1693] : memref<8x32x128xf32, #tpu.memory_space<vmem>> -> memref<1x32x128xf32, #tpu.memory_space<vmem>>
      %dma_wait3A_1695 = tpu.memref_squeeze %dma_wait3A_1694 : memref<1x32x128xf32, #tpu.memory_space<vmem>> -> memref<32x128xf32, #tpu.memory_space<vmem>>
      %dma_wait3A_1696 = arith.constant 0 : i32
      %dma_wait3A_1697 = arith.constant 0 : i32
      %dma_wait3A_1698 = tpu.memref_slice %arg4[%dma_wait3A_1696, %dma_wait3A_1697] : memref<32x1000000xf32, #tpu.memory_space<hbm>> -> memref<32x128xf32, #tpu.memory_space<hbm>>
      %dma_wait3A_1699 = arith.constant 0 : i32
      %dma_wait3A_1700 = arith.constant 0 : i32
      %dma_wait3A_1701 = tpu.memref_slice %arg11[%dma_wait3A_1691, %dma_wait3A_1699, %dma_wait3A_1700] : memref<8x32x128xf32, #tpu.memory_space<vmem>> -> memref<1x32x128xf32, #tpu.memory_space<vmem>>
      %dma_wait3A_1702 = tpu.memref_squeeze %dma_wait3A_1701 : memref<1x32x128xf32, #tpu.memory_space<vmem>> -> memref<32x128xf32, #tpu.memory_space<vmem>>
      %dma_wait3A_1703 = arith.constant 0 : i32
      %dma_wait3A_1704 = arith.constant 0 : i32
      %dma_wait3A_1705 = tpu.memref_slice %arg4[%dma_wait3A_1703, %dma_wait3A_1704] : memref<32x1000000xf32, #tpu.memory_space<hbm>> -> memref<32x128xf32, #tpu.memory_space<hbm>>
      tpu.wait_dma2 semaphore(%arg16 : memref<!tpu.dma_semaphore, #tpu.memory_space<semaphore_mem>>) src(%dma_wait3A_1705 : memref<32x128xf32, #tpu.memory_space<hbm>>) dst(%dma_wait3A_1702 : memref<32x128xf32, #tpu.memory_space<vmem>>)
      %dma_wait3A_1706 = arith.constant 6 : i32
      %dma_wait3A_1707 = arith.constant 0 : i32
      %dma_wait3A_1708 = arith.constant 0 : i32
      %dma_wait3A_1709 = tpu.memref_slice %arg12[%dma_wait3A_1706, %dma_wait3A_1707, %dma_wait3A_1708] : memref<8x32x128xf32, #tpu.memory_space<vmem>> -> memref<1x32x128xf32, #tpu.memory_space<vmem>>
      %dma_wait3A_1710 = tpu.memref_squeeze %dma_wait3A_1709 : memref<1x32x128xf32, #tpu.memory_space<vmem>> -> memref<32x128xf32, #tpu.memory_space<vmem>>
      %dma_wait3A_1711 = arith.constant 0 : i32
      %dma_wait3A_1712 = arith.constant 0 : i32
      %dma_wait3A_1713 = tpu.memref_slice %arg5[%dma_wait3A_1711, %dma_wait3A_1712] : memref<32x1000000xf32, #tpu.memory_space<hbm>> -> memref<32x128xf32, #tpu.memory_space<hbm>>
      %dma_wait3A_1714 = arith.constant 0 : i32
      %dma_wait3A_1715 = arith.constant 0 : i32
      %dma_wait3A_1716 = tpu.memref_slice %arg12[%dma_wait3A_1706, %dma_wait3A_1714, %dma_wait3A_1715] : memref<8x32x128xf32, #tpu.memory_space<vmem>> -> memref<1x32x128xf32, #tpu.memory_space<vmem>>
      %dma_wait3A_1717 = tpu.memref_squeeze %dma_wait3A_1716 : memref<1x32x128xf32, #tpu.memory_space<vmem>> -> memref<32x128xf32, #tpu.memory_space<vmem>>
      %dma_wait3A_1718 = arith.constant 0 : i32
      %dma_wait3A_1719 = arith.constant 0 : i32
      %dma_wait3A_1720 = tpu.memref_slice %arg5[%dma_wait3A_1718, %dma_wait3A_1719] : memref<32x1000000xf32, #tpu.memory_space<hbm>> -> memref<32x128xf32, #tpu.memory_space<hbm>>
      tpu.wait_dma2 semaphore(%arg16 : memref<!tpu.dma_semaphore, #tpu.memory_space<semaphore_mem>>) src(%dma_wait3A_1720 : memref<32x128xf32, #tpu.memory_space<hbm>>) dst(%dma_wait3A_1717 : memref<32x128xf32, #tpu.memory_space<vmem>>)
      %dma_wait3A_1721 = arith.constant 6 : i32
      %dma_wait3A_1722 = arith.constant 0 : i32
      %dma_wait3A_1723 = arith.constant 0 : i32
      %dma_wait3A_1724 = tpu.memref_slice %arg13[%dma_wait3A_1721, %dma_wait3A_1722, %dma_wait3A_1723] : memref<8x1x128xf32, #tpu.memory_space<vmem>> -> memref<1x1x128xf32, #tpu.memory_space<vmem>>
      %dma_wait3A_1725 = tpu.memref_squeeze %dma_wait3A_1724 : memref<1x1x128xf32, #tpu.memory_space<vmem>> -> memref<1x128xf32, #tpu.memory_space<vmem>>
      %dma_wait3A_1726 = arith.constant 0 : i32
      %dma_wait3A_1727 = arith.constant 0 : i32
      %dma_wait3A_1728 = tpu.memref_slice %arg6[%dma_wait3A_1726, %dma_wait3A_1727] : memref<1x1000000xf32, #tpu.memory_space<hbm>> -> memref<1x128xf32, #tpu.memory_space<hbm>>
      %dma_wait3A_1729 = arith.constant 0 : i32
      %dma_wait3A_1730 = arith.constant 0 : i32
      %dma_wait3A_1731 = tpu.memref_slice %arg13[%dma_wait3A_1721, %dma_wait3A_1729, %dma_wait3A_1730] : memref<8x1x128xf32, #tpu.memory_space<vmem>> -> memref<1x1x128xf32, #tpu.memory_space<vmem>>
      %dma_wait3A_1732 = tpu.memref_squeeze %dma_wait3A_1731 : memref<1x1x128xf32, #tpu.memory_space<vmem>> -> memref<1x128xf32, #tpu.memory_space<vmem>>
      %dma_wait3A_1733 = arith.constant 0 : i32
      %dma_wait3A_1734 = arith.constant 0 : i32
      %dma_wait3A_1735 = tpu.memref_slice %arg6[%dma_wait3A_1733, %dma_wait3A_1734] : memref<1x1000000xf32, #tpu.memory_space<hbm>> -> memref<1x128xf32, #tpu.memory_space<hbm>>
      tpu.wait_dma2 semaphore(%arg16 : memref<!tpu.dma_semaphore, #tpu.memory_space<semaphore_mem>>) src(%dma_wait3A_1735 : memref<1x128xf32, #tpu.memory_space<hbm>>) dst(%dma_wait3A_1732 : memref<1x128xf32, #tpu.memory_space<vmem>>)
      %dma_wait3A_1736 = arith.constant 6 : i32
      %dma_wait3A_1737 = arith.constant 0 : i32
      %dma_wait3A_1738 = arith.constant 0 : i32
      %dma_wait3A_1739 = tpu.memref_slice %arg14[%dma_wait3A_1736, %dma_wait3A_1737, %dma_wait3A_1738] : memref<8x1x128xf32, #tpu.memory_space<vmem>> -> memref<1x1x128xf32, #tpu.memory_space<vmem>>
      %dma_wait3A_1740 = tpu.memref_squeeze %dma_wait3A_1739 : memref<1x1x128xf32, #tpu.memory_space<vmem>> -> memref<1x128xf32, #tpu.memory_space<vmem>>
      %dma_wait3A_1741 = arith.constant 0 : i32
      %dma_wait3A_1742 = arith.constant 0 : i32
      %dma_wait3A_1743 = tpu.memref_slice %arg7[%dma_wait3A_1741, %dma_wait3A_1742] : memref<1x1000000xf32, #tpu.memory_space<hbm>> -> memref<1x128xf32, #tpu.memory_space<hbm>>
      %dma_wait3A_1744 = arith.constant 0 : i32
      %dma_wait3A_1745 = arith.constant 0 : i32
      %dma_wait3A_1746 = tpu.memref_slice %arg14[%dma_wait3A_1736, %dma_wait3A_1744, %dma_wait3A_1745] : memref<8x1x128xf32, #tpu.memory_space<vmem>> -> memref<1x1x128xf32, #tpu.memory_space<vmem>>
      %dma_wait3A_1747 = tpu.memref_squeeze %dma_wait3A_1746 : memref<1x1x128xf32, #tpu.memory_space<vmem>> -> memref<1x128xf32, #tpu.memory_space<vmem>>
      %dma_wait3A_1748 = arith.constant 0 : i32
      %dma_wait3A_1749 = arith.constant 0 : i32
      %dma_wait3A_1750 = tpu.memref_slice %arg7[%dma_wait3A_1748, %dma_wait3A_1749] : memref<1x1000000xf32, #tpu.memory_space<hbm>> -> memref<1x128xf32, #tpu.memory_space<hbm>>
      tpu.wait_dma2 semaphore(%arg16 : memref<!tpu.dma_semaphore, #tpu.memory_space<semaphore_mem>>) src(%dma_wait3A_1750 : memref<1x128xf32, #tpu.memory_space<hbm>>) dst(%dma_wait3A_1747 : memref<1x128xf32, #tpu.memory_space<vmem>>)
      %slice3A_1751 = vector.extract_strided_slice %get3A_524 {offsets = [6], sizes = [1], strides = [1]} : vector<16xi32> to vector<1xi32>
      %squeeze3A_1752 = vector.extract %slice3A_1751[0] : i32 from vector<1xi32>
      %and3A_1753 = arith.constant 127 : i32
      %and3A_1754 = arith.andi %squeeze3A_1752, %and3A_1753 : i32
      %broadcast_in_dim3A_1755 = vector.broadcast %and3A_1754 : i32 to vector<16xi32>
      %slice3A_1756 = vector.extract_strided_slice %get3A_526 {offsets = [6], sizes = [1], strides = [1]} : vector<16xi32> to vector<1xi32>
      %squeeze3A_1757 = vector.extract %slice3A_1756[0] : i32 from vector<1xi32>
      %and3A_1758 = arith.constant 127 : i32
      %and3A_1759 = arith.andi %squeeze3A_1757, %and3A_1758 : i32
      %broadcast_in_dim3A_1760 = vector.broadcast %and3A_1759 : i32 to vector<16xi32>
      %gather3A_1761 = arith.constant 6 : i32
      %gather3A_1762 = arith.constant 0 : i32
      %gather3A_1763 = arith.constant 0 : i32
      %gather3A_1764 = tpu.memref_slice %arg11[%gather3A_1761, %gather3A_1762, %gather3A_1763] : memref<8x32x128xf32, #tpu.memory_space<vmem>> -> memref<1x32x128xf32, #tpu.memory_space<vmem>>
      %gather3A_1765 = tpu.memref_squeeze %gather3A_1764 : memref<1x32x128xf32, #tpu.memory_space<vmem>> -> memref<32x128xf32, #tpu.memory_space<vmem>>
      %gather3A_1766 = tpu.vector_load_idx %gather3A_1765[%iota3A, %broadcast_in_dim3A_1755] : memref<32x128xf32, #tpu.memory_space<vmem>>[vector<16xi32>, vector<16xi32>], vector<16xf32>,
      %gather3A_1767 = arith.constant 6 : i32
      %gather3A_1768 = arith.constant 0 : i32
      %gather3A_1769 = arith.constant 0 : i32
      %gather3A_1770 = tpu.memref_slice %arg11[%gather3A_1767, %gather3A_1768, %gather3A_1769] : memref<8x32x128xf32, #tpu.memory_space<vmem>> -> memref<1x32x128xf32, #tpu.memory_space<vmem>>
      %gather3A_1771 = tpu.memref_squeeze %gather3A_1770 : memref<1x32x128xf32, #tpu.memory_space<vmem>> -> memref<32x128xf32, #tpu.memory_space<vmem>>
      %gather3A_1772 = tpu.vector_load_idx %gather3A_1771[%add3A_510, %broadcast_in_dim3A_1755] : memref<32x128xf32, #tpu.memory_space<vmem>>[vector<16xi32>, vector<16xi32>], vector<16xf32>,
      %gather3A_1773 = arith.constant 6 : i32
      %gather3A_1774 = arith.constant 0 : i32
      %gather3A_1775 = arith.constant 0 : i32
      %gather3A_1776 = tpu.memref_slice %arg12[%gather3A_1773, %gather3A_1774, %gather3A_1775] : memref<8x32x128xf32, #tpu.memory_space<vmem>> -> memref<1x32x128xf32, #tpu.memory_space<vmem>>
      %gather3A_1777 = tpu.memref_squeeze %gather3A_1776 : memref<1x32x128xf32, #tpu.memory_space<vmem>> -> memref<32x128xf32, #tpu.memory_space<vmem>>
      %gather3A_1778 = tpu.vector_load_idx %gather3A_1777[%iota3A, %broadcast_in_dim3A_1760] : memref<32x128xf32, #tpu.memory_space<vmem>>[vector<16xi32>, vector<16xi32>], vector<16xf32>,
      %gather3A_1779 = arith.constant 6 : i32
      %gather3A_1780 = arith.constant 0 : i32
      %gather3A_1781 = arith.constant 0 : i32
      %gather3A_1782 = tpu.memref_slice %arg12[%gather3A_1779, %gather3A_1780, %gather3A_1781] : memref<8x32x128xf32, #tpu.memory_space<vmem>> -> memref<1x32x128xf32, #tpu.memory_space<vmem>>
      %gather3A_1783 = tpu.memref_squeeze %gather3A_1782 : memref<1x32x128xf32, #tpu.memory_space<vmem>> -> memref<32x128xf32, #tpu.memory_space<vmem>>
      %gather3A_1784 = tpu.vector_load_idx %gather3A_1783[%add3A_510, %broadcast_in_dim3A_1760] : memref<32x128xf32, #tpu.memory_space<vmem>>[vector<16xi32>, vector<16xi32>], vector<16xf32>,
      %gather3A_1785 = arith.constant 6 : i32
      %gather3A_1786 = arith.constant 0 : i32
      %gather3A_1787 = arith.constant 0 : i32
      %gather3A_1788 = tpu.memref_slice %arg13[%gather3A_1785, %gather3A_1786, %gather3A_1787] : memref<8x1x128xf32, #tpu.memory_space<vmem>> -> memref<1x1x128xf32, #tpu.memory_space<vmem>>
      %gather3A_1789 = tpu.memref_squeeze %gather3A_1788 : memref<1x1x128xf32, #tpu.memory_space<vmem>> -> memref<1x128xf32, #tpu.memory_space<vmem>>
      %gather3A_1790 = tpu.vector_load_idx %gather3A_1789[%broadcast_in_dim3A_511, %broadcast_in_dim3A_1755] : memref<1x128xf32, #tpu.memory_space<vmem>>[vector<16xi32>, vector<16xi32>], vector<16xf32>,
      %gather3A_1791 = arith.constant 6 : i32
      %gather3A_1792 = arith.constant 0 : i32
      %gather3A_1793 = arith.constant 0 : i32
      %gather3A_1794 = tpu.memref_slice %arg14[%gather3A_1791, %gather3A_1792, %gather3A_1793] : memref<8x1x128xf32, #tpu.memory_space<vmem>> -> memref<1x1x128xf32, #tpu.memory_space<vmem>>
      %gather3A_1795 = tpu.memref_squeeze %gather3A_1794 : memref<1x1x128xf32, #tpu.memory_space<vmem>> -> memref<1x128xf32, #tpu.memory_space<vmem>>
      %gather3A_1796 = tpu.vector_load_idx %gather3A_1795[%broadcast_in_dim3A_511, %broadcast_in_dim3A_1760] : memref<1x128xf32, #tpu.memory_space<vmem>>[vector<16xi32>, vector<16xi32>], vector<16xf32>,
      %mul3A_1797 = arith.mulf %gather3A_1766, %gather3A_1778 : vector<16xf32>
      %mul3A_1798 = arith.mulf %gather3A_1772, %gather3A_1784 : vector<16xf32>
      %add3A_1799 = arith.addf %mul3A_1797, %mul3A_1798 : vector<16xf32>
      %broadcast_in_dim3A_1800 = vector.shape_cast %xor3A_498 : vector<16xi32> to vector<16x1xi32>
      %gather3A_1801 = vector.shape_cast %broadcast_in_dim3A_1800 : vector<16x1xi32> to vector<16xi32>
      %gather3A_1802 = tpu.dynamic_gather %add3A_1799[%gather3A_1801] in [0] : vector<16xf32>, vector<16xi32> -> vector<16xf32>
      %add3A_1803 = arith.addf %add3A_1799, %gather3A_1802 : vector<16xf32>
      %broadcast_in_dim3A_1804 = vector.shape_cast %xor3A_501 : vector<16xi32> to vector<16x1xi32>
      %gather3A_1805 = vector.shape_cast %broadcast_in_dim3A_1804 : vector<16x1xi32> to vector<16xi32>
      %gather3A_1806 = tpu.dynamic_gather %add3A_1803[%gather3A_1805] in [0] : vector<16xf32>, vector<16xi32> -> vector<16xf32>
      %add3A_1807 = arith.addf %add3A_1803, %gather3A_1806 : vector<16xf32>
      %broadcast_in_dim3A_1808 = vector.shape_cast %xor3A_504 : vector<16xi32> to vector<16x1xi32>
      %gather3A_1809 = vector.shape_cast %broadcast_in_dim3A_1808 : vector<16x1xi32> to vector<16xi32>
      %gather3A_1810 = tpu.dynamic_gather %add3A_1807[%gather3A_1809] in [0] : vector<16xf32>, vector<16xi32> -> vector<16xf32>
      %add3A_1811 = arith.addf %add3A_1807, %gather3A_1810 : vector<16xf32>
      %broadcast_in_dim3A_1812 = vector.shape_cast %xor3A_507 : vector<16xi32> to vector<16x1xi32>
      %gather3A_1813 = vector.shape_cast %broadcast_in_dim3A_1812 : vector<16x1xi32> to vector<16xi32>
      %gather3A_1814 = tpu.dynamic_gather %add3A_1811[%gather3A_1813] in [0] : vector<16xf32>, vector<16xi32> -> vector<16xf32>
      %add3A_1815 = arith.addf %add3A_1811, %gather3A_1814 : vector<16xf32>
      %eq3A_1816 = arith.constant 6 : i32
      %eq3A_1817 = vector.broadcast %eq3A_1816 : i32 to vector<16xi32>
      %eq3A_1818 = arith.cmpi eq, %iota3A, %eq3A_1817 : vector<16xi32>
      %add3A_1819 = arith.addf %add3A_1815, %gather3A_1790 : vector<16xf32>
      %add3A_1820 = arith.addf %add3A_1819, %gather3A_1796 : vector<16xf32>
      %select_n3A_1821 = arith.select %eq3A_1818, %add3A_1820, %select_n3A_1628 : vector<16xi1>, vector<16xf32>
      %slice3A_1822 = vector.extract_strided_slice %get3A_524 {offsets = [14], sizes = [1], strides = [1]} : vector<16xi32> to vector<1xi32>
      %squeeze3A_1823 = vector.extract %slice3A_1822[0] : i32 from vector<1xi32>
      %slice3A_1824 = vector.extract_strided_slice %get3A_526 {offsets = [14], sizes = [1], strides = [1]} : vector<16xi32> to vector<1xi32>
      %squeeze3A_1825 = vector.extract %slice3A_1824[0] : i32 from vector<1xi32>
      %and3A_1826 = arith.constant -128 : i32
      %and3A_1827 = arith.andi %squeeze3A_1823, %and3A_1826 : i32
      %multiple_of3A_1828 = tpu.assume_multiple %and3A_1827, 128 : i32
      %and3A_1829 = arith.constant -128 : i32
      %and3A_1830 = arith.andi %squeeze3A_1825, %and3A_1829 : i32
      %multiple_of3A_1831 = tpu.assume_multiple %and3A_1830, 128 : i32
      %dma_start3A_1832 = arith.constant 6 : i32
      %dma_start3A_1833 = arith.constant 0 : i32
      %dma_start3A_1834 = arith.constant 0 : i32
      %dma_start3A_1835 = tpu.memref_slice %arg11[%dma_start3A_1832, %dma_start3A_1833, %dma_start3A_1834] : memref<8x32x128xf32, #tpu.memory_space<vmem>> -> memref<1x32x128xf32, #tpu.memory_space<vmem>>
      %dma_start3A_1836 = tpu.memref_squeeze %dma_start3A_1835 : memref<1x32x128xf32, #tpu.memory_space<vmem>> -> memref<32x128xf32, #tpu.memory_space<vmem>>
      %dma_start3A_1837 = arith.constant 0 : i32
      %dma_start3A_1838 = tpu.memref_slice %arg4[%dma_start3A_1837, %multiple_of3A_1828] : memref<32x1000000xf32, #tpu.memory_space<hbm>> -> memref<32x128xf32, #tpu.memory_space<hbm>>
      %dma_start3A_1839 = arith.constant 0 : i32
      %dma_start3A_1840 = arith.constant 0 : i32
      %dma_start3A_1841 = tpu.memref_slice %arg11[%dma_start3A_1832, %dma_start3A_1839, %dma_start3A_1840] : memref<8x32x128xf32, #tpu.memory_space<vmem>> -> memref<1x32x128xf32, #tpu.memory_space<vmem>>
      %dma_start3A_1842 = tpu.memref_squeeze %dma_start3A_1841 : memref<1x32x128xf32, #tpu.memory_space<vmem>> -> memref<32x128xf32, #tpu.memory_space<vmem>>
      %dma_start3A_1843 = arith.constant 0 : i32
      %dma_start3A_1844 = tpu.memref_slice %arg4[%dma_start3A_1843, %multiple_of3A_1828] : memref<32x1000000xf32, #tpu.memory_space<hbm>> -> memref<32x128xf32, #tpu.memory_space<hbm>>
      tpu.enqueue_dma source(%dma_start3A_1844 : memref<32x128xf32, #tpu.memory_space<hbm>>) target(%dma_start3A_1842 : memref<32x128xf32, #tpu.memory_space<vmem>>) target_semaphore(%arg16 : memref<!tpu.dma_semaphore, #tpu.memory_space<semaphore_mem>>)
      %dma_start3A_1845 = arith.constant 6 : i32
      %dma_start3A_1846 = arith.constant 0 : i32
      %dma_start3A_1847 = arith.constant 0 : i32
      %dma_start3A_1848 = tpu.memref_slice %arg12[%dma_start3A_1845, %dma_start3A_1846, %dma_start3A_1847] : memref<8x32x128xf32, #tpu.memory_space<vmem>> -> memref<1x32x128xf32, #tpu.memory_space<vmem>>
      %dma_start3A_1849 = tpu.memref_squeeze %dma_start3A_1848 : memref<1x32x128xf32, #tpu.memory_space<vmem>> -> memref<32x128xf32, #tpu.memory_space<vmem>>
      %dma_start3A_1850 = arith.constant 0 : i32
      %dma_start3A_1851 = tpu.memref_slice %arg5[%dma_start3A_1850, %multiple_of3A_1831] : memref<32x1000000xf32, #tpu.memory_space<hbm>> -> memref<32x128xf32, #tpu.memory_space<hbm>>
      %dma_start3A_1852 = arith.constant 0 : i32
      %dma_start3A_1853 = arith.constant 0 : i32
      %dma_start3A_1854 = tpu.memref_slice %arg12[%dma_start3A_1845, %dma_start3A_1852, %dma_start3A_1853] : memref<8x32x128xf32, #tpu.memory_space<vmem>> -> memref<1x32x128xf32, #tpu.memory_space<vmem>>
      %dma_start3A_1855 = tpu.memref_squeeze %dma_start3A_1854 : memref<1x32x128xf32, #tpu.memory_space<vmem>> -> memref<32x128xf32, #tpu.memory_space<vmem>>
      %dma_start3A_1856 = arith.constant 0 : i32
      %dma_start3A_1857 = tpu.memref_slice %arg5[%dma_start3A_1856, %multiple_of3A_1831] : memref<32x1000000xf32, #tpu.memory_space<hbm>> -> memref<32x128xf32, #tpu.memory_space<hbm>>
      tpu.enqueue_dma source(%dma_start3A_1857 : memref<32x128xf32, #tpu.memory_space<hbm>>) target(%dma_start3A_1855 : memref<32x128xf32, #tpu.memory_space<vmem>>) target_semaphore(%arg16 : memref<!tpu.dma_semaphore, #tpu.memory_space<semaphore_mem>>)
      %dma_start3A_1858 = arith.constant 6 : i32
      %dma_start3A_1859 = arith.constant 0 : i32
      %dma_start3A_1860 = arith.constant 0 : i32
      %dma_start3A_1861 = tpu.memref_slice %arg13[%dma_start3A_1858, %dma_start3A_1859, %dma_start3A_1860] : memref<8x1x128xf32, #tpu.memory_space<vmem>> -> memref<1x1x128xf32, #tpu.memory_space<vmem>>
      %dma_start3A_1862 = tpu.memref_squeeze %dma_start3A_1861 : memref<1x1x128xf32, #tpu.memory_space<vmem>> -> memref<1x128xf32, #tpu.memory_space<vmem>>
      %dma_start3A_1863 = arith.constant 0 : i32
      %dma_start3A_1864 = tpu.memref_slice %arg6[%dma_start3A_1863, %multiple_of3A_1828] : memref<1x1000000xf32, #tpu.memory_space<hbm>> -> memref<1x128xf32, #tpu.memory_space<hbm>>
      %dma_start3A_1865 = arith.constant 0 : i32
      %dma_start3A_1866 = arith.constant 0 : i32
      %dma_start3A_1867 = tpu.memref_slice %arg13[%dma_start3A_1858, %dma_start3A_1865, %dma_start3A_1866] : memref<8x1x128xf32, #tpu.memory_space<vmem>> -> memref<1x1x128xf32, #tpu.memory_space<vmem>>
      %dma_start3A_1868 = tpu.memref_squeeze %dma_start3A_1867 : memref<1x1x128xf32, #tpu.memory_space<vmem>> -> memref<1x128xf32, #tpu.memory_space<vmem>>
      %dma_start3A_1869 = arith.constant 0 : i32
      %dma_start3A_1870 = tpu.memref_slice %arg6[%dma_start3A_1869, %multiple_of3A_1828] : memref<1x1000000xf32, #tpu.memory_space<hbm>> -> memref<1x128xf32, #tpu.memory_space<hbm>>
      tpu.enqueue_dma source(%dma_start3A_1870 : memref<1x128xf32, #tpu.memory_space<hbm>>) target(%dma_start3A_1868 : memref<1x128xf32, #tpu.memory_space<vmem>>) target_semaphore(%arg16 : memref<!tpu.dma_semaphore, #tpu.memory_space<semaphore_mem>>)
      %dma_start3A_1871 = arith.constant 6 : i32
      %dma_start3A_1872 = arith.constant 0 : i32
      %dma_start3A_1873 = arith.constant 0 : i32
      %dma_start3A_1874 = tpu.memref_slice %arg14[%dma_start3A_1871, %dma_start3A_1872, %dma_start3A_1873] : memref<8x1x128xf32, #tpu.memory_space<vmem>> -> memref<1x1x128xf32, #tpu.memory_space<vmem>>
      %dma_start3A_1875 = tpu.memref_squeeze %dma_start3A_1874 : memref<1x1x128xf32, #tpu.memory_space<vmem>> -> memref<1x128xf32, #tpu.memory_space<vmem>>
      %dma_start3A_1876 = arith.constant 0 : i32
      %dma_start3A_1877 = tpu.memref_slice %arg7[%dma_start3A_1876, %multiple_of3A_1831] : memref<1x1000000xf32, #tpu.memory_space<hbm>> -> memref<1x128xf32, #tpu.memory_space<hbm>>
      %dma_start3A_1878 = arith.constant 0 : i32
      %dma_start3A_1879 = arith.constant 0 : i32
      %dma_start3A_1880 = tpu.memref_slice %arg14[%dma_start3A_1871, %dma_start3A_1878, %dma_start3A_1879] : memref<8x1x128xf32, #tpu.memory_space<vmem>> -> memref<1x1x128xf32, #tpu.memory_space<vmem>>
      %dma_start3A_1881 = tpu.memref_squeeze %dma_start3A_1880 : memref<1x1x128xf32, #tpu.memory_space<vmem>> -> memref<1x128xf32, #tpu.memory_space<vmem>>
      %dma_start3A_1882 = arith.constant 0 : i32
      %dma_start3A_1883 = tpu.memref_slice %arg7[%dma_start3A_1882, %multiple_of3A_1831] : memref<1x1000000xf32, #tpu.memory_space<hbm>> -> memref<1x128xf32, #tpu.memory_space<hbm>>
      tpu.enqueue_dma source(%dma_start3A_1883 : memref<1x128xf32, #tpu.memory_space<hbm>>) target(%dma_start3A_1881 : memref<1x128xf32, #tpu.memory_space<vmem>>) target_semaphore(%arg16 : memref<!tpu.dma_semaphore, #tpu.memory_space<semaphore_mem>>)
      %dma_wait3A_1884 = arith.constant 7 : i32
      %dma_wait3A_1885 = arith.constant 0 : i32
      %dma_wait3A_1886 = arith.constant 0 : i32
      %dma_wait3A_1887 = tpu.memref_slice %arg11[%dma_wait3A_1884, %dma_wait3A_1885, %dma_wait3A_1886] : memref<8x32x128xf32, #tpu.memory_space<vmem>> -> memref<1x32x128xf32, #tpu.memory_space<vmem>>
      %dma_wait3A_1888 = tpu.memref_squeeze %dma_wait3A_1887 : memref<1x32x128xf32, #tpu.memory_space<vmem>> -> memref<32x128xf32, #tpu.memory_space<vmem>>
      %dma_wait3A_1889 = arith.constant 0 : i32
      %dma_wait3A_1890 = arith.constant 0 : i32
      %dma_wait3A_1891 = tpu.memref_slice %arg4[%dma_wait3A_1889, %dma_wait3A_1890] : memref<32x1000000xf32, #tpu.memory_space<hbm>> -> memref<32x128xf32, #tpu.memory_space<hbm>>
      %dma_wait3A_1892 = arith.constant 0 : i32
      %dma_wait3A_1893 = arith.constant 0 : i32
      %dma_wait3A_1894 = tpu.memref_slice %arg11[%dma_wait3A_1884, %dma_wait3A_1892, %dma_wait3A_1893] : memref<8x32x128xf32, #tpu.memory_space<vmem>> -> memref<1x32x128xf32, #tpu.memory_space<vmem>>
      %dma_wait3A_1895 = tpu.memref_squeeze %dma_wait3A_1894 : memref<1x32x128xf32, #tpu.memory_space<vmem>> -> memref<32x128xf32, #tpu.memory_space<vmem>>
      %dma_wait3A_1896 = arith.constant 0 : i32
      %dma_wait3A_1897 = arith.constant 0 : i32
      %dma_wait3A_1898 = tpu.memref_slice %arg4[%dma_wait3A_1896, %dma_wait3A_1897] : memref<32x1000000xf32, #tpu.memory_space<hbm>> -> memref<32x128xf32, #tpu.memory_space<hbm>>
      tpu.wait_dma2 semaphore(%arg16 : memref<!tpu.dma_semaphore, #tpu.memory_space<semaphore_mem>>) src(%dma_wait3A_1898 : memref<32x128xf32, #tpu.memory_space<hbm>>) dst(%dma_wait3A_1895 : memref<32x128xf32, #tpu.memory_space<vmem>>)
      %dma_wait3A_1899 = arith.constant 7 : i32
      %dma_wait3A_1900 = arith.constant 0 : i32
      %dma_wait3A_1901 = arith.constant 0 : i32
      %dma_wait3A_1902 = tpu.memref_slice %arg12[%dma_wait3A_1899, %dma_wait3A_1900, %dma_wait3A_1901] : memref<8x32x128xf32, #tpu.memory_space<vmem>> -> memref<1x32x128xf32, #tpu.memory_space<vmem>>
      %dma_wait3A_1903 = tpu.memref_squeeze %dma_wait3A_1902 : memref<1x32x128xf32, #tpu.memory_space<vmem>> -> memref<32x128xf32, #tpu.memory_space<vmem>>
      %dma_wait3A_1904 = arith.constant 0 : i32
      %dma_wait3A_1905 = arith.constant 0 : i32
      %dma_wait3A_1906 = tpu.memref_slice %arg5[%dma_wait3A_1904, %dma_wait3A_1905] : memref<32x1000000xf32, #tpu.memory_space<hbm>> -> memref<32x128xf32, #tpu.memory_space<hbm>>
      %dma_wait3A_1907 = arith.constant 0 : i32
      %dma_wait3A_1908 = arith.constant 0 : i32
      %dma_wait3A_1909 = tpu.memref_slice %arg12[%dma_wait3A_1899, %dma_wait3A_1907, %dma_wait3A_1908] : memref<8x32x128xf32, #tpu.memory_space<vmem>> -> memref<1x32x128xf32, #tpu.memory_space<vmem>>
      %dma_wait3A_1910 = tpu.memref_squeeze %dma_wait3A_1909 : memref<1x32x128xf32, #tpu.memory_space<vmem>> -> memref<32x128xf32, #tpu.memory_space<vmem>>
      %dma_wait3A_1911 = arith.constant 0 : i32
      %dma_wait3A_1912 = arith.constant 0 : i32
      %dma_wait3A_1913 = tpu.memref_slice %arg5[%dma_wait3A_1911, %dma_wait3A_1912] : memref<32x1000000xf32, #tpu.memory_space<hbm>> -> memref<32x128xf32, #tpu.memory_space<hbm>>
      tpu.wait_dma2 semaphore(%arg16 : memref<!tpu.dma_semaphore, #tpu.memory_space<semaphore_mem>>) src(%dma_wait3A_1913 : memref<32x128xf32, #tpu.memory_space<hbm>>) dst(%dma_wait3A_1910 : memref<32x128xf32, #tpu.memory_space<vmem>>)
      %dma_wait3A_1914 = arith.constant 7 : i32
      %dma_wait3A_1915 = arith.constant 0 : i32
      %dma_wait3A_1916 = arith.constant 0 : i32
      %dma_wait3A_1917 = tpu.memref_slice %arg13[%dma_wait3A_1914, %dma_wait3A_1915, %dma_wait3A_1916] : memref<8x1x128xf32, #tpu.memory_space<vmem>> -> memref<1x1x128xf32, #tpu.memory_space<vmem>>
      %dma_wait3A_1918 = tpu.memref_squeeze %dma_wait3A_1917 : memref<1x1x128xf32, #tpu.memory_space<vmem>> -> memref<1x128xf32, #tpu.memory_space<vmem>>
      %dma_wait3A_1919 = arith.constant 0 : i32
      %dma_wait3A_1920 = arith.constant 0 : i32
      %dma_wait3A_1921 = tpu.memref_slice %arg6[%dma_wait3A_1919, %dma_wait3A_1920] : memref<1x1000000xf32, #tpu.memory_space<hbm>> -> memref<1x128xf32, #tpu.memory_space<hbm>>
      %dma_wait3A_1922 = arith.constant 0 : i32
      %dma_wait3A_1923 = arith.constant 0 : i32
      %dma_wait3A_1924 = tpu.memref_slice %arg13[%dma_wait3A_1914, %dma_wait3A_1922, %dma_wait3A_1923] : memref<8x1x128xf32, #tpu.memory_space<vmem>> -> memref<1x1x128xf32, #tpu.memory_space<vmem>>
      %dma_wait3A_1925 = tpu.memref_squeeze %dma_wait3A_1924 : memref<1x1x128xf32, #tpu.memory_space<vmem>> -> memref<1x128xf32, #tpu.memory_space<vmem>>
      %dma_wait3A_1926 = arith.constant 0 : i32
      %dma_wait3A_1927 = arith.constant 0 : i32
      %dma_wait3A_1928 = tpu.memref_slice %arg6[%dma_wait3A_1926, %dma_wait3A_1927] : memref<1x1000000xf32, #tpu.memory_space<hbm>> -> memref<1x128xf32, #tpu.memory_space<hbm>>
      tpu.wait_dma2 semaphore(%arg16 : memref<!tpu.dma_semaphore, #tpu.memory_space<semaphore_mem>>) src(%dma_wait3A_1928 : memref<1x128xf32, #tpu.memory_space<hbm>>) dst(%dma_wait3A_1925 : memref<1x128xf32, #tpu.memory_space<vmem>>)
      %dma_wait3A_1929 = arith.constant 7 : i32
      %dma_wait3A_1930 = arith.constant 0 : i32
      %dma_wait3A_1931 = arith.constant 0 : i32
      %dma_wait3A_1932 = tpu.memref_slice %arg14[%dma_wait3A_1929, %dma_wait3A_1930, %dma_wait3A_1931] : memref<8x1x128xf32, #tpu.memory_space<vmem>> -> memref<1x1x128xf32, #tpu.memory_space<vmem>>
      %dma_wait3A_1933 = tpu.memref_squeeze %dma_wait3A_1932 : memref<1x1x128xf32, #tpu.memory_space<vmem>> -> memref<1x128xf32, #tpu.memory_space<vmem>>
      %dma_wait3A_1934 = arith.constant 0 : i32
      %dma_wait3A_1935 = arith.constant 0 : i32
      %dma_wait3A_1936 = tpu.memref_slice %arg7[%dma_wait3A_1934, %dma_wait3A_1935] : memref<1x1000000xf32, #tpu.memory_space<hbm>> -> memref<1x128xf32, #tpu.memory_space<hbm>>
      %dma_wait3A_1937 = arith.constant 0 : i32
      %dma_wait3A_1938 = arith.constant 0 : i32
      %dma_wait3A_1939 = tpu.memref_slice %arg14[%dma_wait3A_1929, %dma_wait3A_1937, %dma_wait3A_1938] : memref<8x1x128xf32, #tpu.memory_space<vmem>> -> memref<1x1x128xf32, #tpu.memory_space<vmem>>
      %dma_wait3A_1940 = tpu.memref_squeeze %dma_wait3A_1939 : memref<1x1x128xf32, #tpu.memory_space<vmem>> -> memref<1x128xf32, #tpu.memory_space<vmem>>
      %dma_wait3A_1941 = arith.constant 0 : i32
      %dma_wait3A_1942 = arith.constant 0 : i32
      %dma_wait3A_1943 = tpu.memref_slice %arg7[%dma_wait3A_1941, %dma_wait3A_1942] : memref<1x1000000xf32, #tpu.memory_space<hbm>> -> memref<1x128xf32, #tpu.memory_space<hbm>>
      tpu.wait_dma2 semaphore(%arg16 : memref<!tpu.dma_semaphore, #tpu.memory_space<semaphore_mem>>) src(%dma_wait3A_1943 : memref<1x128xf32, #tpu.memory_space<hbm>>) dst(%dma_wait3A_1940 : memref<1x128xf32, #tpu.memory_space<vmem>>)
      %slice3A_1944 = vector.extract_strided_slice %get3A_524 {offsets = [7], sizes = [1], strides = [1]} : vector<16xi32> to vector<1xi32>
      %squeeze3A_1945 = vector.extract %slice3A_1944[0] : i32 from vector<1xi32>
      %and3A_1946 = arith.constant 127 : i32
      %and3A_1947 = arith.andi %squeeze3A_1945, %and3A_1946 : i32
      %broadcast_in_dim3A_1948 = vector.broadcast %and3A_1947 : i32 to vector<16xi32>
      %slice3A_1949 = vector.extract_strided_slice %get3A_526 {offsets = [7], sizes = [1], strides = [1]} : vector<16xi32> to vector<1xi32>
      %squeeze3A_1950 = vector.extract %slice3A_1949[0] : i32 from vector<1xi32>
      %and3A_1951 = arith.constant 127 : i32
      %and3A_1952 = arith.andi %squeeze3A_1950, %and3A_1951 : i32
      %broadcast_in_dim3A_1953 = vector.broadcast %and3A_1952 : i32 to vector<16xi32>
      %gather3A_1954 = arith.constant 7 : i32
      %gather3A_1955 = arith.constant 0 : i32
      %gather3A_1956 = arith.constant 0 : i32
      %gather3A_1957 = tpu.memref_slice %arg11[%gather3A_1954, %gather3A_1955, %gather3A_1956] : memref<8x32x128xf32, #tpu.memory_space<vmem>> -> memref<1x32x128xf32, #tpu.memory_space<vmem>>
      %gather3A_1958 = tpu.memref_squeeze %gather3A_1957 : memref<1x32x128xf32, #tpu.memory_space<vmem>> -> memref<32x128xf32, #tpu.memory_space<vmem>>
      %gather3A_1959 = tpu.vector_load_idx %gather3A_1958[%iota3A, %broadcast_in_dim3A_1948] : memref<32x128xf32, #tpu.memory_space<vmem>>[vector<16xi32>, vector<16xi32>], vector<16xf32>,
      %gather3A_1960 = arith.constant 7 : i32
      %gather3A_1961 = arith.constant 0 : i32
      %gather3A_1962 = arith.constant 0 : i32
      %gather3A_1963 = tpu.memref_slice %arg11[%gather3A_1960, %gather3A_1961, %gather3A_1962] : memref<8x32x128xf32, #tpu.memory_space<vmem>> -> memref<1x32x128xf32, #tpu.memory_space<vmem>>
      %gather3A_1964 = tpu.memref_squeeze %gather3A_1963 : memref<1x32x128xf32, #tpu.memory_space<vmem>> -> memref<32x128xf32, #tpu.memory_space<vmem>>
      %gather3A_1965 = tpu.vector_load_idx %gather3A_1964[%add3A_510, %broadcast_in_dim3A_1948] : memref<32x128xf32, #tpu.memory_space<vmem>>[vector<16xi32>, vector<16xi32>], vector<16xf32>,
      %gather3A_1966 = arith.constant 7 : i32
      %gather3A_1967 = arith.constant 0 : i32
      %gather3A_1968 = arith.constant 0 : i32
      %gather3A_1969 = tpu.memref_slice %arg12[%gather3A_1966, %gather3A_1967, %gather3A_1968] : memref<8x32x128xf32, #tpu.memory_space<vmem>> -> memref<1x32x128xf32, #tpu.memory_space<vmem>>
      %gather3A_1970 = tpu.memref_squeeze %gather3A_1969 : memref<1x32x128xf32, #tpu.memory_space<vmem>> -> memref<32x128xf32, #tpu.memory_space<vmem>>
      %gather3A_1971 = tpu.vector_load_idx %gather3A_1970[%iota3A, %broadcast_in_dim3A_1953] : memref<32x128xf32, #tpu.memory_space<vmem>>[vector<16xi32>, vector<16xi32>], vector<16xf32>,
      %gather3A_1972 = arith.constant 7 : i32
      %gather3A_1973 = arith.constant 0 : i32
      %gather3A_1974 = arith.constant 0 : i32
      %gather3A_1975 = tpu.memref_slice %arg12[%gather3A_1972, %gather3A_1973, %gather3A_1974] : memref<8x32x128xf32, #tpu.memory_space<vmem>> -> memref<1x32x128xf32, #tpu.memory_space<vmem>>
      %gather3A_1976 = tpu.memref_squeeze %gather3A_1975 : memref<1x32x128xf32, #tpu.memory_space<vmem>> -> memref<32x128xf32, #tpu.memory_space<vmem>>
      %gather3A_1977 = tpu.vector_load_idx %gather3A_1976[%add3A_510, %broadcast_in_dim3A_1953] : memref<32x128xf32, #tpu.memory_space<vmem>>[vector<16xi32>, vector<16xi32>], vector<16xf32>,
      %gather3A_1978 = arith.constant 7 : i32
      %gather3A_1979 = arith.constant 0 : i32
      %gather3A_1980 = arith.constant 0 : i32
      %gather3A_1981 = tpu.memref_slice %arg13[%gather3A_1978, %gather3A_1979, %gather3A_1980] : memref<8x1x128xf32, #tpu.memory_space<vmem>> -> memref<1x1x128xf32, #tpu.memory_space<vmem>>
      %gather3A_1982 = tpu.memref_squeeze %gather3A_1981 : memref<1x1x128xf32, #tpu.memory_space<vmem>> -> memref<1x128xf32, #tpu.memory_space<vmem>>
      %gather3A_1983 = tpu.vector_load_idx %gather3A_1982[%broadcast_in_dim3A_511, %broadcast_in_dim3A_1948] : memref<1x128xf32, #tpu.memory_space<vmem>>[vector<16xi32>, vector<16xi32>], vector<16xf32>,
      %gather3A_1984 = arith.constant 7 : i32
      %gather3A_1985 = arith.constant 0 : i32
      %gather3A_1986 = arith.constant 0 : i32
      %gather3A_1987 = tpu.memref_slice %arg14[%gather3A_1984, %gather3A_1985, %gather3A_1986] : memref<8x1x128xf32, #tpu.memory_space<vmem>> -> memref<1x1x128xf32, #tpu.memory_space<vmem>>
      %gather3A_1988 = tpu.memref_squeeze %gather3A_1987 : memref<1x1x128xf32, #tpu.memory_space<vmem>> -> memref<1x128xf32, #tpu.memory_space<vmem>>
      %gather3A_1989 = tpu.vector_load_idx %gather3A_1988[%broadcast_in_dim3A_511, %broadcast_in_dim3A_1953] : memref<1x128xf32, #tpu.memory_space<vmem>>[vector<16xi32>, vector<16xi32>], vector<16xf32>,
      %mul3A_1990 = arith.mulf %gather3A_1959, %gather3A_1971 : vector<16xf32>
      %mul3A_1991 = arith.mulf %gather3A_1965, %gather3A_1977 : vector<16xf32>
      %add3A_1992 = arith.addf %mul3A_1990, %mul3A_1991 : vector<16xf32>
      %broadcast_in_dim3A_1993 = vector.shape_cast %xor3A_498 : vector<16xi32> to vector<16x1xi32>
      %gather3A_1994 = vector.shape_cast %broadcast_in_dim3A_1993 : vector<16x1xi32> to vector<16xi32>
      %gather3A_1995 = tpu.dynamic_gather %add3A_1992[%gather3A_1994] in [0] : vector<16xf32>, vector<16xi32> -> vector<16xf32>
      %add3A_1996 = arith.addf %add3A_1992, %gather3A_1995 : vector<16xf32>
      %broadcast_in_dim3A_1997 = vector.shape_cast %xor3A_501 : vector<16xi32> to vector<16x1xi32>
      %gather3A_1998 = vector.shape_cast %broadcast_in_dim3A_1997 : vector<16x1xi32> to vector<16xi32>
      %gather3A_1999 = tpu.dynamic_gather %add3A_1996[%gather3A_1998] in [0] : vector<16xf32>, vector<16xi32> -> vector<16xf32>
      %add3A_2000 = arith.addf %add3A_1996, %gather3A_1999 : vector<16xf32>
      %broadcast_in_dim3A_2001 = vector.shape_cast %xor3A_504 : vector<16xi32> to vector<16x1xi32>
      %gather3A_2002 = vector.shape_cast %broadcast_in_dim3A_2001 : vector<16x1xi32> to vector<16xi32>
      %gather3A_2003 = tpu.dynamic_gather %add3A_2000[%gather3A_2002] in [0] : vector<16xf32>, vector<16xi32> -> vector<16xf32>
      %add3A_2004 = arith.addf %add3A_2000, %gather3A_2003 : vector<16xf32>
      %broadcast_in_dim3A_2005 = vector.shape_cast %xor3A_507 : vector<16xi32> to vector<16x1xi32>
      %gather3A_2006 = vector.shape_cast %broadcast_in_dim3A_2005 : vector<16x1xi32> to vector<16xi32>
      %gather3A_2007 = tpu.dynamic_gather %add3A_2004[%gather3A_2006] in [0] : vector<16xf32>, vector<16xi32> -> vector<16xf32>
      %add3A_2008 = arith.addf %add3A_2004, %gather3A_2007 : vector<16xf32>
      %eq3A_2009 = arith.constant 7 : i32
      %eq3A_2010 = vector.broadcast %eq3A_2009 : i32 to vector<16xi32>
      %eq3A_2011 = arith.cmpi eq, %iota3A, %eq3A_2010 : vector<16xi32>
      %add3A_2012 = arith.addf %add3A_2008, %gather3A_1983 : vector<16xf32>
      %add3A_2013 = arith.addf %add3A_2012, %gather3A_1989 : vector<16xf32>
      %select_n3A_2014 = arith.select %eq3A_2011, %add3A_2013, %select_n3A_1821 : vector<16xi1>, vector<16xf32>
      %slice3A_2015 = vector.extract_strided_slice %get3A_524 {offsets = [15], sizes = [1], strides = [1]} : vector<16xi32> to vector<1xi32>
      %squeeze3A_2016 = vector.extract %slice3A_2015[0] : i32 from vector<1xi32>
      %slice3A_2017 = vector.extract_strided_slice %get3A_526 {offsets = [15], sizes = [1], strides = [1]} : vector<16xi32> to vector<1xi32>
      %squeeze3A_2018 = vector.extract %slice3A_2017[0] : i32 from vector<1xi32>
      %and3A_2019 = arith.constant -128 : i32
      %and3A_2020 = arith.andi %squeeze3A_2016, %and3A_2019 : i32
      %multiple_of3A_2021 = tpu.assume_multiple %and3A_2020, 128 : i32
      %and3A_2022 = arith.constant -128 : i32
      %and3A_2023 = arith.andi %squeeze3A_2018, %and3A_2022 : i32
      %multiple_of3A_2024 = tpu.assume_multiple %and3A_2023, 128 : i32
      %dma_start3A_2025 = arith.constant 7 : i32
      %dma_start3A_2026 = arith.constant 0 : i32
      %dma_start3A_2027 = arith.constant 0 : i32
      %dma_start3A_2028 = tpu.memref_slice %arg11[%dma_start3A_2025, %dma_start3A_2026, %dma_start3A_2027] : memref<8x32x128xf32, #tpu.memory_space<vmem>> -> memref<1x32x128xf32, #tpu.memory_space<vmem>>
      %dma_start3A_2029 = tpu.memref_squeeze %dma_start3A_2028 : memref<1x32x128xf32, #tpu.memory_space<vmem>> -> memref<32x128xf32, #tpu.memory_space<vmem>>
      %dma_start3A_2030 = arith.constant 0 : i32
      %dma_start3A_2031 = tpu.memref_slice %arg4[%dma_start3A_2030, %multiple_of3A_2021] : memref<32x1000000xf32, #tpu.memory_space<hbm>> -> memref<32x128xf32, #tpu.memory_space<hbm>>
      %dma_start3A_2032 = arith.constant 0 : i32
      %dma_start3A_2033 = arith.constant 0 : i32
      %dma_start3A_2034 = tpu.memref_slice %arg11[%dma_start3A_2025, %dma_start3A_2032, %dma_start3A_2033] : memref<8x32x128xf32, #tpu.memory_space<vmem>> -> memref<1x32x128xf32, #tpu.memory_space<vmem>>
      %dma_start3A_2035 = tpu.memref_squeeze %dma_start3A_2034 : memref<1x32x128xf32, #tpu.memory_space<vmem>> -> memref<32x128xf32, #tpu.memory_space<vmem>>
      %dma_start3A_2036 = arith.constant 0 : i32
      %dma_start3A_2037 = tpu.memref_slice %arg4[%dma_start3A_2036, %multiple_of3A_2021] : memref<32x1000000xf32, #tpu.memory_space<hbm>> -> memref<32x128xf32, #tpu.memory_space<hbm>>
      tpu.enqueue_dma source(%dma_start3A_2037 : memref<32x128xf32, #tpu.memory_space<hbm>>) target(%dma_start3A_2035 : memref<32x128xf32, #tpu.memory_space<vmem>>) target_semaphore(%arg16 : memref<!tpu.dma_semaphore, #tpu.memory_space<semaphore_mem>>)
      %dma_start3A_2038 = arith.constant 7 : i32
      %dma_start3A_2039 = arith.constant 0 : i32
      %dma_start3A_2040 = arith.constant 0 : i32
      %dma_start3A_2041 = tpu.memref_slice %arg12[%dma_start3A_2038, %dma_start3A_2039, %dma_start3A_2040] : memref<8x32x128xf32, #tpu.memory_space<vmem>> -> memref<1x32x128xf32, #tpu.memory_space<vmem>>
      %dma_start3A_2042 = tpu.memref_squeeze %dma_start3A_2041 : memref<1x32x128xf32, #tpu.memory_space<vmem>> -> memref<32x128xf32, #tpu.memory_space<vmem>>
      %dma_start3A_2043 = arith.constant 0 : i32
      %dma_start3A_2044 = tpu.memref_slice %arg5[%dma_start3A_2043, %multiple_of3A_2024] : memref<32x1000000xf32, #tpu.memory_space<hbm>> -> memref<32x128xf32, #tpu.memory_space<hbm>>
      %dma_start3A_2045 = arith.constant 0 : i32
      %dma_start3A_2046 = arith.constant 0 : i32
      %dma_start3A_2047 = tpu.memref_slice %arg12[%dma_start3A_2038, %dma_start3A_2045, %dma_start3A_2046] : memref<8x32x128xf32, #tpu.memory_space<vmem>> -> memref<1x32x128xf32, #tpu.memory_space<vmem>>
      %dma_start3A_2048 = tpu.memref_squeeze %dma_start3A_2047 : memref<1x32x128xf32, #tpu.memory_space<vmem>> -> memref<32x128xf32, #tpu.memory_space<vmem>>
      %dma_start3A_2049 = arith.constant 0 : i32
      %dma_start3A_2050 = tpu.memref_slice %arg5[%dma_start3A_2049, %multiple_of3A_2024] : memref<32x1000000xf32, #tpu.memory_space<hbm>> -> memref<32x128xf32, #tpu.memory_space<hbm>>
      tpu.enqueue_dma source(%dma_start3A_2050 : memref<32x128xf32, #tpu.memory_space<hbm>>) target(%dma_start3A_2048 : memref<32x128xf32, #tpu.memory_space<vmem>>) target_semaphore(%arg16 : memref<!tpu.dma_semaphore, #tpu.memory_space<semaphore_mem>>)
      %dma_start3A_2051 = arith.constant 7 : i32
      %dma_start3A_2052 = arith.constant 0 : i32
      %dma_start3A_2053 = arith.constant 0 : i32
      %dma_start3A_2054 = tpu.memref_slice %arg13[%dma_start3A_2051, %dma_start3A_2052, %dma_start3A_2053] : memref<8x1x128xf32, #tpu.memory_space<vmem>> -> memref<1x1x128xf32, #tpu.memory_space<vmem>>
      %dma_start3A_2055 = tpu.memref_squeeze %dma_start3A_2054 : memref<1x1x128xf32, #tpu.memory_space<vmem>> -> memref<1x128xf32, #tpu.memory_space<vmem>>
      %dma_start3A_2056 = arith.constant 0 : i32
      %dma_start3A_2057 = tpu.memref_slice %arg6[%dma_start3A_2056, %multiple_of3A_2021] : memref<1x1000000xf32, #tpu.memory_space<hbm>> -> memref<1x128xf32, #tpu.memory_space<hbm>>
      %dma_start3A_2058 = arith.constant 0 : i32
      %dma_start3A_2059 = arith.constant 0 : i32
      %dma_start3A_2060 = tpu.memref_slice %arg13[%dma_start3A_2051, %dma_start3A_2058, %dma_start3A_2059] : memref<8x1x128xf32, #tpu.memory_space<vmem>> -> memref<1x1x128xf32, #tpu.memory_space<vmem>>
      %dma_start3A_2061 = tpu.memref_squeeze %dma_start3A_2060 : memref<1x1x128xf32, #tpu.memory_space<vmem>> -> memref<1x128xf32, #tpu.memory_space<vmem>>
      %dma_start3A_2062 = arith.constant 0 : i32
      %dma_start3A_2063 = tpu.memref_slice %arg6[%dma_start3A_2062, %multiple_of3A_2021] : memref<1x1000000xf32, #tpu.memory_space<hbm>> -> memref<1x128xf32, #tpu.memory_space<hbm>>
      tpu.enqueue_dma source(%dma_start3A_2063 : memref<1x128xf32, #tpu.memory_space<hbm>>) target(%dma_start3A_2061 : memref<1x128xf32, #tpu.memory_space<vmem>>) target_semaphore(%arg16 : memref<!tpu.dma_semaphore, #tpu.memory_space<semaphore_mem>>)
      %dma_start3A_2064 = arith.constant 7 : i32
      %dma_start3A_2065 = arith.constant 0 : i32
      %dma_start3A_2066 = arith.constant 0 : i32
      %dma_start3A_2067 = tpu.memref_slice %arg14[%dma_start3A_2064, %dma_start3A_2065, %dma_start3A_2066] : memref<8x1x128xf32, #tpu.memory_space<vmem>> -> memref<1x1x128xf32, #tpu.memory_space<vmem>>
      %dma_start3A_2068 = tpu.memref_squeeze %dma_start3A_2067 : memref<1x1x128xf32, #tpu.memory_space<vmem>> -> memref<1x128xf32, #tpu.memory_space<vmem>>
      %dma_start3A_2069 = arith.constant 0 : i32
      %dma_start3A_2070 = tpu.memref_slice %arg7[%dma_start3A_2069, %multiple_of3A_2024] : memref<1x1000000xf32, #tpu.memory_space<hbm>> -> memref<1x128xf32, #tpu.memory_space<hbm>>
      %dma_start3A_2071 = arith.constant 0 : i32
      %dma_start3A_2072 = arith.constant 0 : i32
      %dma_start3A_2073 = tpu.memref_slice %arg14[%dma_start3A_2064, %dma_start3A_2071, %dma_start3A_2072] : memref<8x1x128xf32, #tpu.memory_space<vmem>> -> memref<1x1x128xf32, #tpu.memory_space<vmem>>
      %dma_start3A_2074 = tpu.memref_squeeze %dma_start3A_2073 : memref<1x1x128xf32, #tpu.memory_space<vmem>> -> memref<1x128xf32, #tpu.memory_space<vmem>>
      %dma_start3A_2075 = arith.constant 0 : i32
      %dma_start3A_2076 = tpu.memref_slice %arg7[%dma_start3A_2075, %multiple_of3A_2024] : memref<1x1000000xf32, #tpu.memory_space<hbm>> -> memref<1x128xf32, #tpu.memory_space<hbm>>
      tpu.enqueue_dma source(%dma_start3A_2076 : memref<1x128xf32, #tpu.memory_space<hbm>>) target(%dma_start3A_2074 : memref<1x128xf32, #tpu.memory_space<vmem>>) target_semaphore(%arg16 : memref<!tpu.dma_semaphore, #tpu.memory_space<semaphore_mem>>)
      %dma_wait3A_2077 = arith.constant 0 : i32
      %dma_wait3A_2078 = arith.constant 0 : i32
      %dma_wait3A_2079 = arith.constant 0 : i32
      %dma_wait3A_2080 = tpu.memref_slice %arg11[%dma_wait3A_2077, %dma_wait3A_2078, %dma_wait3A_2079] : memref<8x32x128xf32, #tpu.memory_space<vmem>> -> memref<1x32x128xf32, #tpu.memory_space<vmem>>
      %dma_wait3A_2081 = tpu.memref_squeeze %dma_wait3A_2080 : memref<1x32x128xf32, #tpu.memory_space<vmem>> -> memref<32x128xf32, #tpu.memory_space<vmem>>
      %dma_wait3A_2082 = arith.constant 0 : i32
      %dma_wait3A_2083 = arith.constant 0 : i32
      %dma_wait3A_2084 = tpu.memref_slice %arg4[%dma_wait3A_2082, %dma_wait3A_2083] : memref<32x1000000xf32, #tpu.memory_space<hbm>> -> memref<32x128xf32, #tpu.memory_space<hbm>>
      %dma_wait3A_2085 = arith.constant 0 : i32
      %dma_wait3A_2086 = arith.constant 0 : i32
      %dma_wait3A_2087 = tpu.memref_slice %arg11[%dma_wait3A_2077, %dma_wait3A_2085, %dma_wait3A_2086] : memref<8x32x128xf32, #tpu.memory_space<vmem>> -> memref<1x32x128xf32, #tpu.memory_space<vmem>>
      %dma_wait3A_2088 = tpu.memref_squeeze %dma_wait3A_2087 : memref<1x32x128xf32, #tpu.memory_space<vmem>> -> memref<32x128xf32, #tpu.memory_space<vmem>>
      %dma_wait3A_2089 = arith.constant 0 : i32
      %dma_wait3A_2090 = arith.constant 0 : i32
      %dma_wait3A_2091 = tpu.memref_slice %arg4[%dma_wait3A_2089, %dma_wait3A_2090] : memref<32x1000000xf32, #tpu.memory_space<hbm>> -> memref<32x128xf32, #tpu.memory_space<hbm>>
      tpu.wait_dma2 semaphore(%arg16 : memref<!tpu.dma_semaphore, #tpu.memory_space<semaphore_mem>>) src(%dma_wait3A_2091 : memref<32x128xf32, #tpu.memory_space<hbm>>) dst(%dma_wait3A_2088 : memref<32x128xf32, #tpu.memory_space<vmem>>)
      %dma_wait3A_2092 = arith.constant 0 : i32
      %dma_wait3A_2093 = arith.constant 0 : i32
      %dma_wait3A_2094 = arith.constant 0 : i32
      %dma_wait3A_2095 = tpu.memref_slice %arg12[%dma_wait3A_2092, %dma_wait3A_2093, %dma_wait3A_2094] : memref<8x32x128xf32, #tpu.memory_space<vmem>> -> memref<1x32x128xf32, #tpu.memory_space<vmem>>
      %dma_wait3A_2096 = tpu.memref_squeeze %dma_wait3A_2095 : memref<1x32x128xf32, #tpu.memory_space<vmem>> -> memref<32x128xf32, #tpu.memory_space<vmem>>
      %dma_wait3A_2097 = arith.constant 0 : i32
      %dma_wait3A_2098 = arith.constant 0 : i32
      %dma_wait3A_2099 = tpu.memref_slice %arg5[%dma_wait3A_2097, %dma_wait3A_2098] : memref<32x1000000xf32, #tpu.memory_space<hbm>> -> memref<32x128xf32, #tpu.memory_space<hbm>>
      %dma_wait3A_2100 = arith.constant 0 : i32
      %dma_wait3A_2101 = arith.constant 0 : i32
      %dma_wait3A_2102 = tpu.memref_slice %arg12[%dma_wait3A_2092, %dma_wait3A_2100, %dma_wait3A_2101] : memref<8x32x128xf32, #tpu.memory_space<vmem>> -> memref<1x32x128xf32, #tpu.memory_space<vmem>>
      %dma_wait3A_2103 = tpu.memref_squeeze %dma_wait3A_2102 : memref<1x32x128xf32, #tpu.memory_space<vmem>> -> memref<32x128xf32, #tpu.memory_space<vmem>>
      %dma_wait3A_2104 = arith.constant 0 : i32
      %dma_wait3A_2105 = arith.constant 0 : i32
      %dma_wait3A_2106 = tpu.memref_slice %arg5[%dma_wait3A_2104, %dma_wait3A_2105] : memref<32x1000000xf32, #tpu.memory_space<hbm>> -> memref<32x128xf32, #tpu.memory_space<hbm>>
      tpu.wait_dma2 semaphore(%arg16 : memref<!tpu.dma_semaphore, #tpu.memory_space<semaphore_mem>>) src(%dma_wait3A_2106 : memref<32x128xf32, #tpu.memory_space<hbm>>) dst(%dma_wait3A_2103 : memref<32x128xf32, #tpu.memory_space<vmem>>)
      %dma_wait3A_2107 = arith.constant 0 : i32
      %dma_wait3A_2108 = arith.constant 0 : i32
      %dma_wait3A_2109 = arith.constant 0 : i32
      %dma_wait3A_2110 = tpu.memref_slice %arg13[%dma_wait3A_2107, %dma_wait3A_2108, %dma_wait3A_2109] : memref<8x1x128xf32, #tpu.memory_space<vmem>> -> memref<1x1x128xf32, #tpu.memory_space<vmem>>
      %dma_wait3A_2111 = tpu.memref_squeeze %dma_wait3A_2110 : memref<1x1x128xf32, #tpu.memory_space<vmem>> -> memref<1x128xf32, #tpu.memory_space<vmem>>
      %dma_wait3A_2112 = arith.constant 0 : i32
      %dma_wait3A_2113 = arith.constant 0 : i32
      %dma_wait3A_2114 = tpu.memref_slice %arg6[%dma_wait3A_2112, %dma_wait3A_2113] : memref<1x1000000xf32, #tpu.memory_space<hbm>> -> memref<1x128xf32, #tpu.memory_space<hbm>>
      %dma_wait3A_2115 = arith.constant 0 : i32
      %dma_wait3A_2116 = arith.constant 0 : i32
      %dma_wait3A_2117 = tpu.memref_slice %arg13[%dma_wait3A_2107, %dma_wait3A_2115, %dma_wait3A_2116] : memref<8x1x128xf32, #tpu.memory_space<vmem>> -> memref<1x1x128xf32, #tpu.memory_space<vmem>>
      %dma_wait3A_2118 = tpu.memref_squeeze %dma_wait3A_2117 : memref<1x1x128xf32, #tpu.memory_space<vmem>> -> memref<1x128xf32, #tpu.memory_space<vmem>>
      %dma_wait3A_2119 = arith.constant 0 : i32
      %dma_wait3A_2120 = arith.constant 0 : i32
      %dma_wait3A_2121 = tpu.memref_slice %arg6[%dma_wait3A_2119, %dma_wait3A_2120] : memref<1x1000000xf32, #tpu.memory_space<hbm>> -> memref<1x128xf32, #tpu.memory_space<hbm>>
      tpu.wait_dma2 semaphore(%arg16 : memref<!tpu.dma_semaphore, #tpu.memory_space<semaphore_mem>>) src(%dma_wait3A_2121 : memref<1x128xf32, #tpu.memory_space<hbm>>) dst(%dma_wait3A_2118 : memref<1x128xf32, #tpu.memory_space<vmem>>)
      %dma_wait3A_2122 = arith.constant 0 : i32
      %dma_wait3A_2123 = arith.constant 0 : i32
      %dma_wait3A_2124 = arith.constant 0 : i32
      %dma_wait3A_2125 = tpu.memref_slice %arg14[%dma_wait3A_2122, %dma_wait3A_2123, %dma_wait3A_2124] : memref<8x1x128xf32, #tpu.memory_space<vmem>> -> memref<1x1x128xf32, #tpu.memory_space<vmem>>
      %dma_wait3A_2126 = tpu.memref_squeeze %dma_wait3A_2125 : memref<1x1x128xf32, #tpu.memory_space<vmem>> -> memref<1x128xf32, #tpu.memory_space<vmem>>
      %dma_wait3A_2127 = arith.constant 0 : i32
      %dma_wait3A_2128 = arith.constant 0 : i32
      %dma_wait3A_2129 = tpu.memref_slice %arg7[%dma_wait3A_2127, %dma_wait3A_2128] : memref<1x1000000xf32, #tpu.memory_space<hbm>> -> memref<1x128xf32, #tpu.memory_space<hbm>>
      %dma_wait3A_2130 = arith.constant 0 : i32
      %dma_wait3A_2131 = arith.constant 0 : i32
      %dma_wait3A_2132 = tpu.memref_slice %arg14[%dma_wait3A_2122, %dma_wait3A_2130, %dma_wait3A_2131] : memref<8x1x128xf32, #tpu.memory_space<vmem>> -> memref<1x1x128xf32, #tpu.memory_space<vmem>>
      %dma_wait3A_2133 = tpu.memref_squeeze %dma_wait3A_2132 : memref<1x1x128xf32, #tpu.memory_space<vmem>> -> memref<1x128xf32, #tpu.memory_space<vmem>>
      %dma_wait3A_2134 = arith.constant 0 : i32
      %dma_wait3A_2135 = arith.constant 0 : i32
      %dma_wait3A_2136 = tpu.memref_slice %arg7[%dma_wait3A_2134, %dma_wait3A_2135] : memref<1x1000000xf32, #tpu.memory_space<hbm>> -> memref<1x128xf32, #tpu.memory_space<hbm>>
      tpu.wait_dma2 semaphore(%arg16 : memref<!tpu.dma_semaphore, #tpu.memory_space<semaphore_mem>>) src(%dma_wait3A_2136 : memref<1x128xf32, #tpu.memory_space<hbm>>) dst(%dma_wait3A_2133 : memref<1x128xf32, #tpu.memory_space<vmem>>)
      %slice3A_2137 = vector.extract_strided_slice %get3A_524 {offsets = [8], sizes = [1], strides = [1]} : vector<16xi32> to vector<1xi32>
      %squeeze3A_2138 = vector.extract %slice3A_2137[0] : i32 from vector<1xi32>
      %and3A_2139 = arith.constant 127 : i32
      %and3A_2140 = arith.andi %squeeze3A_2138, %and3A_2139 : i32
      %broadcast_in_dim3A_2141 = vector.broadcast %and3A_2140 : i32 to vector<16xi32>
      %slice3A_2142 = vector.extract_strided_slice %get3A_526 {offsets = [8], sizes = [1], strides = [1]} : vector<16xi32> to vector<1xi32>
      %squeeze3A_2143 = vector.extract %slice3A_2142[0] : i32 from vector<1xi32>
      %and3A_2144 = arith.constant 127 : i32
      %and3A_2145 = arith.andi %squeeze3A_2143, %and3A_2144 : i32
      %broadcast_in_dim3A_2146 = vector.broadcast %and3A_2145 : i32 to vector<16xi32>
      %gather3A_2147 = arith.constant 0 : i32
      %gather3A_2148 = arith.constant 0 : i32
      %gather3A_2149 = arith.constant 0 : i32
      %gather3A_2150 = tpu.memref_slice %arg11[%gather3A_2147, %gather3A_2148, %gather3A_2149] : memref<8x32x128xf32, #tpu.memory_space<vmem>> -> memref<1x32x128xf32, #tpu.memory_space<vmem>>
      %gather3A_2151 = tpu.memref_squeeze %gather3A_2150 : memref<1x32x128xf32, #tpu.memory_space<vmem>> -> memref<32x128xf32, #tpu.memory_space<vmem>>
      %gather3A_2152 = tpu.vector_load_idx %gather3A_2151[%iota3A, %broadcast_in_dim3A_2141] : memref<32x128xf32, #tpu.memory_space<vmem>>[vector<16xi32>, vector<16xi32>], vector<16xf32>,
      %gather3A_2153 = arith.constant 0 : i32
      %gather3A_2154 = arith.constant 0 : i32
      %gather3A_2155 = arith.constant 0 : i32
      %gather3A_2156 = tpu.memref_slice %arg11[%gather3A_2153, %gather3A_2154, %gather3A_2155] : memref<8x32x128xf32, #tpu.memory_space<vmem>> -> memref<1x32x128xf32, #tpu.memory_space<vmem>>
      %gather3A_2157 = tpu.memref_squeeze %gather3A_2156 : memref<1x32x128xf32, #tpu.memory_space<vmem>> -> memref<32x128xf32, #tpu.memory_space<vmem>>
      %gather3A_2158 = tpu.vector_load_idx %gather3A_2157[%add3A_510, %broadcast_in_dim3A_2141] : memref<32x128xf32, #tpu.memory_space<vmem>>[vector<16xi32>, vector<16xi32>], vector<16xf32>,
      %gather3A_2159 = arith.constant 0 : i32
      %gather3A_2160 = arith.constant 0 : i32
      %gather3A_2161 = arith.constant 0 : i32
      %gather3A_2162 = tpu.memref_slice %arg12[%gather3A_2159, %gather3A_2160, %gather3A_2161] : memref<8x32x128xf32, #tpu.memory_space<vmem>> -> memref<1x32x128xf32, #tpu.memory_space<vmem>>
      %gather3A_2163 = tpu.memref_squeeze %gather3A_2162 : memref<1x32x128xf32, #tpu.memory_space<vmem>> -> memref<32x128xf32, #tpu.memory_space<vmem>>
      %gather3A_2164 = tpu.vector_load_idx %gather3A_2163[%iota3A, %broadcast_in_dim3A_2146] : memref<32x128xf32, #tpu.memory_space<vmem>>[vector<16xi32>, vector<16xi32>], vector<16xf32>,
      %gather3A_2165 = arith.constant 0 : i32
      %gather3A_2166 = arith.constant 0 : i32
      %gather3A_2167 = arith.constant 0 : i32
      %gather3A_2168 = tpu.memref_slice %arg12[%gather3A_2165, %gather3A_2166, %gather3A_2167] : memref<8x32x128xf32, #tpu.memory_space<vmem>> -> memref<1x32x128xf32, #tpu.memory_space<vmem>>
      %gather3A_2169 = tpu.memref_squeeze %gather3A_2168 : memref<1x32x128xf32, #tpu.memory_space<vmem>> -> memref<32x128xf32, #tpu.memory_space<vmem>>
      %gather3A_2170 = tpu.vector_load_idx %gather3A_2169[%add3A_510, %broadcast_in_dim3A_2146] : memref<32x128xf32, #tpu.memory_space<vmem>>[vector<16xi32>, vector<16xi32>], vector<16xf32>,
      %gather3A_2171 = arith.constant 0 : i32
      %gather3A_2172 = arith.constant 0 : i32
      %gather3A_2173 = arith.constant 0 : i32
      %gather3A_2174 = tpu.memref_slice %arg13[%gather3A_2171, %gather3A_2172, %gather3A_2173] : memref<8x1x128xf32, #tpu.memory_space<vmem>> -> memref<1x1x128xf32, #tpu.memory_space<vmem>>
      %gather3A_2175 = tpu.memref_squeeze %gather3A_2174 : memref<1x1x128xf32, #tpu.memory_space<vmem>> -> memref<1x128xf32, #tpu.memory_space<vmem>>
      %gather3A_2176 = tpu.vector_load_idx %gather3A_2175[%broadcast_in_dim3A_511, %broadcast_in_dim3A_2141] : memref<1x128xf32, #tpu.memory_space<vmem>>[vector<16xi32>, vector<16xi32>], vector<16xf32>,
      %gather3A_2177 = arith.constant 0 : i32
      %gather3A_2178 = arith.constant 0 : i32
      %gather3A_2179 = arith.constant 0 : i32
      %gather3A_2180 = tpu.memref_slice %arg14[%gather3A_2177, %gather3A_2178, %gather3A_2179] : memref<8x1x128xf32, #tpu.memory_space<vmem>> -> memref<1x1x128xf32, #tpu.memory_space<vmem>>
      %gather3A_2181 = tpu.memref_squeeze %gather3A_2180 : memref<1x1x128xf32, #tpu.memory_space<vmem>> -> memref<1x128xf32, #tpu.memory_space<vmem>>
      %gather3A_2182 = tpu.vector_load_idx %gather3A_2181[%broadcast_in_dim3A_511, %broadcast_in_dim3A_2146] : memref<1x128xf32, #tpu.memory_space<vmem>>[vector<16xi32>, vector<16xi32>], vector<16xf32>,
      %mul3A_2183 = arith.mulf %gather3A_2152, %gather3A_2164 : vector<16xf32>
      %mul3A_2184 = arith.mulf %gather3A_2158, %gather3A_2170 : vector<16xf32>
      %add3A_2185 = arith.addf %mul3A_2183, %mul3A_2184 : vector<16xf32>
      %broadcast_in_dim3A_2186 = vector.shape_cast %xor3A_498 : vector<16xi32> to vector<16x1xi32>
      %gather3A_2187 = vector.shape_cast %broadcast_in_dim3A_2186 : vector<16x1xi32> to vector<16xi32>
      %gather3A_2188 = tpu.dynamic_gather %add3A_2185[%gather3A_2187] in [0] : vector<16xf32>, vector<16xi32> -> vector<16xf32>
      %add3A_2189 = arith.addf %add3A_2185, %gather3A_2188 : vector<16xf32>
      %broadcast_in_dim3A_2190 = vector.shape_cast %xor3A_501 : vector<16xi32> to vector<16x1xi32>
      %gather3A_2191 = vector.shape_cast %broadcast_in_dim3A_2190 : vector<16x1xi32> to vector<16xi32>
      %gather3A_2192 = tpu.dynamic_gather %add3A_2189[%gather3A_2191] in [0] : vector<16xf32>, vector<16xi32> -> vector<16xf32>
      %add3A_2193 = arith.addf %add3A_2189, %gather3A_2192 : vector<16xf32>
      %broadcast_in_dim3A_2194 = vector.shape_cast %xor3A_504 : vector<16xi32> to vector<16x1xi32>
      %gather3A_2195 = vector.shape_cast %broadcast_in_dim3A_2194 : vector<16x1xi32> to vector<16xi32>
      %gather3A_2196 = tpu.dynamic_gather %add3A_2193[%gather3A_2195] in [0] : vector<16xf32>, vector<16xi32> -> vector<16xf32>
      %add3A_2197 = arith.addf %add3A_2193, %gather3A_2196 : vector<16xf32>
      %broadcast_in_dim3A_2198 = vector.shape_cast %xor3A_507 : vector<16xi32> to vector<16x1xi32>
      %gather3A_2199 = vector.shape_cast %broadcast_in_dim3A_2198 : vector<16x1xi32> to vector<16xi32>
      %gather3A_2200 = tpu.dynamic_gather %add3A_2197[%gather3A_2199] in [0] : vector<16xf32>, vector<16xi32> -> vector<16xf32>
      %add3A_2201 = arith.addf %add3A_2197, %gather3A_2200 : vector<16xf32>
      %eq3A_2202 = arith.constant 8 : i32
      %eq3A_2203 = vector.broadcast %eq3A_2202 : i32 to vector<16xi32>
      %eq3A_2204 = arith.cmpi eq, %iota3A, %eq3A_2203 : vector<16xi32>
      %add3A_2205 = arith.addf %add3A_2201, %gather3A_2176 : vector<16xf32>
      %add3A_2206 = arith.addf %add3A_2205, %gather3A_2182 : vector<16xf32>
      %select_n3A_2207 = arith.select %eq3A_2204, %add3A_2206, %select_n3A_2014 : vector<16xi1>, vector<16xf32>
      %lt3A = arith.constant 31 : i32
      %lt3A_2208 = arith.cmpi slt, %scan3A_517, %lt3A : i32
      %convert_element_type3A = arith.extui %lt3A_2208 : i1 to i32
      %cond3A = arith.constant 0 : i32
      %cond3A_2209 = arith.cmpi ne, %convert_element_type3A, %cond3A : i32
      scf.if %cond3A_2209 {
        %slice3A_3163 = vector.extract_strided_slice %get3A_530 {offsets = [0], sizes = [1], strides = [1]} : vector<16xi32> to vector<1xi32>
        %squeeze3A_3164 = vector.extract %slice3A_3163[0] : i32 from vector<1xi32>
        %slice3A_3165 = vector.extract_strided_slice %get3A_534 {offsets = [0], sizes = [1], strides = [1]} : vector<16xi32> to vector<1xi32>
        %squeeze3A_3166 = vector.extract %slice3A_3165[0] : i32 from vector<1xi32>
        %and3A_3167 = arith.constant -128 : i32
        %and3A_3168 = arith.andi %squeeze3A_3164, %and3A_3167 : i32
        %multiple_of3A_3169 = tpu.assume_multiple %and3A_3168, 128 : i32
        %and3A_3170 = arith.constant -128 : i32
        %and3A_3171 = arith.andi %squeeze3A_3166, %and3A_3170 : i32
        %multiple_of3A_3172 = tpu.assume_multiple %and3A_3171, 128 : i32
        %dma_start3A_3173 = arith.constant 0 : i32
        %dma_start3A_3174 = arith.constant 0 : i32
        %dma_start3A_3175 = arith.constant 0 : i32
        %dma_start3A_3176 = tpu.memref_slice %arg11[%dma_start3A_3173, %dma_start3A_3174, %dma_start3A_3175] : memref<8x32x128xf32, #tpu.memory_space<vmem>> -> memref<1x32x128xf32, #tpu.memory_space<vmem>>
        %dma_start3A_3177 = tpu.memref_squeeze %dma_start3A_3176 : memref<1x32x128xf32, #tpu.memory_space<vmem>> -> memref<32x128xf32, #tpu.memory_space<vmem>>
        %dma_start3A_3178 = arith.constant 0 : i32
        %dma_start3A_3179 = tpu.memref_slice %arg4[%dma_start3A_3178, %multiple_of3A_3169] : memref<32x1000000xf32, #tpu.memory_space<hbm>> -> memref<32x128xf32, #tpu.memory_space<hbm>>
        %dma_start3A_3180 = arith.constant 0 : i32
        %dma_start3A_3181 = arith.constant 0 : i32
        %dma_start3A_3182 = tpu.memref_slice %arg11[%dma_start3A_3173, %dma_start3A_3180, %dma_start3A_3181] : memref<8x32x128xf32, #tpu.memory_space<vmem>> -> memref<1x32x128xf32, #tpu.memory_space<vmem>>
        %dma_start3A_3183 = tpu.memref_squeeze %dma_start3A_3182 : memref<1x32x128xf32, #tpu.memory_space<vmem>> -> memref<32x128xf32, #tpu.memory_space<vmem>>
        %dma_start3A_3184 = arith.constant 0 : i32
        %dma_start3A_3185 = tpu.memref_slice %arg4[%dma_start3A_3184, %multiple_of3A_3169] : memref<32x1000000xf32, #tpu.memory_space<hbm>> -> memref<32x128xf32, #tpu.memory_space<hbm>>
        tpu.enqueue_dma source(%dma_start3A_3185 : memref<32x128xf32, #tpu.memory_space<hbm>>) target(%dma_start3A_3183 : memref<32x128xf32, #tpu.memory_space<vmem>>) target_semaphore(%arg16 : memref<!tpu.dma_semaphore, #tpu.memory_space<semaphore_mem>>)
        %dma_start3A_3186 = arith.constant 0 : i32
        %dma_start3A_3187 = arith.constant 0 : i32
        %dma_start3A_3188 = arith.constant 0 : i32
        %dma_start3A_3189 = tpu.memref_slice %arg12[%dma_start3A_3186, %dma_start3A_3187, %dma_start3A_3188] : memref<8x32x128xf32, #tpu.memory_space<vmem>> -> memref<1x32x128xf32, #tpu.memory_space<vmem>>
        %dma_start3A_3190 = tpu.memref_squeeze %dma_start3A_3189 : memref<1x32x128xf32, #tpu.memory_space<vmem>> -> memref<32x128xf32, #tpu.memory_space<vmem>>
        %dma_start3A_3191 = arith.constant 0 : i32
        %dma_start3A_3192 = tpu.memref_slice %arg5[%dma_start3A_3191, %multiple_of3A_3172] : memref<32x1000000xf32, #tpu.memory_space<hbm>> -> memref<32x128xf32, #tpu.memory_space<hbm>>
        %dma_start3A_3193 = arith.constant 0 : i32
        %dma_start3A_3194 = arith.constant 0 : i32
        %dma_start3A_3195 = tpu.memref_slice %arg12[%dma_start3A_3186, %dma_start3A_3193, %dma_start3A_3194] : memref<8x32x128xf32, #tpu.memory_space<vmem>> -> memref<1x32x128xf32, #tpu.memory_space<vmem>>
        %dma_start3A_3196 = tpu.memref_squeeze %dma_start3A_3195 : memref<1x32x128xf32, #tpu.memory_space<vmem>> -> memref<32x128xf32, #tpu.memory_space<vmem>>
        %dma_start3A_3197 = arith.constant 0 : i32
        %dma_start3A_3198 = tpu.memref_slice %arg5[%dma_start3A_3197, %multiple_of3A_3172] : memref<32x1000000xf32, #tpu.memory_space<hbm>> -> memref<32x128xf32, #tpu.memory_space<hbm>>
        tpu.enqueue_dma source(%dma_start3A_3198 : memref<32x128xf32, #tpu.memory_space<hbm>>) target(%dma_start3A_3196 : memref<32x128xf32, #tpu.memory_space<vmem>>) target_semaphore(%arg16 : memref<!tpu.dma_semaphore, #tpu.memory_space<semaphore_mem>>)
        %dma_start3A_3199 = arith.constant 0 : i32
        %dma_start3A_3200 = arith.constant 0 : i32
        %dma_start3A_3201 = arith.constant 0 : i32
        %dma_start3A_3202 = tpu.memref_slice %arg13[%dma_start3A_3199, %dma_start3A_3200, %dma_start3A_3201] : memref<8x1x128xf32, #tpu.memory_space<vmem>> -> memref<1x1x128xf32, #tpu.memory_space<vmem>>
        %dma_start3A_3203 = tpu.memref_squeeze %dma_start3A_3202 : memref<1x1x128xf32, #tpu.memory_space<vmem>> -> memref<1x128xf32, #tpu.memory_space<vmem>>
        %dma_start3A_3204 = arith.constant 0 : i32
        %dma_start3A_3205 = tpu.memref_slice %arg6[%dma_start3A_3204, %multiple_of3A_3169] : memref<1x1000000xf32, #tpu.memory_space<hbm>> -> memref<1x128xf32, #tpu.memory_space<hbm>>
        %dma_start3A_3206 = arith.constant 0 : i32
        %dma_start3A_3207 = arith.constant 0 : i32
        %dma_start3A_3208 = tpu.memref_slice %arg13[%dma_start3A_3199, %dma_start3A_3206, %dma_start3A_3207] : memref<8x1x128xf32, #tpu.memory_space<vmem>> -> memref<1x1x128xf32, #tpu.memory_space<vmem>>
        %dma_start3A_3209 = tpu.memref_squeeze %dma_start3A_3208 : memref<1x1x128xf32, #tpu.memory_space<vmem>> -> memref<1x128xf32, #tpu.memory_space<vmem>>
        %dma_start3A_3210 = arith.constant 0 : i32
        %dma_start3A_3211 = tpu.memref_slice %arg6[%dma_start3A_3210, %multiple_of3A_3169] : memref<1x1000000xf32, #tpu.memory_space<hbm>> -> memref<1x128xf32, #tpu.memory_space<hbm>>
        tpu.enqueue_dma source(%dma_start3A_3211 : memref<1x128xf32, #tpu.memory_space<hbm>>) target(%dma_start3A_3209 : memref<1x128xf32, #tpu.memory_space<vmem>>) target_semaphore(%arg16 : memref<!tpu.dma_semaphore, #tpu.memory_space<semaphore_mem>>)
        %dma_start3A_3212 = arith.constant 0 : i32
        %dma_start3A_3213 = arith.constant 0 : i32
        %dma_start3A_3214 = arith.constant 0 : i32
        %dma_start3A_3215 = tpu.memref_slice %arg14[%dma_start3A_3212, %dma_start3A_3213, %dma_start3A_3214] : memref<8x1x128xf32, #tpu.memory_space<vmem>> -> memref<1x1x128xf32, #tpu.memory_space<vmem>>
        %dma_start3A_3216 = tpu.memref_squeeze %dma_start3A_3215 : memref<1x1x128xf32, #tpu.memory_space<vmem>> -> memref<1x128xf32, #tpu.memory_space<vmem>>
        %dma_start3A_3217 = arith.constant 0 : i32
        %dma_start3A_3218 = tpu.memref_slice %arg7[%dma_start3A_3217, %multiple_of3A_3172] : memref<1x1000000xf32, #tpu.memory_space<hbm>> -> memref<1x128xf32, #tpu.memory_space<hbm>>
        %dma_start3A_3219 = arith.constant 0 : i32
        %dma_start3A_3220 = arith.constant 0 : i32
        %dma_start3A_3221 = tpu.memref_slice %arg14[%dma_start3A_3212, %dma_start3A_3219, %dma_start3A_3220] : memref<8x1x128xf32, #tpu.memory_space<vmem>> -> memref<1x1x128xf32, #tpu.memory_space<vmem>>
        %dma_start3A_3222 = tpu.memref_squeeze %dma_start3A_3221 : memref<1x1x128xf32, #tpu.memory_space<vmem>> -> memref<1x128xf32, #tpu.memory_space<vmem>>
        %dma_start3A_3223 = arith.constant 0 : i32
        %dma_start3A_3224 = tpu.memref_slice %arg7[%dma_start3A_3223, %multiple_of3A_3172] : memref<1x1000000xf32, #tpu.memory_space<hbm>> -> memref<1x128xf32, #tpu.memory_space<hbm>>
        tpu.enqueue_dma source(%dma_start3A_3224 : memref<1x128xf32, #tpu.memory_space<hbm>>) target(%dma_start3A_3222 : memref<1x128xf32, #tpu.memory_space<vmem>>) target_semaphore(%arg16 : memref<!tpu.dma_semaphore, #tpu.memory_space<semaphore_mem>>)
      } else {
      }
      %dma_wait3A_2210 = arith.constant 1 : i32
      %dma_wait3A_2211 = arith.constant 0 : i32
      %dma_wait3A_2212 = arith.constant 0 : i32
      %dma_wait3A_2213 = tpu.memref_slice %arg11[%dma_wait3A_2210, %dma_wait3A_2211, %dma_wait3A_2212] : memref<8x32x128xf32, #tpu.memory_space<vmem>> -> memref<1x32x128xf32, #tpu.memory_space<vmem>>
      %dma_wait3A_2214 = tpu.memref_squeeze %dma_wait3A_2213 : memref<1x32x128xf32, #tpu.memory_space<vmem>> -> memref<32x128xf32, #tpu.memory_space<vmem>>
      %dma_wait3A_2215 = arith.constant 0 : i32
      %dma_wait3A_2216 = arith.constant 0 : i32
      %dma_wait3A_2217 = tpu.memref_slice %arg4[%dma_wait3A_2215, %dma_wait3A_2216] : memref<32x1000000xf32, #tpu.memory_space<hbm>> -> memref<32x128xf32, #tpu.memory_space<hbm>>
      %dma_wait3A_2218 = arith.constant 0 : i32
      %dma_wait3A_2219 = arith.constant 0 : i32
      %dma_wait3A_2220 = tpu.memref_slice %arg11[%dma_wait3A_2210, %dma_wait3A_2218, %dma_wait3A_2219] : memref<8x32x128xf32, #tpu.memory_space<vmem>> -> memref<1x32x128xf32, #tpu.memory_space<vmem>>
      %dma_wait3A_2221 = tpu.memref_squeeze %dma_wait3A_2220 : memref<1x32x128xf32, #tpu.memory_space<vmem>> -> memref<32x128xf32, #tpu.memory_space<vmem>>
      %dma_wait3A_2222 = arith.constant 0 : i32
      %dma_wait3A_2223 = arith.constant 0 : i32
      %dma_wait3A_2224 = tpu.memref_slice %arg4[%dma_wait3A_2222, %dma_wait3A_2223] : memref<32x1000000xf32, #tpu.memory_space<hbm>> -> memref<32x128xf32, #tpu.memory_space<hbm>>
      tpu.wait_dma2 semaphore(%arg16 : memref<!tpu.dma_semaphore, #tpu.memory_space<semaphore_mem>>) src(%dma_wait3A_2224 : memref<32x128xf32, #tpu.memory_space<hbm>>) dst(%dma_wait3A_2221 : memref<32x128xf32, #tpu.memory_space<vmem>>)
      %dma_wait3A_2225 = arith.constant 1 : i32
      %dma_wait3A_2226 = arith.constant 0 : i32
      %dma_wait3A_2227 = arith.constant 0 : i32
      %dma_wait3A_2228 = tpu.memref_slice %arg12[%dma_wait3A_2225, %dma_wait3A_2226, %dma_wait3A_2227] : memref<8x32x128xf32, #tpu.memory_space<vmem>> -> memref<1x32x128xf32, #tpu.memory_space<vmem>>
      %dma_wait3A_2229 = tpu.memref_squeeze %dma_wait3A_2228 : memref<1x32x128xf32, #tpu.memory_space<vmem>> -> memref<32x128xf32, #tpu.memory_space<vmem>>
      %dma_wait3A_2230 = arith.constant 0 : i32
      %dma_wait3A_2231 = arith.constant 0 : i32
      %dma_wait3A_2232 = tpu.memref_slice %arg5[%dma_wait3A_2230, %dma_wait3A_2231] : memref<32x1000000xf32, #tpu.memory_space<hbm>> -> memref<32x128xf32, #tpu.memory_space<hbm>>
      %dma_wait3A_2233 = arith.constant 0 : i32
      %dma_wait3A_2234 = arith.constant 0 : i32
      %dma_wait3A_2235 = tpu.memref_slice %arg12[%dma_wait3A_2225, %dma_wait3A_2233, %dma_wait3A_2234] : memref<8x32x128xf32, #tpu.memory_space<vmem>> -> memref<1x32x128xf32, #tpu.memory_space<vmem>>
      %dma_wait3A_2236 = tpu.memref_squeeze %dma_wait3A_2235 : memref<1x32x128xf32, #tpu.memory_space<vmem>> -> memref<32x128xf32, #tpu.memory_space<vmem>>
      %dma_wait3A_2237 = arith.constant 0 : i32
      %dma_wait3A_2238 = arith.constant 0 : i32
      %dma_wait3A_2239 = tpu.memref_slice %arg5[%dma_wait3A_2237, %dma_wait3A_2238] : memref<32x1000000xf32, #tpu.memory_space<hbm>> -> memref<32x128xf32, #tpu.memory_space<hbm>>
      tpu.wait_dma2 semaphore(%arg16 : memref<!tpu.dma_semaphore, #tpu.memory_space<semaphore_mem>>) src(%dma_wait3A_2239 : memref<32x128xf32, #tpu.memory_space<hbm>>) dst(%dma_wait3A_2236 : memref<32x128xf32, #tpu.memory_space<vmem>>)
      %dma_wait3A_2240 = arith.constant 1 : i32
      %dma_wait3A_2241 = arith.constant 0 : i32
      %dma_wait3A_2242 = arith.constant 0 : i32
      %dma_wait3A_2243 = tpu.memref_slice %arg13[%dma_wait3A_2240, %dma_wait3A_2241, %dma_wait3A_2242] : memref<8x1x128xf32, #tpu.memory_space<vmem>> -> memref<1x1x128xf32, #tpu.memory_space<vmem>>
      %dma_wait3A_2244 = tpu.memref_squeeze %dma_wait3A_2243 : memref<1x1x128xf32, #tpu.memory_space<vmem>> -> memref<1x128xf32, #tpu.memory_space<vmem>>
      %dma_wait3A_2245 = arith.constant 0 : i32
      %dma_wait3A_2246 = arith.constant 0 : i32
      %dma_wait3A_2247 = tpu.memref_slice %arg6[%dma_wait3A_2245, %dma_wait3A_2246] : memref<1x1000000xf32, #tpu.memory_space<hbm>> -> memref<1x128xf32, #tpu.memory_space<hbm>>
      %dma_wait3A_2248 = arith.constant 0 : i32
      %dma_wait3A_2249 = arith.constant 0 : i32
      %dma_wait3A_2250 = tpu.memref_slice %arg13[%dma_wait3A_2240, %dma_wait3A_2248, %dma_wait3A_2249] : memref<8x1x128xf32, #tpu.memory_space<vmem>> -> memref<1x1x128xf32, #tpu.memory_space<vmem>>
      %dma_wait3A_2251 = tpu.memref_squeeze %dma_wait3A_2250 : memref<1x1x128xf32, #tpu.memory_space<vmem>> -> memref<1x128xf32, #tpu.memory_space<vmem>>
      %dma_wait3A_2252 = arith.constant 0 : i32
      %dma_wait3A_2253 = arith.constant 0 : i32
      %dma_wait3A_2254 = tpu.memref_slice %arg6[%dma_wait3A_2252, %dma_wait3A_2253] : memref<1x1000000xf32, #tpu.memory_space<hbm>> -> memref<1x128xf32, #tpu.memory_space<hbm>>
      tpu.wait_dma2 semaphore(%arg16 : memref<!tpu.dma_semaphore, #tpu.memory_space<semaphore_mem>>) src(%dma_wait3A_2254 : memref<1x128xf32, #tpu.memory_space<hbm>>) dst(%dma_wait3A_2251 : memref<1x128xf32, #tpu.memory_space<vmem>>)
      %dma_wait3A_2255 = arith.constant 1 : i32
      %dma_wait3A_2256 = arith.constant 0 : i32
      %dma_wait3A_2257 = arith.constant 0 : i32
      %dma_wait3A_2258 = tpu.memref_slice %arg14[%dma_wait3A_2255, %dma_wait3A_2256, %dma_wait3A_2257] : memref<8x1x128xf32, #tpu.memory_space<vmem>> -> memref<1x1x128xf32, #tpu.memory_space<vmem>>
      %dma_wait3A_2259 = tpu.memref_squeeze %dma_wait3A_2258 : memref<1x1x128xf32, #tpu.memory_space<vmem>> -> memref<1x128xf32, #tpu.memory_space<vmem>>
      %dma_wait3A_2260 = arith.constant 0 : i32
      %dma_wait3A_2261 = arith.constant 0 : i32
      %dma_wait3A_2262 = tpu.memref_slice %arg7[%dma_wait3A_2260, %dma_wait3A_2261] : memref<1x1000000xf32, #tpu.memory_space<hbm>> -> memref<1x128xf32, #tpu.memory_space<hbm>>
      %dma_wait3A_2263 = arith.constant 0 : i32
      %dma_wait3A_2264 = arith.constant 0 : i32
      %dma_wait3A_2265 = tpu.memref_slice %arg14[%dma_wait3A_2255, %dma_wait3A_2263, %dma_wait3A_2264] : memref<8x1x128xf32, #tpu.memory_space<vmem>> -> memref<1x1x128xf32, #tpu.memory_space<vmem>>
      %dma_wait3A_2266 = tpu.memref_squeeze %dma_wait3A_2265 : memref<1x1x128xf32, #tpu.memory_space<vmem>> -> memref<1x128xf32, #tpu.memory_space<vmem>>
      %dma_wait3A_2267 = arith.constant 0 : i32
      %dma_wait3A_2268 = arith.constant 0 : i32
      %dma_wait3A_2269 = tpu.memref_slice %arg7[%dma_wait3A_2267, %dma_wait3A_2268] : memref<1x1000000xf32, #tpu.memory_space<hbm>> -> memref<1x128xf32, #tpu.memory_space<hbm>>
      tpu.wait_dma2 semaphore(%arg16 : memref<!tpu.dma_semaphore, #tpu.memory_space<semaphore_mem>>) src(%dma_wait3A_2269 : memref<1x128xf32, #tpu.memory_space<hbm>>) dst(%dma_wait3A_2266 : memref<1x128xf32, #tpu.memory_space<vmem>>)
      %slice3A_2270 = vector.extract_strided_slice %get3A_524 {offsets = [9], sizes = [1], strides = [1]} : vector<16xi32> to vector<1xi32>
      %squeeze3A_2271 = vector.extract %slice3A_2270[0] : i32 from vector<1xi32>
      %and3A_2272 = arith.constant 127 : i32
      %and3A_2273 = arith.andi %squeeze3A_2271, %and3A_2272 : i32
      %broadcast_in_dim3A_2274 = vector.broadcast %and3A_2273 : i32 to vector<16xi32>
      %slice3A_2275 = vector.extract_strided_slice %get3A_526 {offsets = [9], sizes = [1], strides = [1]} : vector<16xi32> to vector<1xi32>
      %squeeze3A_2276 = vector.extract %slice3A_2275[0] : i32 from vector<1xi32>
      %and3A_2277 = arith.constant 127 : i32
      %and3A_2278 = arith.andi %squeeze3A_2276, %and3A_2277 : i32
      %broadcast_in_dim3A_2279 = vector.broadcast %and3A_2278 : i32 to vector<16xi32>
      %gather3A_2280 = arith.constant 1 : i32
      %gather3A_2281 = arith.constant 0 : i32
      %gather3A_2282 = arith.constant 0 : i32
      %gather3A_2283 = tpu.memref_slice %arg11[%gather3A_2280, %gather3A_2281, %gather3A_2282] : memref<8x32x128xf32, #tpu.memory_space<vmem>> -> memref<1x32x128xf32, #tpu.memory_space<vmem>>
      %gather3A_2284 = tpu.memref_squeeze %gather3A_2283 : memref<1x32x128xf32, #tpu.memory_space<vmem>> -> memref<32x128xf32, #tpu.memory_space<vmem>>
      %gather3A_2285 = tpu.vector_load_idx %gather3A_2284[%iota3A, %broadcast_in_dim3A_2274] : memref<32x128xf32, #tpu.memory_space<vmem>>[vector<16xi32>, vector<16xi32>], vector<16xf32>,
      %gather3A_2286 = arith.constant 1 : i32
      %gather3A_2287 = arith.constant 0 : i32
      %gather3A_2288 = arith.constant 0 : i32
      %gather3A_2289 = tpu.memref_slice %arg11[%gather3A_2286, %gather3A_2287, %gather3A_2288] : memref<8x32x128xf32, #tpu.memory_space<vmem>> -> memref<1x32x128xf32, #tpu.memory_space<vmem>>
      %gather3A_2290 = tpu.memref_squeeze %gather3A_2289 : memref<1x32x128xf32, #tpu.memory_space<vmem>> -> memref<32x128xf32, #tpu.memory_space<vmem>>
      %gather3A_2291 = tpu.vector_load_idx %gather3A_2290[%add3A_510, %broadcast_in_dim3A_2274] : memref<32x128xf32, #tpu.memory_space<vmem>>[vector<16xi32>, vector<16xi32>], vector<16xf32>,
      %gather3A_2292 = arith.constant 1 : i32
      %gather3A_2293 = arith.constant 0 : i32
      %gather3A_2294 = arith.constant 0 : i32
      %gather3A_2295 = tpu.memref_slice %arg12[%gather3A_2292, %gather3A_2293, %gather3A_2294] : memref<8x32x128xf32, #tpu.memory_space<vmem>> -> memref<1x32x128xf32, #tpu.memory_space<vmem>>
      %gather3A_2296 = tpu.memref_squeeze %gather3A_2295 : memref<1x32x128xf32, #tpu.memory_space<vmem>> -> memref<32x128xf32, #tpu.memory_space<vmem>>
      %gather3A_2297 = tpu.vector_load_idx %gather3A_2296[%iota3A, %broadcast_in_dim3A_2279] : memref<32x128xf32, #tpu.memory_space<vmem>>[vector<16xi32>, vector<16xi32>], vector<16xf32>,
      %gather3A_2298 = arith.constant 1 : i32
      %gather3A_2299 = arith.constant 0 : i32
      %gather3A_2300 = arith.constant 0 : i32
      %gather3A_2301 = tpu.memref_slice %arg12[%gather3A_2298, %gather3A_2299, %gather3A_2300] : memref<8x32x128xf32, #tpu.memory_space<vmem>> -> memref<1x32x128xf32, #tpu.memory_space<vmem>>
      %gather3A_2302 = tpu.memref_squeeze %gather3A_2301 : memref<1x32x128xf32, #tpu.memory_space<vmem>> -> memref<32x128xf32, #tpu.memory_space<vmem>>
      %gather3A_2303 = tpu.vector_load_idx %gather3A_2302[%add3A_510, %broadcast_in_dim3A_2279] : memref<32x128xf32, #tpu.memory_space<vmem>>[vector<16xi32>, vector<16xi32>], vector<16xf32>,
      %gather3A_2304 = arith.constant 1 : i32
      %gather3A_2305 = arith.constant 0 : i32
      %gather3A_2306 = arith.constant 0 : i32
      %gather3A_2307 = tpu.memref_slice %arg13[%gather3A_2304, %gather3A_2305, %gather3A_2306] : memref<8x1x128xf32, #tpu.memory_space<vmem>> -> memref<1x1x128xf32, #tpu.memory_space<vmem>>
      %gather3A_2308 = tpu.memref_squeeze %gather3A_2307 : memref<1x1x128xf32, #tpu.memory_space<vmem>> -> memref<1x128xf32, #tpu.memory_space<vmem>>
      %gather3A_2309 = tpu.vector_load_idx %gather3A_2308[%broadcast_in_dim3A_511, %broadcast_in_dim3A_2274] : memref<1x128xf32, #tpu.memory_space<vmem>>[vector<16xi32>, vector<16xi32>], vector<16xf32>,
      %gather3A_2310 = arith.constant 1 : i32
      %gather3A_2311 = arith.constant 0 : i32
      %gather3A_2312 = arith.constant 0 : i32
      %gather3A_2313 = tpu.memref_slice %arg14[%gather3A_2310, %gather3A_2311, %gather3A_2312] : memref<8x1x128xf32, #tpu.memory_space<vmem>> -> memref<1x1x128xf32, #tpu.memory_space<vmem>>
      %gather3A_2314 = tpu.memref_squeeze %gather3A_2313 : memref<1x1x128xf32, #tpu.memory_space<vmem>> -> memref<1x128xf32, #tpu.memory_space<vmem>>
      %gather3A_2315 = tpu.vector_load_idx %gather3A_2314[%broadcast_in_dim3A_511, %broadcast_in_dim3A_2279] : memref<1x128xf32, #tpu.memory_space<vmem>>[vector<16xi32>, vector<16xi32>], vector<16xf32>,
      %mul3A_2316 = arith.mulf %gather3A_2285, %gather3A_2297 : vector<16xf32>
      %mul3A_2317 = arith.mulf %gather3A_2291, %gather3A_2303 : vector<16xf32>
      %add3A_2318 = arith.addf %mul3A_2316, %mul3A_2317 : vector<16xf32>
      %broadcast_in_dim3A_2319 = vector.shape_cast %xor3A_498 : vector<16xi32> to vector<16x1xi32>
      %gather3A_2320 = vector.shape_cast %broadcast_in_dim3A_2319 : vector<16x1xi32> to vector<16xi32>
      %gather3A_2321 = tpu.dynamic_gather %add3A_2318[%gather3A_2320] in [0] : vector<16xf32>, vector<16xi32> -> vector<16xf32>
      %add3A_2322 = arith.addf %add3A_2318, %gather3A_2321 : vector<16xf32>
      %broadcast_in_dim3A_2323 = vector.shape_cast %xor3A_501 : vector<16xi32> to vector<16x1xi32>
      %gather3A_2324 = vector.shape_cast %broadcast_in_dim3A_2323 : vector<16x1xi32> to vector<16xi32>
      %gather3A_2325 = tpu.dynamic_gather %add3A_2322[%gather3A_2324] in [0] : vector<16xf32>, vector<16xi32> -> vector<16xf32>
      %add3A_2326 = arith.addf %add3A_2322, %gather3A_2325 : vector<16xf32>
      %broadcast_in_dim3A_2327 = vector.shape_cast %xor3A_504 : vector<16xi32> to vector<16x1xi32>
      %gather3A_2328 = vector.shape_cast %broadcast_in_dim3A_2327 : vector<16x1xi32> to vector<16xi32>
      %gather3A_2329 = tpu.dynamic_gather %add3A_2326[%gather3A_2328] in [0] : vector<16xf32>, vector<16xi32> -> vector<16xf32>
      %add3A_2330 = arith.addf %add3A_2326, %gather3A_2329 : vector<16xf32>
      %broadcast_in_dim3A_2331 = vector.shape_cast %xor3A_507 : vector<16xi32> to vector<16x1xi32>
      %gather3A_2332 = vector.shape_cast %broadcast_in_dim3A_2331 : vector<16x1xi32> to vector<16xi32>
      %gather3A_2333 = tpu.dynamic_gather %add3A_2330[%gather3A_2332] in [0] : vector<16xf32>, vector<16xi32> -> vector<16xf32>
      %add3A_2334 = arith.addf %add3A_2330, %gather3A_2333 : vector<16xf32>
      %eq3A_2335 = arith.constant 9 : i32
      %eq3A_2336 = vector.broadcast %eq3A_2335 : i32 to vector<16xi32>
      %eq3A_2337 = arith.cmpi eq, %iota3A, %eq3A_2336 : vector<16xi32>
      %add3A_2338 = arith.addf %add3A_2334, %gather3A_2309 : vector<16xf32>
      %add3A_2339 = arith.addf %add3A_2338, %gather3A_2315 : vector<16xf32>
      %select_n3A_2340 = arith.select %eq3A_2337, %add3A_2339, %select_n3A_2207 : vector<16xi1>, vector<16xf32>
      %lt3A_2341 = arith.constant 31 : i32
      %lt3A_2342 = arith.cmpi slt, %scan3A_517, %lt3A_2341 : i32
      %convert_element_type3A_2343 = arith.extui %lt3A_2342 : i1 to i32
      %cond3A_2344 = arith.constant 0 : i32
      %cond3A_2345 = arith.cmpi ne, %convert_element_type3A_2343, %cond3A_2344 : i32
      scf.if %cond3A_2345 {
        %slice3A_3163 = vector.extract_strided_slice %get3A_530 {offsets = [1], sizes = [1], strides = [1]} : vector<16xi32> to vector<1xi32>
        %squeeze3A_3164 = vector.extract %slice3A_3163[0] : i32 from vector<1xi32>
        %slice3A_3165 = vector.extract_strided_slice %get3A_534 {offsets = [1], sizes = [1], strides = [1]} : vector<16xi32> to vector<1xi32>
        %squeeze3A_3166 = vector.extract %slice3A_3165[0] : i32 from vector<1xi32>
        %and3A_3167 = arith.constant -128 : i32
        %and3A_3168 = arith.andi %squeeze3A_3164, %and3A_3167 : i32
        %multiple_of3A_3169 = tpu.assume_multiple %and3A_3168, 128 : i32
        %and3A_3170 = arith.constant -128 : i32
        %and3A_3171 = arith.andi %squeeze3A_3166, %and3A_3170 : i32
        %multiple_of3A_3172 = tpu.assume_multiple %and3A_3171, 128 : i32
        %dma_start3A_3173 = arith.constant 1 : i32
        %dma_start3A_3174 = arith.constant 0 : i32
        %dma_start3A_3175 = arith.constant 0 : i32
        %dma_start3A_3176 = tpu.memref_slice %arg11[%dma_start3A_3173, %dma_start3A_3174, %dma_start3A_3175] : memref<8x32x128xf32, #tpu.memory_space<vmem>> -> memref<1x32x128xf32, #tpu.memory_space<vmem>>
        %dma_start3A_3177 = tpu.memref_squeeze %dma_start3A_3176 : memref<1x32x128xf32, #tpu.memory_space<vmem>> -> memref<32x128xf32, #tpu.memory_space<vmem>>
        %dma_start3A_3178 = arith.constant 0 : i32
        %dma_start3A_3179 = tpu.memref_slice %arg4[%dma_start3A_3178, %multiple_of3A_3169] : memref<32x1000000xf32, #tpu.memory_space<hbm>> -> memref<32x128xf32, #tpu.memory_space<hbm>>
        %dma_start3A_3180 = arith.constant 0 : i32
        %dma_start3A_3181 = arith.constant 0 : i32
        %dma_start3A_3182 = tpu.memref_slice %arg11[%dma_start3A_3173, %dma_start3A_3180, %dma_start3A_3181] : memref<8x32x128xf32, #tpu.memory_space<vmem>> -> memref<1x32x128xf32, #tpu.memory_space<vmem>>
        %dma_start3A_3183 = tpu.memref_squeeze %dma_start3A_3182 : memref<1x32x128xf32, #tpu.memory_space<vmem>> -> memref<32x128xf32, #tpu.memory_space<vmem>>
        %dma_start3A_3184 = arith.constant 0 : i32
        %dma_start3A_3185 = tpu.memref_slice %arg4[%dma_start3A_3184, %multiple_of3A_3169] : memref<32x1000000xf32, #tpu.memory_space<hbm>> -> memref<32x128xf32, #tpu.memory_space<hbm>>
        tpu.enqueue_dma source(%dma_start3A_3185 : memref<32x128xf32, #tpu.memory_space<hbm>>) target(%dma_start3A_3183 : memref<32x128xf32, #tpu.memory_space<vmem>>) target_semaphore(%arg16 : memref<!tpu.dma_semaphore, #tpu.memory_space<semaphore_mem>>)
        %dma_start3A_3186 = arith.constant 1 : i32
        %dma_start3A_3187 = arith.constant 0 : i32
        %dma_start3A_3188 = arith.constant 0 : i32
        %dma_start3A_3189 = tpu.memref_slice %arg12[%dma_start3A_3186, %dma_start3A_3187, %dma_start3A_3188] : memref<8x32x128xf32, #tpu.memory_space<vmem>> -> memref<1x32x128xf32, #tpu.memory_space<vmem>>
        %dma_start3A_3190 = tpu.memref_squeeze %dma_start3A_3189 : memref<1x32x128xf32, #tpu.memory_space<vmem>> -> memref<32x128xf32, #tpu.memory_space<vmem>>
        %dma_start3A_3191 = arith.constant 0 : i32
        %dma_start3A_3192 = tpu.memref_slice %arg5[%dma_start3A_3191, %multiple_of3A_3172] : memref<32x1000000xf32, #tpu.memory_space<hbm>> -> memref<32x128xf32, #tpu.memory_space<hbm>>
        %dma_start3A_3193 = arith.constant 0 : i32
        %dma_start3A_3194 = arith.constant 0 : i32
        %dma_start3A_3195 = tpu.memref_slice %arg12[%dma_start3A_3186, %dma_start3A_3193, %dma_start3A_3194] : memref<8x32x128xf32, #tpu.memory_space<vmem>> -> memref<1x32x128xf32, #tpu.memory_space<vmem>>
        %dma_start3A_3196 = tpu.memref_squeeze %dma_start3A_3195 : memref<1x32x128xf32, #tpu.memory_space<vmem>> -> memref<32x128xf32, #tpu.memory_space<vmem>>
        %dma_start3A_3197 = arith.constant 0 : i32
        %dma_start3A_3198 = tpu.memref_slice %arg5[%dma_start3A_3197, %multiple_of3A_3172] : memref<32x1000000xf32, #tpu.memory_space<hbm>> -> memref<32x128xf32, #tpu.memory_space<hbm>>
        tpu.enqueue_dma source(%dma_start3A_3198 : memref<32x128xf32, #tpu.memory_space<hbm>>) target(%dma_start3A_3196 : memref<32x128xf32, #tpu.memory_space<vmem>>) target_semaphore(%arg16 : memref<!tpu.dma_semaphore, #tpu.memory_space<semaphore_mem>>)
        %dma_start3A_3199 = arith.constant 1 : i32
        %dma_start3A_3200 = arith.constant 0 : i32
        %dma_start3A_3201 = arith.constant 0 : i32
        %dma_start3A_3202 = tpu.memref_slice %arg13[%dma_start3A_3199, %dma_start3A_3200, %dma_start3A_3201] : memref<8x1x128xf32, #tpu.memory_space<vmem>> -> memref<1x1x128xf32, #tpu.memory_space<vmem>>
        %dma_start3A_3203 = tpu.memref_squeeze %dma_start3A_3202 : memref<1x1x128xf32, #tpu.memory_space<vmem>> -> memref<1x128xf32, #tpu.memory_space<vmem>>
        %dma_start3A_3204 = arith.constant 0 : i32
        %dma_start3A_3205 = tpu.memref_slice %arg6[%dma_start3A_3204, %multiple_of3A_3169] : memref<1x1000000xf32, #tpu.memory_space<hbm>> -> memref<1x128xf32, #tpu.memory_space<hbm>>
        %dma_start3A_3206 = arith.constant 0 : i32
        %dma_start3A_3207 = arith.constant 0 : i32
        %dma_start3A_3208 = tpu.memref_slice %arg13[%dma_start3A_3199, %dma_start3A_3206, %dma_start3A_3207] : memref<8x1x128xf32, #tpu.memory_space<vmem>> -> memref<1x1x128xf32, #tpu.memory_space<vmem>>
        %dma_start3A_3209 = tpu.memref_squeeze %dma_start3A_3208 : memref<1x1x128xf32, #tpu.memory_space<vmem>> -> memref<1x128xf32, #tpu.memory_space<vmem>>
        %dma_start3A_3210 = arith.constant 0 : i32
        %dma_start3A_3211 = tpu.memref_slice %arg6[%dma_start3A_3210, %multiple_of3A_3169] : memref<1x1000000xf32, #tpu.memory_space<hbm>> -> memref<1x128xf32, #tpu.memory_space<hbm>>
        tpu.enqueue_dma source(%dma_start3A_3211 : memref<1x128xf32, #tpu.memory_space<hbm>>) target(%dma_start3A_3209 : memref<1x128xf32, #tpu.memory_space<vmem>>) target_semaphore(%arg16 : memref<!tpu.dma_semaphore, #tpu.memory_space<semaphore_mem>>)
        %dma_start3A_3212 = arith.constant 1 : i32
        %dma_start3A_3213 = arith.constant 0 : i32
        %dma_start3A_3214 = arith.constant 0 : i32
        %dma_start3A_3215 = tpu.memref_slice %arg14[%dma_start3A_3212, %dma_start3A_3213, %dma_start3A_3214] : memref<8x1x128xf32, #tpu.memory_space<vmem>> -> memref<1x1x128xf32, #tpu.memory_space<vmem>>
        %dma_start3A_3216 = tpu.memref_squeeze %dma_start3A_3215 : memref<1x1x128xf32, #tpu.memory_space<vmem>> -> memref<1x128xf32, #tpu.memory_space<vmem>>
        %dma_start3A_3217 = arith.constant 0 : i32
        %dma_start3A_3218 = tpu.memref_slice %arg7[%dma_start3A_3217, %multiple_of3A_3172] : memref<1x1000000xf32, #tpu.memory_space<hbm>> -> memref<1x128xf32, #tpu.memory_space<hbm>>
        %dma_start3A_3219 = arith.constant 0 : i32
        %dma_start3A_3220 = arith.constant 0 : i32
        %dma_start3A_3221 = tpu.memref_slice %arg14[%dma_start3A_3212, %dma_start3A_3219, %dma_start3A_3220] : memref<8x1x128xf32, #tpu.memory_space<vmem>> -> memref<1x1x128xf32, #tpu.memory_space<vmem>>
        %dma_start3A_3222 = tpu.memref_squeeze %dma_start3A_3221 : memref<1x1x128xf32, #tpu.memory_space<vmem>> -> memref<1x128xf32, #tpu.memory_space<vmem>>
        %dma_start3A_3223 = arith.constant 0 : i32
        %dma_start3A_3224 = tpu.memref_slice %arg7[%dma_start3A_3223, %multiple_of3A_3172] : memref<1x1000000xf32, #tpu.memory_space<hbm>> -> memref<1x128xf32, #tpu.memory_space<hbm>>
        tpu.enqueue_dma source(%dma_start3A_3224 : memref<1x128xf32, #tpu.memory_space<hbm>>) target(%dma_start3A_3222 : memref<1x128xf32, #tpu.memory_space<vmem>>) target_semaphore(%arg16 : memref<!tpu.dma_semaphore, #tpu.memory_space<semaphore_mem>>)
      } else {
      }
      %dma_wait3A_2346 = arith.constant 2 : i32
      %dma_wait3A_2347 = arith.constant 0 : i32
      %dma_wait3A_2348 = arith.constant 0 : i32
      %dma_wait3A_2349 = tpu.memref_slice %arg11[%dma_wait3A_2346, %dma_wait3A_2347, %dma_wait3A_2348] : memref<8x32x128xf32, #tpu.memory_space<vmem>> -> memref<1x32x128xf32, #tpu.memory_space<vmem>>
      %dma_wait3A_2350 = tpu.memref_squeeze %dma_wait3A_2349 : memref<1x32x128xf32, #tpu.memory_space<vmem>> -> memref<32x128xf32, #tpu.memory_space<vmem>>
      %dma_wait3A_2351 = arith.constant 0 : i32
      %dma_wait3A_2352 = arith.constant 0 : i32
      %dma_wait3A_2353 = tpu.memref_slice %arg4[%dma_wait3A_2351, %dma_wait3A_2352] : memref<32x1000000xf32, #tpu.memory_space<hbm>> -> memref<32x128xf32, #tpu.memory_space<hbm>>
      %dma_wait3A_2354 = arith.constant 0 : i32
      %dma_wait3A_2355 = arith.constant 0 : i32
      %dma_wait3A_2356 = tpu.memref_slice %arg11[%dma_wait3A_2346, %dma_wait3A_2354, %dma_wait3A_2355] : memref<8x32x128xf32, #tpu.memory_space<vmem>> -> memref<1x32x128xf32, #tpu.memory_space<vmem>>
      %dma_wait3A_2357 = tpu.memref_squeeze %dma_wait3A_2356 : memref<1x32x128xf32, #tpu.memory_space<vmem>> -> memref<32x128xf32, #tpu.memory_space<vmem>>
      %dma_wait3A_2358 = arith.constant 0 : i32
      %dma_wait3A_2359 = arith.constant 0 : i32
      %dma_wait3A_2360 = tpu.memref_slice %arg4[%dma_wait3A_2358, %dma_wait3A_2359] : memref<32x1000000xf32, #tpu.memory_space<hbm>> -> memref<32x128xf32, #tpu.memory_space<hbm>>
      tpu.wait_dma2 semaphore(%arg16 : memref<!tpu.dma_semaphore, #tpu.memory_space<semaphore_mem>>) src(%dma_wait3A_2360 : memref<32x128xf32, #tpu.memory_space<hbm>>) dst(%dma_wait3A_2357 : memref<32x128xf32, #tpu.memory_space<vmem>>)
      %dma_wait3A_2361 = arith.constant 2 : i32
      %dma_wait3A_2362 = arith.constant 0 : i32
      %dma_wait3A_2363 = arith.constant 0 : i32
      %dma_wait3A_2364 = tpu.memref_slice %arg12[%dma_wait3A_2361, %dma_wait3A_2362, %dma_wait3A_2363] : memref<8x32x128xf32, #tpu.memory_space<vmem>> -> memref<1x32x128xf32, #tpu.memory_space<vmem>>
      %dma_wait3A_2365 = tpu.memref_squeeze %dma_wait3A_2364 : memref<1x32x128xf32, #tpu.memory_space<vmem>> -> memref<32x128xf32, #tpu.memory_space<vmem>>
      %dma_wait3A_2366 = arith.constant 0 : i32
      %dma_wait3A_2367 = arith.constant 0 : i32
      %dma_wait3A_2368 = tpu.memref_slice %arg5[%dma_wait3A_2366, %dma_wait3A_2367] : memref<32x1000000xf32, #tpu.memory_space<hbm>> -> memref<32x128xf32, #tpu.memory_space<hbm>>
      %dma_wait3A_2369 = arith.constant 0 : i32
      %dma_wait3A_2370 = arith.constant 0 : i32
      %dma_wait3A_2371 = tpu.memref_slice %arg12[%dma_wait3A_2361, %dma_wait3A_2369, %dma_wait3A_2370] : memref<8x32x128xf32, #tpu.memory_space<vmem>> -> memref<1x32x128xf32, #tpu.memory_space<vmem>>
      %dma_wait3A_2372 = tpu.memref_squeeze %dma_wait3A_2371 : memref<1x32x128xf32, #tpu.memory_space<vmem>> -> memref<32x128xf32, #tpu.memory_space<vmem>>
      %dma_wait3A_2373 = arith.constant 0 : i32
      %dma_wait3A_2374 = arith.constant 0 : i32
      %dma_wait3A_2375 = tpu.memref_slice %arg5[%dma_wait3A_2373, %dma_wait3A_2374] : memref<32x1000000xf32, #tpu.memory_space<hbm>> -> memref<32x128xf32, #tpu.memory_space<hbm>>
      tpu.wait_dma2 semaphore(%arg16 : memref<!tpu.dma_semaphore, #tpu.memory_space<semaphore_mem>>) src(%dma_wait3A_2375 : memref<32x128xf32, #tpu.memory_space<hbm>>) dst(%dma_wait3A_2372 : memref<32x128xf32, #tpu.memory_space<vmem>>)
      %dma_wait3A_2376 = arith.constant 2 : i32
      %dma_wait3A_2377 = arith.constant 0 : i32
      %dma_wait3A_2378 = arith.constant 0 : i32
      %dma_wait3A_2379 = tpu.memref_slice %arg13[%dma_wait3A_2376, %dma_wait3A_2377, %dma_wait3A_2378] : memref<8x1x128xf32, #tpu.memory_space<vmem>> -> memref<1x1x128xf32, #tpu.memory_space<vmem>>
      %dma_wait3A_2380 = tpu.memref_squeeze %dma_wait3A_2379 : memref<1x1x128xf32, #tpu.memory_space<vmem>> -> memref<1x128xf32, #tpu.memory_space<vmem>>
      %dma_wait3A_2381 = arith.constant 0 : i32
      %dma_wait3A_2382 = arith.constant 0 : i32
      %dma_wait3A_2383 = tpu.memref_slice %arg6[%dma_wait3A_2381, %dma_wait3A_2382] : memref<1x1000000xf32, #tpu.memory_space<hbm>> -> memref<1x128xf32, #tpu.memory_space<hbm>>
      %dma_wait3A_2384 = arith.constant 0 : i32
      %dma_wait3A_2385 = arith.constant 0 : i32
      %dma_wait3A_2386 = tpu.memref_slice %arg13[%dma_wait3A_2376, %dma_wait3A_2384, %dma_wait3A_2385] : memref<8x1x128xf32, #tpu.memory_space<vmem>> -> memref<1x1x128xf32, #tpu.memory_space<vmem>>
      %dma_wait3A_2387 = tpu.memref_squeeze %dma_wait3A_2386 : memref<1x1x128xf32, #tpu.memory_space<vmem>> -> memref<1x128xf32, #tpu.memory_space<vmem>>
      %dma_wait3A_2388 = arith.constant 0 : i32
      %dma_wait3A_2389 = arith.constant 0 : i32
      %dma_wait3A_2390 = tpu.memref_slice %arg6[%dma_wait3A_2388, %dma_wait3A_2389] : memref<1x1000000xf32, #tpu.memory_space<hbm>> -> memref<1x128xf32, #tpu.memory_space<hbm>>
      tpu.wait_dma2 semaphore(%arg16 : memref<!tpu.dma_semaphore, #tpu.memory_space<semaphore_mem>>) src(%dma_wait3A_2390 : memref<1x128xf32, #tpu.memory_space<hbm>>) dst(%dma_wait3A_2387 : memref<1x128xf32, #tpu.memory_space<vmem>>)
      %dma_wait3A_2391 = arith.constant 2 : i32
      %dma_wait3A_2392 = arith.constant 0 : i32
      %dma_wait3A_2393 = arith.constant 0 : i32
      %dma_wait3A_2394 = tpu.memref_slice %arg14[%dma_wait3A_2391, %dma_wait3A_2392, %dma_wait3A_2393] : memref<8x1x128xf32, #tpu.memory_space<vmem>> -> memref<1x1x128xf32, #tpu.memory_space<vmem>>
      %dma_wait3A_2395 = tpu.memref_squeeze %dma_wait3A_2394 : memref<1x1x128xf32, #tpu.memory_space<vmem>> -> memref<1x128xf32, #tpu.memory_space<vmem>>
      %dma_wait3A_2396 = arith.constant 0 : i32
      %dma_wait3A_2397 = arith.constant 0 : i32
      %dma_wait3A_2398 = tpu.memref_slice %arg7[%dma_wait3A_2396, %dma_wait3A_2397] : memref<1x1000000xf32, #tpu.memory_space<hbm>> -> memref<1x128xf32, #tpu.memory_space<hbm>>
      %dma_wait3A_2399 = arith.constant 0 : i32
      %dma_wait3A_2400 = arith.constant 0 : i32
      %dma_wait3A_2401 = tpu.memref_slice %arg14[%dma_wait3A_2391, %dma_wait3A_2399, %dma_wait3A_2400] : memref<8x1x128xf32, #tpu.memory_space<vmem>> -> memref<1x1x128xf32, #tpu.memory_space<vmem>>
      %dma_wait3A_2402 = tpu.memref_squeeze %dma_wait3A_2401 : memref<1x1x128xf32, #tpu.memory_space<vmem>> -> memref<1x128xf32, #tpu.memory_space<vmem>>
      %dma_wait3A_2403 = arith.constant 0 : i32
      %dma_wait3A_2404 = arith.constant 0 : i32
      %dma_wait3A_2405 = tpu.memref_slice %arg7[%dma_wait3A_2403, %dma_wait3A_2404] : memref<1x1000000xf32, #tpu.memory_space<hbm>> -> memref<1x128xf32, #tpu.memory_space<hbm>>
      tpu.wait_dma2 semaphore(%arg16 : memref<!tpu.dma_semaphore, #tpu.memory_space<semaphore_mem>>) src(%dma_wait3A_2405 : memref<1x128xf32, #tpu.memory_space<hbm>>) dst(%dma_wait3A_2402 : memref<1x128xf32, #tpu.memory_space<vmem>>)
      %slice3A_2406 = vector.extract_strided_slice %get3A_524 {offsets = [10], sizes = [1], strides = [1]} : vector<16xi32> to vector<1xi32>
      %squeeze3A_2407 = vector.extract %slice3A_2406[0] : i32 from vector<1xi32>
      %and3A_2408 = arith.constant 127 : i32
      %and3A_2409 = arith.andi %squeeze3A_2407, %and3A_2408 : i32
      %broadcast_in_dim3A_2410 = vector.broadcast %and3A_2409 : i32 to vector<16xi32>
      %slice3A_2411 = vector.extract_strided_slice %get3A_526 {offsets = [10], sizes = [1], strides = [1]} : vector<16xi32> to vector<1xi32>
      %squeeze3A_2412 = vector.extract %slice3A_2411[0] : i32 from vector<1xi32>
      %and3A_2413 = arith.constant 127 : i32
      %and3A_2414 = arith.andi %squeeze3A_2412, %and3A_2413 : i32
      %broadcast_in_dim3A_2415 = vector.broadcast %and3A_2414 : i32 to vector<16xi32>
      %gather3A_2416 = arith.constant 2 : i32
      %gather3A_2417 = arith.constant 0 : i32
      %gather3A_2418 = arith.constant 0 : i32
      %gather3A_2419 = tpu.memref_slice %arg11[%gather3A_2416, %gather3A_2417, %gather3A_2418] : memref<8x32x128xf32, #tpu.memory_space<vmem>> -> memref<1x32x128xf32, #tpu.memory_space<vmem>>
      %gather3A_2420 = tpu.memref_squeeze %gather3A_2419 : memref<1x32x128xf32, #tpu.memory_space<vmem>> -> memref<32x128xf32, #tpu.memory_space<vmem>>
      %gather3A_2421 = tpu.vector_load_idx %gather3A_2420[%iota3A, %broadcast_in_dim3A_2410] : memref<32x128xf32, #tpu.memory_space<vmem>>[vector<16xi32>, vector<16xi32>], vector<16xf32>,
      %gather3A_2422 = arith.constant 2 : i32
      %gather3A_2423 = arith.constant 0 : i32
      %gather3A_2424 = arith.constant 0 : i32
      %gather3A_2425 = tpu.memref_slice %arg11[%gather3A_2422, %gather3A_2423, %gather3A_2424] : memref<8x32x128xf32, #tpu.memory_space<vmem>> -> memref<1x32x128xf32, #tpu.memory_space<vmem>>
      %gather3A_2426 = tpu.memref_squeeze %gather3A_2425 : memref<1x32x128xf32, #tpu.memory_space<vmem>> -> memref<32x128xf32, #tpu.memory_space<vmem>>
      %gather3A_2427 = tpu.vector_load_idx %gather3A_2426[%add3A_510, %broadcast_in_dim3A_2410] : memref<32x128xf32, #tpu.memory_space<vmem>>[vector<16xi32>, vector<16xi32>], vector<16xf32>,
      %gather3A_2428 = arith.constant 2 : i32
      %gather3A_2429 = arith.constant 0 : i32
      %gather3A_2430 = arith.constant 0 : i32
      %gather3A_2431 = tpu.memref_slice %arg12[%gather3A_2428, %gather3A_2429, %gather3A_2430] : memref<8x32x128xf32, #tpu.memory_space<vmem>> -> memref<1x32x128xf32, #tpu.memory_space<vmem>>
      %gather3A_2432 = tpu.memref_squeeze %gather3A_2431 : memref<1x32x128xf32, #tpu.memory_space<vmem>> -> memref<32x128xf32, #tpu.memory_space<vmem>>
      %gather3A_2433 = tpu.vector_load_idx %gather3A_2432[%iota3A, %broadcast_in_dim3A_2415] : memref<32x128xf32, #tpu.memory_space<vmem>>[vector<16xi32>, vector<16xi32>], vector<16xf32>,
      %gather3A_2434 = arith.constant 2 : i32
      %gather3A_2435 = arith.constant 0 : i32
      %gather3A_2436 = arith.constant 0 : i32
      %gather3A_2437 = tpu.memref_slice %arg12[%gather3A_2434, %gather3A_2435, %gather3A_2436] : memref<8x32x128xf32, #tpu.memory_space<vmem>> -> memref<1x32x128xf32, #tpu.memory_space<vmem>>
      %gather3A_2438 = tpu.memref_squeeze %gather3A_2437 : memref<1x32x128xf32, #tpu.memory_space<vmem>> -> memref<32x128xf32, #tpu.memory_space<vmem>>
      %gather3A_2439 = tpu.vector_load_idx %gather3A_2438[%add3A_510, %broadcast_in_dim3A_2415] : memref<32x128xf32, #tpu.memory_space<vmem>>[vector<16xi32>, vector<16xi32>], vector<16xf32>,
      %gather3A_2440 = arith.constant 2 : i32
      %gather3A_2441 = arith.constant 0 : i32
      %gather3A_2442 = arith.constant 0 : i32
      %gather3A_2443 = tpu.memref_slice %arg13[%gather3A_2440, %gather3A_2441, %gather3A_2442] : memref<8x1x128xf32, #tpu.memory_space<vmem>> -> memref<1x1x128xf32, #tpu.memory_space<vmem>>
      %gather3A_2444 = tpu.memref_squeeze %gather3A_2443 : memref<1x1x128xf32, #tpu.memory_space<vmem>> -> memref<1x128xf32, #tpu.memory_space<vmem>>
      %gather3A_2445 = tpu.vector_load_idx %gather3A_2444[%broadcast_in_dim3A_511, %broadcast_in_dim3A_2410] : memref<1x128xf32, #tpu.memory_space<vmem>>[vector<16xi32>, vector<16xi32>], vector<16xf32>,
      %gather3A_2446 = arith.constant 2 : i32
      %gather3A_2447 = arith.constant 0 : i32
      %gather3A_2448 = arith.constant 0 : i32
      %gather3A_2449 = tpu.memref_slice %arg14[%gather3A_2446, %gather3A_2447, %gather3A_2448] : memref<8x1x128xf32, #tpu.memory_space<vmem>> -> memref<1x1x128xf32, #tpu.memory_space<vmem>>
      %gather3A_2450 = tpu.memref_squeeze %gather3A_2449 : memref<1x1x128xf32, #tpu.memory_space<vmem>> -> memref<1x128xf32, #tpu.memory_space<vmem>>
      %gather3A_2451 = tpu.vector_load_idx %gather3A_2450[%broadcast_in_dim3A_511, %broadcast_in_dim3A_2415] : memref<1x128xf32, #tpu.memory_space<vmem>>[vector<16xi32>, vector<16xi32>], vector<16xf32>,
      %mul3A_2452 = arith.mulf %gather3A_2421, %gather3A_2433 : vector<16xf32>
      %mul3A_2453 = arith.mulf %gather3A_2427, %gather3A_2439 : vector<16xf32>
      %add3A_2454 = arith.addf %mul3A_2452, %mul3A_2453 : vector<16xf32>
      %broadcast_in_dim3A_2455 = vector.shape_cast %xor3A_498 : vector<16xi32> to vector<16x1xi32>
      %gather3A_2456 = vector.shape_cast %broadcast_in_dim3A_2455 : vector<16x1xi32> to vector<16xi32>
      %gather3A_2457 = tpu.dynamic_gather %add3A_2454[%gather3A_2456] in [0] : vector<16xf32>, vector<16xi32> -> vector<16xf32>
      %add3A_2458 = arith.addf %add3A_2454, %gather3A_2457 : vector<16xf32>
      %broadcast_in_dim3A_2459 = vector.shape_cast %xor3A_501 : vector<16xi32> to vector<16x1xi32>
      %gather3A_2460 = vector.shape_cast %broadcast_in_dim3A_2459 : vector<16x1xi32> to vector<16xi32>
      %gather3A_2461 = tpu.dynamic_gather %add3A_2458[%gather3A_2460] in [0] : vector<16xf32>, vector<16xi32> -> vector<16xf32>
      %add3A_2462 = arith.addf %add3A_2458, %gather3A_2461 : vector<16xf32>
      %broadcast_in_dim3A_2463 = vector.shape_cast %xor3A_504 : vector<16xi32> to vector<16x1xi32>
      %gather3A_2464 = vector.shape_cast %broadcast_in_dim3A_2463 : vector<16x1xi32> to vector<16xi32>
      %gather3A_2465 = tpu.dynamic_gather %add3A_2462[%gather3A_2464] in [0] : vector<16xf32>, vector<16xi32> -> vector<16xf32>
      %add3A_2466 = arith.addf %add3A_2462, %gather3A_2465 : vector<16xf32>
      %broadcast_in_dim3A_2467 = vector.shape_cast %xor3A_507 : vector<16xi32> to vector<16x1xi32>
      %gather3A_2468 = vector.shape_cast %broadcast_in_dim3A_2467 : vector<16x1xi32> to vector<16xi32>
      %gather3A_2469 = tpu.dynamic_gather %add3A_2466[%gather3A_2468] in [0] : vector<16xf32>, vector<16xi32> -> vector<16xf32>
      %add3A_2470 = arith.addf %add3A_2466, %gather3A_2469 : vector<16xf32>
      %eq3A_2471 = arith.constant 10 : i32
      %eq3A_2472 = vector.broadcast %eq3A_2471 : i32 to vector<16xi32>
      %eq3A_2473 = arith.cmpi eq, %iota3A, %eq3A_2472 : vector<16xi32>
      %add3A_2474 = arith.addf %add3A_2470, %gather3A_2445 : vector<16xf32>
      %add3A_2475 = arith.addf %add3A_2474, %gather3A_2451 : vector<16xf32>
      %select_n3A_2476 = arith.select %eq3A_2473, %add3A_2475, %select_n3A_2340 : vector<16xi1>, vector<16xf32>
      %lt3A_2477 = arith.constant 31 : i32
      %lt3A_2478 = arith.cmpi slt, %scan3A_517, %lt3A_2477 : i32
      %convert_element_type3A_2479 = arith.extui %lt3A_2478 : i1 to i32
      %cond3A_2480 = arith.constant 0 : i32
      %cond3A_2481 = arith.cmpi ne, %convert_element_type3A_2479, %cond3A_2480 : i32
      scf.if %cond3A_2481 {
        %slice3A_3163 = vector.extract_strided_slice %get3A_530 {offsets = [2], sizes = [1], strides = [1]} : vector<16xi32> to vector<1xi32>
        %squeeze3A_3164 = vector.extract %slice3A_3163[0] : i32 from vector<1xi32>
        %slice3A_3165 = vector.extract_strided_slice %get3A_534 {offsets = [2], sizes = [1], strides = [1]} : vector<16xi32> to vector<1xi32>
        %squeeze3A_3166 = vector.extract %slice3A_3165[0] : i32 from vector<1xi32>
        %and3A_3167 = arith.constant -128 : i32
        %and3A_3168 = arith.andi %squeeze3A_3164, %and3A_3167 : i32
        %multiple_of3A_3169 = tpu.assume_multiple %and3A_3168, 128 : i32
        %and3A_3170 = arith.constant -128 : i32
        %and3A_3171 = arith.andi %squeeze3A_3166, %and3A_3170 : i32
        %multiple_of3A_3172 = tpu.assume_multiple %and3A_3171, 128 : i32
        %dma_start3A_3173 = arith.constant 2 : i32
        %dma_start3A_3174 = arith.constant 0 : i32
        %dma_start3A_3175 = arith.constant 0 : i32
        %dma_start3A_3176 = tpu.memref_slice %arg11[%dma_start3A_3173, %dma_start3A_3174, %dma_start3A_3175] : memref<8x32x128xf32, #tpu.memory_space<vmem>> -> memref<1x32x128xf32, #tpu.memory_space<vmem>>
        %dma_start3A_3177 = tpu.memref_squeeze %dma_start3A_3176 : memref<1x32x128xf32, #tpu.memory_space<vmem>> -> memref<32x128xf32, #tpu.memory_space<vmem>>
        %dma_start3A_3178 = arith.constant 0 : i32
        %dma_start3A_3179 = tpu.memref_slice %arg4[%dma_start3A_3178, %multiple_of3A_3169] : memref<32x1000000xf32, #tpu.memory_space<hbm>> -> memref<32x128xf32, #tpu.memory_space<hbm>>
        %dma_start3A_3180 = arith.constant 0 : i32
        %dma_start3A_3181 = arith.constant 0 : i32
        %dma_start3A_3182 = tpu.memref_slice %arg11[%dma_start3A_3173, %dma_start3A_3180, %dma_start3A_3181] : memref<8x32x128xf32, #tpu.memory_space<vmem>> -> memref<1x32x128xf32, #tpu.memory_space<vmem>>
        %dma_start3A_3183 = tpu.memref_squeeze %dma_start3A_3182 : memref<1x32x128xf32, #tpu.memory_space<vmem>> -> memref<32x128xf32, #tpu.memory_space<vmem>>
        %dma_start3A_3184 = arith.constant 0 : i32
        %dma_start3A_3185 = tpu.memref_slice %arg4[%dma_start3A_3184, %multiple_of3A_3169] : memref<32x1000000xf32, #tpu.memory_space<hbm>> -> memref<32x128xf32, #tpu.memory_space<hbm>>
        tpu.enqueue_dma source(%dma_start3A_3185 : memref<32x128xf32, #tpu.memory_space<hbm>>) target(%dma_start3A_3183 : memref<32x128xf32, #tpu.memory_space<vmem>>) target_semaphore(%arg16 : memref<!tpu.dma_semaphore, #tpu.memory_space<semaphore_mem>>)
        %dma_start3A_3186 = arith.constant 2 : i32
        %dma_start3A_3187 = arith.constant 0 : i32
        %dma_start3A_3188 = arith.constant 0 : i32
        %dma_start3A_3189 = tpu.memref_slice %arg12[%dma_start3A_3186, %dma_start3A_3187, %dma_start3A_3188] : memref<8x32x128xf32, #tpu.memory_space<vmem>> -> memref<1x32x128xf32, #tpu.memory_space<vmem>>
        %dma_start3A_3190 = tpu.memref_squeeze %dma_start3A_3189 : memref<1x32x128xf32, #tpu.memory_space<vmem>> -> memref<32x128xf32, #tpu.memory_space<vmem>>
        %dma_start3A_3191 = arith.constant 0 : i32
        %dma_start3A_3192 = tpu.memref_slice %arg5[%dma_start3A_3191, %multiple_of3A_3172] : memref<32x1000000xf32, #tpu.memory_space<hbm>> -> memref<32x128xf32, #tpu.memory_space<hbm>>
        %dma_start3A_3193 = arith.constant 0 : i32
        %dma_start3A_3194 = arith.constant 0 : i32
        %dma_start3A_3195 = tpu.memref_slice %arg12[%dma_start3A_3186, %dma_start3A_3193, %dma_start3A_3194] : memref<8x32x128xf32, #tpu.memory_space<vmem>> -> memref<1x32x128xf32, #tpu.memory_space<vmem>>
        %dma_start3A_3196 = tpu.memref_squeeze %dma_start3A_3195 : memref<1x32x128xf32, #tpu.memory_space<vmem>> -> memref<32x128xf32, #tpu.memory_space<vmem>>
        %dma_start3A_3197 = arith.constant 0 : i32
        %dma_start3A_3198 = tpu.memref_slice %arg5[%dma_start3A_3197, %multiple_of3A_3172] : memref<32x1000000xf32, #tpu.memory_space<hbm>> -> memref<32x128xf32, #tpu.memory_space<hbm>>
        tpu.enqueue_dma source(%dma_start3A_3198 : memref<32x128xf32, #tpu.memory_space<hbm>>) target(%dma_start3A_3196 : memref<32x128xf32, #tpu.memory_space<vmem>>) target_semaphore(%arg16 : memref<!tpu.dma_semaphore, #tpu.memory_space<semaphore_mem>>)
        %dma_start3A_3199 = arith.constant 2 : i32
        %dma_start3A_3200 = arith.constant 0 : i32
        %dma_start3A_3201 = arith.constant 0 : i32
        %dma_start3A_3202 = tpu.memref_slice %arg13[%dma_start3A_3199, %dma_start3A_3200, %dma_start3A_3201] : memref<8x1x128xf32, #tpu.memory_space<vmem>> -> memref<1x1x128xf32, #tpu.memory_space<vmem>>
        %dma_start3A_3203 = tpu.memref_squeeze %dma_start3A_3202 : memref<1x1x128xf32, #tpu.memory_space<vmem>> -> memref<1x128xf32, #tpu.memory_space<vmem>>
        %dma_start3A_3204 = arith.constant 0 : i32
        %dma_start3A_3205 = tpu.memref_slice %arg6[%dma_start3A_3204, %multiple_of3A_3169] : memref<1x1000000xf32, #tpu.memory_space<hbm>> -> memref<1x128xf32, #tpu.memory_space<hbm>>
        %dma_start3A_3206 = arith.constant 0 : i32
        %dma_start3A_3207 = arith.constant 0 : i32
        %dma_start3A_3208 = tpu.memref_slice %arg13[%dma_start3A_3199, %dma_start3A_3206, %dma_start3A_3207] : memref<8x1x128xf32, #tpu.memory_space<vmem>> -> memref<1x1x128xf32, #tpu.memory_space<vmem>>
        %dma_start3A_3209 = tpu.memref_squeeze %dma_start3A_3208 : memref<1x1x128xf32, #tpu.memory_space<vmem>> -> memref<1x128xf32, #tpu.memory_space<vmem>>
        %dma_start3A_3210 = arith.constant 0 : i32
        %dma_start3A_3211 = tpu.memref_slice %arg6[%dma_start3A_3210, %multiple_of3A_3169] : memref<1x1000000xf32, #tpu.memory_space<hbm>> -> memref<1x128xf32, #tpu.memory_space<hbm>>
        tpu.enqueue_dma source(%dma_start3A_3211 : memref<1x128xf32, #tpu.memory_space<hbm>>) target(%dma_start3A_3209 : memref<1x128xf32, #tpu.memory_space<vmem>>) target_semaphore(%arg16 : memref<!tpu.dma_semaphore, #tpu.memory_space<semaphore_mem>>)
        %dma_start3A_3212 = arith.constant 2 : i32
        %dma_start3A_3213 = arith.constant 0 : i32
        %dma_start3A_3214 = arith.constant 0 : i32
        %dma_start3A_3215 = tpu.memref_slice %arg14[%dma_start3A_3212, %dma_start3A_3213, %dma_start3A_3214] : memref<8x1x128xf32, #tpu.memory_space<vmem>> -> memref<1x1x128xf32, #tpu.memory_space<vmem>>
        %dma_start3A_3216 = tpu.memref_squeeze %dma_start3A_3215 : memref<1x1x128xf32, #tpu.memory_space<vmem>> -> memref<1x128xf32, #tpu.memory_space<vmem>>
        %dma_start3A_3217 = arith.constant 0 : i32
        %dma_start3A_3218 = tpu.memref_slice %arg7[%dma_start3A_3217, %multiple_of3A_3172] : memref<1x1000000xf32, #tpu.memory_space<hbm>> -> memref<1x128xf32, #tpu.memory_space<hbm>>
        %dma_start3A_3219 = arith.constant 0 : i32
        %dma_start3A_3220 = arith.constant 0 : i32
        %dma_start3A_3221 = tpu.memref_slice %arg14[%dma_start3A_3212, %dma_start3A_3219, %dma_start3A_3220] : memref<8x1x128xf32, #tpu.memory_space<vmem>> -> memref<1x1x128xf32, #tpu.memory_space<vmem>>
        %dma_start3A_3222 = tpu.memref_squeeze %dma_start3A_3221 : memref<1x1x128xf32, #tpu.memory_space<vmem>> -> memref<1x128xf32, #tpu.memory_space<vmem>>
        %dma_start3A_3223 = arith.constant 0 : i32
        %dma_start3A_3224 = tpu.memref_slice %arg7[%dma_start3A_3223, %multiple_of3A_3172] : memref<1x1000000xf32, #tpu.memory_space<hbm>> -> memref<1x128xf32, #tpu.memory_space<hbm>>
        tpu.enqueue_dma source(%dma_start3A_3224 : memref<1x128xf32, #tpu.memory_space<hbm>>) target(%dma_start3A_3222 : memref<1x128xf32, #tpu.memory_space<vmem>>) target_semaphore(%arg16 : memref<!tpu.dma_semaphore, #tpu.memory_space<semaphore_mem>>)
      } else {
      }
      %dma_wait3A_2482 = arith.constant 3 : i32
      %dma_wait3A_2483 = arith.constant 0 : i32
      %dma_wait3A_2484 = arith.constant 0 : i32
      %dma_wait3A_2485 = tpu.memref_slice %arg11[%dma_wait3A_2482, %dma_wait3A_2483, %dma_wait3A_2484] : memref<8x32x128xf32, #tpu.memory_space<vmem>> -> memref<1x32x128xf32, #tpu.memory_space<vmem>>
      %dma_wait3A_2486 = tpu.memref_squeeze %dma_wait3A_2485 : memref<1x32x128xf32, #tpu.memory_space<vmem>> -> memref<32x128xf32, #tpu.memory_space<vmem>>
      %dma_wait3A_2487 = arith.constant 0 : i32
      %dma_wait3A_2488 = arith.constant 0 : i32
      %dma_wait3A_2489 = tpu.memref_slice %arg4[%dma_wait3A_2487, %dma_wait3A_2488] : memref<32x1000000xf32, #tpu.memory_space<hbm>> -> memref<32x128xf32, #tpu.memory_space<hbm>>
      %dma_wait3A_2490 = arith.constant 0 : i32
      %dma_wait3A_2491 = arith.constant 0 : i32
      %dma_wait3A_2492 = tpu.memref_slice %arg11[%dma_wait3A_2482, %dma_wait3A_2490, %dma_wait3A_2491] : memref<8x32x128xf32, #tpu.memory_space<vmem>> -> memref<1x32x128xf32, #tpu.memory_space<vmem>>
      %dma_wait3A_2493 = tpu.memref_squeeze %dma_wait3A_2492 : memref<1x32x128xf32, #tpu.memory_space<vmem>> -> memref<32x128xf32, #tpu.memory_space<vmem>>
      %dma_wait3A_2494 = arith.constant 0 : i32
      %dma_wait3A_2495 = arith.constant 0 : i32
      %dma_wait3A_2496 = tpu.memref_slice %arg4[%dma_wait3A_2494, %dma_wait3A_2495] : memref<32x1000000xf32, #tpu.memory_space<hbm>> -> memref<32x128xf32, #tpu.memory_space<hbm>>
      tpu.wait_dma2 semaphore(%arg16 : memref<!tpu.dma_semaphore, #tpu.memory_space<semaphore_mem>>) src(%dma_wait3A_2496 : memref<32x128xf32, #tpu.memory_space<hbm>>) dst(%dma_wait3A_2493 : memref<32x128xf32, #tpu.memory_space<vmem>>)
      %dma_wait3A_2497 = arith.constant 3 : i32
      %dma_wait3A_2498 = arith.constant 0 : i32
      %dma_wait3A_2499 = arith.constant 0 : i32
      %dma_wait3A_2500 = tpu.memref_slice %arg12[%dma_wait3A_2497, %dma_wait3A_2498, %dma_wait3A_2499] : memref<8x32x128xf32, #tpu.memory_space<vmem>> -> memref<1x32x128xf32, #tpu.memory_space<vmem>>
      %dma_wait3A_2501 = tpu.memref_squeeze %dma_wait3A_2500 : memref<1x32x128xf32, #tpu.memory_space<vmem>> -> memref<32x128xf32, #tpu.memory_space<vmem>>
      %dma_wait3A_2502 = arith.constant 0 : i32
      %dma_wait3A_2503 = arith.constant 0 : i32
      %dma_wait3A_2504 = tpu.memref_slice %arg5[%dma_wait3A_2502, %dma_wait3A_2503] : memref<32x1000000xf32, #tpu.memory_space<hbm>> -> memref<32x128xf32, #tpu.memory_space<hbm>>
      %dma_wait3A_2505 = arith.constant 0 : i32
      %dma_wait3A_2506 = arith.constant 0 : i32
      %dma_wait3A_2507 = tpu.memref_slice %arg12[%dma_wait3A_2497, %dma_wait3A_2505, %dma_wait3A_2506] : memref<8x32x128xf32, #tpu.memory_space<vmem>> -> memref<1x32x128xf32, #tpu.memory_space<vmem>>
      %dma_wait3A_2508 = tpu.memref_squeeze %dma_wait3A_2507 : memref<1x32x128xf32, #tpu.memory_space<vmem>> -> memref<32x128xf32, #tpu.memory_space<vmem>>
      %dma_wait3A_2509 = arith.constant 0 : i32
      %dma_wait3A_2510 = arith.constant 0 : i32
      %dma_wait3A_2511 = tpu.memref_slice %arg5[%dma_wait3A_2509, %dma_wait3A_2510] : memref<32x1000000xf32, #tpu.memory_space<hbm>> -> memref<32x128xf32, #tpu.memory_space<hbm>>
      tpu.wait_dma2 semaphore(%arg16 : memref<!tpu.dma_semaphore, #tpu.memory_space<semaphore_mem>>) src(%dma_wait3A_2511 : memref<32x128xf32, #tpu.memory_space<hbm>>) dst(%dma_wait3A_2508 : memref<32x128xf32, #tpu.memory_space<vmem>>)
      %dma_wait3A_2512 = arith.constant 3 : i32
      %dma_wait3A_2513 = arith.constant 0 : i32
      %dma_wait3A_2514 = arith.constant 0 : i32
      %dma_wait3A_2515 = tpu.memref_slice %arg13[%dma_wait3A_2512, %dma_wait3A_2513, %dma_wait3A_2514] : memref<8x1x128xf32, #tpu.memory_space<vmem>> -> memref<1x1x128xf32, #tpu.memory_space<vmem>>
      %dma_wait3A_2516 = tpu.memref_squeeze %dma_wait3A_2515 : memref<1x1x128xf32, #tpu.memory_space<vmem>> -> memref<1x128xf32, #tpu.memory_space<vmem>>
      %dma_wait3A_2517 = arith.constant 0 : i32
      %dma_wait3A_2518 = arith.constant 0 : i32
      %dma_wait3A_2519 = tpu.memref_slice %arg6[%dma_wait3A_2517, %dma_wait3A_2518] : memref<1x1000000xf32, #tpu.memory_space<hbm>> -> memref<1x128xf32, #tpu.memory_space<hbm>>
      %dma_wait3A_2520 = arith.constant 0 : i32
      %dma_wait3A_2521 = arith.constant 0 : i32
      %dma_wait3A_2522 = tpu.memref_slice %arg13[%dma_wait3A_2512, %dma_wait3A_2520, %dma_wait3A_2521] : memref<8x1x128xf32, #tpu.memory_space<vmem>> -> memref<1x1x128xf32, #tpu.memory_space<vmem>>
      %dma_wait3A_2523 = tpu.memref_squeeze %dma_wait3A_2522 : memref<1x1x128xf32, #tpu.memory_space<vmem>> -> memref<1x128xf32, #tpu.memory_space<vmem>>
      %dma_wait3A_2524 = arith.constant 0 : i32
      %dma_wait3A_2525 = arith.constant 0 : i32
      %dma_wait3A_2526 = tpu.memref_slice %arg6[%dma_wait3A_2524, %dma_wait3A_2525] : memref<1x1000000xf32, #tpu.memory_space<hbm>> -> memref<1x128xf32, #tpu.memory_space<hbm>>
      tpu.wait_dma2 semaphore(%arg16 : memref<!tpu.dma_semaphore, #tpu.memory_space<semaphore_mem>>) src(%dma_wait3A_2526 : memref<1x128xf32, #tpu.memory_space<hbm>>) dst(%dma_wait3A_2523 : memref<1x128xf32, #tpu.memory_space<vmem>>)
      %dma_wait3A_2527 = arith.constant 3 : i32
      %dma_wait3A_2528 = arith.constant 0 : i32
      %dma_wait3A_2529 = arith.constant 0 : i32
      %dma_wait3A_2530 = tpu.memref_slice %arg14[%dma_wait3A_2527, %dma_wait3A_2528, %dma_wait3A_2529] : memref<8x1x128xf32, #tpu.memory_space<vmem>> -> memref<1x1x128xf32, #tpu.memory_space<vmem>>
      %dma_wait3A_2531 = tpu.memref_squeeze %dma_wait3A_2530 : memref<1x1x128xf32, #tpu.memory_space<vmem>> -> memref<1x128xf32, #tpu.memory_space<vmem>>
      %dma_wait3A_2532 = arith.constant 0 : i32
      %dma_wait3A_2533 = arith.constant 0 : i32
      %dma_wait3A_2534 = tpu.memref_slice %arg7[%dma_wait3A_2532, %dma_wait3A_2533] : memref<1x1000000xf32, #tpu.memory_space<hbm>> -> memref<1x128xf32, #tpu.memory_space<hbm>>
      %dma_wait3A_2535 = arith.constant 0 : i32
      %dma_wait3A_2536 = arith.constant 0 : i32
      %dma_wait3A_2537 = tpu.memref_slice %arg14[%dma_wait3A_2527, %dma_wait3A_2535, %dma_wait3A_2536] : memref<8x1x128xf32, #tpu.memory_space<vmem>> -> memref<1x1x128xf32, #tpu.memory_space<vmem>>
      %dma_wait3A_2538 = tpu.memref_squeeze %dma_wait3A_2537 : memref<1x1x128xf32, #tpu.memory_space<vmem>> -> memref<1x128xf32, #tpu.memory_space<vmem>>
      %dma_wait3A_2539 = arith.constant 0 : i32
      %dma_wait3A_2540 = arith.constant 0 : i32
      %dma_wait3A_2541 = tpu.memref_slice %arg7[%dma_wait3A_2539, %dma_wait3A_2540] : memref<1x1000000xf32, #tpu.memory_space<hbm>> -> memref<1x128xf32, #tpu.memory_space<hbm>>
      tpu.wait_dma2 semaphore(%arg16 : memref<!tpu.dma_semaphore, #tpu.memory_space<semaphore_mem>>) src(%dma_wait3A_2541 : memref<1x128xf32, #tpu.memory_space<hbm>>) dst(%dma_wait3A_2538 : memref<1x128xf32, #tpu.memory_space<vmem>>)
      %slice3A_2542 = vector.extract_strided_slice %get3A_524 {offsets = [11], sizes = [1], strides = [1]} : vector<16xi32> to vector<1xi32>
      %squeeze3A_2543 = vector.extract %slice3A_2542[0] : i32 from vector<1xi32>
      %and3A_2544 = arith.constant 127 : i32
      %and3A_2545 = arith.andi %squeeze3A_2543, %and3A_2544 : i32
      %broadcast_in_dim3A_2546 = vector.broadcast %and3A_2545 : i32 to vector<16xi32>
      %slice3A_2547 = vector.extract_strided_slice %get3A_526 {offsets = [11], sizes = [1], strides = [1]} : vector<16xi32> to vector<1xi32>
      %squeeze3A_2548 = vector.extract %slice3A_2547[0] : i32 from vector<1xi32>
      %and3A_2549 = arith.constant 127 : i32
      %and3A_2550 = arith.andi %squeeze3A_2548, %and3A_2549 : i32
      %broadcast_in_dim3A_2551 = vector.broadcast %and3A_2550 : i32 to vector<16xi32>
      %gather3A_2552 = arith.constant 3 : i32
      %gather3A_2553 = arith.constant 0 : i32
      %gather3A_2554 = arith.constant 0 : i32
      %gather3A_2555 = tpu.memref_slice %arg11[%gather3A_2552, %gather3A_2553, %gather3A_2554] : memref<8x32x128xf32, #tpu.memory_space<vmem>> -> memref<1x32x128xf32, #tpu.memory_space<vmem>>
      %gather3A_2556 = tpu.memref_squeeze %gather3A_2555 : memref<1x32x128xf32, #tpu.memory_space<vmem>> -> memref<32x128xf32, #tpu.memory_space<vmem>>
      %gather3A_2557 = tpu.vector_load_idx %gather3A_2556[%iota3A, %broadcast_in_dim3A_2546] : memref<32x128xf32, #tpu.memory_space<vmem>>[vector<16xi32>, vector<16xi32>], vector<16xf32>,
      %gather3A_2558 = arith.constant 3 : i32
      %gather3A_2559 = arith.constant 0 : i32
      %gather3A_2560 = arith.constant 0 : i32
      %gather3A_2561 = tpu.memref_slice %arg11[%gather3A_2558, %gather3A_2559, %gather3A_2560] : memref<8x32x128xf32, #tpu.memory_space<vmem>> -> memref<1x32x128xf32, #tpu.memory_space<vmem>>
      %gather3A_2562 = tpu.memref_squeeze %gather3A_2561 : memref<1x32x128xf32, #tpu.memory_space<vmem>> -> memref<32x128xf32, #tpu.memory_space<vmem>>
      %gather3A_2563 = tpu.vector_load_idx %gather3A_2562[%add3A_510, %broadcast_in_dim3A_2546] : memref<32x128xf32, #tpu.memory_space<vmem>>[vector<16xi32>, vector<16xi32>], vector<16xf32>,
      %gather3A_2564 = arith.constant 3 : i32
      %gather3A_2565 = arith.constant 0 : i32
      %gather3A_2566 = arith.constant 0 : i32
      %gather3A_2567 = tpu.memref_slice %arg12[%gather3A_2564, %gather3A_2565, %gather3A_2566] : memref<8x32x128xf32, #tpu.memory_space<vmem>> -> memref<1x32x128xf32, #tpu.memory_space<vmem>>
      %gather3A_2568 = tpu.memref_squeeze %gather3A_2567 : memref<1x32x128xf32, #tpu.memory_space<vmem>> -> memref<32x128xf32, #tpu.memory_space<vmem>>
      %gather3A_2569 = tpu.vector_load_idx %gather3A_2568[%iota3A, %broadcast_in_dim3A_2551] : memref<32x128xf32, #tpu.memory_space<vmem>>[vector<16xi32>, vector<16xi32>], vector<16xf32>,
      %gather3A_2570 = arith.constant 3 : i32
      %gather3A_2571 = arith.constant 0 : i32
      %gather3A_2572 = arith.constant 0 : i32
      %gather3A_2573 = tpu.memref_slice %arg12[%gather3A_2570, %gather3A_2571, %gather3A_2572] : memref<8x32x128xf32, #tpu.memory_space<vmem>> -> memref<1x32x128xf32, #tpu.memory_space<vmem>>
      %gather3A_2574 = tpu.memref_squeeze %gather3A_2573 : memref<1x32x128xf32, #tpu.memory_space<vmem>> -> memref<32x128xf32, #tpu.memory_space<vmem>>
      %gather3A_2575 = tpu.vector_load_idx %gather3A_2574[%add3A_510, %broadcast_in_dim3A_2551] : memref<32x128xf32, #tpu.memory_space<vmem>>[vector<16xi32>, vector<16xi32>], vector<16xf32>,
      %gather3A_2576 = arith.constant 3 : i32
      %gather3A_2577 = arith.constant 0 : i32
      %gather3A_2578 = arith.constant 0 : i32
      %gather3A_2579 = tpu.memref_slice %arg13[%gather3A_2576, %gather3A_2577, %gather3A_2578] : memref<8x1x128xf32, #tpu.memory_space<vmem>> -> memref<1x1x128xf32, #tpu.memory_space<vmem>>
      %gather3A_2580 = tpu.memref_squeeze %gather3A_2579 : memref<1x1x128xf32, #tpu.memory_space<vmem>> -> memref<1x128xf32, #tpu.memory_space<vmem>>
      %gather3A_2581 = tpu.vector_load_idx %gather3A_2580[%broadcast_in_dim3A_511, %broadcast_in_dim3A_2546] : memref<1x128xf32, #tpu.memory_space<vmem>>[vector<16xi32>, vector<16xi32>], vector<16xf32>,
      %gather3A_2582 = arith.constant 3 : i32
      %gather3A_2583 = arith.constant 0 : i32
      %gather3A_2584 = arith.constant 0 : i32
      %gather3A_2585 = tpu.memref_slice %arg14[%gather3A_2582, %gather3A_2583, %gather3A_2584] : memref<8x1x128xf32, #tpu.memory_space<vmem>> -> memref<1x1x128xf32, #tpu.memory_space<vmem>>
      %gather3A_2586 = tpu.memref_squeeze %gather3A_2585 : memref<1x1x128xf32, #tpu.memory_space<vmem>> -> memref<1x128xf32, #tpu.memory_space<vmem>>
      %gather3A_2587 = tpu.vector_load_idx %gather3A_2586[%broadcast_in_dim3A_511, %broadcast_in_dim3A_2551] : memref<1x128xf32, #tpu.memory_space<vmem>>[vector<16xi32>, vector<16xi32>], vector<16xf32>,
      %mul3A_2588 = arith.mulf %gather3A_2557, %gather3A_2569 : vector<16xf32>
      %mul3A_2589 = arith.mulf %gather3A_2563, %gather3A_2575 : vector<16xf32>
      %add3A_2590 = arith.addf %mul3A_2588, %mul3A_2589 : vector<16xf32>
      %broadcast_in_dim3A_2591 = vector.shape_cast %xor3A_498 : vector<16xi32> to vector<16x1xi32>
      %gather3A_2592 = vector.shape_cast %broadcast_in_dim3A_2591 : vector<16x1xi32> to vector<16xi32>
      %gather3A_2593 = tpu.dynamic_gather %add3A_2590[%gather3A_2592] in [0] : vector<16xf32>, vector<16xi32> -> vector<16xf32>
      %add3A_2594 = arith.addf %add3A_2590, %gather3A_2593 : vector<16xf32>
      %broadcast_in_dim3A_2595 = vector.shape_cast %xor3A_501 : vector<16xi32> to vector<16x1xi32>
      %gather3A_2596 = vector.shape_cast %broadcast_in_dim3A_2595 : vector<16x1xi32> to vector<16xi32>
      %gather3A_2597 = tpu.dynamic_gather %add3A_2594[%gather3A_2596] in [0] : vector<16xf32>, vector<16xi32> -> vector<16xf32>
      %add3A_2598 = arith.addf %add3A_2594, %gather3A_2597 : vector<16xf32>
      %broadcast_in_dim3A_2599 = vector.shape_cast %xor3A_504 : vector<16xi32> to vector<16x1xi32>
      %gather3A_2600 = vector.shape_cast %broadcast_in_dim3A_2599 : vector<16x1xi32> to vector<16xi32>
      %gather3A_2601 = tpu.dynamic_gather %add3A_2598[%gather3A_2600] in [0] : vector<16xf32>, vector<16xi32> -> vector<16xf32>
      %add3A_2602 = arith.addf %add3A_2598, %gather3A_2601 : vector<16xf32>
      %broadcast_in_dim3A_2603 = vector.shape_cast %xor3A_507 : vector<16xi32> to vector<16x1xi32>
      %gather3A_2604 = vector.shape_cast %broadcast_in_dim3A_2603 : vector<16x1xi32> to vector<16xi32>
      %gather3A_2605 = tpu.dynamic_gather %add3A_2602[%gather3A_2604] in [0] : vector<16xf32>, vector<16xi32> -> vector<16xf32>
      %add3A_2606 = arith.addf %add3A_2602, %gather3A_2605 : vector<16xf32>
      %eq3A_2607 = arith.constant 11 : i32
      %eq3A_2608 = vector.broadcast %eq3A_2607 : i32 to vector<16xi32>
      %eq3A_2609 = arith.cmpi eq, %iota3A, %eq3A_2608 : vector<16xi32>
      %add3A_2610 = arith.addf %add3A_2606, %gather3A_2581 : vector<16xf32>
      %add3A_2611 = arith.addf %add3A_2610, %gather3A_2587 : vector<16xf32>
      %select_n3A_2612 = arith.select %eq3A_2609, %add3A_2611, %select_n3A_2476 : vector<16xi1>, vector<16xf32>
      %lt3A_2613 = arith.constant 31 : i32
      %lt3A_2614 = arith.cmpi slt, %scan3A_517, %lt3A_2613 : i32
      %convert_element_type3A_2615 = arith.extui %lt3A_2614 : i1 to i32
      %cond3A_2616 = arith.constant 0 : i32
      %cond3A_2617 = arith.cmpi ne, %convert_element_type3A_2615, %cond3A_2616 : i32
      scf.if %cond3A_2617 {
        %slice3A_3163 = vector.extract_strided_slice %get3A_530 {offsets = [3], sizes = [1], strides = [1]} : vector<16xi32> to vector<1xi32>
        %squeeze3A_3164 = vector.extract %slice3A_3163[0] : i32 from vector<1xi32>
        %slice3A_3165 = vector.extract_strided_slice %get3A_534 {offsets = [3], sizes = [1], strides = [1]} : vector<16xi32> to vector<1xi32>
        %squeeze3A_3166 = vector.extract %slice3A_3165[0] : i32 from vector<1xi32>
        %and3A_3167 = arith.constant -128 : i32
        %and3A_3168 = arith.andi %squeeze3A_3164, %and3A_3167 : i32
        %multiple_of3A_3169 = tpu.assume_multiple %and3A_3168, 128 : i32
        %and3A_3170 = arith.constant -128 : i32
        %and3A_3171 = arith.andi %squeeze3A_3166, %and3A_3170 : i32
        %multiple_of3A_3172 = tpu.assume_multiple %and3A_3171, 128 : i32
        %dma_start3A_3173 = arith.constant 3 : i32
        %dma_start3A_3174 = arith.constant 0 : i32
        %dma_start3A_3175 = arith.constant 0 : i32
        %dma_start3A_3176 = tpu.memref_slice %arg11[%dma_start3A_3173, %dma_start3A_3174, %dma_start3A_3175] : memref<8x32x128xf32, #tpu.memory_space<vmem>> -> memref<1x32x128xf32, #tpu.memory_space<vmem>>
        %dma_start3A_3177 = tpu.memref_squeeze %dma_start3A_3176 : memref<1x32x128xf32, #tpu.memory_space<vmem>> -> memref<32x128xf32, #tpu.memory_space<vmem>>
        %dma_start3A_3178 = arith.constant 0 : i32
        %dma_start3A_3179 = tpu.memref_slice %arg4[%dma_start3A_3178, %multiple_of3A_3169] : memref<32x1000000xf32, #tpu.memory_space<hbm>> -> memref<32x128xf32, #tpu.memory_space<hbm>>
        %dma_start3A_3180 = arith.constant 0 : i32
        %dma_start3A_3181 = arith.constant 0 : i32
        %dma_start3A_3182 = tpu.memref_slice %arg11[%dma_start3A_3173, %dma_start3A_3180, %dma_start3A_3181] : memref<8x32x128xf32, #tpu.memory_space<vmem>> -> memref<1x32x128xf32, #tpu.memory_space<vmem>>
        %dma_start3A_3183 = tpu.memref_squeeze %dma_start3A_3182 : memref<1x32x128xf32, #tpu.memory_space<vmem>> -> memref<32x128xf32, #tpu.memory_space<vmem>>
        %dma_start3A_3184 = arith.constant 0 : i32
        %dma_start3A_3185 = tpu.memref_slice %arg4[%dma_start3A_3184, %multiple_of3A_3169] : memref<32x1000000xf32, #tpu.memory_space<hbm>> -> memref<32x128xf32, #tpu.memory_space<hbm>>
        tpu.enqueue_dma source(%dma_start3A_3185 : memref<32x128xf32, #tpu.memory_space<hbm>>) target(%dma_start3A_3183 : memref<32x128xf32, #tpu.memory_space<vmem>>) target_semaphore(%arg16 : memref<!tpu.dma_semaphore, #tpu.memory_space<semaphore_mem>>)
        %dma_start3A_3186 = arith.constant 3 : i32
        %dma_start3A_3187 = arith.constant 0 : i32
        %dma_start3A_3188 = arith.constant 0 : i32
        %dma_start3A_3189 = tpu.memref_slice %arg12[%dma_start3A_3186, %dma_start3A_3187, %dma_start3A_3188] : memref<8x32x128xf32, #tpu.memory_space<vmem>> -> memref<1x32x128xf32, #tpu.memory_space<vmem>>
        %dma_start3A_3190 = tpu.memref_squeeze %dma_start3A_3189 : memref<1x32x128xf32, #tpu.memory_space<vmem>> -> memref<32x128xf32, #tpu.memory_space<vmem>>
        %dma_start3A_3191 = arith.constant 0 : i32
        %dma_start3A_3192 = tpu.memref_slice %arg5[%dma_start3A_3191, %multiple_of3A_3172] : memref<32x1000000xf32, #tpu.memory_space<hbm>> -> memref<32x128xf32, #tpu.memory_space<hbm>>
        %dma_start3A_3193 = arith.constant 0 : i32
        %dma_start3A_3194 = arith.constant 0 : i32
        %dma_start3A_3195 = tpu.memref_slice %arg12[%dma_start3A_3186, %dma_start3A_3193, %dma_start3A_3194] : memref<8x32x128xf32, #tpu.memory_space<vmem>> -> memref<1x32x128xf32, #tpu.memory_space<vmem>>
        %dma_start3A_3196 = tpu.memref_squeeze %dma_start3A_3195 : memref<1x32x128xf32, #tpu.memory_space<vmem>> -> memref<32x128xf32, #tpu.memory_space<vmem>>
        %dma_start3A_3197 = arith.constant 0 : i32
        %dma_start3A_3198 = tpu.memref_slice %arg5[%dma_start3A_3197, %multiple_of3A_3172] : memref<32x1000000xf32, #tpu.memory_space<hbm>> -> memref<32x128xf32, #tpu.memory_space<hbm>>
        tpu.enqueue_dma source(%dma_start3A_3198 : memref<32x128xf32, #tpu.memory_space<hbm>>) target(%dma_start3A_3196 : memref<32x128xf32, #tpu.memory_space<vmem>>) target_semaphore(%arg16 : memref<!tpu.dma_semaphore, #tpu.memory_space<semaphore_mem>>)
        %dma_start3A_3199 = arith.constant 3 : i32
        %dma_start3A_3200 = arith.constant 0 : i32
        %dma_start3A_3201 = arith.constant 0 : i32
        %dma_start3A_3202 = tpu.memref_slice %arg13[%dma_start3A_3199, %dma_start3A_3200, %dma_start3A_3201] : memref<8x1x128xf32, #tpu.memory_space<vmem>> -> memref<1x1x128xf32, #tpu.memory_space<vmem>>
        %dma_start3A_3203 = tpu.memref_squeeze %dma_start3A_3202 : memref<1x1x128xf32, #tpu.memory_space<vmem>> -> memref<1x128xf32, #tpu.memory_space<vmem>>
        %dma_start3A_3204 = arith.constant 0 : i32
        %dma_start3A_3205 = tpu.memref_slice %arg6[%dma_start3A_3204, %multiple_of3A_3169] : memref<1x1000000xf32, #tpu.memory_space<hbm>> -> memref<1x128xf32, #tpu.memory_space<hbm>>
        %dma_start3A_3206 = arith.constant 0 : i32
        %dma_start3A_3207 = arith.constant 0 : i32
        %dma_start3A_3208 = tpu.memref_slice %arg13[%dma_start3A_3199, %dma_start3A_3206, %dma_start3A_3207] : memref<8x1x128xf32, #tpu.memory_space<vmem>> -> memref<1x1x128xf32, #tpu.memory_space<vmem>>
        %dma_start3A_3209 = tpu.memref_squeeze %dma_start3A_3208 : memref<1x1x128xf32, #tpu.memory_space<vmem>> -> memref<1x128xf32, #tpu.memory_space<vmem>>
        %dma_start3A_3210 = arith.constant 0 : i32
        %dma_start3A_3211 = tpu.memref_slice %arg6[%dma_start3A_3210, %multiple_of3A_3169] : memref<1x1000000xf32, #tpu.memory_space<hbm>> -> memref<1x128xf32, #tpu.memory_space<hbm>>
        tpu.enqueue_dma source(%dma_start3A_3211 : memref<1x128xf32, #tpu.memory_space<hbm>>) target(%dma_start3A_3209 : memref<1x128xf32, #tpu.memory_space<vmem>>) target_semaphore(%arg16 : memref<!tpu.dma_semaphore, #tpu.memory_space<semaphore_mem>>)
        %dma_start3A_3212 = arith.constant 3 : i32
        %dma_start3A_3213 = arith.constant 0 : i32
        %dma_start3A_3214 = arith.constant 0 : i32
        %dma_start3A_3215 = tpu.memref_slice %arg14[%dma_start3A_3212, %dma_start3A_3213, %dma_start3A_3214] : memref<8x1x128xf32, #tpu.memory_space<vmem>> -> memref<1x1x128xf32, #tpu.memory_space<vmem>>
        %dma_start3A_3216 = tpu.memref_squeeze %dma_start3A_3215 : memref<1x1x128xf32, #tpu.memory_space<vmem>> -> memref<1x128xf32, #tpu.memory_space<vmem>>
        %dma_start3A_3217 = arith.constant 0 : i32
        %dma_start3A_3218 = tpu.memref_slice %arg7[%dma_start3A_3217, %multiple_of3A_3172] : memref<1x1000000xf32, #tpu.memory_space<hbm>> -> memref<1x128xf32, #tpu.memory_space<hbm>>
        %dma_start3A_3219 = arith.constant 0 : i32
        %dma_start3A_3220 = arith.constant 0 : i32
        %dma_start3A_3221 = tpu.memref_slice %arg14[%dma_start3A_3212, %dma_start3A_3219, %dma_start3A_3220] : memref<8x1x128xf32, #tpu.memory_space<vmem>> -> memref<1x1x128xf32, #tpu.memory_space<vmem>>
        %dma_start3A_3222 = tpu.memref_squeeze %dma_start3A_3221 : memref<1x1x128xf32, #tpu.memory_space<vmem>> -> memref<1x128xf32, #tpu.memory_space<vmem>>
        %dma_start3A_3223 = arith.constant 0 : i32
        %dma_start3A_3224 = tpu.memref_slice %arg7[%dma_start3A_3223, %multiple_of3A_3172] : memref<1x1000000xf32, #tpu.memory_space<hbm>> -> memref<1x128xf32, #tpu.memory_space<hbm>>
        tpu.enqueue_dma source(%dma_start3A_3224 : memref<1x128xf32, #tpu.memory_space<hbm>>) target(%dma_start3A_3222 : memref<1x128xf32, #tpu.memory_space<vmem>>) target_semaphore(%arg16 : memref<!tpu.dma_semaphore, #tpu.memory_space<semaphore_mem>>)
      } else {
      }
      %dma_wait3A_2618 = arith.constant 4 : i32
      %dma_wait3A_2619 = arith.constant 0 : i32
      %dma_wait3A_2620 = arith.constant 0 : i32
      %dma_wait3A_2621 = tpu.memref_slice %arg11[%dma_wait3A_2618, %dma_wait3A_2619, %dma_wait3A_2620] : memref<8x32x128xf32, #tpu.memory_space<vmem>> -> memref<1x32x128xf32, #tpu.memory_space<vmem>>
      %dma_wait3A_2622 = tpu.memref_squeeze %dma_wait3A_2621 : memref<1x32x128xf32, #tpu.memory_space<vmem>> -> memref<32x128xf32, #tpu.memory_space<vmem>>
      %dma_wait3A_2623 = arith.constant 0 : i32
      %dma_wait3A_2624 = arith.constant 0 : i32
      %dma_wait3A_2625 = tpu.memref_slice %arg4[%dma_wait3A_2623, %dma_wait3A_2624] : memref<32x1000000xf32, #tpu.memory_space<hbm>> -> memref<32x128xf32, #tpu.memory_space<hbm>>
      %dma_wait3A_2626 = arith.constant 0 : i32
      %dma_wait3A_2627 = arith.constant 0 : i32
      %dma_wait3A_2628 = tpu.memref_slice %arg11[%dma_wait3A_2618, %dma_wait3A_2626, %dma_wait3A_2627] : memref<8x32x128xf32, #tpu.memory_space<vmem>> -> memref<1x32x128xf32, #tpu.memory_space<vmem>>
      %dma_wait3A_2629 = tpu.memref_squeeze %dma_wait3A_2628 : memref<1x32x128xf32, #tpu.memory_space<vmem>> -> memref<32x128xf32, #tpu.memory_space<vmem>>
      %dma_wait3A_2630 = arith.constant 0 : i32
      %dma_wait3A_2631 = arith.constant 0 : i32
      %dma_wait3A_2632 = tpu.memref_slice %arg4[%dma_wait3A_2630, %dma_wait3A_2631] : memref<32x1000000xf32, #tpu.memory_space<hbm>> -> memref<32x128xf32, #tpu.memory_space<hbm>>
      tpu.wait_dma2 semaphore(%arg16 : memref<!tpu.dma_semaphore, #tpu.memory_space<semaphore_mem>>) src(%dma_wait3A_2632 : memref<32x128xf32, #tpu.memory_space<hbm>>) dst(%dma_wait3A_2629 : memref<32x128xf32, #tpu.memory_space<vmem>>)
      %dma_wait3A_2633 = arith.constant 4 : i32
      %dma_wait3A_2634 = arith.constant 0 : i32
      %dma_wait3A_2635 = arith.constant 0 : i32
      %dma_wait3A_2636 = tpu.memref_slice %arg12[%dma_wait3A_2633, %dma_wait3A_2634, %dma_wait3A_2635] : memref<8x32x128xf32, #tpu.memory_space<vmem>> -> memref<1x32x128xf32, #tpu.memory_space<vmem>>
      %dma_wait3A_2637 = tpu.memref_squeeze %dma_wait3A_2636 : memref<1x32x128xf32, #tpu.memory_space<vmem>> -> memref<32x128xf32, #tpu.memory_space<vmem>>
      %dma_wait3A_2638 = arith.constant 0 : i32
      %dma_wait3A_2639 = arith.constant 0 : i32
      %dma_wait3A_2640 = tpu.memref_slice %arg5[%dma_wait3A_2638, %dma_wait3A_2639] : memref<32x1000000xf32, #tpu.memory_space<hbm>> -> memref<32x128xf32, #tpu.memory_space<hbm>>
      %dma_wait3A_2641 = arith.constant 0 : i32
      %dma_wait3A_2642 = arith.constant 0 : i32
      %dma_wait3A_2643 = tpu.memref_slice %arg12[%dma_wait3A_2633, %dma_wait3A_2641, %dma_wait3A_2642] : memref<8x32x128xf32, #tpu.memory_space<vmem>> -> memref<1x32x128xf32, #tpu.memory_space<vmem>>
      %dma_wait3A_2644 = tpu.memref_squeeze %dma_wait3A_2643 : memref<1x32x128xf32, #tpu.memory_space<vmem>> -> memref<32x128xf32, #tpu.memory_space<vmem>>
      %dma_wait3A_2645 = arith.constant 0 : i32
      %dma_wait3A_2646 = arith.constant 0 : i32
      %dma_wait3A_2647 = tpu.memref_slice %arg5[%dma_wait3A_2645, %dma_wait3A_2646] : memref<32x1000000xf32, #tpu.memory_space<hbm>> -> memref<32x128xf32, #tpu.memory_space<hbm>>
      tpu.wait_dma2 semaphore(%arg16 : memref<!tpu.dma_semaphore, #tpu.memory_space<semaphore_mem>>) src(%dma_wait3A_2647 : memref<32x128xf32, #tpu.memory_space<hbm>>) dst(%dma_wait3A_2644 : memref<32x128xf32, #tpu.memory_space<vmem>>)
      %dma_wait3A_2648 = arith.constant 4 : i32
      %dma_wait3A_2649 = arith.constant 0 : i32
      %dma_wait3A_2650 = arith.constant 0 : i32
      %dma_wait3A_2651 = tpu.memref_slice %arg13[%dma_wait3A_2648, %dma_wait3A_2649, %dma_wait3A_2650] : memref<8x1x128xf32, #tpu.memory_space<vmem>> -> memref<1x1x128xf32, #tpu.memory_space<vmem>>
      %dma_wait3A_2652 = tpu.memref_squeeze %dma_wait3A_2651 : memref<1x1x128xf32, #tpu.memory_space<vmem>> -> memref<1x128xf32, #tpu.memory_space<vmem>>
      %dma_wait3A_2653 = arith.constant 0 : i32
      %dma_wait3A_2654 = arith.constant 0 : i32
      %dma_wait3A_2655 = tpu.memref_slice %arg6[%dma_wait3A_2653, %dma_wait3A_2654] : memref<1x1000000xf32, #tpu.memory_space<hbm>> -> memref<1x128xf32, #tpu.memory_space<hbm>>
      %dma_wait3A_2656 = arith.constant 0 : i32
      %dma_wait3A_2657 = arith.constant 0 : i32
      %dma_wait3A_2658 = tpu.memref_slice %arg13[%dma_wait3A_2648, %dma_wait3A_2656, %dma_wait3A_2657] : memref<8x1x128xf32, #tpu.memory_space<vmem>> -> memref<1x1x128xf32, #tpu.memory_space<vmem>>
      %dma_wait3A_2659 = tpu.memref_squeeze %dma_wait3A_2658 : memref<1x1x128xf32, #tpu.memory_space<vmem>> -> memref<1x128xf32, #tpu.memory_space<vmem>>
      %dma_wait3A_2660 = arith.constant 0 : i32
      %dma_wait3A_2661 = arith.constant 0 : i32
      %dma_wait3A_2662 = tpu.memref_slice %arg6[%dma_wait3A_2660, %dma_wait3A_2661] : memref<1x1000000xf32, #tpu.memory_space<hbm>> -> memref<1x128xf32, #tpu.memory_space<hbm>>
      tpu.wait_dma2 semaphore(%arg16 : memref<!tpu.dma_semaphore, #tpu.memory_space<semaphore_mem>>) src(%dma_wait3A_2662 : memref<1x128xf32, #tpu.memory_space<hbm>>) dst(%dma_wait3A_2659 : memref<1x128xf32, #tpu.memory_space<vmem>>)
      %dma_wait3A_2663 = arith.constant 4 : i32
      %dma_wait3A_2664 = arith.constant 0 : i32
      %dma_wait3A_2665 = arith.constant 0 : i32
      %dma_wait3A_2666 = tpu.memref_slice %arg14[%dma_wait3A_2663, %dma_wait3A_2664, %dma_wait3A_2665] : memref<8x1x128xf32, #tpu.memory_space<vmem>> -> memref<1x1x128xf32, #tpu.memory_space<vmem>>
      %dma_wait3A_2667 = tpu.memref_squeeze %dma_wait3A_2666 : memref<1x1x128xf32, #tpu.memory_space<vmem>> -> memref<1x128xf32, #tpu.memory_space<vmem>>
      %dma_wait3A_2668 = arith.constant 0 : i32
      %dma_wait3A_2669 = arith.constant 0 : i32
      %dma_wait3A_2670 = tpu.memref_slice %arg7[%dma_wait3A_2668, %dma_wait3A_2669] : memref<1x1000000xf32, #tpu.memory_space<hbm>> -> memref<1x128xf32, #tpu.memory_space<hbm>>
      %dma_wait3A_2671 = arith.constant 0 : i32
      %dma_wait3A_2672 = arith.constant 0 : i32
      %dma_wait3A_2673 = tpu.memref_slice %arg14[%dma_wait3A_2663, %dma_wait3A_2671, %dma_wait3A_2672] : memref<8x1x128xf32, #tpu.memory_space<vmem>> -> memref<1x1x128xf32, #tpu.memory_space<vmem>>
      %dma_wait3A_2674 = tpu.memref_squeeze %dma_wait3A_2673 : memref<1x1x128xf32, #tpu.memory_space<vmem>> -> memref<1x128xf32, #tpu.memory_space<vmem>>
      %dma_wait3A_2675 = arith.constant 0 : i32
      %dma_wait3A_2676 = arith.constant 0 : i32
      %dma_wait3A_2677 = tpu.memref_slice %arg7[%dma_wait3A_2675, %dma_wait3A_2676] : memref<1x1000000xf32, #tpu.memory_space<hbm>> -> memref<1x128xf32, #tpu.memory_space<hbm>>
      tpu.wait_dma2 semaphore(%arg16 : memref<!tpu.dma_semaphore, #tpu.memory_space<semaphore_mem>>) src(%dma_wait3A_2677 : memref<1x128xf32, #tpu.memory_space<hbm>>) dst(%dma_wait3A_2674 : memref<1x128xf32, #tpu.memory_space<vmem>>)
      %slice3A_2678 = vector.extract_strided_slice %get3A_524 {offsets = [12], sizes = [1], strides = [1]} : vector<16xi32> to vector<1xi32>
      %squeeze3A_2679 = vector.extract %slice3A_2678[0] : i32 from vector<1xi32>
      %and3A_2680 = arith.constant 127 : i32
      %and3A_2681 = arith.andi %squeeze3A_2679, %and3A_2680 : i32
      %broadcast_in_dim3A_2682 = vector.broadcast %and3A_2681 : i32 to vector<16xi32>
      %slice3A_2683 = vector.extract_strided_slice %get3A_526 {offsets = [12], sizes = [1], strides = [1]} : vector<16xi32> to vector<1xi32>
      %squeeze3A_2684 = vector.extract %slice3A_2683[0] : i32 from vector<1xi32>
      %and3A_2685 = arith.constant 127 : i32
      %and3A_2686 = arith.andi %squeeze3A_2684, %and3A_2685 : i32
      %broadcast_in_dim3A_2687 = vector.broadcast %and3A_2686 : i32 to vector<16xi32>
      %gather3A_2688 = arith.constant 4 : i32
      %gather3A_2689 = arith.constant 0 : i32
      %gather3A_2690 = arith.constant 0 : i32
      %gather3A_2691 = tpu.memref_slice %arg11[%gather3A_2688, %gather3A_2689, %gather3A_2690] : memref<8x32x128xf32, #tpu.memory_space<vmem>> -> memref<1x32x128xf32, #tpu.memory_space<vmem>>
      %gather3A_2692 = tpu.memref_squeeze %gather3A_2691 : memref<1x32x128xf32, #tpu.memory_space<vmem>> -> memref<32x128xf32, #tpu.memory_space<vmem>>
      %gather3A_2693 = tpu.vector_load_idx %gather3A_2692[%iota3A, %broadcast_in_dim3A_2682] : memref<32x128xf32, #tpu.memory_space<vmem>>[vector<16xi32>, vector<16xi32>], vector<16xf32>,
      %gather3A_2694 = arith.constant 4 : i32
      %gather3A_2695 = arith.constant 0 : i32
      %gather3A_2696 = arith.constant 0 : i32
      %gather3A_2697 = tpu.memref_slice %arg11[%gather3A_2694, %gather3A_2695, %gather3A_2696] : memref<8x32x128xf32, #tpu.memory_space<vmem>> -> memref<1x32x128xf32, #tpu.memory_space<vmem>>
      %gather3A_2698 = tpu.memref_squeeze %gather3A_2697 : memref<1x32x128xf32, #tpu.memory_space<vmem>> -> memref<32x128xf32, #tpu.memory_space<vmem>>
      %gather3A_2699 = tpu.vector_load_idx %gather3A_2698[%add3A_510, %broadcast_in_dim3A_2682] : memref<32x128xf32, #tpu.memory_space<vmem>>[vector<16xi32>, vector<16xi32>], vector<16xf32>,
      %gather3A_2700 = arith.constant 4 : i32
      %gather3A_2701 = arith.constant 0 : i32
      %gather3A_2702 = arith.constant 0 : i32
      %gather3A_2703 = tpu.memref_slice %arg12[%gather3A_2700, %gather3A_2701, %gather3A_2702] : memref<8x32x128xf32, #tpu.memory_space<vmem>> -> memref<1x32x128xf32, #tpu.memory_space<vmem>>
      %gather3A_2704 = tpu.memref_squeeze %gather3A_2703 : memref<1x32x128xf32, #tpu.memory_space<vmem>> -> memref<32x128xf32, #tpu.memory_space<vmem>>
      %gather3A_2705 = tpu.vector_load_idx %gather3A_2704[%iota3A, %broadcast_in_dim3A_2687] : memref<32x128xf32, #tpu.memory_space<vmem>>[vector<16xi32>, vector<16xi32>], vector<16xf32>,
      %gather3A_2706 = arith.constant 4 : i32
      %gather3A_2707 = arith.constant 0 : i32
      %gather3A_2708 = arith.constant 0 : i32
      %gather3A_2709 = tpu.memref_slice %arg12[%gather3A_2706, %gather3A_2707, %gather3A_2708] : memref<8x32x128xf32, #tpu.memory_space<vmem>> -> memref<1x32x128xf32, #tpu.memory_space<vmem>>
      %gather3A_2710 = tpu.memref_squeeze %gather3A_2709 : memref<1x32x128xf32, #tpu.memory_space<vmem>> -> memref<32x128xf32, #tpu.memory_space<vmem>>
      %gather3A_2711 = tpu.vector_load_idx %gather3A_2710[%add3A_510, %broadcast_in_dim3A_2687] : memref<32x128xf32, #tpu.memory_space<vmem>>[vector<16xi32>, vector<16xi32>], vector<16xf32>,
      %gather3A_2712 = arith.constant 4 : i32
      %gather3A_2713 = arith.constant 0 : i32
      %gather3A_2714 = arith.constant 0 : i32
      %gather3A_2715 = tpu.memref_slice %arg13[%gather3A_2712, %gather3A_2713, %gather3A_2714] : memref<8x1x128xf32, #tpu.memory_space<vmem>> -> memref<1x1x128xf32, #tpu.memory_space<vmem>>
      %gather3A_2716 = tpu.memref_squeeze %gather3A_2715 : memref<1x1x128xf32, #tpu.memory_space<vmem>> -> memref<1x128xf32, #tpu.memory_space<vmem>>
      %gather3A_2717 = tpu.vector_load_idx %gather3A_2716[%broadcast_in_dim3A_511, %broadcast_in_dim3A_2682] : memref<1x128xf32, #tpu.memory_space<vmem>>[vector<16xi32>, vector<16xi32>], vector<16xf32>,
      %gather3A_2718 = arith.constant 4 : i32
      %gather3A_2719 = arith.constant 0 : i32
      %gather3A_2720 = arith.constant 0 : i32
      %gather3A_2721 = tpu.memref_slice %arg14[%gather3A_2718, %gather3A_2719, %gather3A_2720] : memref<8x1x128xf32, #tpu.memory_space<vmem>> -> memref<1x1x128xf32, #tpu.memory_space<vmem>>
      %gather3A_2722 = tpu.memref_squeeze %gather3A_2721 : memref<1x1x128xf32, #tpu.memory_space<vmem>> -> memref<1x128xf32, #tpu.memory_space<vmem>>
      %gather3A_2723 = tpu.vector_load_idx %gather3A_2722[%broadcast_in_dim3A_511, %broadcast_in_dim3A_2687] : memref<1x128xf32, #tpu.memory_space<vmem>>[vector<16xi32>, vector<16xi32>], vector<16xf32>,
      %mul3A_2724 = arith.mulf %gather3A_2693, %gather3A_2705 : vector<16xf32>
      %mul3A_2725 = arith.mulf %gather3A_2699, %gather3A_2711 : vector<16xf32>
      %add3A_2726 = arith.addf %mul3A_2724, %mul3A_2725 : vector<16xf32>
      %broadcast_in_dim3A_2727 = vector.shape_cast %xor3A_498 : vector<16xi32> to vector<16x1xi32>
      %gather3A_2728 = vector.shape_cast %broadcast_in_dim3A_2727 : vector<16x1xi32> to vector<16xi32>
      %gather3A_2729 = tpu.dynamic_gather %add3A_2726[%gather3A_2728] in [0] : vector<16xf32>, vector<16xi32> -> vector<16xf32>
      %add3A_2730 = arith.addf %add3A_2726, %gather3A_2729 : vector<16xf32>
      %broadcast_in_dim3A_2731 = vector.shape_cast %xor3A_501 : vector<16xi32> to vector<16x1xi32>
      %gather3A_2732 = vector.shape_cast %broadcast_in_dim3A_2731 : vector<16x1xi32> to vector<16xi32>
      %gather3A_2733 = tpu.dynamic_gather %add3A_2730[%gather3A_2732] in [0] : vector<16xf32>, vector<16xi32> -> vector<16xf32>
      %add3A_2734 = arith.addf %add3A_2730, %gather3A_2733 : vector<16xf32>
      %broadcast_in_dim3A_2735 = vector.shape_cast %xor3A_504 : vector<16xi32> to vector<16x1xi32>
      %gather3A_2736 = vector.shape_cast %broadcast_in_dim3A_2735 : vector<16x1xi32> to vector<16xi32>
      %gather3A_2737 = tpu.dynamic_gather %add3A_2734[%gather3A_2736] in [0] : vector<16xf32>, vector<16xi32> -> vector<16xf32>
      %add3A_2738 = arith.addf %add3A_2734, %gather3A_2737 : vector<16xf32>
      %broadcast_in_dim3A_2739 = vector.shape_cast %xor3A_507 : vector<16xi32> to vector<16x1xi32>
      %gather3A_2740 = vector.shape_cast %broadcast_in_dim3A_2739 : vector<16x1xi32> to vector<16xi32>
      %gather3A_2741 = tpu.dynamic_gather %add3A_2738[%gather3A_2740] in [0] : vector<16xf32>, vector<16xi32> -> vector<16xf32>
      %add3A_2742 = arith.addf %add3A_2738, %gather3A_2741 : vector<16xf32>
      %eq3A_2743 = arith.constant 12 : i32
      %eq3A_2744 = vector.broadcast %eq3A_2743 : i32 to vector<16xi32>
      %eq3A_2745 = arith.cmpi eq, %iota3A, %eq3A_2744 : vector<16xi32>
      %add3A_2746 = arith.addf %add3A_2742, %gather3A_2717 : vector<16xf32>
      %add3A_2747 = arith.addf %add3A_2746, %gather3A_2723 : vector<16xf32>
      %select_n3A_2748 = arith.select %eq3A_2745, %add3A_2747, %select_n3A_2612 : vector<16xi1>, vector<16xf32>
      %lt3A_2749 = arith.constant 31 : i32
      %lt3A_2750 = arith.cmpi slt, %scan3A_517, %lt3A_2749 : i32
      %convert_element_type3A_2751 = arith.extui %lt3A_2750 : i1 to i32
      %cond3A_2752 = arith.constant 0 : i32
      %cond3A_2753 = arith.cmpi ne, %convert_element_type3A_2751, %cond3A_2752 : i32
      scf.if %cond3A_2753 {
        %slice3A_3163 = vector.extract_strided_slice %get3A_530 {offsets = [4], sizes = [1], strides = [1]} : vector<16xi32> to vector<1xi32>
        %squeeze3A_3164 = vector.extract %slice3A_3163[0] : i32 from vector<1xi32>
        %slice3A_3165 = vector.extract_strided_slice %get3A_534 {offsets = [4], sizes = [1], strides = [1]} : vector<16xi32> to vector<1xi32>
        %squeeze3A_3166 = vector.extract %slice3A_3165[0] : i32 from vector<1xi32>
        %and3A_3167 = arith.constant -128 : i32
        %and3A_3168 = arith.andi %squeeze3A_3164, %and3A_3167 : i32
        %multiple_of3A_3169 = tpu.assume_multiple %and3A_3168, 128 : i32
        %and3A_3170 = arith.constant -128 : i32
        %and3A_3171 = arith.andi %squeeze3A_3166, %and3A_3170 : i32
        %multiple_of3A_3172 = tpu.assume_multiple %and3A_3171, 128 : i32
        %dma_start3A_3173 = arith.constant 4 : i32
        %dma_start3A_3174 = arith.constant 0 : i32
        %dma_start3A_3175 = arith.constant 0 : i32
        %dma_start3A_3176 = tpu.memref_slice %arg11[%dma_start3A_3173, %dma_start3A_3174, %dma_start3A_3175] : memref<8x32x128xf32, #tpu.memory_space<vmem>> -> memref<1x32x128xf32, #tpu.memory_space<vmem>>
        %dma_start3A_3177 = tpu.memref_squeeze %dma_start3A_3176 : memref<1x32x128xf32, #tpu.memory_space<vmem>> -> memref<32x128xf32, #tpu.memory_space<vmem>>
        %dma_start3A_3178 = arith.constant 0 : i32
        %dma_start3A_3179 = tpu.memref_slice %arg4[%dma_start3A_3178, %multiple_of3A_3169] : memref<32x1000000xf32, #tpu.memory_space<hbm>> -> memref<32x128xf32, #tpu.memory_space<hbm>>
        %dma_start3A_3180 = arith.constant 0 : i32
        %dma_start3A_3181 = arith.constant 0 : i32
        %dma_start3A_3182 = tpu.memref_slice %arg11[%dma_start3A_3173, %dma_start3A_3180, %dma_start3A_3181] : memref<8x32x128xf32, #tpu.memory_space<vmem>> -> memref<1x32x128xf32, #tpu.memory_space<vmem>>
        %dma_start3A_3183 = tpu.memref_squeeze %dma_start3A_3182 : memref<1x32x128xf32, #tpu.memory_space<vmem>> -> memref<32x128xf32, #tpu.memory_space<vmem>>
        %dma_start3A_3184 = arith.constant 0 : i32
        %dma_start3A_3185 = tpu.memref_slice %arg4[%dma_start3A_3184, %multiple_of3A_3169] : memref<32x1000000xf32, #tpu.memory_space<hbm>> -> memref<32x128xf32, #tpu.memory_space<hbm>>
        tpu.enqueue_dma source(%dma_start3A_3185 : memref<32x128xf32, #tpu.memory_space<hbm>>) target(%dma_start3A_3183 : memref<32x128xf32, #tpu.memory_space<vmem>>) target_semaphore(%arg16 : memref<!tpu.dma_semaphore, #tpu.memory_space<semaphore_mem>>)
        %dma_start3A_3186 = arith.constant 4 : i32
        %dma_start3A_3187 = arith.constant 0 : i32
        %dma_start3A_3188 = arith.constant 0 : i32
        %dma_start3A_3189 = tpu.memref_slice %arg12[%dma_start3A_3186, %dma_start3A_3187, %dma_start3A_3188] : memref<8x32x128xf32, #tpu.memory_space<vmem>> -> memref<1x32x128xf32, #tpu.memory_space<vmem>>
        %dma_start3A_3190 = tpu.memref_squeeze %dma_start3A_3189 : memref<1x32x128xf32, #tpu.memory_space<vmem>> -> memref<32x128xf32, #tpu.memory_space<vmem>>
        %dma_start3A_3191 = arith.constant 0 : i32
        %dma_start3A_3192 = tpu.memref_slice %arg5[%dma_start3A_3191, %multiple_of3A_3172] : memref<32x1000000xf32, #tpu.memory_space<hbm>> -> memref<32x128xf32, #tpu.memory_space<hbm>>
        %dma_start3A_3193 = arith.constant 0 : i32
        %dma_start3A_3194 = arith.constant 0 : i32
        %dma_start3A_3195 = tpu.memref_slice %arg12[%dma_start3A_3186, %dma_start3A_3193, %dma_start3A_3194] : memref<8x32x128xf32, #tpu.memory_space<vmem>> -> memref<1x32x128xf32, #tpu.memory_space<vmem>>
        %dma_start3A_3196 = tpu.memref_squeeze %dma_start3A_3195 : memref<1x32x128xf32, #tpu.memory_space<vmem>> -> memref<32x128xf32, #tpu.memory_space<vmem>>
        %dma_start3A_3197 = arith.constant 0 : i32
        %dma_start3A_3198 = tpu.memref_slice %arg5[%dma_start3A_3197, %multiple_of3A_3172] : memref<32x1000000xf32, #tpu.memory_space<hbm>> -> memref<32x128xf32, #tpu.memory_space<hbm>>
        tpu.enqueue_dma source(%dma_start3A_3198 : memref<32x128xf32, #tpu.memory_space<hbm>>) target(%dma_start3A_3196 : memref<32x128xf32, #tpu.memory_space<vmem>>) target_semaphore(%arg16 : memref<!tpu.dma_semaphore, #tpu.memory_space<semaphore_mem>>)
        %dma_start3A_3199 = arith.constant 4 : i32
        %dma_start3A_3200 = arith.constant 0 : i32
        %dma_start3A_3201 = arith.constant 0 : i32
        %dma_start3A_3202 = tpu.memref_slice %arg13[%dma_start3A_3199, %dma_start3A_3200, %dma_start3A_3201] : memref<8x1x128xf32, #tpu.memory_space<vmem>> -> memref<1x1x128xf32, #tpu.memory_space<vmem>>
        %dma_start3A_3203 = tpu.memref_squeeze %dma_start3A_3202 : memref<1x1x128xf32, #tpu.memory_space<vmem>> -> memref<1x128xf32, #tpu.memory_space<vmem>>
        %dma_start3A_3204 = arith.constant 0 : i32
        %dma_start3A_3205 = tpu.memref_slice %arg6[%dma_start3A_3204, %multiple_of3A_3169] : memref<1x1000000xf32, #tpu.memory_space<hbm>> -> memref<1x128xf32, #tpu.memory_space<hbm>>
        %dma_start3A_3206 = arith.constant 0 : i32
        %dma_start3A_3207 = arith.constant 0 : i32
        %dma_start3A_3208 = tpu.memref_slice %arg13[%dma_start3A_3199, %dma_start3A_3206, %dma_start3A_3207] : memref<8x1x128xf32, #tpu.memory_space<vmem>> -> memref<1x1x128xf32, #tpu.memory_space<vmem>>
        %dma_start3A_3209 = tpu.memref_squeeze %dma_start3A_3208 : memref<1x1x128xf32, #tpu.memory_space<vmem>> -> memref<1x128xf32, #tpu.memory_space<vmem>>
        %dma_start3A_3210 = arith.constant 0 : i32
        %dma_start3A_3211 = tpu.memref_slice %arg6[%dma_start3A_3210, %multiple_of3A_3169] : memref<1x1000000xf32, #tpu.memory_space<hbm>> -> memref<1x128xf32, #tpu.memory_space<hbm>>
        tpu.enqueue_dma source(%dma_start3A_3211 : memref<1x128xf32, #tpu.memory_space<hbm>>) target(%dma_start3A_3209 : memref<1x128xf32, #tpu.memory_space<vmem>>) target_semaphore(%arg16 : memref<!tpu.dma_semaphore, #tpu.memory_space<semaphore_mem>>)
        %dma_start3A_3212 = arith.constant 4 : i32
        %dma_start3A_3213 = arith.constant 0 : i32
        %dma_start3A_3214 = arith.constant 0 : i32
        %dma_start3A_3215 = tpu.memref_slice %arg14[%dma_start3A_3212, %dma_start3A_3213, %dma_start3A_3214] : memref<8x1x128xf32, #tpu.memory_space<vmem>> -> memref<1x1x128xf32, #tpu.memory_space<vmem>>
        %dma_start3A_3216 = tpu.memref_squeeze %dma_start3A_3215 : memref<1x1x128xf32, #tpu.memory_space<vmem>> -> memref<1x128xf32, #tpu.memory_space<vmem>>
        %dma_start3A_3217 = arith.constant 0 : i32
        %dma_start3A_3218 = tpu.memref_slice %arg7[%dma_start3A_3217, %multiple_of3A_3172] : memref<1x1000000xf32, #tpu.memory_space<hbm>> -> memref<1x128xf32, #tpu.memory_space<hbm>>
        %dma_start3A_3219 = arith.constant 0 : i32
        %dma_start3A_3220 = arith.constant 0 : i32
        %dma_start3A_3221 = tpu.memref_slice %arg14[%dma_start3A_3212, %dma_start3A_3219, %dma_start3A_3220] : memref<8x1x128xf32, #tpu.memory_space<vmem>> -> memref<1x1x128xf32, #tpu.memory_space<vmem>>
        %dma_start3A_3222 = tpu.memref_squeeze %dma_start3A_3221 : memref<1x1x128xf32, #tpu.memory_space<vmem>> -> memref<1x128xf32, #tpu.memory_space<vmem>>
        %dma_start3A_3223 = arith.constant 0 : i32
        %dma_start3A_3224 = tpu.memref_slice %arg7[%dma_start3A_3223, %multiple_of3A_3172] : memref<1x1000000xf32, #tpu.memory_space<hbm>> -> memref<1x128xf32, #tpu.memory_space<hbm>>
        tpu.enqueue_dma source(%dma_start3A_3224 : memref<1x128xf32, #tpu.memory_space<hbm>>) target(%dma_start3A_3222 : memref<1x128xf32, #tpu.memory_space<vmem>>) target_semaphore(%arg16 : memref<!tpu.dma_semaphore, #tpu.memory_space<semaphore_mem>>)
      } else {
      }
      %dma_wait3A_2754 = arith.constant 5 : i32
      %dma_wait3A_2755 = arith.constant 0 : i32
      %dma_wait3A_2756 = arith.constant 0 : i32
      %dma_wait3A_2757 = tpu.memref_slice %arg11[%dma_wait3A_2754, %dma_wait3A_2755, %dma_wait3A_2756] : memref<8x32x128xf32, #tpu.memory_space<vmem>> -> memref<1x32x128xf32, #tpu.memory_space<vmem>>
      %dma_wait3A_2758 = tpu.memref_squeeze %dma_wait3A_2757 : memref<1x32x128xf32, #tpu.memory_space<vmem>> -> memref<32x128xf32, #tpu.memory_space<vmem>>
      %dma_wait3A_2759 = arith.constant 0 : i32
      %dma_wait3A_2760 = arith.constant 0 : i32
      %dma_wait3A_2761 = tpu.memref_slice %arg4[%dma_wait3A_2759, %dma_wait3A_2760] : memref<32x1000000xf32, #tpu.memory_space<hbm>> -> memref<32x128xf32, #tpu.memory_space<hbm>>
      %dma_wait3A_2762 = arith.constant 0 : i32
      %dma_wait3A_2763 = arith.constant 0 : i32
      %dma_wait3A_2764 = tpu.memref_slice %arg11[%dma_wait3A_2754, %dma_wait3A_2762, %dma_wait3A_2763] : memref<8x32x128xf32, #tpu.memory_space<vmem>> -> memref<1x32x128xf32, #tpu.memory_space<vmem>>
      %dma_wait3A_2765 = tpu.memref_squeeze %dma_wait3A_2764 : memref<1x32x128xf32, #tpu.memory_space<vmem>> -> memref<32x128xf32, #tpu.memory_space<vmem>>
      %dma_wait3A_2766 = arith.constant 0 : i32
      %dma_wait3A_2767 = arith.constant 0 : i32
      %dma_wait3A_2768 = tpu.memref_slice %arg4[%dma_wait3A_2766, %dma_wait3A_2767] : memref<32x1000000xf32, #tpu.memory_space<hbm>> -> memref<32x128xf32, #tpu.memory_space<hbm>>
      tpu.wait_dma2 semaphore(%arg16 : memref<!tpu.dma_semaphore, #tpu.memory_space<semaphore_mem>>) src(%dma_wait3A_2768 : memref<32x128xf32, #tpu.memory_space<hbm>>) dst(%dma_wait3A_2765 : memref<32x128xf32, #tpu.memory_space<vmem>>)
      %dma_wait3A_2769 = arith.constant 5 : i32
      %dma_wait3A_2770 = arith.constant 0 : i32
      %dma_wait3A_2771 = arith.constant 0 : i32
      %dma_wait3A_2772 = tpu.memref_slice %arg12[%dma_wait3A_2769, %dma_wait3A_2770, %dma_wait3A_2771] : memref<8x32x128xf32, #tpu.memory_space<vmem>> -> memref<1x32x128xf32, #tpu.memory_space<vmem>>
      %dma_wait3A_2773 = tpu.memref_squeeze %dma_wait3A_2772 : memref<1x32x128xf32, #tpu.memory_space<vmem>> -> memref<32x128xf32, #tpu.memory_space<vmem>>
      %dma_wait3A_2774 = arith.constant 0 : i32
      %dma_wait3A_2775 = arith.constant 0 : i32
      %dma_wait3A_2776 = tpu.memref_slice %arg5[%dma_wait3A_2774, %dma_wait3A_2775] : memref<32x1000000xf32, #tpu.memory_space<hbm>> -> memref<32x128xf32, #tpu.memory_space<hbm>>
      %dma_wait3A_2777 = arith.constant 0 : i32
      %dma_wait3A_2778 = arith.constant 0 : i32
      %dma_wait3A_2779 = tpu.memref_slice %arg12[%dma_wait3A_2769, %dma_wait3A_2777, %dma_wait3A_2778] : memref<8x32x128xf32, #tpu.memory_space<vmem>> -> memref<1x32x128xf32, #tpu.memory_space<vmem>>
      %dma_wait3A_2780 = tpu.memref_squeeze %dma_wait3A_2779 : memref<1x32x128xf32, #tpu.memory_space<vmem>> -> memref<32x128xf32, #tpu.memory_space<vmem>>
      %dma_wait3A_2781 = arith.constant 0 : i32
      %dma_wait3A_2782 = arith.constant 0 : i32
      %dma_wait3A_2783 = tpu.memref_slice %arg5[%dma_wait3A_2781, %dma_wait3A_2782] : memref<32x1000000xf32, #tpu.memory_space<hbm>> -> memref<32x128xf32, #tpu.memory_space<hbm>>
      tpu.wait_dma2 semaphore(%arg16 : memref<!tpu.dma_semaphore, #tpu.memory_space<semaphore_mem>>) src(%dma_wait3A_2783 : memref<32x128xf32, #tpu.memory_space<hbm>>) dst(%dma_wait3A_2780 : memref<32x128xf32, #tpu.memory_space<vmem>>)
      %dma_wait3A_2784 = arith.constant 5 : i32
      %dma_wait3A_2785 = arith.constant 0 : i32
      %dma_wait3A_2786 = arith.constant 0 : i32
      %dma_wait3A_2787 = tpu.memref_slice %arg13[%dma_wait3A_2784, %dma_wait3A_2785, %dma_wait3A_2786] : memref<8x1x128xf32, #tpu.memory_space<vmem>> -> memref<1x1x128xf32, #tpu.memory_space<vmem>>
      %dma_wait3A_2788 = tpu.memref_squeeze %dma_wait3A_2787 : memref<1x1x128xf32, #tpu.memory_space<vmem>> -> memref<1x128xf32, #tpu.memory_space<vmem>>
      %dma_wait3A_2789 = arith.constant 0 : i32
      %dma_wait3A_2790 = arith.constant 0 : i32
      %dma_wait3A_2791 = tpu.memref_slice %arg6[%dma_wait3A_2789, %dma_wait3A_2790] : memref<1x1000000xf32, #tpu.memory_space<hbm>> -> memref<1x128xf32, #tpu.memory_space<hbm>>
      %dma_wait3A_2792 = arith.constant 0 : i32
      %dma_wait3A_2793 = arith.constant 0 : i32
      %dma_wait3A_2794 = tpu.memref_slice %arg13[%dma_wait3A_2784, %dma_wait3A_2792, %dma_wait3A_2793] : memref<8x1x128xf32, #tpu.memory_space<vmem>> -> memref<1x1x128xf32, #tpu.memory_space<vmem>>
      %dma_wait3A_2795 = tpu.memref_squeeze %dma_wait3A_2794 : memref<1x1x128xf32, #tpu.memory_space<vmem>> -> memref<1x128xf32, #tpu.memory_space<vmem>>
      %dma_wait3A_2796 = arith.constant 0 : i32
      %dma_wait3A_2797 = arith.constant 0 : i32
      %dma_wait3A_2798 = tpu.memref_slice %arg6[%dma_wait3A_2796, %dma_wait3A_2797] : memref<1x1000000xf32, #tpu.memory_space<hbm>> -> memref<1x128xf32, #tpu.memory_space<hbm>>
      tpu.wait_dma2 semaphore(%arg16 : memref<!tpu.dma_semaphore, #tpu.memory_space<semaphore_mem>>) src(%dma_wait3A_2798 : memref<1x128xf32, #tpu.memory_space<hbm>>) dst(%dma_wait3A_2795 : memref<1x128xf32, #tpu.memory_space<vmem>>)
      %dma_wait3A_2799 = arith.constant 5 : i32
      %dma_wait3A_2800 = arith.constant 0 : i32
      %dma_wait3A_2801 = arith.constant 0 : i32
      %dma_wait3A_2802 = tpu.memref_slice %arg14[%dma_wait3A_2799, %dma_wait3A_2800, %dma_wait3A_2801] : memref<8x1x128xf32, #tpu.memory_space<vmem>> -> memref<1x1x128xf32, #tpu.memory_space<vmem>>
      %dma_wait3A_2803 = tpu.memref_squeeze %dma_wait3A_2802 : memref<1x1x128xf32, #tpu.memory_space<vmem>> -> memref<1x128xf32, #tpu.memory_space<vmem>>
      %dma_wait3A_2804 = arith.constant 0 : i32
      %dma_wait3A_2805 = arith.constant 0 : i32
      %dma_wait3A_2806 = tpu.memref_slice %arg7[%dma_wait3A_2804, %dma_wait3A_2805] : memref<1x1000000xf32, #tpu.memory_space<hbm>> -> memref<1x128xf32, #tpu.memory_space<hbm>>
      %dma_wait3A_2807 = arith.constant 0 : i32
      %dma_wait3A_2808 = arith.constant 0 : i32
      %dma_wait3A_2809 = tpu.memref_slice %arg14[%dma_wait3A_2799, %dma_wait3A_2807, %dma_wait3A_2808] : memref<8x1x128xf32, #tpu.memory_space<vmem>> -> memref<1x1x128xf32, #tpu.memory_space<vmem>>
      %dma_wait3A_2810 = tpu.memref_squeeze %dma_wait3A_2809 : memref<1x1x128xf32, #tpu.memory_space<vmem>> -> memref<1x128xf32, #tpu.memory_space<vmem>>
      %dma_wait3A_2811 = arith.constant 0 : i32
      %dma_wait3A_2812 = arith.constant 0 : i32
      %dma_wait3A_2813 = tpu.memref_slice %arg7[%dma_wait3A_2811, %dma_wait3A_2812] : memref<1x1000000xf32, #tpu.memory_space<hbm>> -> memref<1x128xf32, #tpu.memory_space<hbm>>
      tpu.wait_dma2 semaphore(%arg16 : memref<!tpu.dma_semaphore, #tpu.memory_space<semaphore_mem>>) src(%dma_wait3A_2813 : memref<1x128xf32, #tpu.memory_space<hbm>>) dst(%dma_wait3A_2810 : memref<1x128xf32, #tpu.memory_space<vmem>>)
      %slice3A_2814 = vector.extract_strided_slice %get3A_524 {offsets = [13], sizes = [1], strides = [1]} : vector<16xi32> to vector<1xi32>
      %squeeze3A_2815 = vector.extract %slice3A_2814[0] : i32 from vector<1xi32>
      %and3A_2816 = arith.constant 127 : i32
      %and3A_2817 = arith.andi %squeeze3A_2815, %and3A_2816 : i32
      %broadcast_in_dim3A_2818 = vector.broadcast %and3A_2817 : i32 to vector<16xi32>
      %slice3A_2819 = vector.extract_strided_slice %get3A_526 {offsets = [13], sizes = [1], strides = [1]} : vector<16xi32> to vector<1xi32>
      %squeeze3A_2820 = vector.extract %slice3A_2819[0] : i32 from vector<1xi32>
      %and3A_2821 = arith.constant 127 : i32
      %and3A_2822 = arith.andi %squeeze3A_2820, %and3A_2821 : i32
      %broadcast_in_dim3A_2823 = vector.broadcast %and3A_2822 : i32 to vector<16xi32>
      %gather3A_2824 = arith.constant 5 : i32
      %gather3A_2825 = arith.constant 0 : i32
      %gather3A_2826 = arith.constant 0 : i32
      %gather3A_2827 = tpu.memref_slice %arg11[%gather3A_2824, %gather3A_2825, %gather3A_2826] : memref<8x32x128xf32, #tpu.memory_space<vmem>> -> memref<1x32x128xf32, #tpu.memory_space<vmem>>
      %gather3A_2828 = tpu.memref_squeeze %gather3A_2827 : memref<1x32x128xf32, #tpu.memory_space<vmem>> -> memref<32x128xf32, #tpu.memory_space<vmem>>
      %gather3A_2829 = tpu.vector_load_idx %gather3A_2828[%iota3A, %broadcast_in_dim3A_2818] : memref<32x128xf32, #tpu.memory_space<vmem>>[vector<16xi32>, vector<16xi32>], vector<16xf32>,
      %gather3A_2830 = arith.constant 5 : i32
      %gather3A_2831 = arith.constant 0 : i32
      %gather3A_2832 = arith.constant 0 : i32
      %gather3A_2833 = tpu.memref_slice %arg11[%gather3A_2830, %gather3A_2831, %gather3A_2832] : memref<8x32x128xf32, #tpu.memory_space<vmem>> -> memref<1x32x128xf32, #tpu.memory_space<vmem>>
      %gather3A_2834 = tpu.memref_squeeze %gather3A_2833 : memref<1x32x128xf32, #tpu.memory_space<vmem>> -> memref<32x128xf32, #tpu.memory_space<vmem>>
      %gather3A_2835 = tpu.vector_load_idx %gather3A_2834[%add3A_510, %broadcast_in_dim3A_2818] : memref<32x128xf32, #tpu.memory_space<vmem>>[vector<16xi32>, vector<16xi32>], vector<16xf32>,
      %gather3A_2836 = arith.constant 5 : i32
      %gather3A_2837 = arith.constant 0 : i32
      %gather3A_2838 = arith.constant 0 : i32
      %gather3A_2839 = tpu.memref_slice %arg12[%gather3A_2836, %gather3A_2837, %gather3A_2838] : memref<8x32x128xf32, #tpu.memory_space<vmem>> -> memref<1x32x128xf32, #tpu.memory_space<vmem>>
      %gather3A_2840 = tpu.memref_squeeze %gather3A_2839 : memref<1x32x128xf32, #tpu.memory_space<vmem>> -> memref<32x128xf32, #tpu.memory_space<vmem>>
      %gather3A_2841 = tpu.vector_load_idx %gather3A_2840[%iota3A, %broadcast_in_dim3A_2823] : memref<32x128xf32, #tpu.memory_space<vmem>>[vector<16xi32>, vector<16xi32>], vector<16xf32>,
      %gather3A_2842 = arith.constant 5 : i32
      %gather3A_2843 = arith.constant 0 : i32
      %gather3A_2844 = arith.constant 0 : i32
      %gather3A_2845 = tpu.memref_slice %arg12[%gather3A_2842, %gather3A_2843, %gather3A_2844] : memref<8x32x128xf32, #tpu.memory_space<vmem>> -> memref<1x32x128xf32, #tpu.memory_space<vmem>>
      %gather3A_2846 = tpu.memref_squeeze %gather3A_2845 : memref<1x32x128xf32, #tpu.memory_space<vmem>> -> memref<32x128xf32, #tpu.memory_space<vmem>>
      %gather3A_2847 = tpu.vector_load_idx %gather3A_2846[%add3A_510, %broadcast_in_dim3A_2823] : memref<32x128xf32, #tpu.memory_space<vmem>>[vector<16xi32>, vector<16xi32>], vector<16xf32>,
      %gather3A_2848 = arith.constant 5 : i32
      %gather3A_2849 = arith.constant 0 : i32
      %gather3A_2850 = arith.constant 0 : i32
      %gather3A_2851 = tpu.memref_slice %arg13[%gather3A_2848, %gather3A_2849, %gather3A_2850] : memref<8x1x128xf32, #tpu.memory_space<vmem>> -> memref<1x1x128xf32, #tpu.memory_space<vmem>>
      %gather3A_2852 = tpu.memref_squeeze %gather3A_2851 : memref<1x1x128xf32, #tpu.memory_space<vmem>> -> memref<1x128xf32, #tpu.memory_space<vmem>>
      %gather3A_2853 = tpu.vector_load_idx %gather3A_2852[%broadcast_in_dim3A_511, %broadcast_in_dim3A_2818] : memref<1x128xf32, #tpu.memory_space<vmem>>[vector<16xi32>, vector<16xi32>], vector<16xf32>,
      %gather3A_2854 = arith.constant 5 : i32
      %gather3A_2855 = arith.constant 0 : i32
      %gather3A_2856 = arith.constant 0 : i32
      %gather3A_2857 = tpu.memref_slice %arg14[%gather3A_2854, %gather3A_2855, %gather3A_2856] : memref<8x1x128xf32, #tpu.memory_space<vmem>> -> memref<1x1x128xf32, #tpu.memory_space<vmem>>
      %gather3A_2858 = tpu.memref_squeeze %gather3A_2857 : memref<1x1x128xf32, #tpu.memory_space<vmem>> -> memref<1x128xf32, #tpu.memory_space<vmem>>
      %gather3A_2859 = tpu.vector_load_idx %gather3A_2858[%broadcast_in_dim3A_511, %broadcast_in_dim3A_2823] : memref<1x128xf32, #tpu.memory_space<vmem>>[vector<16xi32>, vector<16xi32>], vector<16xf32>,
      %mul3A_2860 = arith.mulf %gather3A_2829, %gather3A_2841 : vector<16xf32>
      %mul3A_2861 = arith.mulf %gather3A_2835, %gather3A_2847 : vector<16xf32>
      %add3A_2862 = arith.addf %mul3A_2860, %mul3A_2861 : vector<16xf32>
      %broadcast_in_dim3A_2863 = vector.shape_cast %xor3A_498 : vector<16xi32> to vector<16x1xi32>
      %gather3A_2864 = vector.shape_cast %broadcast_in_dim3A_2863 : vector<16x1xi32> to vector<16xi32>
      %gather3A_2865 = tpu.dynamic_gather %add3A_2862[%gather3A_2864] in [0] : vector<16xf32>, vector<16xi32> -> vector<16xf32>
      %add3A_2866 = arith.addf %add3A_2862, %gather3A_2865 : vector<16xf32>
      %broadcast_in_dim3A_2867 = vector.shape_cast %xor3A_501 : vector<16xi32> to vector<16x1xi32>
      %gather3A_2868 = vector.shape_cast %broadcast_in_dim3A_2867 : vector<16x1xi32> to vector<16xi32>
      %gather3A_2869 = tpu.dynamic_gather %add3A_2866[%gather3A_2868] in [0] : vector<16xf32>, vector<16xi32> -> vector<16xf32>
      %add3A_2870 = arith.addf %add3A_2866, %gather3A_2869 : vector<16xf32>
      %broadcast_in_dim3A_2871 = vector.shape_cast %xor3A_504 : vector<16xi32> to vector<16x1xi32>
      %gather3A_2872 = vector.shape_cast %broadcast_in_dim3A_2871 : vector<16x1xi32> to vector<16xi32>
      %gather3A_2873 = tpu.dynamic_gather %add3A_2870[%gather3A_2872] in [0] : vector<16xf32>, vector<16xi32> -> vector<16xf32>
      %add3A_2874 = arith.addf %add3A_2870, %gather3A_2873 : vector<16xf32>
      %broadcast_in_dim3A_2875 = vector.shape_cast %xor3A_507 : vector<16xi32> to vector<16x1xi32>
      %gather3A_2876 = vector.shape_cast %broadcast_in_dim3A_2875 : vector<16x1xi32> to vector<16xi32>
      %gather3A_2877 = tpu.dynamic_gather %add3A_2874[%gather3A_2876] in [0] : vector<16xf32>, vector<16xi32> -> vector<16xf32>
      %add3A_2878 = arith.addf %add3A_2874, %gather3A_2877 : vector<16xf32>
      %eq3A_2879 = arith.constant 13 : i32
      %eq3A_2880 = vector.broadcast %eq3A_2879 : i32 to vector<16xi32>
      %eq3A_2881 = arith.cmpi eq, %iota3A, %eq3A_2880 : vector<16xi32>
      %add3A_2882 = arith.addf %add3A_2878, %gather3A_2853 : vector<16xf32>
      %add3A_2883 = arith.addf %add3A_2882, %gather3A_2859 : vector<16xf32>
      %select_n3A_2884 = arith.select %eq3A_2881, %add3A_2883, %select_n3A_2748 : vector<16xi1>, vector<16xf32>
      %lt3A_2885 = arith.constant 31 : i32
      %lt3A_2886 = arith.cmpi slt, %scan3A_517, %lt3A_2885 : i32
      %convert_element_type3A_2887 = arith.extui %lt3A_2886 : i1 to i32
      %cond3A_2888 = arith.constant 0 : i32
      %cond3A_2889 = arith.cmpi ne, %convert_element_type3A_2887, %cond3A_2888 : i32
      scf.if %cond3A_2889 {
        %slice3A_3163 = vector.extract_strided_slice %get3A_530 {offsets = [5], sizes = [1], strides = [1]} : vector<16xi32> to vector<1xi32>
        %squeeze3A_3164 = vector.extract %slice3A_3163[0] : i32 from vector<1xi32>
        %slice3A_3165 = vector.extract_strided_slice %get3A_534 {offsets = [5], sizes = [1], strides = [1]} : vector<16xi32> to vector<1xi32>
        %squeeze3A_3166 = vector.extract %slice3A_3165[0] : i32 from vector<1xi32>
        %and3A_3167 = arith.constant -128 : i32
        %and3A_3168 = arith.andi %squeeze3A_3164, %and3A_3167 : i32
        %multiple_of3A_3169 = tpu.assume_multiple %and3A_3168, 128 : i32
        %and3A_3170 = arith.constant -128 : i32
        %and3A_3171 = arith.andi %squeeze3A_3166, %and3A_3170 : i32
        %multiple_of3A_3172 = tpu.assume_multiple %and3A_3171, 128 : i32
        %dma_start3A_3173 = arith.constant 5 : i32
        %dma_start3A_3174 = arith.constant 0 : i32
        %dma_start3A_3175 = arith.constant 0 : i32
        %dma_start3A_3176 = tpu.memref_slice %arg11[%dma_start3A_3173, %dma_start3A_3174, %dma_start3A_3175] : memref<8x32x128xf32, #tpu.memory_space<vmem>> -> memref<1x32x128xf32, #tpu.memory_space<vmem>>
        %dma_start3A_3177 = tpu.memref_squeeze %dma_start3A_3176 : memref<1x32x128xf32, #tpu.memory_space<vmem>> -> memref<32x128xf32, #tpu.memory_space<vmem>>
        %dma_start3A_3178 = arith.constant 0 : i32
        %dma_start3A_3179 = tpu.memref_slice %arg4[%dma_start3A_3178, %multiple_of3A_3169] : memref<32x1000000xf32, #tpu.memory_space<hbm>> -> memref<32x128xf32, #tpu.memory_space<hbm>>
        %dma_start3A_3180 = arith.constant 0 : i32
        %dma_start3A_3181 = arith.constant 0 : i32
        %dma_start3A_3182 = tpu.memref_slice %arg11[%dma_start3A_3173, %dma_start3A_3180, %dma_start3A_3181] : memref<8x32x128xf32, #tpu.memory_space<vmem>> -> memref<1x32x128xf32, #tpu.memory_space<vmem>>
        %dma_start3A_3183 = tpu.memref_squeeze %dma_start3A_3182 : memref<1x32x128xf32, #tpu.memory_space<vmem>> -> memref<32x128xf32, #tpu.memory_space<vmem>>
        %dma_start3A_3184 = arith.constant 0 : i32
        %dma_start3A_3185 = tpu.memref_slice %arg4[%dma_start3A_3184, %multiple_of3A_3169] : memref<32x1000000xf32, #tpu.memory_space<hbm>> -> memref<32x128xf32, #tpu.memory_space<hbm>>
        tpu.enqueue_dma source(%dma_start3A_3185 : memref<32x128xf32, #tpu.memory_space<hbm>>) target(%dma_start3A_3183 : memref<32x128xf32, #tpu.memory_space<vmem>>) target_semaphore(%arg16 : memref<!tpu.dma_semaphore, #tpu.memory_space<semaphore_mem>>)
        %dma_start3A_3186 = arith.constant 5 : i32
        %dma_start3A_3187 = arith.constant 0 : i32
        %dma_start3A_3188 = arith.constant 0 : i32
        %dma_start3A_3189 = tpu.memref_slice %arg12[%dma_start3A_3186, %dma_start3A_3187, %dma_start3A_3188] : memref<8x32x128xf32, #tpu.memory_space<vmem>> -> memref<1x32x128xf32, #tpu.memory_space<vmem>>
        %dma_start3A_3190 = tpu.memref_squeeze %dma_start3A_3189 : memref<1x32x128xf32, #tpu.memory_space<vmem>> -> memref<32x128xf32, #tpu.memory_space<vmem>>
        %dma_start3A_3191 = arith.constant 0 : i32
        %dma_start3A_3192 = tpu.memref_slice %arg5[%dma_start3A_3191, %multiple_of3A_3172] : memref<32x1000000xf32, #tpu.memory_space<hbm>> -> memref<32x128xf32, #tpu.memory_space<hbm>>
        %dma_start3A_3193 = arith.constant 0 : i32
        %dma_start3A_3194 = arith.constant 0 : i32
        %dma_start3A_3195 = tpu.memref_slice %arg12[%dma_start3A_3186, %dma_start3A_3193, %dma_start3A_3194] : memref<8x32x128xf32, #tpu.memory_space<vmem>> -> memref<1x32x128xf32, #tpu.memory_space<vmem>>
        %dma_start3A_3196 = tpu.memref_squeeze %dma_start3A_3195 : memref<1x32x128xf32, #tpu.memory_space<vmem>> -> memref<32x128xf32, #tpu.memory_space<vmem>>
        %dma_start3A_3197 = arith.constant 0 : i32
        %dma_start3A_3198 = tpu.memref_slice %arg5[%dma_start3A_3197, %multiple_of3A_3172] : memref<32x1000000xf32, #tpu.memory_space<hbm>> -> memref<32x128xf32, #tpu.memory_space<hbm>>
        tpu.enqueue_dma source(%dma_start3A_3198 : memref<32x128xf32, #tpu.memory_space<hbm>>) target(%dma_start3A_3196 : memref<32x128xf32, #tpu.memory_space<vmem>>) target_semaphore(%arg16 : memref<!tpu.dma_semaphore, #tpu.memory_space<semaphore_mem>>)
        %dma_start3A_3199 = arith.constant 5 : i32
        %dma_start3A_3200 = arith.constant 0 : i32
        %dma_start3A_3201 = arith.constant 0 : i32
        %dma_start3A_3202 = tpu.memref_slice %arg13[%dma_start3A_3199, %dma_start3A_3200, %dma_start3A_3201] : memref<8x1x128xf32, #tpu.memory_space<vmem>> -> memref<1x1x128xf32, #tpu.memory_space<vmem>>
        %dma_start3A_3203 = tpu.memref_squeeze %dma_start3A_3202 : memref<1x1x128xf32, #tpu.memory_space<vmem>> -> memref<1x128xf32, #tpu.memory_space<vmem>>
        %dma_start3A_3204 = arith.constant 0 : i32
        %dma_start3A_3205 = tpu.memref_slice %arg6[%dma_start3A_3204, %multiple_of3A_3169] : memref<1x1000000xf32, #tpu.memory_space<hbm>> -> memref<1x128xf32, #tpu.memory_space<hbm>>
        %dma_start3A_3206 = arith.constant 0 : i32
        %dma_start3A_3207 = arith.constant 0 : i32
        %dma_start3A_3208 = tpu.memref_slice %arg13[%dma_start3A_3199, %dma_start3A_3206, %dma_start3A_3207] : memref<8x1x128xf32, #tpu.memory_space<vmem>> -> memref<1x1x128xf32, #tpu.memory_space<vmem>>
        %dma_start3A_3209 = tpu.memref_squeeze %dma_start3A_3208 : memref<1x1x128xf32, #tpu.memory_space<vmem>> -> memref<1x128xf32, #tpu.memory_space<vmem>>
        %dma_start3A_3210 = arith.constant 0 : i32
        %dma_start3A_3211 = tpu.memref_slice %arg6[%dma_start3A_3210, %multiple_of3A_3169] : memref<1x1000000xf32, #tpu.memory_space<hbm>> -> memref<1x128xf32, #tpu.memory_space<hbm>>
        tpu.enqueue_dma source(%dma_start3A_3211 : memref<1x128xf32, #tpu.memory_space<hbm>>) target(%dma_start3A_3209 : memref<1x128xf32, #tpu.memory_space<vmem>>) target_semaphore(%arg16 : memref<!tpu.dma_semaphore, #tpu.memory_space<semaphore_mem>>)
        %dma_start3A_3212 = arith.constant 5 : i32
        %dma_start3A_3213 = arith.constant 0 : i32
        %dma_start3A_3214 = arith.constant 0 : i32
        %dma_start3A_3215 = tpu.memref_slice %arg14[%dma_start3A_3212, %dma_start3A_3213, %dma_start3A_3214] : memref<8x1x128xf32, #tpu.memory_space<vmem>> -> memref<1x1x128xf32, #tpu.memory_space<vmem>>
        %dma_start3A_3216 = tpu.memref_squeeze %dma_start3A_3215 : memref<1x1x128xf32, #tpu.memory_space<vmem>> -> memref<1x128xf32, #tpu.memory_space<vmem>>
        %dma_start3A_3217 = arith.constant 0 : i32
        %dma_start3A_3218 = tpu.memref_slice %arg7[%dma_start3A_3217, %multiple_of3A_3172] : memref<1x1000000xf32, #tpu.memory_space<hbm>> -> memref<1x128xf32, #tpu.memory_space<hbm>>
        %dma_start3A_3219 = arith.constant 0 : i32
        %dma_start3A_3220 = arith.constant 0 : i32
        %dma_start3A_3221 = tpu.memref_slice %arg14[%dma_start3A_3212, %dma_start3A_3219, %dma_start3A_3220] : memref<8x1x128xf32, #tpu.memory_space<vmem>> -> memref<1x1x128xf32, #tpu.memory_space<vmem>>
        %dma_start3A_3222 = tpu.memref_squeeze %dma_start3A_3221 : memref<1x1x128xf32, #tpu.memory_space<vmem>> -> memref<1x128xf32, #tpu.memory_space<vmem>>
        %dma_start3A_3223 = arith.constant 0 : i32
        %dma_start3A_3224 = tpu.memref_slice %arg7[%dma_start3A_3223, %multiple_of3A_3172] : memref<1x1000000xf32, #tpu.memory_space<hbm>> -> memref<1x128xf32, #tpu.memory_space<hbm>>
        tpu.enqueue_dma source(%dma_start3A_3224 : memref<1x128xf32, #tpu.memory_space<hbm>>) target(%dma_start3A_3222 : memref<1x128xf32, #tpu.memory_space<vmem>>) target_semaphore(%arg16 : memref<!tpu.dma_semaphore, #tpu.memory_space<semaphore_mem>>)
      } else {
      }
      %dma_wait3A_2890 = arith.constant 6 : i32
      %dma_wait3A_2891 = arith.constant 0 : i32
      %dma_wait3A_2892 = arith.constant 0 : i32
      %dma_wait3A_2893 = tpu.memref_slice %arg11[%dma_wait3A_2890, %dma_wait3A_2891, %dma_wait3A_2892] : memref<8x32x128xf32, #tpu.memory_space<vmem>> -> memref<1x32x128xf32, #tpu.memory_space<vmem>>
      %dma_wait3A_2894 = tpu.memref_squeeze %dma_wait3A_2893 : memref<1x32x128xf32, #tpu.memory_space<vmem>> -> memref<32x128xf32, #tpu.memory_space<vmem>>
      %dma_wait3A_2895 = arith.constant 0 : i32
      %dma_wait3A_2896 = arith.constant 0 : i32
      %dma_wait3A_2897 = tpu.memref_slice %arg4[%dma_wait3A_2895, %dma_wait3A_2896] : memref<32x1000000xf32, #tpu.memory_space<hbm>> -> memref<32x128xf32, #tpu.memory_space<hbm>>
      %dma_wait3A_2898 = arith.constant 0 : i32
      %dma_wait3A_2899 = arith.constant 0 : i32
      %dma_wait3A_2900 = tpu.memref_slice %arg11[%dma_wait3A_2890, %dma_wait3A_2898, %dma_wait3A_2899] : memref<8x32x128xf32, #tpu.memory_space<vmem>> -> memref<1x32x128xf32, #tpu.memory_space<vmem>>
      %dma_wait3A_2901 = tpu.memref_squeeze %dma_wait3A_2900 : memref<1x32x128xf32, #tpu.memory_space<vmem>> -> memref<32x128xf32, #tpu.memory_space<vmem>>
      %dma_wait3A_2902 = arith.constant 0 : i32
      %dma_wait3A_2903 = arith.constant 0 : i32
      %dma_wait3A_2904 = tpu.memref_slice %arg4[%dma_wait3A_2902, %dma_wait3A_2903] : memref<32x1000000xf32, #tpu.memory_space<hbm>> -> memref<32x128xf32, #tpu.memory_space<hbm>>
      tpu.wait_dma2 semaphore(%arg16 : memref<!tpu.dma_semaphore, #tpu.memory_space<semaphore_mem>>) src(%dma_wait3A_2904 : memref<32x128xf32, #tpu.memory_space<hbm>>) dst(%dma_wait3A_2901 : memref<32x128xf32, #tpu.memory_space<vmem>>)
      %dma_wait3A_2905 = arith.constant 6 : i32
      %dma_wait3A_2906 = arith.constant 0 : i32
      %dma_wait3A_2907 = arith.constant 0 : i32
      %dma_wait3A_2908 = tpu.memref_slice %arg12[%dma_wait3A_2905, %dma_wait3A_2906, %dma_wait3A_2907] : memref<8x32x128xf32, #tpu.memory_space<vmem>> -> memref<1x32x128xf32, #tpu.memory_space<vmem>>
      %dma_wait3A_2909 = tpu.memref_squeeze %dma_wait3A_2908 : memref<1x32x128xf32, #tpu.memory_space<vmem>> -> memref<32x128xf32, #tpu.memory_space<vmem>>
      %dma_wait3A_2910 = arith.constant 0 : i32
      %dma_wait3A_2911 = arith.constant 0 : i32
      %dma_wait3A_2912 = tpu.memref_slice %arg5[%dma_wait3A_2910, %dma_wait3A_2911] : memref<32x1000000xf32, #tpu.memory_space<hbm>> -> memref<32x128xf32, #tpu.memory_space<hbm>>
      %dma_wait3A_2913 = arith.constant 0 : i32
      %dma_wait3A_2914 = arith.constant 0 : i32
      %dma_wait3A_2915 = tpu.memref_slice %arg12[%dma_wait3A_2905, %dma_wait3A_2913, %dma_wait3A_2914] : memref<8x32x128xf32, #tpu.memory_space<vmem>> -> memref<1x32x128xf32, #tpu.memory_space<vmem>>
      %dma_wait3A_2916 = tpu.memref_squeeze %dma_wait3A_2915 : memref<1x32x128xf32, #tpu.memory_space<vmem>> -> memref<32x128xf32, #tpu.memory_space<vmem>>
      %dma_wait3A_2917 = arith.constant 0 : i32
      %dma_wait3A_2918 = arith.constant 0 : i32
      %dma_wait3A_2919 = tpu.memref_slice %arg5[%dma_wait3A_2917, %dma_wait3A_2918] : memref<32x1000000xf32, #tpu.memory_space<hbm>> -> memref<32x128xf32, #tpu.memory_space<hbm>>
      tpu.wait_dma2 semaphore(%arg16 : memref<!tpu.dma_semaphore, #tpu.memory_space<semaphore_mem>>) src(%dma_wait3A_2919 : memref<32x128xf32, #tpu.memory_space<hbm>>) dst(%dma_wait3A_2916 : memref<32x128xf32, #tpu.memory_space<vmem>>)
      %dma_wait3A_2920 = arith.constant 6 : i32
      %dma_wait3A_2921 = arith.constant 0 : i32
      %dma_wait3A_2922 = arith.constant 0 : i32
      %dma_wait3A_2923 = tpu.memref_slice %arg13[%dma_wait3A_2920, %dma_wait3A_2921, %dma_wait3A_2922] : memref<8x1x128xf32, #tpu.memory_space<vmem>> -> memref<1x1x128xf32, #tpu.memory_space<vmem>>
      %dma_wait3A_2924 = tpu.memref_squeeze %dma_wait3A_2923 : memref<1x1x128xf32, #tpu.memory_space<vmem>> -> memref<1x128xf32, #tpu.memory_space<vmem>>
      %dma_wait3A_2925 = arith.constant 0 : i32
      %dma_wait3A_2926 = arith.constant 0 : i32
      %dma_wait3A_2927 = tpu.memref_slice %arg6[%dma_wait3A_2925, %dma_wait3A_2926] : memref<1x1000000xf32, #tpu.memory_space<hbm>> -> memref<1x128xf32, #tpu.memory_space<hbm>>
      %dma_wait3A_2928 = arith.constant 0 : i32
      %dma_wait3A_2929 = arith.constant 0 : i32
      %dma_wait3A_2930 = tpu.memref_slice %arg13[%dma_wait3A_2920, %dma_wait3A_2928, %dma_wait3A_2929] : memref<8x1x128xf32, #tpu.memory_space<vmem>> -> memref<1x1x128xf32, #tpu.memory_space<vmem>>
      %dma_wait3A_2931 = tpu.memref_squeeze %dma_wait3A_2930 : memref<1x1x128xf32, #tpu.memory_space<vmem>> -> memref<1x128xf32, #tpu.memory_space<vmem>>
      %dma_wait3A_2932 = arith.constant 0 : i32
      %dma_wait3A_2933 = arith.constant 0 : i32
      %dma_wait3A_2934 = tpu.memref_slice %arg6[%dma_wait3A_2932, %dma_wait3A_2933] : memref<1x1000000xf32, #tpu.memory_space<hbm>> -> memref<1x128xf32, #tpu.memory_space<hbm>>
      tpu.wait_dma2 semaphore(%arg16 : memref<!tpu.dma_semaphore, #tpu.memory_space<semaphore_mem>>) src(%dma_wait3A_2934 : memref<1x128xf32, #tpu.memory_space<hbm>>) dst(%dma_wait3A_2931 : memref<1x128xf32, #tpu.memory_space<vmem>>)
      %dma_wait3A_2935 = arith.constant 6 : i32
      %dma_wait3A_2936 = arith.constant 0 : i32
      %dma_wait3A_2937 = arith.constant 0 : i32
      %dma_wait3A_2938 = tpu.memref_slice %arg14[%dma_wait3A_2935, %dma_wait3A_2936, %dma_wait3A_2937] : memref<8x1x128xf32, #tpu.memory_space<vmem>> -> memref<1x1x128xf32, #tpu.memory_space<vmem>>
      %dma_wait3A_2939 = tpu.memref_squeeze %dma_wait3A_2938 : memref<1x1x128xf32, #tpu.memory_space<vmem>> -> memref<1x128xf32, #tpu.memory_space<vmem>>
      %dma_wait3A_2940 = arith.constant 0 : i32
      %dma_wait3A_2941 = arith.constant 0 : i32
      %dma_wait3A_2942 = tpu.memref_slice %arg7[%dma_wait3A_2940, %dma_wait3A_2941] : memref<1x1000000xf32, #tpu.memory_space<hbm>> -> memref<1x128xf32, #tpu.memory_space<hbm>>
      %dma_wait3A_2943 = arith.constant 0 : i32
      %dma_wait3A_2944 = arith.constant 0 : i32
      %dma_wait3A_2945 = tpu.memref_slice %arg14[%dma_wait3A_2935, %dma_wait3A_2943, %dma_wait3A_2944] : memref<8x1x128xf32, #tpu.memory_space<vmem>> -> memref<1x1x128xf32, #tpu.memory_space<vmem>>
      %dma_wait3A_2946 = tpu.memref_squeeze %dma_wait3A_2945 : memref<1x1x128xf32, #tpu.memory_space<vmem>> -> memref<1x128xf32, #tpu.memory_space<vmem>>
      %dma_wait3A_2947 = arith.constant 0 : i32
      %dma_wait3A_2948 = arith.constant 0 : i32
      %dma_wait3A_2949 = tpu.memref_slice %arg7[%dma_wait3A_2947, %dma_wait3A_2948] : memref<1x1000000xf32, #tpu.memory_space<hbm>> -> memref<1x128xf32, #tpu.memory_space<hbm>>
      tpu.wait_dma2 semaphore(%arg16 : memref<!tpu.dma_semaphore, #tpu.memory_space<semaphore_mem>>) src(%dma_wait3A_2949 : memref<1x128xf32, #tpu.memory_space<hbm>>) dst(%dma_wait3A_2946 : memref<1x128xf32, #tpu.memory_space<vmem>>)
      %slice3A_2950 = vector.extract_strided_slice %get3A_524 {offsets = [14], sizes = [1], strides = [1]} : vector<16xi32> to vector<1xi32>
      %squeeze3A_2951 = vector.extract %slice3A_2950[0] : i32 from vector<1xi32>
      %and3A_2952 = arith.constant 127 : i32
      %and3A_2953 = arith.andi %squeeze3A_2951, %and3A_2952 : i32
      %broadcast_in_dim3A_2954 = vector.broadcast %and3A_2953 : i32 to vector<16xi32>
      %slice3A_2955 = vector.extract_strided_slice %get3A_526 {offsets = [14], sizes = [1], strides = [1]} : vector<16xi32> to vector<1xi32>
      %squeeze3A_2956 = vector.extract %slice3A_2955[0] : i32 from vector<1xi32>
      %and3A_2957 = arith.constant 127 : i32
      %and3A_2958 = arith.andi %squeeze3A_2956, %and3A_2957 : i32
      %broadcast_in_dim3A_2959 = vector.broadcast %and3A_2958 : i32 to vector<16xi32>
      %gather3A_2960 = arith.constant 6 : i32
      %gather3A_2961 = arith.constant 0 : i32
      %gather3A_2962 = arith.constant 0 : i32
      %gather3A_2963 = tpu.memref_slice %arg11[%gather3A_2960, %gather3A_2961, %gather3A_2962] : memref<8x32x128xf32, #tpu.memory_space<vmem>> -> memref<1x32x128xf32, #tpu.memory_space<vmem>>
      %gather3A_2964 = tpu.memref_squeeze %gather3A_2963 : memref<1x32x128xf32, #tpu.memory_space<vmem>> -> memref<32x128xf32, #tpu.memory_space<vmem>>
      %gather3A_2965 = tpu.vector_load_idx %gather3A_2964[%iota3A, %broadcast_in_dim3A_2954] : memref<32x128xf32, #tpu.memory_space<vmem>>[vector<16xi32>, vector<16xi32>], vector<16xf32>,
      %gather3A_2966 = arith.constant 6 : i32
      %gather3A_2967 = arith.constant 0 : i32
      %gather3A_2968 = arith.constant 0 : i32
      %gather3A_2969 = tpu.memref_slice %arg11[%gather3A_2966, %gather3A_2967, %gather3A_2968] : memref<8x32x128xf32, #tpu.memory_space<vmem>> -> memref<1x32x128xf32, #tpu.memory_space<vmem>>
      %gather3A_2970 = tpu.memref_squeeze %gather3A_2969 : memref<1x32x128xf32, #tpu.memory_space<vmem>> -> memref<32x128xf32, #tpu.memory_space<vmem>>
      %gather3A_2971 = tpu.vector_load_idx %gather3A_2970[%add3A_510, %broadcast_in_dim3A_2954] : memref<32x128xf32, #tpu.memory_space<vmem>>[vector<16xi32>, vector<16xi32>], vector<16xf32>,
      %gather3A_2972 = arith.constant 6 : i32
      %gather3A_2973 = arith.constant 0 : i32
      %gather3A_2974 = arith.constant 0 : i32
      %gather3A_2975 = tpu.memref_slice %arg12[%gather3A_2972, %gather3A_2973, %gather3A_2974] : memref<8x32x128xf32, #tpu.memory_space<vmem>> -> memref<1x32x128xf32, #tpu.memory_space<vmem>>
      %gather3A_2976 = tpu.memref_squeeze %gather3A_2975 : memref<1x32x128xf32, #tpu.memory_space<vmem>> -> memref<32x128xf32, #tpu.memory_space<vmem>>
      %gather3A_2977 = tpu.vector_load_idx %gather3A_2976[%iota3A, %broadcast_in_dim3A_2959] : memref<32x128xf32, #tpu.memory_space<vmem>>[vector<16xi32>, vector<16xi32>], vector<16xf32>,
      %gather3A_2978 = arith.constant 6 : i32
      %gather3A_2979 = arith.constant 0 : i32
      %gather3A_2980 = arith.constant 0 : i32
      %gather3A_2981 = tpu.memref_slice %arg12[%gather3A_2978, %gather3A_2979, %gather3A_2980] : memref<8x32x128xf32, #tpu.memory_space<vmem>> -> memref<1x32x128xf32, #tpu.memory_space<vmem>>
      %gather3A_2982 = tpu.memref_squeeze %gather3A_2981 : memref<1x32x128xf32, #tpu.memory_space<vmem>> -> memref<32x128xf32, #tpu.memory_space<vmem>>
      %gather3A_2983 = tpu.vector_load_idx %gather3A_2982[%add3A_510, %broadcast_in_dim3A_2959] : memref<32x128xf32, #tpu.memory_space<vmem>>[vector<16xi32>, vector<16xi32>], vector<16xf32>,
      %gather3A_2984 = arith.constant 6 : i32
      %gather3A_2985 = arith.constant 0 : i32
      %gather3A_2986 = arith.constant 0 : i32
      %gather3A_2987 = tpu.memref_slice %arg13[%gather3A_2984, %gather3A_2985, %gather3A_2986] : memref<8x1x128xf32, #tpu.memory_space<vmem>> -> memref<1x1x128xf32, #tpu.memory_space<vmem>>
      %gather3A_2988 = tpu.memref_squeeze %gather3A_2987 : memref<1x1x128xf32, #tpu.memory_space<vmem>> -> memref<1x128xf32, #tpu.memory_space<vmem>>
      %gather3A_2989 = tpu.vector_load_idx %gather3A_2988[%broadcast_in_dim3A_511, %broadcast_in_dim3A_2954] : memref<1x128xf32, #tpu.memory_space<vmem>>[vector<16xi32>, vector<16xi32>], vector<16xf32>,
      %gather3A_2990 = arith.constant 6 : i32
      %gather3A_2991 = arith.constant 0 : i32
      %gather3A_2992 = arith.constant 0 : i32
      %gather3A_2993 = tpu.memref_slice %arg14[%gather3A_2990, %gather3A_2991, %gather3A_2992] : memref<8x1x128xf32, #tpu.memory_space<vmem>> -> memref<1x1x128xf32, #tpu.memory_space<vmem>>
      %gather3A_2994 = tpu.memref_squeeze %gather3A_2993 : memref<1x1x128xf32, #tpu.memory_space<vmem>> -> memref<1x128xf32, #tpu.memory_space<vmem>>
      %gather3A_2995 = tpu.vector_load_idx %gather3A_2994[%broadcast_in_dim3A_511, %broadcast_in_dim3A_2959] : memref<1x128xf32, #tpu.memory_space<vmem>>[vector<16xi32>, vector<16xi32>], vector<16xf32>,
      %mul3A_2996 = arith.mulf %gather3A_2965, %gather3A_2977 : vector<16xf32>
      %mul3A_2997 = arith.mulf %gather3A_2971, %gather3A_2983 : vector<16xf32>
      %add3A_2998 = arith.addf %mul3A_2996, %mul3A_2997 : vector<16xf32>
      %broadcast_in_dim3A_2999 = vector.shape_cast %xor3A_498 : vector<16xi32> to vector<16x1xi32>
      %gather3A_3000 = vector.shape_cast %broadcast_in_dim3A_2999 : vector<16x1xi32> to vector<16xi32>
      %gather3A_3001 = tpu.dynamic_gather %add3A_2998[%gather3A_3000] in [0] : vector<16xf32>, vector<16xi32> -> vector<16xf32>
      %add3A_3002 = arith.addf %add3A_2998, %gather3A_3001 : vector<16xf32>
      %broadcast_in_dim3A_3003 = vector.shape_cast %xor3A_501 : vector<16xi32> to vector<16x1xi32>
      %gather3A_3004 = vector.shape_cast %broadcast_in_dim3A_3003 : vector<16x1xi32> to vector<16xi32>
      %gather3A_3005 = tpu.dynamic_gather %add3A_3002[%gather3A_3004] in [0] : vector<16xf32>, vector<16xi32> -> vector<16xf32>
      %add3A_3006 = arith.addf %add3A_3002, %gather3A_3005 : vector<16xf32>
      %broadcast_in_dim3A_3007 = vector.shape_cast %xor3A_504 : vector<16xi32> to vector<16x1xi32>
      %gather3A_3008 = vector.shape_cast %broadcast_in_dim3A_3007 : vector<16x1xi32> to vector<16xi32>
      %gather3A_3009 = tpu.dynamic_gather %add3A_3006[%gather3A_3008] in [0] : vector<16xf32>, vector<16xi32> -> vector<16xf32>
      %add3A_3010 = arith.addf %add3A_3006, %gather3A_3009 : vector<16xf32>
      %broadcast_in_dim3A_3011 = vector.shape_cast %xor3A_507 : vector<16xi32> to vector<16x1xi32>
      %gather3A_3012 = vector.shape_cast %broadcast_in_dim3A_3011 : vector<16x1xi32> to vector<16xi32>
      %gather3A_3013 = tpu.dynamic_gather %add3A_3010[%gather3A_3012] in [0] : vector<16xf32>, vector<16xi32> -> vector<16xf32>
      %add3A_3014 = arith.addf %add3A_3010, %gather3A_3013 : vector<16xf32>
      %eq3A_3015 = arith.constant 14 : i32
      %eq3A_3016 = vector.broadcast %eq3A_3015 : i32 to vector<16xi32>
      %eq3A_3017 = arith.cmpi eq, %iota3A, %eq3A_3016 : vector<16xi32>
      %add3A_3018 = arith.addf %add3A_3014, %gather3A_2989 : vector<16xf32>
      %add3A_3019 = arith.addf %add3A_3018, %gather3A_2995 : vector<16xf32>
      %select_n3A_3020 = arith.select %eq3A_3017, %add3A_3019, %select_n3A_2884 : vector<16xi1>, vector<16xf32>
      %lt3A_3021 = arith.constant 31 : i32
      %lt3A_3022 = arith.cmpi slt, %scan3A_517, %lt3A_3021 : i32
      %convert_element_type3A_3023 = arith.extui %lt3A_3022 : i1 to i32
      %cond3A_3024 = arith.constant 0 : i32
      %cond3A_3025 = arith.cmpi ne, %convert_element_type3A_3023, %cond3A_3024 : i32
      scf.if %cond3A_3025 {
        %slice3A_3163 = vector.extract_strided_slice %get3A_530 {offsets = [6], sizes = [1], strides = [1]} : vector<16xi32> to vector<1xi32>
        %squeeze3A_3164 = vector.extract %slice3A_3163[0] : i32 from vector<1xi32>
        %slice3A_3165 = vector.extract_strided_slice %get3A_534 {offsets = [6], sizes = [1], strides = [1]} : vector<16xi32> to vector<1xi32>
        %squeeze3A_3166 = vector.extract %slice3A_3165[0] : i32 from vector<1xi32>
        %and3A_3167 = arith.constant -128 : i32
        %and3A_3168 = arith.andi %squeeze3A_3164, %and3A_3167 : i32
        %multiple_of3A_3169 = tpu.assume_multiple %and3A_3168, 128 : i32
        %and3A_3170 = arith.constant -128 : i32
        %and3A_3171 = arith.andi %squeeze3A_3166, %and3A_3170 : i32
        %multiple_of3A_3172 = tpu.assume_multiple %and3A_3171, 128 : i32
        %dma_start3A_3173 = arith.constant 6 : i32
        %dma_start3A_3174 = arith.constant 0 : i32
        %dma_start3A_3175 = arith.constant 0 : i32
        %dma_start3A_3176 = tpu.memref_slice %arg11[%dma_start3A_3173, %dma_start3A_3174, %dma_start3A_3175] : memref<8x32x128xf32, #tpu.memory_space<vmem>> -> memref<1x32x128xf32, #tpu.memory_space<vmem>>
        %dma_start3A_3177 = tpu.memref_squeeze %dma_start3A_3176 : memref<1x32x128xf32, #tpu.memory_space<vmem>> -> memref<32x128xf32, #tpu.memory_space<vmem>>
        %dma_start3A_3178 = arith.constant 0 : i32
        %dma_start3A_3179 = tpu.memref_slice %arg4[%dma_start3A_3178, %multiple_of3A_3169] : memref<32x1000000xf32, #tpu.memory_space<hbm>> -> memref<32x128xf32, #tpu.memory_space<hbm>>
        %dma_start3A_3180 = arith.constant 0 : i32
        %dma_start3A_3181 = arith.constant 0 : i32
        %dma_start3A_3182 = tpu.memref_slice %arg11[%dma_start3A_3173, %dma_start3A_3180, %dma_start3A_3181] : memref<8x32x128xf32, #tpu.memory_space<vmem>> -> memref<1x32x128xf32, #tpu.memory_space<vmem>>
        %dma_start3A_3183 = tpu.memref_squeeze %dma_start3A_3182 : memref<1x32x128xf32, #tpu.memory_space<vmem>> -> memref<32x128xf32, #tpu.memory_space<vmem>>
        %dma_start3A_3184 = arith.constant 0 : i32
        %dma_start3A_3185 = tpu.memref_slice %arg4[%dma_start3A_3184, %multiple_of3A_3169] : memref<32x1000000xf32, #tpu.memory_space<hbm>> -> memref<32x128xf32, #tpu.memory_space<hbm>>
        tpu.enqueue_dma source(%dma_start3A_3185 : memref<32x128xf32, #tpu.memory_space<hbm>>) target(%dma_start3A_3183 : memref<32x128xf32, #tpu.memory_space<vmem>>) target_semaphore(%arg16 : memref<!tpu.dma_semaphore, #tpu.memory_space<semaphore_mem>>)
        %dma_start3A_3186 = arith.constant 6 : i32
        %dma_start3A_3187 = arith.constant 0 : i32
        %dma_start3A_3188 = arith.constant 0 : i32
        %dma_start3A_3189 = tpu.memref_slice %arg12[%dma_start3A_3186, %dma_start3A_3187, %dma_start3A_3188] : memref<8x32x128xf32, #tpu.memory_space<vmem>> -> memref<1x32x128xf32, #tpu.memory_space<vmem>>
        %dma_start3A_3190 = tpu.memref_squeeze %dma_start3A_3189 : memref<1x32x128xf32, #tpu.memory_space<vmem>> -> memref<32x128xf32, #tpu.memory_space<vmem>>
        %dma_start3A_3191 = arith.constant 0 : i32
        %dma_start3A_3192 = tpu.memref_slice %arg5[%dma_start3A_3191, %multiple_of3A_3172] : memref<32x1000000xf32, #tpu.memory_space<hbm>> -> memref<32x128xf32, #tpu.memory_space<hbm>>
        %dma_start3A_3193 = arith.constant 0 : i32
        %dma_start3A_3194 = arith.constant 0 : i32
        %dma_start3A_3195 = tpu.memref_slice %arg12[%dma_start3A_3186, %dma_start3A_3193, %dma_start3A_3194] : memref<8x32x128xf32, #tpu.memory_space<vmem>> -> memref<1x32x128xf32, #tpu.memory_space<vmem>>
        %dma_start3A_3196 = tpu.memref_squeeze %dma_start3A_3195 : memref<1x32x128xf32, #tpu.memory_space<vmem>> -> memref<32x128xf32, #tpu.memory_space<vmem>>
        %dma_start3A_3197 = arith.constant 0 : i32
        %dma_start3A_3198 = tpu.memref_slice %arg5[%dma_start3A_3197, %multiple_of3A_3172] : memref<32x1000000xf32, #tpu.memory_space<hbm>> -> memref<32x128xf32, #tpu.memory_space<hbm>>
        tpu.enqueue_dma source(%dma_start3A_3198 : memref<32x128xf32, #tpu.memory_space<hbm>>) target(%dma_start3A_3196 : memref<32x128xf32, #tpu.memory_space<vmem>>) target_semaphore(%arg16 : memref<!tpu.dma_semaphore, #tpu.memory_space<semaphore_mem>>)
        %dma_start3A_3199 = arith.constant 6 : i32
        %dma_start3A_3200 = arith.constant 0 : i32
        %dma_start3A_3201 = arith.constant 0 : i32
        %dma_start3A_3202 = tpu.memref_slice %arg13[%dma_start3A_3199, %dma_start3A_3200, %dma_start3A_3201] : memref<8x1x128xf32, #tpu.memory_space<vmem>> -> memref<1x1x128xf32, #tpu.memory_space<vmem>>
        %dma_start3A_3203 = tpu.memref_squeeze %dma_start3A_3202 : memref<1x1x128xf32, #tpu.memory_space<vmem>> -> memref<1x128xf32, #tpu.memory_space<vmem>>
        %dma_start3A_3204 = arith.constant 0 : i32
        %dma_start3A_3205 = tpu.memref_slice %arg6[%dma_start3A_3204, %multiple_of3A_3169] : memref<1x1000000xf32, #tpu.memory_space<hbm>> -> memref<1x128xf32, #tpu.memory_space<hbm>>
        %dma_start3A_3206 = arith.constant 0 : i32
        %dma_start3A_3207 = arith.constant 0 : i32
        %dma_start3A_3208 = tpu.memref_slice %arg13[%dma_start3A_3199, %dma_start3A_3206, %dma_start3A_3207] : memref<8x1x128xf32, #tpu.memory_space<vmem>> -> memref<1x1x128xf32, #tpu.memory_space<vmem>>
        %dma_start3A_3209 = tpu.memref_squeeze %dma_start3A_3208 : memref<1x1x128xf32, #tpu.memory_space<vmem>> -> memref<1x128xf32, #tpu.memory_space<vmem>>
        %dma_start3A_3210 = arith.constant 0 : i32
        %dma_start3A_3211 = tpu.memref_slice %arg6[%dma_start3A_3210, %multiple_of3A_3169] : memref<1x1000000xf32, #tpu.memory_space<hbm>> -> memref<1x128xf32, #tpu.memory_space<hbm>>
        tpu.enqueue_dma source(%dma_start3A_3211 : memref<1x128xf32, #tpu.memory_space<hbm>>) target(%dma_start3A_3209 : memref<1x128xf32, #tpu.memory_space<vmem>>) target_semaphore(%arg16 : memref<!tpu.dma_semaphore, #tpu.memory_space<semaphore_mem>>)
        %dma_start3A_3212 = arith.constant 6 : i32
        %dma_start3A_3213 = arith.constant 0 : i32
        %dma_start3A_3214 = arith.constant 0 : i32
        %dma_start3A_3215 = tpu.memref_slice %arg14[%dma_start3A_3212, %dma_start3A_3213, %dma_start3A_3214] : memref<8x1x128xf32, #tpu.memory_space<vmem>> -> memref<1x1x128xf32, #tpu.memory_space<vmem>>
        %dma_start3A_3216 = tpu.memref_squeeze %dma_start3A_3215 : memref<1x1x128xf32, #tpu.memory_space<vmem>> -> memref<1x128xf32, #tpu.memory_space<vmem>>
        %dma_start3A_3217 = arith.constant 0 : i32
        %dma_start3A_3218 = tpu.memref_slice %arg7[%dma_start3A_3217, %multiple_of3A_3172] : memref<1x1000000xf32, #tpu.memory_space<hbm>> -> memref<1x128xf32, #tpu.memory_space<hbm>>
        %dma_start3A_3219 = arith.constant 0 : i32
        %dma_start3A_3220 = arith.constant 0 : i32
        %dma_start3A_3221 = tpu.memref_slice %arg14[%dma_start3A_3212, %dma_start3A_3219, %dma_start3A_3220] : memref<8x1x128xf32, #tpu.memory_space<vmem>> -> memref<1x1x128xf32, #tpu.memory_space<vmem>>
        %dma_start3A_3222 = tpu.memref_squeeze %dma_start3A_3221 : memref<1x1x128xf32, #tpu.memory_space<vmem>> -> memref<1x128xf32, #tpu.memory_space<vmem>>
        %dma_start3A_3223 = arith.constant 0 : i32
        %dma_start3A_3224 = tpu.memref_slice %arg7[%dma_start3A_3223, %multiple_of3A_3172] : memref<1x1000000xf32, #tpu.memory_space<hbm>> -> memref<1x128xf32, #tpu.memory_space<hbm>>
        tpu.enqueue_dma source(%dma_start3A_3224 : memref<1x128xf32, #tpu.memory_space<hbm>>) target(%dma_start3A_3222 : memref<1x128xf32, #tpu.memory_space<vmem>>) target_semaphore(%arg16 : memref<!tpu.dma_semaphore, #tpu.memory_space<semaphore_mem>>)
      } else {
      }
      %dma_wait3A_3026 = arith.constant 7 : i32
      %dma_wait3A_3027 = arith.constant 0 : i32
      %dma_wait3A_3028 = arith.constant 0 : i32
      %dma_wait3A_3029 = tpu.memref_slice %arg11[%dma_wait3A_3026, %dma_wait3A_3027, %dma_wait3A_3028] : memref<8x32x128xf32, #tpu.memory_space<vmem>> -> memref<1x32x128xf32, #tpu.memory_space<vmem>>
      %dma_wait3A_3030 = tpu.memref_squeeze %dma_wait3A_3029 : memref<1x32x128xf32, #tpu.memory_space<vmem>> -> memref<32x128xf32, #tpu.memory_space<vmem>>
      %dma_wait3A_3031 = arith.constant 0 : i32
      %dma_wait3A_3032 = arith.constant 0 : i32
      %dma_wait3A_3033 = tpu.memref_slice %arg4[%dma_wait3A_3031, %dma_wait3A_3032] : memref<32x1000000xf32, #tpu.memory_space<hbm>> -> memref<32x128xf32, #tpu.memory_space<hbm>>
      %dma_wait3A_3034 = arith.constant 0 : i32
      %dma_wait3A_3035 = arith.constant 0 : i32
      %dma_wait3A_3036 = tpu.memref_slice %arg11[%dma_wait3A_3026, %dma_wait3A_3034, %dma_wait3A_3035] : memref<8x32x128xf32, #tpu.memory_space<vmem>> -> memref<1x32x128xf32, #tpu.memory_space<vmem>>
      %dma_wait3A_3037 = tpu.memref_squeeze %dma_wait3A_3036 : memref<1x32x128xf32, #tpu.memory_space<vmem>> -> memref<32x128xf32, #tpu.memory_space<vmem>>
      %dma_wait3A_3038 = arith.constant 0 : i32
      %dma_wait3A_3039 = arith.constant 0 : i32
      %dma_wait3A_3040 = tpu.memref_slice %arg4[%dma_wait3A_3038, %dma_wait3A_3039] : memref<32x1000000xf32, #tpu.memory_space<hbm>> -> memref<32x128xf32, #tpu.memory_space<hbm>>
      tpu.wait_dma2 semaphore(%arg16 : memref<!tpu.dma_semaphore, #tpu.memory_space<semaphore_mem>>) src(%dma_wait3A_3040 : memref<32x128xf32, #tpu.memory_space<hbm>>) dst(%dma_wait3A_3037 : memref<32x128xf32, #tpu.memory_space<vmem>>)
      %dma_wait3A_3041 = arith.constant 7 : i32
      %dma_wait3A_3042 = arith.constant 0 : i32
      %dma_wait3A_3043 = arith.constant 0 : i32
      %dma_wait3A_3044 = tpu.memref_slice %arg12[%dma_wait3A_3041, %dma_wait3A_3042, %dma_wait3A_3043] : memref<8x32x128xf32, #tpu.memory_space<vmem>> -> memref<1x32x128xf32, #tpu.memory_space<vmem>>
      %dma_wait3A_3045 = tpu.memref_squeeze %dma_wait3A_3044 : memref<1x32x128xf32, #tpu.memory_space<vmem>> -> memref<32x128xf32, #tpu.memory_space<vmem>>
      %dma_wait3A_3046 = arith.constant 0 : i32
      %dma_wait3A_3047 = arith.constant 0 : i32
      %dma_wait3A_3048 = tpu.memref_slice %arg5[%dma_wait3A_3046, %dma_wait3A_3047] : memref<32x1000000xf32, #tpu.memory_space<hbm>> -> memref<32x128xf32, #tpu.memory_space<hbm>>
      %dma_wait3A_3049 = arith.constant 0 : i32
      %dma_wait3A_3050 = arith.constant 0 : i32
      %dma_wait3A_3051 = tpu.memref_slice %arg12[%dma_wait3A_3041, %dma_wait3A_3049, %dma_wait3A_3050] : memref<8x32x128xf32, #tpu.memory_space<vmem>> -> memref<1x32x128xf32, #tpu.memory_space<vmem>>
      %dma_wait3A_3052 = tpu.memref_squeeze %dma_wait3A_3051 : memref<1x32x128xf32, #tpu.memory_space<vmem>> -> memref<32x128xf32, #tpu.memory_space<vmem>>
      %dma_wait3A_3053 = arith.constant 0 : i32
      %dma_wait3A_3054 = arith.constant 0 : i32
      %dma_wait3A_3055 = tpu.memref_slice %arg5[%dma_wait3A_3053, %dma_wait3A_3054] : memref<32x1000000xf32, #tpu.memory_space<hbm>> -> memref<32x128xf32, #tpu.memory_space<hbm>>
      tpu.wait_dma2 semaphore(%arg16 : memref<!tpu.dma_semaphore, #tpu.memory_space<semaphore_mem>>) src(%dma_wait3A_3055 : memref<32x128xf32, #tpu.memory_space<hbm>>) dst(%dma_wait3A_3052 : memref<32x128xf32, #tpu.memory_space<vmem>>)
      %dma_wait3A_3056 = arith.constant 7 : i32
      %dma_wait3A_3057 = arith.constant 0 : i32
      %dma_wait3A_3058 = arith.constant 0 : i32
      %dma_wait3A_3059 = tpu.memref_slice %arg13[%dma_wait3A_3056, %dma_wait3A_3057, %dma_wait3A_3058] : memref<8x1x128xf32, #tpu.memory_space<vmem>> -> memref<1x1x128xf32, #tpu.memory_space<vmem>>
      %dma_wait3A_3060 = tpu.memref_squeeze %dma_wait3A_3059 : memref<1x1x128xf32, #tpu.memory_space<vmem>> -> memref<1x128xf32, #tpu.memory_space<vmem>>
      %dma_wait3A_3061 = arith.constant 0 : i32
      %dma_wait3A_3062 = arith.constant 0 : i32
      %dma_wait3A_3063 = tpu.memref_slice %arg6[%dma_wait3A_3061, %dma_wait3A_3062] : memref<1x1000000xf32, #tpu.memory_space<hbm>> -> memref<1x128xf32, #tpu.memory_space<hbm>>
      %dma_wait3A_3064 = arith.constant 0 : i32
      %dma_wait3A_3065 = arith.constant 0 : i32
      %dma_wait3A_3066 = tpu.memref_slice %arg13[%dma_wait3A_3056, %dma_wait3A_3064, %dma_wait3A_3065] : memref<8x1x128xf32, #tpu.memory_space<vmem>> -> memref<1x1x128xf32, #tpu.memory_space<vmem>>
      %dma_wait3A_3067 = tpu.memref_squeeze %dma_wait3A_3066 : memref<1x1x128xf32, #tpu.memory_space<vmem>> -> memref<1x128xf32, #tpu.memory_space<vmem>>
      %dma_wait3A_3068 = arith.constant 0 : i32
      %dma_wait3A_3069 = arith.constant 0 : i32
      %dma_wait3A_3070 = tpu.memref_slice %arg6[%dma_wait3A_3068, %dma_wait3A_3069] : memref<1x1000000xf32, #tpu.memory_space<hbm>> -> memref<1x128xf32, #tpu.memory_space<hbm>>
      tpu.wait_dma2 semaphore(%arg16 : memref<!tpu.dma_semaphore, #tpu.memory_space<semaphore_mem>>) src(%dma_wait3A_3070 : memref<1x128xf32, #tpu.memory_space<hbm>>) dst(%dma_wait3A_3067 : memref<1x128xf32, #tpu.memory_space<vmem>>)
      %dma_wait3A_3071 = arith.constant 7 : i32
      %dma_wait3A_3072 = arith.constant 0 : i32
      %dma_wait3A_3073 = arith.constant 0 : i32
      %dma_wait3A_3074 = tpu.memref_slice %arg14[%dma_wait3A_3071, %dma_wait3A_3072, %dma_wait3A_3073] : memref<8x1x128xf32, #tpu.memory_space<vmem>> -> memref<1x1x128xf32, #tpu.memory_space<vmem>>
      %dma_wait3A_3075 = tpu.memref_squeeze %dma_wait3A_3074 : memref<1x1x128xf32, #tpu.memory_space<vmem>> -> memref<1x128xf32, #tpu.memory_space<vmem>>
      %dma_wait3A_3076 = arith.constant 0 : i32
      %dma_wait3A_3077 = arith.constant 0 : i32
      %dma_wait3A_3078 = tpu.memref_slice %arg7[%dma_wait3A_3076, %dma_wait3A_3077] : memref<1x1000000xf32, #tpu.memory_space<hbm>> -> memref<1x128xf32, #tpu.memory_space<hbm>>
      %dma_wait3A_3079 = arith.constant 0 : i32
      %dma_wait3A_3080 = arith.constant 0 : i32
      %dma_wait3A_3081 = tpu.memref_slice %arg14[%dma_wait3A_3071, %dma_wait3A_3079, %dma_wait3A_3080] : memref<8x1x128xf32, #tpu.memory_space<vmem>> -> memref<1x1x128xf32, #tpu.memory_space<vmem>>
      %dma_wait3A_3082 = tpu.memref_squeeze %dma_wait3A_3081 : memref<1x1x128xf32, #tpu.memory_space<vmem>> -> memref<1x128xf32, #tpu.memory_space<vmem>>
      %dma_wait3A_3083 = arith.constant 0 : i32
      %dma_wait3A_3084 = arith.constant 0 : i32
      %dma_wait3A_3085 = tpu.memref_slice %arg7[%dma_wait3A_3083, %dma_wait3A_3084] : memref<1x1000000xf32, #tpu.memory_space<hbm>> -> memref<1x128xf32, #tpu.memory_space<hbm>>
      tpu.wait_dma2 semaphore(%arg16 : memref<!tpu.dma_semaphore, #tpu.memory_space<semaphore_mem>>) src(%dma_wait3A_3085 : memref<1x128xf32, #tpu.memory_space<hbm>>) dst(%dma_wait3A_3082 : memref<1x128xf32, #tpu.memory_space<vmem>>)
      %slice3A_3086 = vector.extract_strided_slice %get3A_524 {offsets = [15], sizes = [1], strides = [1]} : vector<16xi32> to vector<1xi32>
      %squeeze3A_3087 = vector.extract %slice3A_3086[0] : i32 from vector<1xi32>
      %and3A_3088 = arith.constant 127 : i32
      %and3A_3089 = arith.andi %squeeze3A_3087, %and3A_3088 : i32
      %broadcast_in_dim3A_3090 = vector.broadcast %and3A_3089 : i32 to vector<16xi32>
      %slice3A_3091 = vector.extract_strided_slice %get3A_526 {offsets = [15], sizes = [1], strides = [1]} : vector<16xi32> to vector<1xi32>
      %squeeze3A_3092 = vector.extract %slice3A_3091[0] : i32 from vector<1xi32>
      %and3A_3093 = arith.constant 127 : i32
      %and3A_3094 = arith.andi %squeeze3A_3092, %and3A_3093 : i32
      %broadcast_in_dim3A_3095 = vector.broadcast %and3A_3094 : i32 to vector<16xi32>
      %gather3A_3096 = arith.constant 7 : i32
      %gather3A_3097 = arith.constant 0 : i32
      %gather3A_3098 = arith.constant 0 : i32
      %gather3A_3099 = tpu.memref_slice %arg11[%gather3A_3096, %gather3A_3097, %gather3A_3098] : memref<8x32x128xf32, #tpu.memory_space<vmem>> -> memref<1x32x128xf32, #tpu.memory_space<vmem>>
      %gather3A_3100 = tpu.memref_squeeze %gather3A_3099 : memref<1x32x128xf32, #tpu.memory_space<vmem>> -> memref<32x128xf32, #tpu.memory_space<vmem>>
      %gather3A_3101 = tpu.vector_load_idx %gather3A_3100[%iota3A, %broadcast_in_dim3A_3090] : memref<32x128xf32, #tpu.memory_space<vmem>>[vector<16xi32>, vector<16xi32>], vector<16xf32>,
      %gather3A_3102 = arith.constant 7 : i32
      %gather3A_3103 = arith.constant 0 : i32
      %gather3A_3104 = arith.constant 0 : i32
      %gather3A_3105 = tpu.memref_slice %arg11[%gather3A_3102, %gather3A_3103, %gather3A_3104] : memref<8x32x128xf32, #tpu.memory_space<vmem>> -> memref<1x32x128xf32, #tpu.memory_space<vmem>>
      %gather3A_3106 = tpu.memref_squeeze %gather3A_3105 : memref<1x32x128xf32, #tpu.memory_space<vmem>> -> memref<32x128xf32, #tpu.memory_space<vmem>>
      %gather3A_3107 = tpu.vector_load_idx %gather3A_3106[%add3A_510, %broadcast_in_dim3A_3090] : memref<32x128xf32, #tpu.memory_space<vmem>>[vector<16xi32>, vector<16xi32>], vector<16xf32>,
      %gather3A_3108 = arith.constant 7 : i32
      %gather3A_3109 = arith.constant 0 : i32
      %gather3A_3110 = arith.constant 0 : i32
      %gather3A_3111 = tpu.memref_slice %arg12[%gather3A_3108, %gather3A_3109, %gather3A_3110] : memref<8x32x128xf32, #tpu.memory_space<vmem>> -> memref<1x32x128xf32, #tpu.memory_space<vmem>>
      %gather3A_3112 = tpu.memref_squeeze %gather3A_3111 : memref<1x32x128xf32, #tpu.memory_space<vmem>> -> memref<32x128xf32, #tpu.memory_space<vmem>>
      %gather3A_3113 = tpu.vector_load_idx %gather3A_3112[%iota3A, %broadcast_in_dim3A_3095] : memref<32x128xf32, #tpu.memory_space<vmem>>[vector<16xi32>, vector<16xi32>], vector<16xf32>,
      %gather3A_3114 = arith.constant 7 : i32
      %gather3A_3115 = arith.constant 0 : i32
      %gather3A_3116 = arith.constant 0 : i32
      %gather3A_3117 = tpu.memref_slice %arg12[%gather3A_3114, %gather3A_3115, %gather3A_3116] : memref<8x32x128xf32, #tpu.memory_space<vmem>> -> memref<1x32x128xf32, #tpu.memory_space<vmem>>
      %gather3A_3118 = tpu.memref_squeeze %gather3A_3117 : memref<1x32x128xf32, #tpu.memory_space<vmem>> -> memref<32x128xf32, #tpu.memory_space<vmem>>
      %gather3A_3119 = tpu.vector_load_idx %gather3A_3118[%add3A_510, %broadcast_in_dim3A_3095] : memref<32x128xf32, #tpu.memory_space<vmem>>[vector<16xi32>, vector<16xi32>], vector<16xf32>,
      %gather3A_3120 = arith.constant 7 : i32
      %gather3A_3121 = arith.constant 0 : i32
      %gather3A_3122 = arith.constant 0 : i32
      %gather3A_3123 = tpu.memref_slice %arg13[%gather3A_3120, %gather3A_3121, %gather3A_3122] : memref<8x1x128xf32, #tpu.memory_space<vmem>> -> memref<1x1x128xf32, #tpu.memory_space<vmem>>
      %gather3A_3124 = tpu.memref_squeeze %gather3A_3123 : memref<1x1x128xf32, #tpu.memory_space<vmem>> -> memref<1x128xf32, #tpu.memory_space<vmem>>
      %gather3A_3125 = tpu.vector_load_idx %gather3A_3124[%broadcast_in_dim3A_511, %broadcast_in_dim3A_3090] : memref<1x128xf32, #tpu.memory_space<vmem>>[vector<16xi32>, vector<16xi32>], vector<16xf32>,
      %gather3A_3126 = arith.constant 7 : i32
      %gather3A_3127 = arith.constant 0 : i32
      %gather3A_3128 = arith.constant 0 : i32
      %gather3A_3129 = tpu.memref_slice %arg14[%gather3A_3126, %gather3A_3127, %gather3A_3128] : memref<8x1x128xf32, #tpu.memory_space<vmem>> -> memref<1x1x128xf32, #tpu.memory_space<vmem>>
      %gather3A_3130 = tpu.memref_squeeze %gather3A_3129 : memref<1x1x128xf32, #tpu.memory_space<vmem>> -> memref<1x128xf32, #tpu.memory_space<vmem>>
      %gather3A_3131 = tpu.vector_load_idx %gather3A_3130[%broadcast_in_dim3A_511, %broadcast_in_dim3A_3095] : memref<1x128xf32, #tpu.memory_space<vmem>>[vector<16xi32>, vector<16xi32>], vector<16xf32>,
      %mul3A_3132 = arith.mulf %gather3A_3101, %gather3A_3113 : vector<16xf32>
      %mul3A_3133 = arith.mulf %gather3A_3107, %gather3A_3119 : vector<16xf32>
      %add3A_3134 = arith.addf %mul3A_3132, %mul3A_3133 : vector<16xf32>
      %broadcast_in_dim3A_3135 = vector.shape_cast %xor3A_498 : vector<16xi32> to vector<16x1xi32>
      %gather3A_3136 = vector.shape_cast %broadcast_in_dim3A_3135 : vector<16x1xi32> to vector<16xi32>
      %gather3A_3137 = tpu.dynamic_gather %add3A_3134[%gather3A_3136] in [0] : vector<16xf32>, vector<16xi32> -> vector<16xf32>
      %add3A_3138 = arith.addf %add3A_3134, %gather3A_3137 : vector<16xf32>
      %broadcast_in_dim3A_3139 = vector.shape_cast %xor3A_501 : vector<16xi32> to vector<16x1xi32>
      %gather3A_3140 = vector.shape_cast %broadcast_in_dim3A_3139 : vector<16x1xi32> to vector<16xi32>
      %gather3A_3141 = tpu.dynamic_gather %add3A_3138[%gather3A_3140] in [0] : vector<16xf32>, vector<16xi32> -> vector<16xf32>
      %add3A_3142 = arith.addf %add3A_3138, %gather3A_3141 : vector<16xf32>
      %broadcast_in_dim3A_3143 = vector.shape_cast %xor3A_504 : vector<16xi32> to vector<16x1xi32>
      %gather3A_3144 = vector.shape_cast %broadcast_in_dim3A_3143 : vector<16x1xi32> to vector<16xi32>
      %gather3A_3145 = tpu.dynamic_gather %add3A_3142[%gather3A_3144] in [0] : vector<16xf32>, vector<16xi32> -> vector<16xf32>
      %add3A_3146 = arith.addf %add3A_3142, %gather3A_3145 : vector<16xf32>
      %broadcast_in_dim3A_3147 = vector.shape_cast %xor3A_507 : vector<16xi32> to vector<16x1xi32>
      %gather3A_3148 = vector.shape_cast %broadcast_in_dim3A_3147 : vector<16x1xi32> to vector<16xi32>
      %gather3A_3149 = tpu.dynamic_gather %add3A_3146[%gather3A_3148] in [0] : vector<16xf32>, vector<16xi32> -> vector<16xf32>
      %add3A_3150 = arith.addf %add3A_3146, %gather3A_3149 : vector<16xf32>
      %eq3A_3151 = arith.constant 15 : i32
      %eq3A_3152 = vector.broadcast %eq3A_3151 : i32 to vector<16xi32>
      %eq3A_3153 = arith.cmpi eq, %iota3A, %eq3A_3152 : vector<16xi32>
      %add3A_3154 = arith.addf %add3A_3150, %gather3A_3125 : vector<16xf32>
      %add3A_3155 = arith.addf %add3A_3154, %gather3A_3131 : vector<16xf32>
      %select_n3A_3156 = arith.select %eq3A_3153, %add3A_3155, %select_n3A_3020 : vector<16xi1>, vector<16xf32>
      %lt3A_3157 = arith.constant 31 : i32
      %lt3A_3158 = arith.cmpi slt, %scan3A_517, %lt3A_3157 : i32
      %convert_element_type3A_3159 = arith.extui %lt3A_3158 : i1 to i32
      %cond3A_3160 = arith.constant 0 : i32
      %cond3A_3161 = arith.cmpi ne, %convert_element_type3A_3159, %cond3A_3160 : i32
      scf.if %cond3A_3161 {
        %slice3A_3163 = vector.extract_strided_slice %get3A_530 {offsets = [7], sizes = [1], strides = [1]} : vector<16xi32> to vector<1xi32>
        %squeeze3A_3164 = vector.extract %slice3A_3163[0] : i32 from vector<1xi32>
        %slice3A_3165 = vector.extract_strided_slice %get3A_534 {offsets = [7], sizes = [1], strides = [1]} : vector<16xi32> to vector<1xi32>
        %squeeze3A_3166 = vector.extract %slice3A_3165[0] : i32 from vector<1xi32>
        %and3A_3167 = arith.constant -128 : i32
        %and3A_3168 = arith.andi %squeeze3A_3164, %and3A_3167 : i32
        %multiple_of3A_3169 = tpu.assume_multiple %and3A_3168, 128 : i32
        %and3A_3170 = arith.constant -128 : i32
        %and3A_3171 = arith.andi %squeeze3A_3166, %and3A_3170 : i32
        %multiple_of3A_3172 = tpu.assume_multiple %and3A_3171, 128 : i32
        %dma_start3A_3173 = arith.constant 7 : i32
        %dma_start3A_3174 = arith.constant 0 : i32
        %dma_start3A_3175 = arith.constant 0 : i32
        %dma_start3A_3176 = tpu.memref_slice %arg11[%dma_start3A_3173, %dma_start3A_3174, %dma_start3A_3175] : memref<8x32x128xf32, #tpu.memory_space<vmem>> -> memref<1x32x128xf32, #tpu.memory_space<vmem>>
        %dma_start3A_3177 = tpu.memref_squeeze %dma_start3A_3176 : memref<1x32x128xf32, #tpu.memory_space<vmem>> -> memref<32x128xf32, #tpu.memory_space<vmem>>
        %dma_start3A_3178 = arith.constant 0 : i32
        %dma_start3A_3179 = tpu.memref_slice %arg4[%dma_start3A_3178, %multiple_of3A_3169] : memref<32x1000000xf32, #tpu.memory_space<hbm>> -> memref<32x128xf32, #tpu.memory_space<hbm>>
        %dma_start3A_3180 = arith.constant 0 : i32
        %dma_start3A_3181 = arith.constant 0 : i32
        %dma_start3A_3182 = tpu.memref_slice %arg11[%dma_start3A_3173, %dma_start3A_3180, %dma_start3A_3181] : memref<8x32x128xf32, #tpu.memory_space<vmem>> -> memref<1x32x128xf32, #tpu.memory_space<vmem>>
        %dma_start3A_3183 = tpu.memref_squeeze %dma_start3A_3182 : memref<1x32x128xf32, #tpu.memory_space<vmem>> -> memref<32x128xf32, #tpu.memory_space<vmem>>
        %dma_start3A_3184 = arith.constant 0 : i32
        %dma_start3A_3185 = tpu.memref_slice %arg4[%dma_start3A_3184, %multiple_of3A_3169] : memref<32x1000000xf32, #tpu.memory_space<hbm>> -> memref<32x128xf32, #tpu.memory_space<hbm>>
        tpu.enqueue_dma source(%dma_start3A_3185 : memref<32x128xf32, #tpu.memory_space<hbm>>) target(%dma_start3A_3183 : memref<32x128xf32, #tpu.memory_space<vmem>>) target_semaphore(%arg16 : memref<!tpu.dma_semaphore, #tpu.memory_space<semaphore_mem>>)
        %dma_start3A_3186 = arith.constant 7 : i32
        %dma_start3A_3187 = arith.constant 0 : i32
        %dma_start3A_3188 = arith.constant 0 : i32
        %dma_start3A_3189 = tpu.memref_slice %arg12[%dma_start3A_3186, %dma_start3A_3187, %dma_start3A_3188] : memref<8x32x128xf32, #tpu.memory_space<vmem>> -> memref<1x32x128xf32, #tpu.memory_space<vmem>>
        %dma_start3A_3190 = tpu.memref_squeeze %dma_start3A_3189 : memref<1x32x128xf32, #tpu.memory_space<vmem>> -> memref<32x128xf32, #tpu.memory_space<vmem>>
        %dma_start3A_3191 = arith.constant 0 : i32
        %dma_start3A_3192 = tpu.memref_slice %arg5[%dma_start3A_3191, %multiple_of3A_3172] : memref<32x1000000xf32, #tpu.memory_space<hbm>> -> memref<32x128xf32, #tpu.memory_space<hbm>>
        %dma_start3A_3193 = arith.constant 0 : i32
        %dma_start3A_3194 = arith.constant 0 : i32
        %dma_start3A_3195 = tpu.memref_slice %arg12[%dma_start3A_3186, %dma_start3A_3193, %dma_start3A_3194] : memref<8x32x128xf32, #tpu.memory_space<vmem>> -> memref<1x32x128xf32, #tpu.memory_space<vmem>>
        %dma_start3A_3196 = tpu.memref_squeeze %dma_start3A_3195 : memref<1x32x128xf32, #tpu.memory_space<vmem>> -> memref<32x128xf32, #tpu.memory_space<vmem>>
        %dma_start3A_3197 = arith.constant 0 : i32
        %dma_start3A_3198 = tpu.memref_slice %arg5[%dma_start3A_3197, %multiple_of3A_3172] : memref<32x1000000xf32, #tpu.memory_space<hbm>> -> memref<32x128xf32, #tpu.memory_space<hbm>>
        tpu.enqueue_dma source(%dma_start3A_3198 : memref<32x128xf32, #tpu.memory_space<hbm>>) target(%dma_start3A_3196 : memref<32x128xf32, #tpu.memory_space<vmem>>) target_semaphore(%arg16 : memref<!tpu.dma_semaphore, #tpu.memory_space<semaphore_mem>>)
        %dma_start3A_3199 = arith.constant 7 : i32
        %dma_start3A_3200 = arith.constant 0 : i32
        %dma_start3A_3201 = arith.constant 0 : i32
        %dma_start3A_3202 = tpu.memref_slice %arg13[%dma_start3A_3199, %dma_start3A_3200, %dma_start3A_3201] : memref<8x1x128xf32, #tpu.memory_space<vmem>> -> memref<1x1x128xf32, #tpu.memory_space<vmem>>
        %dma_start3A_3203 = tpu.memref_squeeze %dma_start3A_3202 : memref<1x1x128xf32, #tpu.memory_space<vmem>> -> memref<1x128xf32, #tpu.memory_space<vmem>>
        %dma_start3A_3204 = arith.constant 0 : i32
        %dma_start3A_3205 = tpu.memref_slice %arg6[%dma_start3A_3204, %multiple_of3A_3169] : memref<1x1000000xf32, #tpu.memory_space<hbm>> -> memref<1x128xf32, #tpu.memory_space<hbm>>
        %dma_start3A_3206 = arith.constant 0 : i32
        %dma_start3A_3207 = arith.constant 0 : i32
        %dma_start3A_3208 = tpu.memref_slice %arg13[%dma_start3A_3199, %dma_start3A_3206, %dma_start3A_3207] : memref<8x1x128xf32, #tpu.memory_space<vmem>> -> memref<1x1x128xf32, #tpu.memory_space<vmem>>
        %dma_start3A_3209 = tpu.memref_squeeze %dma_start3A_3208 : memref<1x1x128xf32, #tpu.memory_space<vmem>> -> memref<1x128xf32, #tpu.memory_space<vmem>>
        %dma_start3A_3210 = arith.constant 0 : i32
        %dma_start3A_3211 = tpu.memref_slice %arg6[%dma_start3A_3210, %multiple_of3A_3169] : memref<1x1000000xf32, #tpu.memory_space<hbm>> -> memref<1x128xf32, #tpu.memory_space<hbm>>
        tpu.enqueue_dma source(%dma_start3A_3211 : memref<1x128xf32, #tpu.memory_space<hbm>>) target(%dma_start3A_3209 : memref<1x128xf32, #tpu.memory_space<vmem>>) target_semaphore(%arg16 : memref<!tpu.dma_semaphore, #tpu.memory_space<semaphore_mem>>)
        %dma_start3A_3212 = arith.constant 7 : i32
        %dma_start3A_3213 = arith.constant 0 : i32
        %dma_start3A_3214 = arith.constant 0 : i32
        %dma_start3A_3215 = tpu.memref_slice %arg14[%dma_start3A_3212, %dma_start3A_3213, %dma_start3A_3214] : memref<8x1x128xf32, #tpu.memory_space<vmem>> -> memref<1x1x128xf32, #tpu.memory_space<vmem>>
        %dma_start3A_3216 = tpu.memref_squeeze %dma_start3A_3215 : memref<1x1x128xf32, #tpu.memory_space<vmem>> -> memref<1x128xf32, #tpu.memory_space<vmem>>
        %dma_start3A_3217 = arith.constant 0 : i32
        %dma_start3A_3218 = tpu.memref_slice %arg7[%dma_start3A_3217, %multiple_of3A_3172] : memref<1x1000000xf32, #tpu.memory_space<hbm>> -> memref<1x128xf32, #tpu.memory_space<hbm>>
        %dma_start3A_3219 = arith.constant 0 : i32
        %dma_start3A_3220 = arith.constant 0 : i32
        %dma_start3A_3221 = tpu.memref_slice %arg14[%dma_start3A_3212, %dma_start3A_3219, %dma_start3A_3220] : memref<8x1x128xf32, #tpu.memory_space<vmem>> -> memref<1x1x128xf32, #tpu.memory_space<vmem>>
        %dma_start3A_3222 = tpu.memref_squeeze %dma_start3A_3221 : memref<1x1x128xf32, #tpu.memory_space<vmem>> -> memref<1x128xf32, #tpu.memory_space<vmem>>
        %dma_start3A_3223 = arith.constant 0 : i32
        %dma_start3A_3224 = tpu.memref_slice %arg7[%dma_start3A_3223, %multiple_of3A_3172] : memref<1x1000000xf32, #tpu.memory_space<hbm>> -> memref<1x128xf32, #tpu.memory_space<hbm>>
        tpu.enqueue_dma source(%dma_start3A_3224 : memref<1x128xf32, #tpu.memory_space<hbm>>) target(%dma_start3A_3222 : memref<1x128xf32, #tpu.memory_space<vmem>>) target_semaphore(%arg16 : memref<!tpu.dma_semaphore, #tpu.memory_space<semaphore_mem>>)
      } else {
      }
      %swap3A = arith.index_cast %mul3A_519 : i32 to index
      %swap3A_3162 = tpu.vector_load %arg15[%swap3A] {strides = array<i32>} : memref<512xf32, #tpu.memory_space<vmem>>, vector<16xf32>,
      tpu.vector_store %arg15[%swap3A], %select_n3A_3156 {strides = array<i32>} : memref<512xf32, #tpu.memory_space<vmem>>, vector<16xf32>,
    }
    %scan3A_516 = arith.constant 32 : i32
    "tpu.region"() ({
      %run_scoped3A = tpu.sem_alloc : memref<!tpu.dma_semaphore, #tpu.memory_space<semaphore_mem>>
      %dma_start3A_517 = tpu.memref_slice %arg8[%mul3A_2] : memref<16384xf32, #tpu.memory_space<hbm>> -> memref<512xf32, #tpu.memory_space<hbm>>
      %dma_start3A_518 = tpu.memref_slice %arg8[%mul3A_2] : memref<16384xf32, #tpu.memory_space<hbm>> -> memref<512xf32, #tpu.memory_space<hbm>>
      tpu.enqueue_dma source(%arg15 : memref<512xf32, #tpu.memory_space<vmem>>) target(%dma_start3A_518 : memref<512xf32, #tpu.memory_space<hbm>>) target_semaphore(%run_scoped3A : memref<!tpu.dma_semaphore, #tpu.memory_space<semaphore_mem>>)
      %dma_wait3A = tpu.memref_slice %arg8[%mul3A_2] : memref<16384xf32, #tpu.memory_space<hbm>> -> memref<512xf32, #tpu.memory_space<hbm>>
      %dma_wait3A_519 = tpu.memref_slice %arg8[%mul3A_2] : memref<16384xf32, #tpu.memory_space<hbm>> -> memref<512xf32, #tpu.memory_space<hbm>>
      tpu.wait_dma2 semaphore(%run_scoped3A : memref<!tpu.dma_semaphore, #tpu.memory_space<semaphore_mem>>) src(%arg15 : memref<512xf32, #tpu.memory_space<vmem>>) dst(%dma_wait3A_519 : memref<512xf32, #tpu.memory_space<hbm>>)
      tpu.yield
    }) : () -> ()
    return
  }
}

</mosaic_0001>

<sc_bundles>
// kernel: kernel.3.cloned.1.call-start
scs
__scs_entry_jumppad:
0x0: {  	(pc) =	sbr.rel $0x88, $3  }
0x1: {  	(tag) =	ssettag $0x0;
	lr =	simm.s32 $0x1  }
0x2: {  	[smem:$0x3F9C] =	sst lr;
	_ =	strace $0xD0000000  }
0x3: {  	_ = 	snop  }
0x4: {  	_ = 	snop  }
0x5: {  	_ = 	snop  }
0x6: {  	_ = 	snop  }
0x7: {  	_ = 	snop  }
__scs_overlays_trampoline_lowered:
0x8: {  	[smem:$0x3FAB] =	sst s0  }
0x9: {  	[smem:$0x3FAC] =	sst s1  }
0xa: {  	[smem:$0x3FAD] =	sst s2  }
0xb: {  	[smem:$0x3FAE] =	sst s3  }
0xc: {  	[smem:$0x3FAF] =	sst s4  }
0xd: {  	[smem:$0x3FB0] =	sst s5  }
0xe: {  	[smem:$0x3FB1] =	sst s6  }
0xf: {  	[smem:$0x3FB2] =	sst s7  }
0x10: {  	[smem:$0x3FB3] =	sst s8  }
0x11: {  	[smem:$0x3FB4] =	sst s9;
	s0 =	simm.s32 @!p0 $0x0  }
0x12: {  	s1 =	sld [smem:$0x3F9A];
	s0 =	simm.s32 @p0 $0x1  }
0x13: {  	[smem:$0x3FB5] =	sst s0;
	s0 =	simm.s32 @!p1 $0x0  }
0x14: {  	s2 =	sld [smem:$0x3F99];
	s0 =	simm.s32 @p1 $0x1  }
0x15: {  	[smem:$0x3FB6] =	sst s0;
	s0 =	simm.s32 @!p2 $0x0  }
0x16: {  	s3 =	sld [smem:$0x3FDB];
	s0 =	simm.s32 @p2 $0x1  }
0x17: {  	s4 =	simm.s32 $0x1BF5;
	[smem:$0x3FB8] =	sst s0  }
0x18: {  	s0 =	sld [smem:$0x3F9B];
	_ =	swait.ge [sflag:s4], $0x0  }
0x19: {  	s7 =	sld [smem:$0x3F9C]  }
0x1a: {  	s8 =	sadd.s32 $0xFFFFE003, lr  }
0x1b: {  	s9 =	sadd.s32 $0xFFFFFEF7, lr;
	s5 =	simm.s32 $0xFFFFFFFF;
	p2 =	slt.u32 s8, $0xFFFFF086  }
0x1c: {  	p1 =	slt.u32 s9, $0xF7A;
	s5 =	simm.s32 @!p2 $0x0  }
0x1d: {  	s5 =	simm.s32 @p1 $0x1;
	p0 =	seq.s32 s7, s2  }
0x1e: {  	s7 =	smul.u32 @!p0 $0xF7A, s2;
	p2 =	seq.s32 @!p0 s5, $0x0  }
0x1f: {  	s9 =	smul.u32 $0xF7A, s1;
	s8 =	simm.s32 @!p0 $0x1BF5;
	p2 =	por !p2, p0  }
0x20: {  	[sflag:s8] =	ssyncset.s32 @!p0 $0xFFFFF086;
	s6 =	sadd.s32 @!p0 s3, s7;
	s7 =	simm.s32 @!p0 $0x108  }
0x21: {  	s3 =	sadd.s32 s3, s9;
	s6 =	sadd.s32 @!p0 $0x88, s6;
	s7 =	simm.s32 @p2 $0x1082  }
0x22: {  	[simem:s7], [sflag:s8] =	dma.local @!p0 [hbm:s6], $0xF7A  }
0x23: {  	s9 =	sor.u32 $0xD0000000, s2;
	s6 =	simm.s32 $0x108;
	_ =	swait.ge @!p0 [sflag:s8], $0x0  }
0x24: {  	s3 =	sadd.s32 $0x88, s3;
	s6 =	simm.s32 @!p1 $0x1082;
	[sflag:s4] =	ssyncset.s32 $0xFFFFF086  }
0x25: {  	[simem:s6], [sflag:s4] =	dma.local [hbm:s3], $0xF7A  }
0x26: {  	[smem:$0x3F9C] =	sst s1;
	(tag) =	ssettag s2;
	_ =	strace s9  }
0x27: {  	s1 =	sld [smem:$0x3FAC]  }
0x28: {  	s2 =	sld [smem:$0x3FAD]  }
0x29: {  	s4 =	sld [smem:$0x3FAF]  }
0x2a: {  	p0 =	seq.s32 s5, $0x0;
	s5 =	sld [smem:$0x3FB0]  }
0x2b: {  	s6 =	sld [smem:$0x3FB1]  }
0x2c: {  	s7 =	sld [smem:$0x3FB2]  }
0x2d: {  	s3 =	simm.s32 $0x108;
	s8 =	sld [smem:$0x3FB3]  }
0x2e: {  	s3 =	simm.s32 @!p0 $0x1082;
	s9 =	sld [smem:$0x3FB4]  }
0x2f: {  	lr =	sadd.s32 s0, s3;
	s0 =	sld [smem:$0x3FAB]  }
0x30: {  	s3 =	sld [smem:$0x3FAE]  }
0x31: {  	[smem:$0x3FB7] =	sst s10  }
0x32: {  	s10 =	sld [smem:$0x3FB5];
	_ =	sdelay $0x3  }
0x33: {  	p0 =	seq.s32 s10, $0x1;
	s10 =	sld [smem:$0x3FB7];
	_ =	sdelay $0x3  }
0x34: {  	[smem:$0x3FB7] =	sst s10  }
0x35: {  	s10 =	sld [smem:$0x3FB6];
	_ =	sdelay $0x3  }
0x36: {  	p1 =	seq.s32 s10, $0x1;
	s10 =	sld [smem:$0x3FB7];
	_ =	sdelay $0x3  }
0x37: {  	[smem:$0x3FB7] =	sst s10  }
0x38: {  	s10 =	sld [smem:$0x3FB8]  }
0x39: {  	_ = 	snop;
	(pc) =	sbr.ind lr, $3  }
0x3a: {  	_ = 	snop  }
0x3b: {  	_ = 	snop  }
0x3c: {  	p2 =	seq.s32 s10, $0x1;
	s10 =	sld [smem:$0x3FB7]  }
0x3d: {  	_ =	shalt  }
0x3e: {  	_ =	shalt  }
0x3f: {  	_ =	shalt  }
0x40: {  	_ =	shalt  }
0x41: {  	_ =	shalt  }
0x42: {  	_ =	shalt  }
0x43: {  	_ =	shalt  }
0x44: {  	_ =	shalt  }
0x45: {  	_ =	shalt  }
0x46: {  	_ =	shalt  }
0x47: {  	_ =	shalt  }
0x48: {  	_ =	shalt  }
0x49: {  	_ =	shalt  }
0x4a: {  	_ =	shalt  }
0x4b: {  	_ =	shalt  }
0x4c: {  	_ =	shalt  }
0x4d: {  	_ =	shalt  }
0x4e: {  	_ =	shalt  }
0x4f: {  	_ =	shalt  }
0x50: {  	_ =	shalt  }
0x51: {  	_ =	shalt  }
0x52: {  	_ =	shalt  }
0x53: {  	_ =	shalt  }
0x54: {  	_ =	shalt  }
0x55: {  	_ =	shalt  }
0x56: {  	_ =	shalt  }
0x57: {  	_ =	shalt  }
0x58: {  	_ =	shalt  }
0x59: {  	_ =	shalt  }
0x5a: {  	_ =	shalt  }
0x5b: {  	_ =	shalt  }
0x5c: {  	_ =	shalt  }
0x5d: {  	_ =	shalt  }
0x5e: {  	_ =	shalt  }
0x5f: {  	_ =	shalt  }
0x60: {  	_ =	shalt  }
0x61: {  	_ =	shalt  }
0x62: {  	_ =	shalt  }
0x63: {  	_ =	shalt  }
0x64: {  	_ =	shalt  }
0x65: {  	_ =	shalt  }
0x66: {  	_ =	shalt  }
0x67: {  	_ =	shalt  }
0x68: {  	_ =	shalt  }
0x69: {  	_ =	shalt  }
0x6a: {  	_ =	shalt  }
0x6b: {  	_ =	shalt  }
0x6c: {  	_ =	shalt  }
0x6d: {  	_ =	shalt  }
0x6e: {  	_ =	shalt  }
0x6f: {  	_ =	shalt  }
0x70: {  	_ =	shalt  }
0x71: {  	_ =	shalt  }
0x72: {  	_ =	shalt  }
0x73: {  	_ =	shalt  }
0x74: {  	_ =	shalt  }
0x75: {  	_ =	shalt  }
0x76: {  	_ =	shalt  }
0x77: {  	_ =	shalt  }
0x78: {  	_ =	shalt  }
0x79: {  	_ =	shalt  }
0x7a: {  	_ =	shalt  }
0x7b: {  	_ =	shalt  }
0x7c: {  	_ =	shalt  }
0x7d: {  	_ =	shalt  }
0x7e: {  	_ =	shalt  }
0x7f: {  	_ =	shalt  }
0x80: {  	_ =	shalt  }
0x81: {  	_ =	shalt  }
0x82: {  	_ =	shalt  }
0x83: {  	_ =	shalt  }
0x84: {  	_ =	shalt  }
0x85: {  	_ =	shalt  }
0x86: {  	_ =	shalt  }
0x87: {  	_ =	shalt  }
.Lfunc_end0:
.L_simem_size_0:
called_computation_lowered:
.L_overlay_start_0:
0x88: {  	s2 =	sld [smem:$0x3FD9]  }
0x89: {  	s3 =	sld [smem:$0x3FFE];
	_ =	sdelay $0x1  }
0x8a: {  	s1 =	srdreg.scid  }
0x8b: {  	s0 =	sand.u32 $0x1, s1  }
0x8c: {  	s17 =	sshll.u32 s0, $0xA;
	s2 =	sadd.s32 s3, s2  }
0x8d: {  	s2 =	sadd.s32 s2, s17  }
0x8e: {  	[smem:$0x3FC3] =	sst s2  }
0x8f: {  	_ = 	snop  }
0x90: {  	s2 =	sld [smem:$0x3FC8]  }
0x91: {  	s18 =	sld [smem:$0x3FC7]  }
0x92: {  	s4 =	sld [smem:$0x3FC6]  }
0x93: {  	s5 =	sld [smem:$0x3FC5]  }
0x94: {  	s6 =	sld [smem:$0x3FD0];
	(tm) =	ssettm $0x1  }
0x95: {  	s7 =	sld [smem:$0x3FFB];
	_ =	sdelay $0x3  }
0x96: {  	_ =	strace s7  }
0x97: {  	s7 =	sld [smem:$0x3FFC];
	_ =	sdelay $0x3  }
0x98: {  	_ =	strace s7  }
0x99: {  	s7 =	sld [smem:$0x3FFD];
	_ =	sdelay $0x3  }
0x9a: {  	_ =	strace s7  }
0x9b: {  	_ =	strace $0x8FFFFFFF  }
0x9c: {  	s19 =	sld [smem:$0x3FDB];
	_ =	sdelay $0x1  }
0x9d: {  	s8 =	simm.s32 $_scs_section_size  }
0x9e: {  	s9 =	simm.s32 $_size__tile_overlayer_lowered;
	s10 =	simm.s32 $_tile_overlayer_lowered  }
0x9f: {  	s22 =	simm.s32 $0x1BFF;
	s21 =	sshll.u32 s10, $0x1;
	s7 =	sadd.s32 s8, s19  }
0xa0: {  	s11 =	simm.s32 $0x0;
	s20 =	sshll.u32 s9, $0x1;
	s9 =	sadd.s32 s21, s7  }
0xa1: {  	[timem:s11], [sflag:s22] =	dma.local [hbm:s9], s20  }
0xa2: {  	_ =	swait.ge [sflag:s22], s20  }
0xa3: {  	s8 =	ssub.s32 $0x0, s20;
	[sflag:s22] =	ssyncset.done $0x0  }
0xa4: {  	[sflag:s22] =	ssyncadd.s32 s8;
	_ =	sdelay $0x1  }
0xa5: {  	s23 =	simm.s32 $0x1B8B  }
0xa6: {  	_ =	swait.ge [sflag:s23], $0x1  }
0xa7: {  	[sflag:s23] =	ssyncset.done $0x0  }
0xa8: {  	s25 =	simm.s32 $0x1B8E;
	s24 =	sld [smem:$0x3FFE];
	[sflag:s23] =	ssyncadd.s32 $0xFFFFFFFF  }
0xa9: {  	s26 =	simm.s32 $execute0_lowered;
	[smem:$0x3FD2] =	sst s25  }
0xaa: {  	s9 =	sshll.u32 s26, $0x1;
	_ =	strace $0x80000046;
	[dreg:$0x1] =	wrdreg $0xFFFFFFFF  }
0xab: {  	s28 =	simm.s32 $_size_execute0_lowered;
	s7 =	sadd.s32 s7, s9;
	[dreg:$0x0] =	wrdreg $0x0  }
0xac: {  	s9 =	sshll.u32 s28, $0x1;
	[dreg:$0x2] =	wrdreg s7  }
0xad: {  	[dreg:$0x3] =	wrdreg s9  }
0xae: {  	[dreg:$0x4] =	wrdreg $0xC0  }
0xaf: {  	_ =	task [dreg:s11], $0x5FFFF  }
0xb0: {  	[dreg:$0x1] =	wrdreg $0xFFFFFFFF  }
0xb1: {  	[dreg:$0x0] =	wrdreg $0x60  }
0xb2: {  	[dreg:$0x2] =	wrdreg s24  }
0xb3: {  	[dreg:$0x3] =	wrdreg s2  }
0xb4: {  	[dreg:$0x4] =	wrdreg s18  }
0xb5: {  	[dreg:$0x5] =	wrdreg s4  }
0xb6: {  	[dreg:$0x6] =	wrdreg s5  }
0xb7: {  	[dreg:$0x7] =	wrdreg s6  }
0xb8: {  	[dreg:$0x8] =	wrdreg $0x9  }
0xb9: {  	_ =	task.clear_ibuf [dreg:s11], $0x9FFFF;
	_ =	strace $0x90000046  }
0xba: {  	s29 =	simm.s32 $0x9;
	_ =	strace $0x80000048  }
0xbb: {  	_ =	swait.ge [sflag:s29], $0x1  }
0xbc: {  	[sflag:s29] =	ssyncadd.s32 $0xFFFFFFFF  }
0xbd: {  	_ =	strace $0x90000048  }
0xbe: {  	_ =	sfence  }
0xbf: {  	s30 =	sld [smem:$0x0];
	_ =	sdelay $0x2  }
0xc0: {  	s31 =	sshll.u32 s1, $0xD;
	s1 =	sshrl.u32 s1, $0x2  }
0xc1: {  	s3 =	sand.u32 $0x4000, s31;
	s1 =	sadd.s32 s1, s30  }
0xc2: {  	s0 =	sor.u32 s3, s0;
	s1 =	sshll.u32 s1, $0x11  }
0xc3: {  	s0 =	sor.u32 s1, s0  }
0xc4: {  	s0 =	sadd.s32 $0x8F2B, s0  }
0xc5: {  	[sflag:s0] =	ssyncadd.remote.s32 $0x1  }
0xc6: {  	_ =	sfence.sel $0xFFFF  }
0xc7: {  	[dreg:$0x0] =	wrdreg $0xFFFFFFFF;
	(pc) =	sbr.abs _section_cstart, $3  }
0xc8: {  	[dreg:$0x1] =	wrdreg $0xFFFFFFFF  }
0xc9: {  	_ =	task.clear_ibuf [dreg:s11], $0x2FFFF;
	_ =	strace $0x9FFFFFFF  }
0xca: {  	(tm) =	ssettm $0x7FFFFFFF  }
0xcb: {  	_ =	shalt  }
tec
execute0_lowered:
.L_overlay_start_1:
0x0: {  	(tag) =	ssettag $0x1  }
0x1: {  	s0 =	rddreg [dreg:$0x0]  }
0x2: {  	s1 =	rddreg [dreg:$0x1]  }
0x3: {  	s2 =	rddreg [dreg:$0x2]  }
0x4: {  	s3 =	rddreg [dreg:$0x3];
	v0 =	vimm.s32 $0xFEDCBA98;
	v1 =	vimm.s32 $0x76543210  }
0x5: {  	s4 =	rddreg [dreg:$0x4];
	v2 =	vlaneseq.u32;
	v4 =	vimm.s32 $0x32107654;
	v5 =	vimm.s32 $0xDCFE98BA  }
0x6: {  	s5 =	rddreg [dreg:$0x5];
	s7 =	srdreg.scid;
	v6 =	vimm.s32 $0x54761032;
	v7 =	vimm.s32 $0xEFCDAB89;
	v8 =	vimm.s32 $0x67452301  }
0x7: {  	s6 =	simm.s32 $0x0;
	s8 =	stileid.u32;
	s13 =	simm.s32 $0x400;
	vm0 =	vmmov $0x1;
	vm1 =	vmmov $0x3;
	vm2 =	vmmov $0x7  }
0x8: {  	s18 =	simm.s32 $0x4400;
	s22 =	simm.s32 $0xC400;
	s23 =	simm.s32 $0x10600;
	vm3 =	vmmov $0xf;
	vm4 =	vmmov $0x1f;
	vm5 =	vmmov $0x3f  }
0x9: {  	s31 =	simm.s32 $0x10A00;
	s17 =	simm.s32 $0x5400;
	s12 =	simm.s32 $0x10680;
	vm6 =	vmmov $0x7f;
	vm7 =	vmmov $0xff;
	vm8 =	vmmov $0x1ff  }
0xa: {  	s20 =	simm.s32 $0x10A80;
	s10 =	simm.s32 $0x6400;
	s21 =	simm.s32 $0x10700;
	vm9 =	vmmov $0x3ff;
	vm10 =	vmmov $0x7ff;
	vm11 =	vmmov $0xfff  }
0xb: {  	s30 =	simm.s32 $0x10B00;
	s11 =	simm.s32 $0xF400;
	s14 =	simm.s32 $0x10780;
	vm12 =	vmmov $0x1fff;
	vm13 =	vmmov $0x3fff;
	v0 =	vunpack.c.l.s4.s8 v0  }
0xc: {  	s15 =	simm.s32 $0x10B80;
	s29 =	simm.s32 $0x1;
	s7 =	sand.u32 $0x1, s7;
	v1 =	vunpack.c.l.s4.s8 v1;
	v4 =	vunpack.c.l.s4.s8 v4;
	v5 =	vunpack.c.l.s4.s8 v5  }
0xd: {  	[smem:$0x7FF] =	sst s6;
	s8 =	sshll.u32 s8, $0x7;
	v6 =	vunpack.c.l.s4.s8 v6;
	s9 =	sshll.u32 s7, $0x6;
	v3 =	vunpack.c.0.s8.s32 v0;
	v0 =	vimm.s32 $0xBA98FEDC  }
0xe: {  	v7 =	vunpack.c.l.s4.s8 v7;
	v8 =	vunpack.c.l.s4.s8 v8;
	_ =	strace $0x80000047;
	s7 =	ssub.s32 $0x2, s7;
	s8 =	sor.u32 s9, s8;
	v0 =	vunpack.c.l.s4.s8 v0  }
0xf: {  	s24 =	sshrl.u32 s7, $0x1;
	s9 =	simm.s32 $0x7A1400;
	v4 =	vunpack.c.0.s8.s32 v4;
	v5 =	vunpack.c.0.s8.s32 v5;
	v6 =	vunpack.c.0.s8.s32 v6;
	s0 =	sadd.s32 s8, s0  }
.Ltmp0:
0x10: {  	v7 =	vunpack.c.0.s8.s32 v7;
	v8 =	vunpack.c.0.s8.s32 v8;
	s7 =	ssub.s32 s7, s24;
	s26 =	sadd.s32 s5, s8;
	v9 =	vunpack.c.0.s8.s32 v0;
	(pc) =	sbr.rel .LBB2_1-.Ltmp0, $4  }
0x11: {  	v1 =	vunpack.c.0.s8.s32 v1;
	s5 =	simm.s32 $0x2;
	s25 =	sadd.s32 $0xE00, s0;
	[dreg:$0x9] =	wrdreg s26;
	v0 =	vmul.u32 $0x80, v2;
	v2 =	vcombine.low v6, v5  }
0x12: {  	s24 =	simm.s32 $0xE400;
	s0 =	sadd.s32 $0x600, s0;
	[dreg:$0x7] =	wrdreg s25;
	v57 =	vcombine.low v4, v9;
	v9 =	vand.u32 $0xF, v3;
	v3 =	vcombine.low v8, v7  }
0x13: {  	vm14 =	vmmov $0x7fff;
	s28 =	smax.u32 s7, $0x1;
	s26 =	simm.s32 $0x7400;
	[dreg:$0x8] =	wrdreg s0;
	v4 =	vor.u32 $0x800, v0;
	v7 =	vand.u32 $0xF, v2  }
0x14: {  	s7 =	simm.s32 $0x0;
	[dreg:$0xa] =	wrdreg s28;
	s25 =	simm.s32 $0xD400;
	v5 =	vcombine.low v9, v1;
	v6 =	vand.u32 $0xF, v57;
	v8 =	vand.u32 $0xF, v3  }
.LBB2_3:
0x15: {  	s0 =	rddreg [dreg:$0xd]  }
0x16: {  	s6 =	simm.s32 $0x0;
	[tilespmem:s0+$0x0] =	vst v1  }
.LBB2_5:
0x17: {  	s0 =	rddreg [dreg:$0x9];
	s5 =	simm.s32 $0x10C00  }
0x18: {  	[hbm4b:s0+s6] =	stream.linear.scatter [tilespmem:s5], [sflag:$0x2], $0x200, $0x38;
	[tilespmem:$0x10E00] =	vst v63  }
0x19: {  	s5 =	simm.s32 $0x2  }
0x1a: {  	_ =	swait.ge [sflag:s5], $0x200  }
0x1b: {  	s7 =	rddreg [dreg:$0xb]  }
0x1c: {  	s28 =	rddreg [dreg:$0xa];
	s7 =	sadd.s32 $0x1, s7  }
0x1d: {  	p0 =	sne.s32 s7, s28  }
.Ltmp1:
0x1e: {  	_ = 	snop;
	(pc) =	sbr.rel @!p0 .LBB2_6-.Ltmp1, $3  }
0x1f: {  	_ =	sdelay $0x1  }
0x20: {  	[sflag:s5] =	ssyncset.done $0x0  }
0x21: {  	[sflag:s5] =	ssyncadd.s32 $0xFFFFFE00  }
.LBB2_1:
0x22: {  	[dreg:$0xb] =	wrdreg s7  }
0x23: {  	s0 =	rddreg [dreg:$0x7]  }
0x24: {  	[tilespmem:s6], [sflag:$0x2] =	stream.linear.gather [hbm4b:s0+s6], $0x200, $0x38;
	[tilespmem:$0x10E00] =	vst v63  }
0x25: {  	_ =	swait.ge [sflag:s5], $0x200  }
0x26: {  	[sflag:s5] =	ssyncset.done $0x0  }
0x27: {  	s16 =	simm.s32 $0x200;
	s19 =	rddreg [dreg:$0x8];
	[sflag:s5] =	ssyncadd.s32 $0xFFFFFE00  }
0x28: {  	[tilespmem:s16], [sflag:$0x2] =	stream.linear.gather [hbm4b:s19+s6], $0x200, $0x38;
	[tilespmem:$0x10E00] =	vst v63  }
0x29: {  	_ =	swait.ge [sflag:s5], $0x200  }
0x2a: {  	[sflag:s5] =	ssyncset.done $0x0  }
0x2b: {  	[sflag:s5] =	ssyncadd.s32 $0xFFFFFE00  }
0x2c: {  	v1 =	vld [tilespmem:$0x0];
	_ =	sdelay $0x4  }
0x2d: {  	v9 =	vld [tilespmem:$0x200];
	(v2sf) =	vpush v1, $0x0;
	_ =	sdelay $0x4  }
0x2e: {  	(v2sf) =	vpush v9, $0x0;
	_ =	sdelay $0x9  }
0x2f: {  	s5 =	spop (v2sf);
	(v2sf) =	vpush v1, $0x1;
	_ =	sdelay $0x4  }
0x30: {  	s28 =	sand.u32 $0x1FFFFF80, s5;
	s8 =	spop (v2sf);
	(v2sf) =	vpush v9, $0x1  }
0x31: {  	s5 =	sshrl.u32 s5, $0x3;
	s7 =	sadd.s32 s1, s28;
	s0 =	sand.u32 $0x1FFFFF80, s8  }
0x32: {  	[tilespmem:s13], [sflag:$0x1] =	stream.strided.gather [hbm4b:s7+s13], $0x1000, s9, s13, $0x38;
	[tilespmem:$0x10E00] =	vst v63  }
0x33: {  	s19 =	simm.s32 $0x8400;
	s5 =	sand.u32 $0x1FFFFFF0, s5;
	s7 =	sadd.s32 s2, s0  }
0x34: {  	[tilespmem:s19], [sflag:$0x1] =	stream.strided.gather [hbm4b:s7+s13], $0x1000, s9, s13, $0x38;
	[tilespmem:$0x10E00] =	vst v63  }
0x35: {  	s28 =	simm.s32 $0x10400;
	s5 =	sadd.s32 s3, s5;
	s7 =	sshrl.u32 s8, $0x3  }
0x36: {  	[tilespmem:s28], [sflag:$0x1] =	stream.linear.gather [hbm4b:s5+s6], $0x80, $0x38;
	[tilespmem:$0x10E00] =	vst v63  }
0x37: {  	s5 =	sand.u32 $0x1FFFFFF0, s7  }
0x38: {  	s8 =	simm.s32 $0x10800;
	s5 =	sadd.s32 s4, s5  }
0x39: {  	[tilespmem:s8], [sflag:$0x1] =	stream.linear.gather [hbm4b:s5+s6], $0x80, $0x38;
	[tilespmem:$0x10E00] =	vst v63  }
0x3a: {  	s5 =	spop (v2sf);
	(v2sf) =	vpush v1, $0x2;
	_ =	sdelay $0x4  }
0x3b: {  	s28 =	simm.s32 $0x1400;
	s19 =	sand.u32 $0x1FFFFF80, s5;
	s8 =	spop (v2sf);
	(v2sf) =	vpush v9, $0x2  }
0x3c: {  	s5 =	sshrl.u32 s5, $0x3;
	s7 =	sadd.s32 s1, s19;
	s0 =	sand.u32 $0x1FFFFF80, s8  }
0x3d: {  	[tilespmem:s28], [sflag:$0x1] =	stream.strided.gather [hbm4b:s7+s13], $0x1000, s9, s13, $0x38;
	[tilespmem:$0x10E00] =	vst v63  }
0x3e: {  	s19 =	simm.s32 $0x9400;
	s5 =	sand.u32 $0x1FFFFFF0, s5;
	s7 =	sadd.s32 s2, s0  }
0x3f: {  	[tilespmem:s19], [sflag:$0x1] =	stream.strided.gather [hbm4b:s7+s13], $0x1000, s9, s13, $0x38;
	[tilespmem:$0x10E00] =	vst v63  }
0x40: {  	s5 =	sadd.s32 s3, s5;
	s28 =	simm.s32 $0x10480;
	s7 =	sshrl.u32 s8, $0x3  }
0x41: {  	[tilespmem:s28], [sflag:$0x1] =	stream.linear.gather [hbm4b:s5+s6], $0x80, $0x38;
	[tilespmem:$0x10E00] =	vst v63  }
0x42: {  	s5 =	sand.u32 $0x1FFFFFF0, s7  }
0x43: {  	s8 =	simm.s32 $0x10880;
	s5 =	sadd.s32 s4, s5  }
0x44: {  	[tilespmem:s8], [sflag:$0x1] =	stream.linear.gather [hbm4b:s5+s6], $0x80, $0x38;
	[tilespmem:$0x10E00] =	vst v63  }
0x45: {  	s5 =	spop (v2sf);
	(v2sf) =	vpush v1, $0x3;
	_ =	sdelay $0x4  }
0x46: {  	s28 =	simm.s32 $0x2400;
	s19 =	sand.u32 $0x1FFFFF80, s5;
	s8 =	spop (v2sf)  }
0x47: {  	s5 =	sshrl.u32 s5, $0x3;
	s7 =	sadd.s32 s1, s19;
	s0 =	sand.u32 $0x1FFFFF80, s8  }
0x48: {  	(v2sf) =	vpush v9, $0x3;
	[tilespmem:s28], [sflag:$0x1] =	stream.strided.gather [hbm4b:s7+s13], $0x1000, s9, s13, $0x38;
	[tilespmem:$0x10E00] =	vst v63  }
0x49: {  	s19 =	simm.s32 $0xA400;
	s5 =	sand.u32 $0x1FFFFFF0, s5;
	s7 =	sadd.s32 s2, s0  }
0x4a: {  	[tilespmem:s19], [sflag:$0x1] =	stream.strided.gather [hbm4b:s7+s13], $0x1000, s9, s13, $0x38;
	[tilespmem:$0x10E00] =	vst v63  }
0x4b: {  	s5 =	sadd.s32 s3, s5;
	s28 =	simm.s32 $0x10500;
	s7 =	sshrl.u32 s8, $0x3  }
0x4c: {  	[tilespmem:s28], [sflag:$0x1] =	stream.linear.gather [hbm4b:s5+s6], $0x80, $0x38;
	[tilespmem:$0x10E00] =	vst v63  }
0x4d: {  	s5 =	sand.u32 $0x1FFFFFF0, s7  }
0x4e: {  	s8 =	simm.s32 $0x10900;
	s5 =	sadd.s32 s4, s5  }
0x4f: {  	[tilespmem:s8], [sflag:$0x1] =	stream.linear.gather [hbm4b:s5+s6], $0x80, $0x38;
	[tilespmem:$0x10E00] =	vst v63  }
0x50: {  	s5 =	spop (v2sf);
	(v2sf) =	vpush v1, $0x4;
	_ =	sdelay $0x6  }
0x51: {  	s8 =	spop (v2sf);
	(v2sf) =	vpush v9, $0x4;
	_ =	sdelay $0x3  }
0x52: {  	s28 =	simm.s32 $0x3400  }
0x53: {  	s19 =	sand.u32 $0x1FFFFF80, s5;
	s5 =	sshrl.u32 s5, $0x3;
	s0 =	sand.u32 $0x1FFFFF80, s8  }
0x54: {  	s7 =	sadd.s32 s1, s19;
	s19 =	simm.s32 $0xB400;
	s5 =	sand.u32 $0x1FFFFFF0, s5  }
0x55: {  	[tilespmem:s28], [sflag:$0x1] =	stream.strided.gather [hbm4b:s7+s13], $0x1000, s9, s13, $0x38;
	[tilespmem:$0x10E00] =	vst v63  }
0x56: {  	s7 =	sadd.s32 s2, s0;
	s0 =	sshrl.u32 s8, $0x3;
	s8 =	spop (v2sf);
	(v2sf) =	vpush v1, $0x5  }
0x57: {  	[tilespmem:s19], [sflag:$0x1] =	stream.strided.gather [hbm4b:s7+s13], $0x1000, s9, s13, $0x38;
	[tilespmem:$0x10E00] =	vst v63  }
0x58: {  	s5 =	sadd.s32 s3, s5;
	s28 =	simm.s32 $0x10580  }
0x59: {  	[tilespmem:s28], [sflag:$0x1] =	stream.linear.gather [hbm4b:s5+s6], $0x80, $0x38;
	[tilespmem:$0x10E00] =	vst v63  }
0x5a: {  	s5 =	sand.u32 $0x1FFFFFF0, s0  }
0x5b: {  	s7 =	simm.s32 $0x10980;
	s5 =	sadd.s32 s4, s5  }
0x5c: {  	[tilespmem:s7], [sflag:$0x1] =	stream.linear.gather [hbm4b:s5+s6], $0x80, $0x38;
	[tilespmem:$0x10E00] =	vst v63  }
0x5d: {  	s0 =	spop (v2sf);
	(v2sf) =	vpush v9, $0x5  }
0x5e: {  	s28 =	sand.u32 $0x1FFFFF80, s8  }
0x5f: {  	s5 =	sshrl.u32 s8, $0x3;
	s7 =	sadd.s32 s1, s28;
	s19 =	sand.u32 $0x1FFFFF80, s0  }
0x60: {  	[tilespmem:s18], [sflag:$0x1] =	stream.strided.gather [hbm4b:s7+s13], $0x1000, s9, s13, $0x38;
	[tilespmem:$0x10E00] =	vst v63  }
0x61: {  	s5 =	sand.u32 $0x1FFFFFF0, s5;
	s7 =	sadd.s32 s2, s19  }
0x62: {  	[tilespmem:s22], [sflag:$0x1] =	stream.strided.gather [hbm4b:s7+s13], $0x1000, s9, s13, $0x38;
	[tilespmem:$0x10E00] =	vst v63  }
0x63: {  	s5 =	sadd.s32 s3, s5  }
0x64: {  	[tilespmem:s23], [sflag:$0x1] =	stream.linear.gather [hbm4b:s5+s6], $0x80, $0x38;
	[tilespmem:$0x10E00] =	vst v63  }
0x65: {  	s23 =	spop (v2sf);
	(v2sf) =	vpush v1, $0x6;
	_ =	sdelay $0x2  }
0x66: {  	s22 =	sshrl.u32 s0, $0x3;
	(v2sf) =	vpush v9, $0x6  }
0x67: {  	s5 =	sand.u32 $0x1FFFFFF0, s22  }
0x68: {  	s5 =	sadd.s32 s4, s5  }
0x69: {  	[tilespmem:s31], [sflag:$0x1] =	stream.linear.gather [hbm4b:s5+s6], $0x80, $0x38;
	[tilespmem:$0x10E00] =	vst v63  }
0x6a: {  	s28 =	sand.u32 $0x1FFFFF80, s23;
	s31 =	spop (v2sf)  }
0x6b: {  	s5 =	sshrl.u32 s23, $0x3;
	s7 =	sadd.s32 s1, s28;
	s0 =	sand.u32 $0x1FFFFF80, s31  }
0x6c: {  	[tilespmem:s17], [sflag:$0x1] =	stream.strided.gather [hbm4b:s7+s13], $0x1000, s9, s13, $0x38;
	[tilespmem:$0x10E00] =	vst v63  }
0x6d: {  	s5 =	sand.u32 $0x1FFFFFF0, s5;
	(v2sf) =	vpush v1, $0x7;
	s7 =	sadd.s32 s2, s0  }
0x6e: {  	[tilespmem:s25], [sflag:$0x1] =	stream.strided.gather [hbm4b:s7+s13], $0x1000, s9, s13, $0x38;
	[tilespmem:$0x10E00] =	vst v63  }
0x6f: {  	s5 =	sadd.s32 s3, s5  }
0x70: {  	[tilespmem:s12], [sflag:$0x1] =	stream.linear.gather [hbm4b:s5+s6], $0x80, $0x38;
	[tilespmem:$0x10E00] =	vst v63  }
0x71: {  	s12 =	sshrl.u32 s31, $0x3  }
0x72: {  	s5 =	sand.u32 $0x1FFFFFF0, s12;
	s17 =	spop (v2sf);
	(v2sf) =	vpush v9, $0x7  }
0x73: {  	s5 =	sadd.s32 s4, s5  }
0x74: {  	[tilespmem:s20], [sflag:$0x1] =	stream.linear.gather [hbm4b:s5+s6], $0x80, $0x38;
	[tilespmem:$0x10E00] =	vst v63  }
0x75: {  	s18 =	sand.u32 $0x1FFFFF80, s17;
	s19 =	spop (v2sf)  }
0x76: {  	s5 =	sshrl.u32 s17, $0x3;
	s7 =	sadd.s32 s1, s18;
	s20 =	sand.u32 $0x1FFFFF80, s19  }
0x77: {  	[tilespmem:s10], [sflag:$0x1] =	stream.strided.gather [hbm4b:s7+s13], $0x1000, s9, s13, $0x38;
	[tilespmem:$0x10E00] =	vst v63  }
0x78: {  	s5 =	sand.u32 $0x1FFFFFF0, s5;
	s7 =	sadd.s32 s2, s20  }
0x79: {  	[tilespmem:s24], [sflag:$0x1] =	stream.strided.gather [hbm4b:s7+s13], $0x1000, s9, s13, $0x38;
	[tilespmem:$0x10E00] =	vst v63  }
0x7a: {  	s22 =	sshrl.u32 s19, $0x3;
	s5 =	sadd.s32 s3, s5  }
0x7b: {  	[tilespmem:s21], [sflag:$0x1] =	stream.linear.gather [hbm4b:s5+s6], $0x80, $0x38;
	[tilespmem:$0x10E00] =	vst v63  }
0x7c: {  	s23 =	spop (v2sf);
	s5 =	sand.u32 $0x1FFFFFF0, s22  }
0x7d: {  	s24 =	sand.u32 $0x1FFFFF80, s23;
	s5 =	sadd.s32 s4, s5  }
0x7e: {  	[tilespmem:s30], [sflag:$0x1] =	stream.linear.gather [hbm4b:s5+s6], $0x80, $0x38;
	[tilespmem:$0x10E00] =	vst v63  }
0x7f: {  	s5 =	sadd.s32 s1, s24  }
0x80: {  	[tilespmem:s26], [sflag:$0x1] =	stream.strided.gather [hbm4b:s5+s13], $0x1000, s9, s13, $0x38;
	[tilespmem:$0x10E00] =	vst v63  }
0x81: {  	s25 =	spop (v2sf)  }
0x82: {  	s28 =	sand.u32 $0x1FFFFF80, s25  }
0x83: {  	s30 =	sshrl.u32 s23, $0x3;
	s5 =	sadd.s32 s2, s28  }
0x84: {  	[tilespmem:s11], [sflag:$0x1] =	stream.strided.gather [hbm4b:s5+s13], $0x1000, s9, s13, $0x38;
	[tilespmem:$0x10E00] =	vst v63  }
0x85: {  	s5 =	sand.u32 $0x1FFFFFF0, s30  }
0x86: {  	s31 =	sshrl.u32 s25, $0x3;
	s5 =	sadd.s32 s3, s5  }
0x87: {  	[tilespmem:s14], [sflag:$0x1] =	stream.linear.gather [hbm4b:s5+s6], $0x80, $0x38;
	[tilespmem:$0x10E00] =	vst v63  }
0x88: {  	s5 =	sand.u32 $0x1FFFFFF0, s31  }
0x89: {  	s5 =	sadd.s32 s4, s5  }
0x8a: {  	[tilespmem:s15], [sflag:$0x1] =	stream.linear.gather [hbm4b:s5+s6], $0x80, $0x38;
	[tilespmem:$0x10E00] =	vst v63  }
0x8b: {  	s8 =	simm.s32 $0x0;
	s0 =	simm.s32 $0x10C00;
	s5 =	simm.s32 $0xFFFFFFE0  }
.LBB2_2:
0x8c: {  	s7 =	sadd.s32 $0x21, s5  }
0x8d: {  	[dreg:$0xd] =	wrdreg s0;
	v11 =	vld [tilespmem:s8+$0x0];
	s7 =	smin.u32 s7, $0x1F  }
0x8e: {  	[dreg:$0xe] =	wrdreg s8;
	v12 =	vld [tilespmem:s16+$0x0];
	s7 =	sshll.u32 s7, $0x4  }
0x8f: {  	[dreg:$0xc] =	wrdreg s16;
	v9 =	vld [tilespmem:s7+$0x0]  }
0x90: {  	v10 =	vld [tilespmem:s7+$0x200];
	_ =	swait.ge [sflag:s29], $0x1000  }
0x91: {  	[sflag:s29] =	ssyncset.done $0x0  }
0x92: {  	[sflag:s29] =	ssyncadd.s32 $0xFFFFF000  }
0x93: {  	_ =	swait.ge [sflag:s29], $0x1000  }
0x94: {  	[sflag:s29] =	ssyncset.done $0x0  }
0x95: {  	[sflag:s29] =	ssyncadd.s32 $0xFFFFF000  }
0x96: {  	_ =	swait.ge [sflag:s29], $0x80  }
0x97: {  	[sflag:s29] =	ssyncset.done $0x0  }
0x98: {  	[sflag:s29] =	ssyncadd.s32 $0xFFFFFF80  }
0x99: {  	_ =	swait.ge [sflag:s29], $0x80  }
0x9a: {  	(v2sf) =	vpush v11, $0x0;
	_ =	sdelay $0x2  }
0x9b: {  	(v2sf) =	vpush v12, $0x0;
	_ =	sdelay $0x5  }
0x9c: {  	(v2sf) =	vpush v11, $0x8  }
0x9d: {  	(v2sf) =	vpush v12, $0x8;
	_ =	sdelay $0x4  }
0x9e: {  	s15 =	spop (v2sf)  }
0x9f: {  	s7 =	sand.u32 $0x7F, s15  }
0xa0: {  	v1 =	vor.u32 s7, v0  }
0xa1: {  	s16 =	spop (v2sf);
	v13 =	vor.u32 s7, v4  }
0xa2: {  	s8 =	sand.u32 $0x7F, s16;
	v16 =	vmov s7  }
0xa3: {  	[sflag:s29] =	ssyncset.done $0x0;
	v14 =	vor.u32 s8, v0  }
0xa4: {  	[sflag:s29] =	ssyncadd.s32 $0xFFFFFF80;
	v15 =	vor.u32 s8, v4  }
0xa5: {  	v17 =	vmov s8;
	v45 =	vld.idx.msk [tilespmem:v1+s13+$0x0], $0xffff  }
0xa6: {  	s23 =	simm.s32 $0x10400;
	v46 =	vld.idx.msk [tilespmem:v13+s13+$0x0], $0xffff  }
0xa7: {  	s20 =	simm.s32 $0x8400;
	s14 =	spop (v2sf);
	v53 =	vld.idx.msk [tilespmem:v16+s23+$0x0], $0xffff  }
0xa8: {  	s17 =	sand.u32 $0x1FFFFF80, s14;
	s15 =	spop (v2sf);
	v47 =	vld.idx.msk [tilespmem:v14+s20+$0x0], $0xffff  }
0xa9: {  	s18 =	simm.s32 $0x10800;
	s7 =	sadd.s32 s1, s17;
	s21 =	sand.u32 $0x1FFFFF80, s15;
	v50 =	vld.idx.msk [tilespmem:v15+s20+$0x0], $0xffff  }
0xaa: {  	v52 =	vld.idx.msk [tilespmem:v17+s18+$0x0], $0xffff;
	[tilespmem:s13], [sflag:$0x1] =	stream.strided.gather [hbm4b:s7+s13], $0x1000, s9, s13, $0x38  }
0xab: {  	s22 =	sshrl.u32 s14, $0x3;
	s7 =	sadd.s32 s2, s21  }
0xac: {  	[tilespmem:s20], [sflag:$0x1] =	stream.strided.gather [hbm4b:s7+s13], $0x1000, s9, s13, $0x38;
	[tilespmem:$0x10E00] =	vst v63  }
0xad: {  	s7 =	sand.u32 $0x1FFFFFF0, s22  }
0xae: {  	s24 =	sshrl.u32 s15, $0x3;
	s7 =	sadd.s32 s3, s7  }
0xaf: {  	[tilespmem:s23], [sflag:$0x1] =	stream.linear.gather [hbm4b:s7+s6], $0x80, $0x38;
	[tilespmem:$0x10E00] =	vst v63  }
0xb0: {  	s7 =	sand.u32 $0x1FFFFFF0, s24  }
0xb1: {  	s19 =	simm.s32 $0x10800;
	s7 =	sadd.s32 s4, s7  }
0xb2: {  	[tilespmem:s19], [sflag:$0x1] =	stream.linear.gather [hbm4b:s7+s6], $0x80, $0x38;
	[tilespmem:$0x10E00] =	vst v63  }
0xb3: {  	_ =	swait.ge [sflag:s29], $0x1000  }
0xb4: {  	[sflag:s29] =	ssyncset.done $0x0  }
0xb5: {  	[sflag:s29] =	ssyncadd.s32 $0xFFFFF000  }
0xb6: {  	_ =	swait.ge [sflag:s29], $0x1000  }
0xb7: {  	[sflag:s29] =	ssyncset.done $0x0  }
0xb8: {  	[sflag:s29] =	ssyncadd.s32 $0xFFFFF000  }
0xb9: {  	_ =	swait.ge [sflag:s29], $0x80  }
0xba: {  	[sflag:s29] =	ssyncset.done $0x0  }
0xbb: {  	[sflag:s29] =	ssyncadd.s32 $0xFFFFFF80  }
0xbc: {  	_ =	swait.ge [sflag:s29], $0x80  }
0xbd: {  	(v2sf) =	vpush v11, $0x1  }
0xbe: {  	(v2sf) =	vpush v12, $0x1;
	_ =	sdelay $0x8  }
0xbf: {  	(v2sf) =	vpush v11, $0x9  }
0xc0: {  	(v2sf) =	vpush v12, $0x9;
	_ =	sdelay $0x3  }
0xc1: {  	s25 =	spop (v2sf)  }
0xc2: {  	s7 =	sand.u32 $0x7F, s25;
	s0 =	spop (v2sf)  }
0xc3: {  	v1 =	vor.u32 s7, v0;
	s8 =	sand.u32 $0x7F, s0  }
0xc4: {  	v42 =	vor.u32 s8, v4;
	_ =	sdelay $0x1  }
0xc5: {  	[sflag:s29] =	ssyncset.done $0x0;
	v40 =	vor.u32 s7, v4  }
0xc6: {  	[sflag:s29] =	ssyncadd.s32 $0xFFFFFF80;
	v43 =	vmov s7;
	v41 =	vor.u32 s8, v0;
	v44 =	vmov s8;
	s8 =	simm.s32 $0x1400  }
0xc7: {  	s10 =	simm.s32 $0x9400;
	v51 =	vld.idx.msk [tilespmem:v1+s8+$0x0], $0xffff  }
0xc8: {  	v1 =	vld.idx.msk [tilespmem:v42+s10+$0x0], $0xffff;
	_ =	sdelay $0x1  }
0xc9: {  	s16 =	simm.s32 $0x10480;
	s17 =	spop (v2sf);
	v55 =	vld.idx.msk [tilespmem:v40+s8+$0x0], $0xffff  }
0xca: {  	s11 =	simm.s32 $0x1400;
	s18 =	sand.u32 $0x1FFFFF80, s17;
	s30 =	spop (v2sf);
	v54 =	vld.idx.msk [tilespmem:v43+s16+$0x0], $0xffff  }
0xcb: {  	s19 =	simm.s32 $0x10880;
	s7 =	sadd.s32 s1, s18;
	s22 =	sand.u32 $0x1FFFFF80, s30;
	v56 =	vld.idx.msk [tilespmem:v41+s10+$0x0], $0xffff  }
0xcc: {  	[tilespmem:$0x1FE00] =	vst v1;
	v1 =	vld.idx.msk [tilespmem:v44+s19+$0x0], $0xffff;
	[tilespmem:s11], [sflag:$0x1] =	stream.strided.gather [hbm4b:s7+s13], $0x1000, s9, s13, $0x38  }
0xcd: {  	s12 =	simm.s32 $0x9400;
	s24 =	sshrl.u32 s17, $0x3;
	s7 =	sadd.s32 s2, s22  }
0xce: {  	[tilespmem:s12], [sflag:$0x1] =	stream.strided.gather [hbm4b:s7+s13], $0x1000, s9, s13, $0x38;
	[tilespmem:$0x10E00] =	vst v63  }
0xcf: {  	s7 =	sand.u32 $0x1FFFFFF0, s24  }
0xd0: {  	s25 =	sshrl.u32 s30, $0x3;
	s10 =	simm.s32 $0x10480;
	s7 =	sadd.s32 s3, s7  }
0xd1: {  	[tilespmem:s10], [sflag:$0x1] =	stream.linear.gather [hbm4b:s7+s6], $0x80, $0x38;
	[tilespmem:$0x10E00] =	vst v63  }
0xd2: {  	s7 =	sand.u32 $0x1FFFFFF0, s25  }
0xd3: {  	s21 =	simm.s32 $0x10880;
	[tilespmem:$0x1FED0] =	vst v1;
	s7 =	sadd.s32 s4, s7  }
0xd4: {  	[tilespmem:s21], [sflag:$0x1] =	stream.linear.gather [hbm4b:s7+s6], $0x80, $0x38;
	[tilespmem:$0x10E00] =	vst v63  }
0xd5: {  	_ =	swait.ge [sflag:s29], $0x1000  }
0xd6: {  	[sflag:s29] =	ssyncset.done $0x0  }
0xd7: {  	[sflag:s29] =	ssyncadd.s32 $0xFFFFF000  }
0xd8: {  	_ =	swait.ge [sflag:s29], $0x1000  }
0xd9: {  	[sflag:s29] =	ssyncset.done $0x0  }
0xda: {  	[sflag:s29] =	ssyncadd.s32 $0xFFFFF000  }
0xdb: {  	_ =	swait.ge [sflag:s29], $0x80  }
0xdc: {  	[sflag:s29] =	ssyncset.done $0x0  }
0xdd: {  	[sflag:s29] =	ssyncadd.s32 $0xFFFFFF80  }
0xde: {  	_ =	swait.ge [sflag:s29], $0x80  }
0xdf: {  	(v2sf) =	vpush v11, $0x2;
	_ =	sdelay $0x9  }
0xe0: {  	(v2sf) =	vpush v12, $0x2;
	_ =	sdelay $0x4  }
0xe1: {  	s0 =	spop (v2sf)  }
0xe2: {  	s7 =	sand.u32 $0x7F, s0  }
0xe3: {  	v1 =	vor.u32 s7, v0;
	_ =	sdelay $0x2  }
0xe4: {  	[sflag:s29] =	ssyncset.done $0x0  }
0xe5: {  	s10 =	simm.s32 $0x2400;
	[sflag:s29] =	ssyncadd.s32 $0xFFFFFF80  }
0xe6: {  	v59 =	vor.u32 s7, v4;
	v1 =	vld.idx.msk [tilespmem:v1+s10+$0x0], $0xffff;
	_ =	sdelay $0x2  }
0xe7: {  	s6 =	spop (v2sf)  }
0xe8: {  	s8 =	sand.u32 $0x7F, s6  }
0xe9: {  	v60 =	vor.u32 s8, v0;
	[tilespmem:$0x1FE10] =	vst v1;
	v1 =	vld.idx.msk [tilespmem:v59+s10+$0x0], $0xffff;
	_ =	sdelay $0x1  }
0xea: {  	(v2sf) =	vpush v11, $0xA  }
0xeb: {  	(v2sf) =	vpush v12, $0xA  }
0xec: {  	s12 =	simm.s32 $0xA400  }
0xed: {  	v61 =	vor.u32 s8, v4;
	[tilespmem:$0x1FE30] =	vst v1;
	v1 =	vld.idx.msk [tilespmem:v60+s12+$0x0], $0xffff;
	_ =	sdelay $0x4  }
0xee: {  	v62 =	vmov s7;
	[tilespmem:$0x1FE20] =	vst v1;
	v1 =	vld.idx.msk [tilespmem:v61+s12+$0x0], $0xffff;
	_ =	sdelay $0x3  }
0xef: {  	s19 =	simm.s32 $0x10500  }
0xf0: {  	v63 =	vmov s8;
	[tilespmem:$0x1FE40] =	vst v1;
	v1 =	vld.idx.msk [tilespmem:v62+s19+$0x0], $0xffff;
	_ =	sdelay $0x1  }
0xf1: {  	s18 =	spop (v2sf)  }
0xf2: {  	s11 =	simm.s32 $0x2400;
	s22 =	sand.u32 $0x1FFFFF80, s18;
	s31 =	spop (v2sf)  }
0xf3: {  	s24 =	simm.s32 $0x10900;
	s7 =	sadd.s32 s1, s22;
	s12 =	sand.u32 $0x1FFFFF80, s31  }
0xf4: {  	[tilespmem:$0x1FEE0] =	vst v1;
	v1 =	vld.idx.msk [tilespmem:v63+s24+$0x0], $0xffff;
	[tilespmem:s11], [sflag:$0x1] =	stream.strided.gather [hbm4b:s7+s13], $0x1000, s9, s13, $0x38  }
0xf5: {  	s16 =	simm.s32 $0xA400;
	s7 =	sadd.s32 s2, s12  }
0xf6: {  	[tilespmem:s16], [sflag:$0x1] =	stream.strided.gather [hbm4b:s7+s13], $0x1000, s9, s13, $0x38;
	[tilespmem:$0x10E00] =	vst v63  }
0xf7: {  	s16 =	sshrl.u32 s18, $0x3  }
0xf8: {  	s21 =	simm.s32 $0x10500;
	s7 =	sand.u32 $0x1FFFFFF0, s16  }
0xf9: {  	s0 =	simm.s32 $0x0;
	s19 =	sshrl.u32 s31, $0x3;
	s7 =	sadd.s32 s3, s7  }
0xfa: {  	[tilespmem:s21], [sflag:$0x1] =	stream.linear.gather [hbm4b:s7+s0], $0x80, $0x38;
	[tilespmem:$0x10E00] =	vst v63  }
0xfb: {  	s7 =	sand.u32 $0x1FFFFFF0, s19  }
0xfc: {  	s25 =	simm.s32 $0x10900;
	[tilespmem:$0x1FF30] =	vst v1;
	s7 =	sadd.s32 s4, s7  }
0xfd: {  	[tilespmem:s25], [sflag:$0x1] =	stream.linear.gather [hbm4b:s7+s0], $0x80, $0x38;
	[tilespmem:$0x10E00] =	vst v63  }
0xfe: {  	_ =	swait.ge [sflag:s29], $0x1000  }
0xff: {  	[sflag:s29] =	ssyncset.done $0x0  }
0x100: {  	[sflag:s29] =	ssyncadd.s32 $0xFFFFF000  }
0x101: {  	_ =	swait.ge [sflag:s29], $0x1000  }
0x102: {  	[sflag:s29] =	ssyncset.done $0x0  }
0x103: {  	[sflag:s29] =	ssyncadd.s32 $0xFFFFF000  }
0x104: {  	_ =	swait.ge [sflag:s29], $0x80  }
0x105: {  	[sflag:s29] =	ssyncset.done $0x0  }
0x106: {  	[sflag:s29] =	ssyncadd.s32 $0xFFFFFF80  }
0x107: {  	_ =	swait.ge [sflag:s29], $0x80  }
0x108: {  	(v2sf) =	vpush v11, $0x3;
	_ =	sdelay $0x9  }
0x109: {  	(v2sf) =	vpush v12, $0x3;
	_ =	sdelay $0x4  }
0x10a: {  	s21 =	spop (v2sf)  }
0x10b: {  	s7 =	sand.u32 $0x7F, s21  }
0x10c: {  	v1 =	vor.u32 s7, v0;
	_ =	sdelay $0x2  }
0x10d: {  	[sflag:s29] =	ssyncset.done $0x0  }
0x10e: {  	s24 =	simm.s32 $0x3400;
	[sflag:s29] =	ssyncadd.s32 $0xFFFFFF80  }
0x10f: {  	v20 =	vor.u32 s7, v4;
	v1 =	vld.idx.msk [tilespmem:v1+s24+$0x0], $0xffff;
	_ =	sdelay $0x2  }
0x110: {  	s22 =	spop (v2sf)  }
0x111: {  	s8 =	sand.u32 $0x7F, s22  }
0x112: {  	v21 =	vor.u32 s8, v0;
	[tilespmem:$0x1FE50] =	vst v1;
	v1 =	vld.idx.msk [tilespmem:v20+s24+$0x0], $0xffff;
	_ =	sdelay $0x1  }
0x113: {  	(v2sf) =	vpush v11, $0xB;
	_ =	sdelay $0x1  }
0x114: {  	s12 =	simm.s32 $0xB400;
	(v2sf) =	vpush v12, $0xB  }
0x115: {  	v22 =	vor.u32 s8, v4;
	[tilespmem:$0x1FE70] =	vst v1;
	v1 =	vld.idx.msk [tilespmem:v21+s12+$0x0], $0xffff;
	_ =	sdelay $0x4  }
0x116: {  	v23 =	vmov s7;
	[tilespmem:$0x1FE60] =	vst v1;
	v1 =	vld.idx.msk [tilespmem:v22+s12+$0x0], $0xffff;
	_ =	sdelay $0x3  }
0x117: {  	s16 =	simm.s32 $0x10580  }
0x118: {  	v24 =	vmov s8;
	[tilespmem:$0x1FE80] =	vst v1;
	v1 =	vld.idx.msk [tilespmem:v23+s16+$0x0], $0xffff;
	_ =	sdelay $0x1  }
0x119: {  	s21 =	spop (v2sf)  }
0x11a: {  	s25 =	simm.s32 $0x3400;
	s19 =	sand.u32 $0x1FFFFF80, s21  }
0x11b: {  	s22 =	simm.s32 $0x10980;
	s7 =	spop (v2sf);
	s8 =	sadd.s32 s1, s19  }
0x11c: {  	[tilespmem:$0x1FF20] =	vst v1;
	v1 =	vld.idx.msk [tilespmem:v24+s22+$0x0], $0xffff;
	[tilespmem:s25], [sflag:$0x1] =	stream.strided.gather [hbm4b:s8+s13], $0x1000, s9, s13, $0x38  }
0x11d: {  	s25 =	sand.u32 $0x1FFFFF80, s7  }
0x11e: {  	s11 =	simm.s32 $0xB400;
	s10 =	sshrl.u32 s21, $0x3;
	s8 =	sadd.s32 s2, s25  }
0x11f: {  	[tilespmem:s11], [sflag:$0x1] =	stream.strided.gather [hbm4b:s8+s13], $0x1000, s9, s13, $0x38;
	[tilespmem:$0x10E00] =	vst v63  }
0x120: {  	s8 =	sand.u32 $0x1FFFFFF0, s10  }
0x121: {  	s12 =	simm.s32 $0x10580;
	s11 =	sshrl.u32 s7, $0x3;
	s8 =	sadd.s32 s3, s8  }
0x122: {  	[tilespmem:s12], [sflag:$0x1] =	stream.linear.gather [hbm4b:s8+s0], $0x80, $0x38;
	[tilespmem:$0x10E00] =	vst v63  }
0x123: {  	s8 =	sand.u32 $0x1FFFFFF0, s11  }
0x124: {  	s24 =	simm.s32 $0x10980;
	[tilespmem:$0x1FF40] =	vst v1;
	s8 =	sadd.s32 s4, s8  }
0x125: {  	[tilespmem:s24], [sflag:$0x1] =	stream.linear.gather [hbm4b:s8+s0], $0x80, $0x38;
	[tilespmem:$0x10E00] =	vst v63  }
0x126: {  	_ =	swait.ge [sflag:s29], $0x1000  }
0x127: {  	[sflag:s29] =	ssyncset.done $0x0  }
0x128: {  	[sflag:s29] =	ssyncadd.s32 $0xFFFFF000  }
0x129: {  	_ =	swait.ge [sflag:s29], $0x1000  }
0x12a: {  	[sflag:s29] =	ssyncset.done $0x0  }
0x12b: {  	[sflag:s29] =	ssyncadd.s32 $0xFFFFF000  }
0x12c: {  	_ =	swait.ge [sflag:s29], $0x80  }
0x12d: {  	[sflag:s29] =	ssyncset.done $0x0  }
0x12e: {  	[sflag:s29] =	ssyncadd.s32 $0xFFFFFF80  }
0x12f: {  	_ =	swait.ge [sflag:s29], $0x80  }
0x130: {  	(v2sf) =	vpush v11, $0x4;
	_ =	sdelay $0x9  }
0x131: {  	(v2sf) =	vpush v12, $0x4;
	_ =	sdelay $0x4  }
0x132: {  	s12 =	spop (v2sf)  }
0x133: {  	s8 =	sand.u32 $0x7F, s12  }
0x134: {  	v1 =	vor.u32 s8, v0;
	_ =	sdelay $0x2  }
0x135: {  	[sflag:s29] =	ssyncset.done $0x0  }
0x136: {  	s19 =	simm.s32 $0x4400;
	[sflag:s29] =	ssyncadd.s32 $0xFFFFFF80  }
0x137: {  	v25 =	vor.u32 s8, v4;
	v1 =	vld.idx.msk [tilespmem:v1+s19+$0x0], $0xffff;
	_ =	sdelay $0x2  }
0x138: {  	s16 =	spop (v2sf)  }
0x139: {  	s11 =	sand.u32 $0x7F, s16  }
0x13a: {  	v26 =	vor.u32 s11, v0;
	[tilespmem:$0x1FE90] =	vst v1;
	v1 =	vld.idx.msk [tilespmem:v25+s19+$0x0], $0xffff;
	_ =	sdelay $0x2  }
0x13b: {  	(v2sf) =	vpush v11, $0xC  }
0x13c: {  	s22 =	simm.s32 $0xC400  }
0x13d: {  	(v2sf) =	vpush v12, $0xC;
	v27 =	vor.u32 s11, v4;
	[tilespmem:$0x1FEB0] =	vst v1;
	v1 =	vld.idx.msk [tilespmem:v26+s22+$0x0], $0xffff;
	_ =	sdelay $0x4  }
0x13e: {  	v28 =	vmov s8;
	[tilespmem:$0x1FEA0] =	vst v1;
	v1 =	vld.idx.msk [tilespmem:v27+s22+$0x0], $0xffff;
	_ =	sdelay $0x3  }
0x13f: {  	s24 =	simm.s32 $0x10600  }
0x140: {  	v29 =	vmov s11;
	[tilespmem:$0x1FEC0] =	vst v1;
	v1 =	vld.idx.msk [tilespmem:v28+s24+$0x0], $0xffff;
	_ =	sdelay $0x2  }
0x141: {  	s22 =	spop (v2sf)  }
0x142: {  	s8 =	simm.s32 $0x10A00;
	s25 =	sand.u32 $0x1FFFFF80, s22  }
0x143: {  	s10 =	simm.s32 $0x4400;
	s11 =	sadd.s32 s1, s25;
	[tilespmem:$0x1FF50] =	vst v1;
	v1 =	vld.idx.msk [tilespmem:v29+s8+$0x0], $0xffff;
	s8 =	spop (v2sf)  }
0x144: {  	[tilespmem:s10], [sflag:$0x1] =	stream.strided.gather [hbm4b:s11+s13], $0x1000, s9, s13, $0x38;
	[tilespmem:$0x10E00] =	vst v63  }
0x145: {  	s10 =	sand.u32 $0x1FFFFF80, s8  }
0x146: {  	s16 =	simm.s32 $0xC400;
	s24 =	sshrl.u32 s22, $0x3;
	s11 =	sadd.s32 s2, s10  }
0x147: {  	[tilespmem:s16], [sflag:$0x1] =	stream.strided.gather [hbm4b:s11+s13], $0x1000, s9, s13, $0x38;
	[tilespmem:$0x10E00] =	vst v63  }
0x148: {  	s11 =	sand.u32 $0x1FFFFFF0, s24  }
0x149: {  	s19 =	simm.s32 $0x10600;
	s25 =	sshrl.u32 s8, $0x3;
	s11 =	sadd.s32 s3, s11  }
0x14a: {  	[tilespmem:s19], [sflag:$0x1] =	stream.linear.gather [hbm4b:s11+s0], $0x80, $0x38;
	[tilespmem:$0x10E00] =	vst v63  }
0x14b: {  	s11 =	sand.u32 $0x1FFFFFF0, s25  }
0x14c: {  	s6 =	simm.s32 $0x10A00;
	[tilespmem:$0x1FF70] =	vst v1;
	s11 =	sadd.s32 s4, s11  }
0x14d: {  	[tilespmem:s6], [sflag:$0x1] =	stream.linear.gather [hbm4b:s11+s0], $0x80, $0x38;
	[tilespmem:$0x10E00] =	vst v63  }
0x14e: {  	_ =	swait.ge [sflag:s29], $0x1000  }
0x14f: {  	[sflag:s29] =	ssyncset.done $0x0  }
0x150: {  	[sflag:s29] =	ssyncadd.s32 $0xFFFFF000  }
0x151: {  	_ =	swait.ge [sflag:s29], $0x1000  }
0x152: {  	[sflag:s29] =	ssyncset.done $0x0  }
0x153: {  	[sflag:s29] =	ssyncadd.s32 $0xFFFFF000  }
0x154: {  	_ =	swait.ge [sflag:s29], $0x80  }
0x155: {  	[sflag:s29] =	ssyncset.done $0x0  }
0x156: {  	[sflag:s29] =	ssyncadd.s32 $0xFFFFFF80  }
0x157: {  	_ =	swait.ge [sflag:s29], $0x80  }
0x158: {  	(v2sf) =	vpush v11, $0x5;
	_ =	sdelay $0x3  }
0x159: {  	(v2sf) =	vpush v12, $0x5;
	_ =	sdelay $0x6  }
0x15a: {  	(v2sf) =	vpush v11, $0xD;
	_ =	sdelay $0x1  }
0x15b: {  	(v2sf) =	vpush v12, $0xD;
	_ =	sdelay $0x1  }
0x15c: {  	s6 =	spop (v2sf)  }
0x15d: {  	s11 =	sand.u32 $0x7F, s6  }
0x15e: {  	v1 =	vor.u32 s11, v0  }
0x15f: {  	v33 =	vmov s11  }
0x160: {  	s10 =	spop (v2sf)  }
0x161: {  	[sflag:s29] =	ssyncset.done $0x0;
	s16 =	sand.u32 $0x7F, s10;
	v30 =	vor.u32 s11, v4  }
0x162: {  	[sflag:s29] =	ssyncadd.s32 $0xFFFFFF80;
	s11 =	simm.s32 $0x5400;
	v31 =	vor.u32 s16, v0  }
0x163: {  	s19 =	simm.s32 $0x10680;
	v32 =	vor.u32 s16, v4;
	v49 =	vld.idx.msk [tilespmem:v1+s11+$0x0], $0xffff  }
0x164: {  	v34 =	vmov s16;
	v1 =	vld.idx.msk [tilespmem:v33+s19+$0x0], $0xffff;
	_ =	sdelay $0x1  }
0x165: {  	s16 =	simm.s32 $0xD400;
	v48 =	vld.idx.msk [tilespmem:v30+s11+$0x0], $0xffff  }
0x166: {  	s25 =	spop (v2sf);
	v43 =	vld.idx.msk [tilespmem:v31+s16+$0x0], $0xffff  }
0x167: {  	s11 =	simm.s32 $0x10A80;
	v44 =	vld.idx.msk [tilespmem:v32+s16+$0x0], $0xffff;
	s16 =	sand.u32 $0x1FFFFF80, s25  }
0x168: {  	s10 =	simm.s32 $0x5400;
	s16 =	sadd.s32 s1, s16;
	[tilespmem:$0x1FF60] =	vst v1;
	v1 =	vld.idx.msk [tilespmem:v34+s11+$0x0], $0xffff;
	s11 =	spop (v2sf)  }
0x169: {  	[tilespmem:s10], [sflag:$0x1] =	stream.strided.gather [hbm4b:s16+s13], $0x1000, s9, s13, $0x38;
	[tilespmem:$0x10E00] =	vst v63  }
0x16a: {  	s10 =	sand.u32 $0x1FFFFF80, s11  }
0x16b: {  	s24 =	simm.s32 $0xD400;
	s16 =	sadd.s32 s2, s10  }
0x16c: {  	[tilespmem:s24], [sflag:$0x1] =	stream.strided.gather [hbm4b:s16+s13], $0x1000, s9, s13, $0x38;
	[tilespmem:$0x10E00] =	vst v63  }
0x16d: {  	s13 =	sshrl.u32 s25, $0x3  }
0x16e: {  	s16 =	sand.u32 $0x1FFFFFF0, s13  }
0x16f: {  	s19 =	simm.s32 $0x10680;
	s24 =	sshrl.u32 s11, $0x3;
	s16 =	sadd.s32 s3, s16  }
0x170: {  	[tilespmem:s19], [sflag:$0x1] =	stream.linear.gather [hbm4b:s16+s0], $0x80, $0x38;
	[tilespmem:$0x10E00] =	vst v63  }
0x171: {  	s16 =	sand.u32 $0x1FFFFFF0, s24  }
0x172: {  	s6 =	simm.s32 $0x10A80;
	[tilespmem:$0x1FF80] =	vst v1;
	s16 =	sadd.s32 s4, s16  }
0x173: {  	[tilespmem:s6], [sflag:$0x1] =	stream.linear.gather [hbm4b:s16+s0], $0x80, $0x38;
	[tilespmem:$0x10E00] =	vst v63  }
0x174: {  	_ =	swait.ge [sflag:s29], $0x1000  }
0x175: {  	[sflag:s29] =	ssyncset.done $0x0  }
0x176: {  	[sflag:s29] =	ssyncadd.s32 $0xFFFFF000  }
0x177: {  	_ =	swait.ge [sflag:s29], $0x1000  }
0x178: {  	[sflag:s29] =	ssyncset.done $0x0  }
0x179: {  	[sflag:s29] =	ssyncadd.s32 $0xFFFFF000  }
0x17a: {  	_ =	swait.ge [sflag:s29], $0x80  }
0x17b: {  	[sflag:s29] =	ssyncset.done $0x0  }
0x17c: {  	[sflag:s29] =	ssyncadd.s32 $0xFFFFFF80  }
0x17d: {  	_ =	swait.ge [sflag:s29], $0x80  }
0x17e: {  	(v2sf) =	vpush v11, $0x6;
	_ =	sdelay $0x9  }
0x17f: {  	(v2sf) =	vpush v12, $0x6;
	_ =	sdelay $0x4  }
0x180: {  	s9 =	spop (v2sf)  }
0x181: {  	s16 =	sand.u32 $0x7F, s9  }
0x182: {  	v1 =	vor.u32 s16, v0;
	_ =	sdelay $0x2  }
0x183: {  	[sflag:s29] =	ssyncset.done $0x0  }
0x184: {  	s13 =	simm.s32 $0x6400;
	[sflag:s29] =	ssyncadd.s32 $0xFFFFFF80  }
0x185: {  	v35 =	vor.u32 s16, v4;
	v1 =	vld.idx.msk [tilespmem:v1+s13+$0x0], $0xffff;
	_ =	sdelay $0x2  }
0x186: {  	(v2sf) =	vpush v11, $0xE;
	s10 =	spop (v2sf)  }
0x187: {  	s19 =	sand.u32 $0x7F, s10  }
0x188: {  	(v2sf) =	vpush v12, $0xE;
	v37 =	vor.u32 s19, v4;
	[tilespmem:$0x1FEF0] =	vst v1;
	v1 =	vld.idx.msk [tilespmem:v35+s13+$0x0], $0xffff;
	_ =	sdelay $0x3  }
0x189: {  	v38 =	vmov s16;
	s16 =	simm.s32 $0xE400  }
0x18a: {  	[tilespmem:$0x1FF00] =	vst v1;
	v1 =	vld.idx.msk [tilespmem:v37+s16+$0x0], $0xffff;
	_ =	sdelay $0x3  }
0x18b: {  	v36 =	vor.u32 s19, v0;
	v39 =	vmov s19;
	s19 =	simm.s32 $0x10700  }
0x18c: {  	[tilespmem:$0x1FF10] =	vst v1;
	v1 =	vld.idx.msk [tilespmem:v38+s19+$0x0], $0xffff;
	_ =	sdelay $0x2  }
0x18d: {  	s6 =	simm.s32 $0x400;
	s24 =	spop (v2sf)  }
0x18e: {  	s9 =	simm.s32 $0x6400;
	s10 =	simm.s32 $0x10B00;
	v42 =	vld.idx.msk [tilespmem:v36+s16+$0x0], $0xffff;
	s16 =	sand.u32 $0x1FFFFF80, s24  }
0x18f: {  	s13 =	simm.s32 $0x7A1400;
	s16 =	sadd.s32 s1, s16;
	[tilespmem:$0x1FF90] =	vst v1;
	v1 =	vld.idx.msk [tilespmem:v39+s10+$0x0], $0xffff;
	s10 =	spop (v2sf)  }
0x190: {  	[tilespmem:s9], [sflag:$0x1] =	stream.strided.gather [hbm4b:s16+s6], $0x1000, s13, s6, $0x38;
	[tilespmem:$0x10E00] =	vst v63  }
0x191: {  	s28 =	simm.s32 $0xE400;
	s13 =	simm.s32 $0x400;
	s6 =	sand.u32 $0x1FFFFF80, s10  }
0x192: {  	s9 =	simm.s32 $0x7A1400;
	s16 =	sadd.s32 s2, s6;
	s6 =	sshrl.u32 s24, $0x3  }
0x193: {  	[tilespmem:s28], [sflag:$0x1] =	stream.strided.gather [hbm4b:s16+s13], $0x1000, s9, s13, $0x38;
	[tilespmem:$0x10E00] =	vst v63  }
0x194: {  	s19 =	simm.s32 $0x10700;
	s16 =	sand.u32 $0x1FFFFFF0, s6  }
0x195: {  	s28 =	simm.s32 $0x0;
	s6 =	sshrl.u32 s10, $0x3;
	s16 =	sadd.s32 s3, s16  }
0x196: {  	[tilespmem:s19], [sflag:$0x1] =	stream.linear.gather [hbm4b:s16+s28], $0x80, $0x38;
	[tilespmem:$0x10E00] =	vst v63  }
0x197: {  	s16 =	sand.u32 $0x1FFFFFF0, s6  }
0x198: {  	s0 =	simm.s32 $0x10B00;
	[tilespmem:$0x1FFB0] =	vst v1;
	s16 =	sadd.s32 s4, s16  }
0x199: {  	[tilespmem:s0], [sflag:$0x1] =	stream.linear.gather [hbm4b:s16+s28], $0x80, $0x38;
	[tilespmem:$0x10E00] =	vst v63  }
0x19a: {  	_ =	swait.ge [sflag:s29], $0x1000  }
0x19b: {  	[sflag:s29] =	ssyncset.done $0x0  }
0x19c: {  	[sflag:s29] =	ssyncadd.s32 $0xFFFFF000  }
0x19d: {  	_ =	swait.ge [sflag:s29], $0x1000  }
0x19e: {  	[sflag:s29] =	ssyncset.done $0x0  }
0x19f: {  	[sflag:s29] =	ssyncadd.s32 $0xFFFFF000  }
0x1a0: {  	_ =	swait.ge [sflag:s29], $0x80  }
0x1a1: {  	[sflag:s29] =	ssyncset.done $0x0  }
0x1a2: {  	[sflag:s29] =	ssyncadd.s32 $0xFFFFFF80  }
0x1a3: {  	_ =	swait.ge [sflag:s29], $0x80  }
0x1a4: {  	(v2sf) =	vpush v11, $0x7;
	_ =	sdelay $0x5  }
0x1a5: {  	(v2sf) =	vpush v12, $0x7;
	_ =	sdelay $0x5  }
0x1a6: {  	(v2sf) =	vpush v11, $0xF;
	_ =	sdelay $0x1  }
0x1a7: {  	(v2sf) =	vpush v12, $0xF  }
0x1a8: {  	s19 =	spop (v2sf)  }
0x1a9: {  	s16 =	sand.u32 $0x7F, s19  }
0x1aa: {  	v1 =	vor.u32 s16, v0  }
0x1ab: {  	v11 =	vor.u32 s16, v4  }
0x1ac: {  	v59 =	vmov s16  }
0x1ad: {  	[sflag:s29] =	ssyncset.done $0x0  }
0x1ae: {  	[sflag:s29] =	ssyncadd.s32 $0xFFFFFF80;
	s0 =	spop (v2sf)  }
0x1af: {  	s19 =	sand.u32 $0x7F, s0;
	v61 =	vld.idx.msk [tilespmem:v1+s26+$0x0], $0xffff  }
0x1b0: {  	v41 =	vor.u32 s19, v0;
	v62 =	vld.idx.msk [tilespmem:v11+s26+$0x0], $0xffff;
	s26 =	simm.s32 $0x10780  }
0x1b1: {  	v18 =	vmov s19;
	v1 =	vld.idx.msk [tilespmem:v59+s26+$0x0], $0xffff  }
0x1b2: {  	v58 =	vor.u32 s19, v4;
	_ =	sdelay $0x1  }
0x1b3: {  	s12 =	simm.s32 $0xF400;
	s19 =	spop (v2sf)  }
0x1b4: {  	s16 =	simm.s32 $0x10B80;
	v63 =	vld.idx.msk [tilespmem:v41+s12+$0x0], $0xffff;
	s26 =	sand.u32 $0x1FFFFF80, s19  }
0x1b5: {  	s0 =	simm.s32 $0x7400;
	s26 =	sadd.s32 s1, s26;
	[tilespmem:$0x1FFA0] =	vst v1;
	v1 =	vld.idx.msk [tilespmem:v18+s16+$0x0], $0xffff;
	s16 =	spop (v2sf)  }
0x1b6: {  	v27 =	vld.idx.msk [tilespmem:v58+s12+$0x0], $0xffff;
	[tilespmem:s0], [sflag:$0x1] =	stream.strided.gather [hbm4b:s26+s13], $0x1000, s9, s13, $0x38  }
0x1b7: {  	s0 =	sand.u32 $0x1FFFFF80, s16  }
0x1b8: {  	s26 =	sadd.s32 s2, s0;
	s0 =	sshrl.u32 s19, $0x3  }
0x1b9: {  	[tilespmem:s12], [sflag:$0x1] =	stream.strided.gather [hbm4b:s26+s13], $0x1000, s9, s13, $0x38;
	[tilespmem:$0x10E00] =	vst v63  }
0x1ba: {  	s26 =	sand.u32 $0x1FFFFFF0, s0  }
0x1bb: {  	s12 =	simm.s32 $0x10780;
	s0 =	sshrl.u32 s16, $0x3;
	s26 =	sadd.s32 s3, s26  }
0x1bc: {  	[tilespmem:s12], [sflag:$0x1] =	stream.linear.gather [hbm4b:s26+s28], $0x80, $0x38;
	[tilespmem:$0x10E00] =	vst v63  }
0x1bd: {  	s26 =	sand.u32 $0x1FFFFFF0, s0  }
0x1be: {  	[tilespmem:$0x1FFC0] =	vst v1;
	s12 =	simm.s32 $0x10B80;
	s26 =	sadd.s32 s4, s26  }
0x1bf: {  	[tilespmem:s12], [sflag:$0x1] =	stream.linear.gather [hbm4b:s26+s28], $0x80, $0x38;
	[tilespmem:$0x10E00] =	vst v63  }
0x1c0: {  	_ =	swait.ge [sflag:s29], $0x1000  }
0x1c1: {  	[sflag:s29] =	ssyncset.done $0x0  }
0x1c2: {  	[sflag:s29] =	ssyncadd.s32 $0xFFFFF000  }
0x1c3: {  	_ =	swait.ge [sflag:s29], $0x1000  }
0x1c4: {  	[sflag:s29] =	ssyncset.done $0x0  }
0x1c5: {  	[sflag:s29] =	ssyncadd.s32 $0xFFFFF000  }
0x1c6: {  	_ =	swait.ge [sflag:s29], $0x80  }
0x1c7: {  	[sflag:s29] =	ssyncset.done $0x0  }
0x1c8: {  	[sflag:s29] =	ssyncadd.s32 $0xFFFFFF80  }
0x1c9: {  	p0 =	seq.s32 s5, $0xFFFFFFFF;
	_ =	swait.ge [sflag:s29], $0x80  }
0x1ca: {  	(v2sf) =	vpush @!p0 v9, $0x0;
	_ =	sdelay $0x1  }
0x1cb: {  	(v2sf) =	vpush @!p0 v10, $0x0;
	_ =	sdelay $0x3  }
0x1cc: {  	s14 =	sand.u32 $0x7F, s14  }
0x1cd: {  	v1 =	vor.u32 s14, v0  }
0x1ce: {  	v29 =	vmov s14;
	_ =	sdelay $0x1  }
0x1cf: {  	s15 =	sand.u32 $0x7F, s15;
	v11 =	vor.u32 s14, v4;
	[sflag:s29] =	ssyncset.done $0x0  }
0x1d0: {  	v19 =	vor.u32 s15, v0;
	[sflag:s29] =	ssyncadd.s32 $0xFFFFFF80  }
0x1d1: {  	v28 =	vor.u32 s15, v4;
	v23 =	vld.idx.msk [tilespmem:v1+s13+$0x0], $0xffff  }
0x1d2: {  	v30 =	vmov s15;
	v1 =	vld.idx.msk [tilespmem:v29+s23+$0x0], $0xffff;
	_ =	sdelay $0x1  }
0x1d3: {  	s12 =	simm.s32 $0x10800;
	v24 =	vld.idx.msk [tilespmem:v11+s13+$0x0], $0xffff;
	s14 =	spop @!p0 (v2sf)  }
0x1d4: {  	s26 =	simm.s32 @!p0 $0x7A1400;
	v21 =	vld.idx.msk [tilespmem:v19+s20+$0x0], $0xffff;
	s15 =	sand.u32 @!p0 $0x1FFFFF80, s14  }
0x1d5: {  	v22 =	vld.idx.msk [tilespmem:v28+s20+$0x0], $0xffff;
	s20 =	spop @!p0 (v2sf);
	s23 =	sadd.s32 @!p0 s1, s15;
	s15 =	simm.s32 @!p0 $0x400  }
0x1d6: {  	[tilespmem:$0x1FFD0] =	vst v1;
	v1 =	vld.idx.msk [tilespmem:v30+s12+$0x0], $0xffff;
	[tilespmem:s15], [sflag:$0x1] =	stream.strided.gather @!p0 [hbm4b:s23+s15], $0x1000, s26, s15, $0x38  }
0x1d7: {  	s23 =	sand.u32 @!p0 $0x1FFFFF80, s20  }
0x1d8: {  	s0 =	simm.s32 @!p0 $0x8400;
	s23 =	sadd.s32 @!p0 s2, s23  }
0x1d9: {  	[tilespmem:s0], [sflag:$0x1] =	stream.strided.gather @!p0 [hbm4b:s23+s15], $0x1000, s26, s15, $0x38;
	[tilespmem:$0x10E00] =	vst v63  }
0x1da: {  	s0 =	sshrl.u32 @!p0 s14, $0x3  }
0x1db: {  	s0 =	sand.u32 @!p0 $0x1FFFFFF0, s0  }
0x1dc: {  	s14 =	simm.s32 @!p0 $0x0;
	s23 =	simm.s32 @!p0 $0x10400;
	s0 =	sadd.s32 @!p0 s3, s0  }
0x1dd: {  	[tilespmem:s23], [sflag:$0x1] =	stream.linear.gather @!p0 [hbm4b:s0+s14], $0x80, $0x38;
	[tilespmem:$0x10E00] =	vst v63  }
0x1de: {  	s0 =	sshrl.u32 @!p0 s20, $0x3  }
0x1df: {  	s0 =	sand.u32 @!p0 $0x1FFFFFF0, s0  }
0x1e0: {  	[tilespmem:$0x1FFE0] =	vst v1;
	s20 =	simm.s32 @!p0 $0x10800;
	s0 =	sadd.s32 @!p0 s4, s0  }
0x1e1: {  	[tilespmem:s20], [sflag:$0x1] =	stream.linear.gather @!p0 [hbm4b:s0+s14], $0x80, $0x38;
	[tilespmem:$0x10E00] =	vst v63  }
0x1e2: {  	_ =	swait.ge [sflag:s29], $0x1000  }
0x1e3: {  	[sflag:s29] =	ssyncset.done $0x0  }
0x1e4: {  	[sflag:s29] =	ssyncadd.s32 $0xFFFFF000  }
0x1e5: {  	_ =	swait.ge [sflag:s29], $0x1000  }
0x1e6: {  	[sflag:s29] =	ssyncset.done $0x0  }
0x1e7: {  	[sflag:s29] =	ssyncadd.s32 $0xFFFFF000  }
0x1e8: {  	_ =	swait.ge [sflag:s29], $0x80  }
0x1e9: {  	[sflag:s29] =	ssyncset.done $0x0  }
0x1ea: {  	[sflag:s29] =	ssyncadd.s32 $0xFFFFFF80  }
0x1eb: {  	_ =	swait.ge [sflag:s29], $0x80  }
0x1ec: {  	(v2sf) =	vpush @!p0 v9, $0x1;
	_ =	sdelay $0x1  }
0x1ed: {  	(v2sf) =	vpush @!p0 v10, $0x1;
	_ =	sdelay $0x4  }
0x1ee: {  	s20 =	sand.u32 $0x7F, s17  }
0x1ef: {  	s23 =	sand.u32 $0x7F, s30;
	v11 =	vor.u32 s20, v4  }
0x1f0: {  	v31 =	vor.u32 s23, v0  }
0x1f1: {  	v32 =	vor.u32 s23, v4  }
0x1f2: {  	v33 =	vmov s20;
	[sflag:s29] =	ssyncset.done $0x0  }
0x1f3: {  	s12 =	simm.s32 $0x1400;
	v34 =	vmov s23;
	[sflag:s29] =	ssyncadd.s32 $0xFFFFFF80  }
0x1f4: {  	s17 =	simm.s32 $0x9400;
	v1 =	vor.u32 s20, v0;
	v14 =	vld.idx.msk [tilespmem:v11+s12+$0x0], $0xffff  }
0x1f5: {  	v11 =	vld.idx.msk [tilespmem:v31+s17+$0x0], $0xffff  }
0x1f6: {  	s20 =	simm.s32 $0x10480;
	v12 =	vld.idx.msk [tilespmem:v32+s17+$0x0], $0xffff;
	s0 =	spop @!p0 (v2sf)  }
0x1f7: {  	s23 =	simm.s32 $0x10880;
	v60 =	vld.idx.msk [tilespmem:v33+s20+$0x0], $0xffff;
	s17 =	sand.u32 @!p0 $0x1FFFFF80, s0  }
0x1f8: {  	v59 =	vld.idx.msk [tilespmem:v34+s23+$0x0], $0xffff;
	s23 =	simm.s32 @!p0 $0x1400;
	s20 =	spop @!p0 (v2sf);
	s17 =	sadd.s32 @!p0 s1, s17  }
0x1f9: {  	v13 =	vld.idx.msk [tilespmem:v1+s12+$0x0], $0xffff;
	[tilespmem:s23], [sflag:$0x1] =	stream.strided.gather @!p0 [hbm4b:s17+s15], $0x1000, s26, s15, $0x38  }
0x1fa: {  	s0 =	sshrl.u32 @!p0 s0, $0x3;
	s17 =	sand.u32 @!p0 $0x1FFFFF80, s20  }
0x1fb: {  	s0 =	sand.u32 @!p0 $0x1FFFFFF0, s0;
	s23 =	simm.s32 @!p0 $0x9400;
	s17 =	sadd.s32 @!p0 s2, s17  }
0x1fc: {  	[tilespmem:s23], [sflag:$0x1] =	stream.strided.gather @!p0 [hbm4b:s17+s15], $0x1000, s26, s15, $0x38;
	[tilespmem:$0x10E00] =	vst v63  }
0x1fd: {  	s0 =	sadd.s32 @!p0 s3, s0;
	s17 =	simm.s32 @!p0 $0x10480  }
0x1fe: {  	[tilespmem:s17], [sflag:$0x1] =	stream.linear.gather @!p0 [hbm4b:s0+s14], $0x80, $0x38;
	[tilespmem:$0x10E00] =	vst v63  }
0x1ff: {  	s0 =	sshrl.u32 @!p0 s20, $0x3  }
0x200: {  	s0 =	sand.u32 @!p0 $0x1FFFFFF0, s0  }
0x201: {  	s17 =	simm.s32 @!p0 $0x10880;
	s0 =	sadd.s32 @!p0 s4, s0  }
0x202: {  	[tilespmem:s17], [sflag:$0x1] =	stream.linear.gather @!p0 [hbm4b:s0+s14], $0x80, $0x38;
	[tilespmem:$0x10E00] =	vst v63  }
0x203: {  	_ =	swait.ge [sflag:s29], $0x1000  }
0x204: {  	[sflag:s29] =	ssyncset.done $0x0  }
0x205: {  	[sflag:s29] =	ssyncadd.s32 $0xFFFFF000  }
0x206: {  	_ =	swait.ge [sflag:s29], $0x1000  }
0x207: {  	[sflag:s29] =	ssyncset.done $0x0  }
0x208: {  	[sflag:s29] =	ssyncadd.s32 $0xFFFFF000  }
0x209: {  	_ =	swait.ge [sflag:s29], $0x80  }
0x20a: {  	[sflag:s29] =	ssyncset.done $0x0  }
0x20b: {  	[sflag:s29] =	ssyncadd.s32 $0xFFFFFF80  }
0x20c: {  	_ =	swait.ge [sflag:s29], $0x80  }
0x20d: {  	(v2sf) =	vpush @!p0 v9, $0x2;
	_ =	sdelay $0x1  }
0x20e: {  	(v2sf) =	vpush @!p0 v10, $0x2;
	_ =	sdelay $0x4  }
0x20f: {  	s20 =	sand.u32 $0x7F, s18  }
0x210: {  	v1 =	vor.u32 s20, v0  }
0x211: {  	s23 =	sand.u32 $0x7F, s31;
	v35 =	vor.u32 s20, v4  }
0x212: {  	v36 =	vor.u32 s23, v0  }
0x213: {  	v18 =	vor.u32 s23, v4;
	[sflag:s29] =	ssyncset.done $0x0  }
0x214: {  	s12 =	simm.s32 $0x2400;
	v25 =	vmov s20;
	[sflag:s29] =	ssyncadd.s32 $0xFFFFFF80  }
0x215: {  	v20 =	vld.idx.msk [tilespmem:v1+s12+$0x0], $0xffff;
	v1 =	vmov s23  }
0x216: {  	s18 =	simm.s32 $0xA400;
	v19 =	vld.idx.msk [tilespmem:v35+s12+$0x0], $0xffff  }
0x217: {  	v17 =	vld.idx.msk [tilespmem:v36+s18+$0x0], $0xffff;
	s0 =	spop @!p0 (v2sf)  }
0x218: {  	s20 =	simm.s32 $0x10500;
	v18 =	vld.idx.msk [tilespmem:v18+s18+$0x0], $0xffff;
	s23 =	simm.s32 $0x10900;
	s17 =	sand.u32 @!p0 $0x1FFFFF80, s0  }
0x219: {  	v58 =	vld.idx.msk [tilespmem:v25+s20+$0x0], $0xffff;
	s20 =	simm.s32 @!p0 $0x2400;
	s18 =	spop @!p0 (v2sf);
	s17 =	sadd.s32 @!p0 s1, s17  }
0x21a: {  	v1 =	vld.idx.msk [tilespmem:v1+s23+$0x0], $0xffff;
	[tilespmem:s20], [sflag:$0x1] =	stream.strided.gather @!p0 [hbm4b:s17+s15], $0x1000, s26, s15, $0x38  }
0x21b: {  	s0 =	sshrl.u32 @!p0 s0, $0x3;
	s17 =	sand.u32 @!p0 $0x1FFFFF80, s18  }
0x21c: {  	s0 =	sand.u32 @!p0 $0x1FFFFFF0, s0;
	s20 =	simm.s32 @!p0 $0xA400;
	s17 =	sadd.s32 @!p0 s2, s17  }
0x21d: {  	[tilespmem:s20], [sflag:$0x1] =	stream.strided.gather @!p0 [hbm4b:s17+s15], $0x1000, s26, s15, $0x38;
	[tilespmem:$0x10E00] =	vst v63  }
0x21e: {  	s0 =	sadd.s32 @!p0 s3, s0;
	s17 =	simm.s32 @!p0 $0x10500  }
0x21f: {  	[tilespmem:s17], [sflag:$0x1] =	stream.linear.gather @!p0 [hbm4b:s0+s14], $0x80, $0x38;
	[tilespmem:$0x10E00] =	vst v63  }
0x220: {  	s0 =	sshrl.u32 @!p0 s18, $0x3  }
0x221: {  	s0 =	sand.u32 @!p0 $0x1FFFFFF0, s0  }
0x222: {  	[tilespmem:$0x1FFF0] =	vst v1;
	s17 =	simm.s32 @!p0 $0x10900;
	s0 =	sadd.s32 @!p0 s4, s0  }
0x223: {  	[tilespmem:s17], [sflag:$0x1] =	stream.linear.gather @!p0 [hbm4b:s0+s14], $0x80, $0x38;
	[tilespmem:$0x10E00] =	vst v63  }
0x224: {  	_ =	swait.ge [sflag:s29], $0x1000  }
0x225: {  	[sflag:s29] =	ssyncset.done $0x0  }
0x226: {  	[sflag:s29] =	ssyncadd.s32 $0xFFFFF000  }
0x227: {  	_ =	swait.ge [sflag:s29], $0x1000  }
0x228: {  	[sflag:s29] =	ssyncset.done $0x0  }
0x229: {  	[sflag:s29] =	ssyncadd.s32 $0xFFFFF000  }
0x22a: {  	_ =	swait.ge [sflag:s29], $0x80  }
0x22b: {  	[sflag:s29] =	ssyncset.done $0x0  }
0x22c: {  	[sflag:s29] =	ssyncadd.s32 $0xFFFFFF80  }
0x22d: {  	_ =	swait.ge [sflag:s29], $0x80  }
0x22e: {  	(v2sf) =	vpush @!p0 v9, $0x3;
	_ =	sdelay $0x1  }
0x22f: {  	(v2sf) =	vpush @!p0 v10, $0x3;
	_ =	sdelay $0x4  }
0x230: {  	s17 =	sand.u32 $0x7F, s21  }
0x231: {  	v1 =	vor.u32 s17, v0  }
0x232: {  	s7 =	sand.u32 $0x7F, s7;
	v37 =	vor.u32 s17, v4  }
0x233: {  	v38 =	vor.u32 s7, v0  }
0x234: {  	v39 =	vor.u32 s7, v4;
	[sflag:s29] =	ssyncset.done $0x0  }
0x235: {  	s18 =	simm.s32 $0x3400;
	v26 =	vmov s17;
	[sflag:s29] =	ssyncadd.s32 $0xFFFFFF80  }
0x236: {  	v31 =	vmov s7;
	v1 =	vld.idx.msk [tilespmem:v1+s18+$0x0], $0xffff  }
0x237: {  	s20 =	simm.s32 $0xB400;
	v28 =	vld.idx.msk [tilespmem:v37+s18+$0x0], $0xffff  }
0x238: {  	v29 =	vld.idx.msk [tilespmem:v38+s20+$0x0], $0xffff;
	s0 =	spop @!p0 (v2sf)  }
0x239: {  	s23 =	simm.s32 $0x10980;
	s21 =	simm.s32 $0x10580;
	v30 =	vld.idx.msk [tilespmem:v39+s20+$0x0], $0xffff;
	s7 =	sand.u32 @!p0 $0x1FFFFF80, s0  }
0x23a: {  	v25 =	vld.idx.msk [tilespmem:v26+s21+$0x0], $0xffff;
	s18 =	simm.s32 @!p0 $0x3400;
	s17 =	spop @!p0 (v2sf);
	s7 =	sadd.s32 @!p0 s1, s7  }
0x23b: {  	v26 =	vld.idx.msk [tilespmem:v31+s23+$0x0], $0xffff;
	[tilespmem:s18], [sflag:$0x1] =	stream.strided.gather @!p0 [hbm4b:s7+s15], $0x1000, s26, s15, $0x38  }
0x23c: {  	s0 =	sshrl.u32 @!p0 s0, $0x3;
	s7 =	sand.u32 @!p0 $0x1FFFFF80, s17  }
0x23d: {  	s0 =	sand.u32 @!p0 $0x1FFFFFF0, s0;
	s18 =	simm.s32 @!p0 $0xB400;
	s7 =	sadd.s32 @!p0 s2, s7  }
0x23e: {  	[tilespmem:s18], [sflag:$0x1] =	stream.strided.gather @!p0 [hbm4b:s7+s15], $0x1000, s26, s15, $0x38;
	[tilespmem:$0x10E00] =	vst v63  }
0x23f: {  	s0 =	sadd.s32 @!p0 s3, s0;
	s7 =	simm.s32 @!p0 $0x10580  }
0x240: {  	[tilespmem:s7], [sflag:$0x1] =	stream.linear.gather @!p0 [hbm4b:s0+s14], $0x80, $0x38;
	[tilespmem:$0x10E00] =	vst v63  }
0x241: {  	s0 =	sshrl.u32 @!p0 s17, $0x3  }
0x242: {  	s0 =	sand.u32 @!p0 $0x1FFFFFF0, s0  }
0x243: {  	s7 =	simm.s32 @!p0 $0x10980;
	s0 =	sadd.s32 @!p0 s4, s0  }
0x244: {  	[tilespmem:s7], [sflag:$0x1] =	stream.linear.gather @!p0 [hbm4b:s0+s14], $0x80, $0x38;
	[tilespmem:$0x10E00] =	vst v63  }
0x245: {  	_ =	swait.ge [sflag:s29], $0x1000  }
0x246: {  	[sflag:s29] =	ssyncset.done $0x0  }
0x247: {  	[sflag:s29] =	ssyncadd.s32 $0xFFFFF000  }
0x248: {  	_ =	swait.ge [sflag:s29], $0x1000  }
0x249: {  	[sflag:s29] =	ssyncset.done $0x0  }
0x24a: {  	[sflag:s29] =	ssyncadd.s32 $0xFFFFF000  }
0x24b: {  	_ =	swait.ge [sflag:s29], $0x80  }
0x24c: {  	[sflag:s29] =	ssyncset.done $0x0  }
0x24d: {  	[sflag:s29] =	ssyncadd.s32 $0xFFFFFF80  }
0x24e: {  	_ =	swait.ge [sflag:s29], $0x80  }
0x24f: {  	(v2sf) =	vpush @!p0 v9, $0x4;
	_ =	sdelay $0x1  }
0x250: {  	(v2sf) =	vpush @!p0 v10, $0x4;
	_ =	sdelay $0x4  }
0x251: {  	s7 =	sand.u32 $0x7F, s22  }
0x252: {  	v15 =	vor.u32 s7, v0  }
0x253: {  	s8 =	sand.u32 $0x7F, s8;
	v40 =	vor.u32 s7, v4  }
0x254: {  	v41 =	vor.u32 s8, v0  }
0x255: {  	v32 =	vor.u32 s8, v4;
	[sflag:s29] =	ssyncset.done $0x0  }
0x256: {  	s12 =	simm.s32 $0x4400;
	v37 =	vmov s7;
	[sflag:s29] =	ssyncadd.s32 $0xFFFFFF80  }
0x257: {  	v38 =	vmov s8;
	v33 =	vld.idx.msk [tilespmem:v15+s12+$0x0], $0xffff  }
0x258: {  	s17 =	simm.s32 $0xC400;
	v34 =	vld.idx.msk [tilespmem:v40+s12+$0x0], $0xffff  }
0x259: {  	v35 =	vld.idx.msk [tilespmem:v41+s17+$0x0], $0xffff;
	s0 =	spop @!p0 (v2sf)  }
0x25a: {  	s20 =	simm.s32 $0x10600;
	s21 =	simm.s32 $0x10A00;
	v36 =	vld.idx.msk [tilespmem:v32+s17+$0x0], $0xffff;
	s7 =	sand.u32 @!p0 $0x1FFFFF80, s0  }
0x25b: {  	v15 =	vld.idx.msk [tilespmem:v37+s20+$0x0], $0xffff;
	s17 =	simm.s32 @!p0 $0x4400;
	s8 =	spop @!p0 (v2sf);
	s7 =	sadd.s32 @!p0 s1, s7  }
0x25c: {  	v16 =	vld.idx.msk [tilespmem:v38+s21+$0x0], $0xffff;
	[tilespmem:s17], [sflag:$0x1] =	stream.strided.gather @!p0 [hbm4b:s7+s15], $0x1000, s26, s15, $0x38  }
0x25d: {  	s0 =	sshrl.u32 @!p0 s0, $0x3;
	s7 =	sand.u32 @!p0 $0x1FFFFF80, s8  }
0x25e: {  	s0 =	sand.u32 @!p0 $0x1FFFFFF0, s0;
	s17 =	simm.s32 @!p0 $0xC400;
	s7 =	sadd.s32 @!p0 s2, s7  }
0x25f: {  	[tilespmem:s17], [sflag:$0x1] =	stream.strided.gather @!p0 [hbm4b:s7+s15], $0x1000, s26, s15, $0x38;
	[tilespmem:$0x10E00] =	vst v63  }
0x260: {  	s0 =	sadd.s32 @!p0 s3, s0;
	s7 =	simm.s32 @!p0 $0x10600  }
0x261: {  	[tilespmem:s7], [sflag:$0x1] =	stream.linear.gather @!p0 [hbm4b:s0+s14], $0x80, $0x38;
	[tilespmem:$0x10E00] =	vst v63  }
0x262: {  	s0 =	sshrl.u32 @!p0 s8, $0x3  }
0x263: {  	s0 =	sand.u32 @!p0 $0x1FFFFFF0, s0  }
0x264: {  	s7 =	simm.s32 @!p0 $0x10A00;
	s0 =	sadd.s32 @!p0 s4, s0  }
0x265: {  	[tilespmem:s7], [sflag:$0x1] =	stream.linear.gather @!p0 [hbm4b:s0+s14], $0x80, $0x38;
	[tilespmem:$0x10E00] =	vst v63  }
0x266: {  	_ =	swait.ge [sflag:s29], $0x1000  }
0x267: {  	[sflag:s29] =	ssyncset.done $0x0  }
0x268: {  	[sflag:s29] =	ssyncadd.s32 $0xFFFFF000  }
0x269: {  	_ =	swait.ge [sflag:s29], $0x1000  }
0x26a: {  	[sflag:s29] =	ssyncset.done $0x0  }
0x26b: {  	[sflag:s29] =	ssyncadd.s32 $0xFFFFF000  }
0x26c: {  	_ =	swait.ge [sflag:s29], $0x80  }
0x26d: {  	[sflag:s29] =	ssyncset.done $0x0  }
0x26e: {  	[sflag:s29] =	ssyncadd.s32 $0xFFFFFF80  }
0x26f: {  	_ =	swait.ge [sflag:s29], $0x80  }
0x270: {  	(v2sf) =	vpush @!p0 v9, $0x5;
	_ =	sdelay $0x1  }
0x271: {  	(v2sf) =	vpush @!p0 v10, $0x5;
	_ =	sdelay $0x4  }
0x272: {  	s7 =	sand.u32 $0x7F, s25  }
0x273: {  	v31 =	vor.u32 s7, v0  }
0x274: {  	s8 =	sand.u32 $0x7F, s11;
	v32 =	vor.u32 s7, v4  }
0x275: {  	v39 =	vor.u32 s8, v0  }
0x276: {  	v40 =	vor.u32 s8, v4;
	[sflag:s29] =	ssyncset.done $0x0  }
0x277: {  	s11 =	simm.s32 $0x5400;
	v41 =	vmov s7;
	[sflag:s29] =	ssyncadd.s32 $0xFFFFFF80  }
0x278: {  	v37 =	vld.idx.msk [tilespmem:v31+s11+$0x0], $0xffff;
	v31 =	vmov s8  }
0x279: {  	s12 =	simm.s32 $0xD400;
	v38 =	vld.idx.msk [tilespmem:v32+s11+$0x0], $0xffff  }
0x27a: {  	v39 =	vld.idx.msk [tilespmem:v39+s12+$0x0], $0xffff;
	s0 =	spop @!p0 (v2sf)  }
0x27b: {  	s20 =	simm.s32 $0x10680;
	s21 =	simm.s32 $0x10A80;
	v40 =	vld.idx.msk [tilespmem:v40+s12+$0x0], $0xffff;
	s7 =	sand.u32 @!p0 $0x1FFFFF80, s0  }
0x27c: {  	v32 =	vld.idx.msk [tilespmem:v41+s20+$0x0], $0xffff;
	s11 =	simm.s32 @!p0 $0x5400;
	s8 =	spop @!p0 (v2sf);
	s7 =	sadd.s32 @!p0 s1, s7  }
0x27d: {  	v31 =	vld.idx.msk [tilespmem:v31+s21+$0x0], $0xffff;
	[tilespmem:s11], [sflag:$0x1] =	stream.strided.gather @!p0 [hbm4b:s7+s15], $0x1000, s26, s15, $0x38  }
0x27e: {  	s0 =	sshrl.u32 @!p0 s0, $0x3;
	s7 =	sand.u32 @!p0 $0x1FFFFF80, s8  }
0x27f: {  	s0 =	sand.u32 @!p0 $0x1FFFFFF0, s0;
	s11 =	simm.s32 @!p0 $0xD400;
	s7 =	sadd.s32 @!p0 s2, s7  }
0x280: {  	[tilespmem:s11], [sflag:$0x1] =	stream.strided.gather @!p0 [hbm4b:s7+s15], $0x1000, s26, s15, $0x38;
	[tilespmem:$0x10E00] =	vst v63  }
0x281: {  	s0 =	sadd.s32 @!p0 s3, s0;
	s7 =	simm.s32 @!p0 $0x10680  }
0x282: {  	[tilespmem:s7], [sflag:$0x1] =	stream.linear.gather @!p0 [hbm4b:s0+s14], $0x80, $0x38;
	[tilespmem:$0x10E00] =	vst v63  }
0x283: {  	v50 =	vmul.f32 v50, v46;
	v41 =	vmul.f32 v47, v45;
	s0 =	sshrl.u32 @!p0 s8, $0x3  }
0x284: {  	s0 =	sand.u32 @!p0 $0x1FFFFFF0, s0  }
0x285: {  	v41 =	vadd.f32 v50, v41;
	v50 =	vld [tilespmem:$0x1FE00];
	s7 =	simm.s32 @!p0 $0x10A80;
	s0 =	sadd.s32 @!p0 s4, s0  }
0x286: {  	[tilespmem:s7], [sflag:$0x1] =	stream.linear.gather @!p0 [hbm4b:s0+s14], $0x80, $0x38;
	[tilespmem:$0x10E00] =	vst v63  }
0x287: {  	_ =	swait.ge [sflag:s29], $0x1000  }
0x288: {  	[sflag:s29] =	ssyncset.done $0x0  }
0x289: {  	[sflag:s29] =	ssyncadd.s32 $0xFFFFF000  }
0x28a: {  	v56 =	vmul.f32 v56, v51;
	v46 =	vmul.f32 v50, v55;
	_ =	swait.ge [sflag:s29], $0x1000  }
0x28b: {  	v55 =	vld [tilespmem:$0x1FE10]  }
0x28c: {  	v45 =	vadd.f32 v46, v56;
	v56 =	vld [tilespmem:$0x1FE20];
	_ =	sdelay $0x2  }
0x28d: {  	v46 =	vperm.xlane v45, v5;
	_ =	sdelay $0x1  }
0x28e: {  	v45 =	vadd.f32 v46, v45;
	v46 =	vmul.f32 v56, v55;
	v55 =	vld [tilespmem:$0x1FE30]  }
0x28f: {  	v56 =	vld [tilespmem:$0x1FE40];
	_ =	sdelay $0x4  }
0x290: {  	v51 =	vperm.xlane v41, v5;
	v50 =	vmul.f32 v56, v55;
	v55 =	vld [tilespmem:$0x1FE50]  }
0x291: {  	v56 =	vld [tilespmem:$0x1FE60]  }
0x292: {  	v41 =	vadd.f32 v51, v41;
	_ =	sdelay $0x1  }
0x293: {  	v47 =	vperm.xlane v41, v6  }
0x294: {  	v51 =	vld [tilespmem:$0x1FE70]  }
0x295: {  	v41 =	vadd.f32 v47, v41;
	v47 =	vmul.f32 v56, v55;
	v55 =	vld [tilespmem:$0x1FE80];
	_ =	sdelay $0x4  }
0x296: {  	v51 =	vmul.f32 v55, v51  }
0x297: {  	v46 =	vadd.f32 v50, v46;
	v55 =	vperm.xlane v45, v6  }
0x298: {  	v56 =	vperm.xlane v41, v7;
	v47 =	vadd.f32 v51, v47  }
0x299: {  	v45 =	vadd.f32 v55, v45;
	v55 =	vperm.xlane v46, v5  }
0x29a: {  	v41 =	vadd.f32 v56, v41;
	v56 =	vperm.xlane v47, v5  }
0x29b: {  	v46 =	vadd.f32 v55, v46;
	v55 =	vperm.xlane v45, v7  }
0x29c: {  	[sflag:s29] =	ssyncset.done $0x0;
	v47 =	vadd.f32 v56, v47  }
0x29d: {  	[sflag:s29] =	ssyncadd.s32 $0xFFFFF000;
	v56 =	vperm.xlane v41, v8;
	v45 =	vadd.f32 v55, v45;
	v55 =	vperm.xlane v46, v6  }
0x29e: {  	_ =	swait.ge [sflag:s29], $0x80  }
0x29f: {  	[sflag:s29] =	ssyncset.done $0x0;
	v41 =	vadd.f32 v56, v41;
	v56 =	vperm.xlane v47, v6;
	v46 =	vadd.f32 v55, v46  }
0x2a0: {  	[sflag:s29] =	ssyncadd.s32 $0xFFFFFF80;
	v55 =	vperm.xlane v45, v8  }
0x2a1: {  	_ =	swait.ge [sflag:s29], $0x80;
	v47 =	vadd.f32 v56, v47;
	v56 =	vperm.xlane v46, v7  }
0x2a2: {  	v45 =	vadd.f32 v55, v45;
	v55 =	vld [tilespmem:$0x1FEC0]  }
0x2a3: {  	v51 =	vperm.xlane v47, v7;
	v46 =	vadd.f32 v56, v46;
	v56 =	vld [tilespmem:$0x1FEA0]  }
0x2a4: {  	v45 =	vadd.f32 v45, v54;
	v54 =	vld [tilespmem:$0x1FEB0]  }
0x2a5: {  	v47 =	vadd.f32 v51, v47;
	v51 =	vld [tilespmem:$0x1FE90]  }
0x2a6: {  	s21 =	sand.u32 $0x7F, s10  }
0x2a7: {  	v41 =	vadd.f32 v41, v53;
	v53 =	vor.u32 s21, v0  }
0x2a8: {  	v44 =	vmul.f32 v44, v48;
	(v2sf) =	vpush @!p0 v9, $0x6  }
0x2a9: {  	v48 =	vperm.xlane v46, v8;
	v54 =	vmul.f32 v55, v54;
	v55 =	vor.u32 s21, v4  }
0x2aa: {  	v49 =	vmul.f32 v43, v49;
	[sflag:s29] =	ssyncset.done $0x0;
	(v2sf) =	vpush @!p0 v10, $0x6;
	v51 =	vmul.f32 v56, v51  }
0x2ab: {  	s8 =	simm.s32 $0xE400;
	v43 =	vld [tilespmem:$0x1FED0];
	[sflag:s29] =	ssyncadd.s32 $0xFFFFFF80;
	v46 =	vadd.f32 v48, v46  }
0x2ac: {  	s11 =	sand.u32 $0x7F, s24;
	v48 =	vld.idx.msk [tilespmem:v53+s8+$0x0], $0xffff;
	v51 =	vadd.f32 v54, v51;
	v54 =	vadd.f32 v44, v49;
	v49 =	vperm.xlane v47, v8  }
0x2ad: {  	v41 =	vadd.f32 v41, v52;
	v52 =	vor.u32 s11, v0;
	v53 =	vld [tilespmem:$0x1FEE0]  }
0x2ae: {  	v47 =	vadd.f32 v49, v47;
	v49 =	vld.idx.msk [tilespmem:v55+s8+$0x0], $0xffff  }
0x2af: {  	v55 =	vld [tilespmem:$0x1FEF0]  }
0x2b0: {  	v50 =	vor.u32 s11, v4;
	v45 =	vadd.f32 v45, v43  }
0x2b1: {  	s24 =	simm.s32 $0x6400  }
0x2b2: {  	v41 =	vsel vm0, v41, v45;
	v43 =	vld.idx.msk [tilespmem:v52+s24+$0x0], $0xffff;
	v52 =	vmov s21;
	v45 =	vperm.xlane v51, v5  }
0x2b3: {  	v46 =	vadd.f32 v46, v53;
	v53 =	vld [tilespmem:$0x1FF10]  }
0x2b4: {  	v56 =	vmov s11;
	v45 =	vadd.f32 v45, v51;
	v51 =	vmul.f32 v42, v55;
	v42 =	vld [tilespmem:$0x1FF00]  }
0x2b5: {  	v44 =	vld.idx.msk [tilespmem:v50+s24+$0x0], $0xffff;
	v50 =	vperm.xlane v54, v5  }
0x2b6: {  	s6 =	simm.s32 $0x10B00;
	v21 =	vmul.f32 v21, v23  }
0x2b7: {  	s0 =	spop @!p0 (v2sf);
	v50 =	vadd.f32 v50, v54;
	v54 =	vmul.f32 v63, v61;
	v63 =	vmul.f32 v27, v62;
	v27 =	vld.idx.msk [tilespmem:v52+s6+$0x0], $0xffff  }
0x2b8: {  	v22 =	vmul.f32 v22, v24;
	v11 =	vmul.f32 v11, v13;
	s7 =	sand.u32 @!p0 $0x1FFFFF80, s0;
	s11 =	simm.s32 $0x10700;
	v61 =	vld [tilespmem:$0x1FF20]  }
0x2b9: {  	v12 =	vmul.f32 v12, v14;
	s7 =	sadd.s32 @!p0 s1, s7;
	s8 =	spop @!p0 (v2sf);
	v53 =	vmul.f32 v53, v42;
	v42 =	vld.idx.msk [tilespmem:v56+s11+$0x0], $0xffff;
	s11 =	simm.s32 @!p0 $0x6400  }
0x2ba: {  	v17 =	vmul.f32 v17, v20;
	v18 =	vmul.f32 v18, v19;
	v62 =	vld [tilespmem:$0x1FF30];
	[tilespmem:s11], [sflag:$0x1] =	stream.strided.gather @!p0 [hbm4b:s7+s15], $0x1000, s26, s15, $0x38  }
0x2bb: {  	v21 =	vadd.f32 v22, v21;
	s0 =	sshrl.u32 @!p0 s0, $0x3;
	v52 =	vperm.xlane v45, v6;
	s7 =	sand.u32 @!p0 $0x1FFFFF80, s8  }
0x2bc: {  	v12 =	vadd.f32 v12, v11;
	v17 =	vadd.f32 v18, v17;
	s0 =	sand.u32 @!p0 $0x1FFFFFF0, s0;
	s11 =	simm.s32 @!p0 $0xE400;
	s7 =	sadd.s32 @!p0 s2, s7  }
0x2bd: {  	v1 =	vmul.f32 v29, v1;
	v45 =	vadd.f32 v52, v45;
	v51 =	vadd.f32 v53, v51;
	[tilespmem:s11], [sflag:$0x1] =	stream.strided.gather @!p0 [hbm4b:s7+s15], $0x1000, s26, s15, $0x38;
	[tilespmem:$0x10E00] =	vst v63  }
0x2be: {  	s0 =	sadd.s32 @!p0 s3, s0;
	v47 =	vadd.f32 v47, v61;
	v61 =	vld [tilespmem:$0x1FF40];
	v53 =	vadd.f32 v63, v54;
	v63 =	vperm.xlane v50, v6;
	s7 =	simm.s32 @!p0 $0x10700  }
0x2bf: {  	v30 =	vmul.f32 v30, v28;
	v46 =	vadd.f32 v46, v62;
	v62 =	vperm.xlane v51, v5;
	[tilespmem:s7], [sflag:$0x1] =	stream.linear.gather @!p0 [hbm4b:s0+s14], $0x80, $0x38;
	[tilespmem:$0x10E00] =	vst v63  }
0x2c0: {  	v52 =	vperm.xlane v45, v7;
	v50 =	vadd.f32 v63, v50;
	v63 =	vperm.xlane v53, v5;
	s0 =	sshrl.u32 @!p0 s8, $0x3  }
0x2c1: {  	v1 =	vadd.f32 v30, v1;
	v51 =	vadd.f32 v62, v51;
	s0 =	sand.u32 @!p0 $0x1FFFFFF0, s0  }
0x2c2: {  	v13 =	vadd.f32 v52, v45;
	v56 =	vperm.xlane v21, v5;
	s7 =	simm.s32 @!p0 $0x10B00;
	v23 =	vadd.f32 v63, v53;
	s0 =	sadd.s32 @!p0 s4, s0  }
0x2c3: {  	v22 =	vsel vm1, v41, v46;
	v47 =	vadd.f32 v47, v61;
	v54 =	vperm.xlane v51, v6;
	[tilespmem:s7], [sflag:$0x1] =	stream.linear.gather @!p0 [hbm4b:s0+s14], $0x80, $0x38;
	[tilespmem:$0x10E00] =	vst v63  }
0x2c4: {  	v21 =	vadd.f32 v56, v21;
	v62 =	vperm.xlane v13, v8;
	v55 =	vperm.xlane v23, v6;
	_ =	swait.ge [sflag:s29], $0x1000  }
0x2c5: {  	v61 =	vperm.xlane v12, v5;
	v53 =	vperm.xlane v50, v7;
	v24 =	vadd.f32 v54, v51;
	[sflag:s29] =	ssyncset.done $0x0  }
0x2c6: {  	v13 =	vadd.f32 v62, v13;
	v62 =	vperm.xlane v21, v6;
	v23 =	vadd.f32 v55, v23;
	[sflag:s29] =	ssyncadd.s32 $0xFFFFF000  }
0x2c7: {  	v12 =	vadd.f32 v61, v12;
	v14 =	vadd.f32 v53, v50;
	v53 =	vld [tilespmem:$0x1FF50];
	v63 =	vperm.xlane v24, v7;
	_ =	swait.ge [sflag:s29], $0x1000  }
0x2c8: {  	v22 =	vsel vm2, v22, v47;
	v21 =	vadd.f32 v62, v21;
	v61 =	vperm.xlane v23, v7;
	v55 =	vld [tilespmem:$0x1FF60]  }
0x2c9: {  	s8 =	sand.u32 $0x7F, s19;
	v56 =	vperm.xlane v14, v8;
	[sflag:s29] =	ssyncset.done $0x0;
	v24 =	vadd.f32 v63, v24;
	v63 =	vperm.xlane v12, v57  }
0x2ca: {  	v11 =	vmov s8;
	v62 =	vperm.xlane v21, v7;
	v23 =	vadd.f32 v61, v23;
	v61 =	vld [tilespmem:$0x1FF70];
	[sflag:s29] =	ssyncadd.s32 $0xFFFFF000  }
0x2cb: {  	v46 =	vor.u32 s8, v0;
	v14 =	vadd.f32 v56, v14;
	v12 =	vadd.f32 v63, v12;
	v63 =	vld [tilespmem:$0x1FF80];
	_ =	swait.ge [sflag:s29], $0x80  }
0x2cc: {  	v21 =	vadd.f32 v62, v21;
	v54 =	vperm.xlane v24, v8;
	v56 =	vperm.xlane v23, v8;
	v52 =	vld [tilespmem:$0x1FF90]  }
0x2cd: {  	v13 =	vadd.f32 v13, v53;
	[sflag:s29] =	ssyncset.done $0x0;
	v53 =	vld [tilespmem:$0x1FFA0];
	v14 =	vadd.f32 v14, v55;
	v51 =	vperm.xlane v12, v2  }
0x2ce: {  	s19 =	sand.u32 $0x7F, s16;
	v50 =	vor.u32 s8, v4;
	v24 =	vadd.f32 v54, v24;
	v23 =	vadd.f32 v56, v23;
	[sflag:s29] =	ssyncadd.s32 $0xFFFFFF80  }
0x2cf: {  	v54 =	vld [tilespmem:$0x1FFB0];
	v55 =	vperm.xlane v21, v8;
	v56 =	vor.u32 s19, v0;
	_ =	swait.ge [sflag:s29], $0x80;
	v12 =	vadd.f32 v51, v12  }
0x2d0: {  	v13 =	vadd.f32 v13, v61;
	[sflag:s29] =	ssyncset.done $0x0;
	v14 =	vadd.f32 v14, v63;
	v63 =	vor.u32 s19, v4  }
0x2d1: {  	s26 =	simm.s32 $0x7400;
	v61 =	vld [tilespmem:$0x1FFC0];
	v21 =	vadd.f32 v55, v21;
	v55 =	vperm.xlane v1, v5;
	[sflag:s29] =	ssyncadd.s32 $0xFFFFFF80;
	v62 =	vperm.xlane v12, v3  }
0x2d2: {  	v13 =	vsel vm3, v22, v13;
	v24 =	vadd.f32 v24, v52;
	v22 =	vadd.f32 v23, v53;
	v45 =	vld.idx.msk [tilespmem:v46+s26+$0x0], $0xffff  }
0x2d3: {  	s11 =	simm.s32 $0xF400;
	v50 =	vld.idx.msk [tilespmem:v50+s26+$0x0], $0xffff;
	v52 =	vperm.xlane v17, v5;
	v1 =	vadd.f32 v55, v1;
	v12 =	vadd.f32 v62, v12  }
0x2d4: {  	v13 =	vsel vm4, v13, v14;
	v51 =	vld.idx.msk [tilespmem:v56+s11+$0x0], $0xffff;
	v56 =	vmul.f32 v35, v33;
	v23 =	vadd.f32 v24, v54  }
0x2d5: {  	v17 =	vadd.f32 v52, v17;
	v62 =	vmul.f32 v48, v43;
	v12 =	vadd.f32 v12, v60;
	v53 =	vld.idx.msk [tilespmem:v63+s11+$0x0], $0xffff  }
0x2d6: {  	v46 =	vld [tilespmem:$0x1FFD0];
	v35 =	vperm.xlane v1, v57;
	v22 =	vadd.f32 v22, v61;
	v61 =	vmul.f32 v40, v38  }
0x2d7: {  	v60 =	vmul.f32 v39, v37;
	v12 =	vadd.f32 v12, v59;
	v59 =	vmul.f32 v36, v34  }
0x2d8: {  	v13 =	vsel vm5, v13, v23;
	v63 =	vmul.f32 v49, v44;
	v33 =	vperm.xlane v17, v57  }
0x2d9: {  	v1 =	vadd.f32 v35, v1;
	v13 =	vsel vm6, v13, v22;
	v22 =	vadd.f32 v59, v56  }
0x2da: {  	v54 =	vld [tilespmem:$0x1FFE0];
	v24 =	vadd.f32 v61, v60;
	v19 =	vmul.f32 v51, v45;
	v18 =	vmul.f32 v53, v50  }
0x2db: {  	v14 =	vadd.f32 v21, v46;
	v28 =	vadd.f32 v63, v62;
	v34 =	vperm.xlane v22, v5  }
0x2dc: {  	v21 =	vmov s19;
	v36 =	vperm.xlane v24, v5;
	v18 =	vadd.f32 v18, v19  }
0x2dd: {  	v17 =	vadd.f32 v33, v17;
	v38 =	vperm.xlane v28, v5;
	v37 =	vadd.f32 v34, v22  }
0x2de: {  	v43 =	vperm.xlane v1, v2;
	v19 =	vadd.f32 v36, v24;
	v39 =	vperm.xlane v18, v5  }
0x2df: {  	v14 =	vadd.f32 v14, v54;
	v22 =	vadd.f32 v38, v28;
	v41 =	vperm.xlane v37, v57  }
0x2e0: {  	v40 =	vperm.xlane v17, v2;
	v44 =	vperm.xlane v19, v57;
	v18 =	vadd.f32 v39, v18  }
0x2e1: {  	v1 =	vadd.f32 v43, v1;
	v45 =	vperm.xlane v22, v57;
	v20 =	vadd.f32 v41, v37  }
0x2e2: {  	v17 =	vadd.f32 v40, v17;
	v19 =	vadd.f32 v44, v19;
	v46 =	vperm.xlane v18, v57  }
0x2e3: {  	v48 =	vperm.xlane v1, v3;
	v22 =	vadd.f32 v45, v22;
	v29 =	vperm.xlane v20, v2  }
0x2e4: {  	v47 =	vperm.xlane v17, v3;
	v49 =	vperm.xlane v19, v2;
	v18 =	vadd.f32 v46, v18  }
0x2e5: {  	v54 =	vld [tilespmem:$0x1FFF0];
	v1 =	vadd.f32 v48, v1;
	v50 =	vperm.xlane v22, v2;
	v20 =	vadd.f32 v29, v20  }
0x2e6: {  	v17 =	vadd.f32 v47, v17;
	v19 =	vadd.f32 v49, v19;
	v51 =	vperm.xlane v18, v2  }
0x2e7: {  	v1 =	vadd.f32 v1, v25;
	v22 =	vadd.f32 v50, v22;
	v52 =	vperm.xlane v20, v3  }
0x2e8: {  	s14 =	simm.s32 $0x10780;
	v17 =	vadd.f32 v17, v58;
	v53 =	vperm.xlane v19, v3;
	v18 =	vadd.f32 v51, v18  }
0x2e9: {  	v11 =	vld.idx.msk [tilespmem:v11+s14+$0x0], $0xffff;
	v1 =	vadd.f32 v1, v26;
	v55 =	vperm.xlane v22, v3;
	v20 =	vadd.f32 v52, v20  }
0x2ea: {  	s15 =	simm.s32 $0x10B80;
	v17 =	vadd.f32 v17, v54;
	v19 =	vadd.f32 v53, v19;
	v56 =	vperm.xlane v18, v3  }
0x2eb: {  	v13 =	vsel vm7, v13, v14;
	v60 =	vld.idx.msk [tilespmem:v21+s15+$0x0], $0xffff;
	v59 =	vadd.f32 v55, v22;
	v58 =	vadd.f32 v20, v15  }
0x2ec: {  	v12 =	vsel vm8, v13, v12;
	v61 =	vadd.f32 v19, v32;
	v18 =	vadd.f32 v56, v18  }
0x2ed: {  	p0 =	sne.s32 s5, $0xFFFFFFFF;
	v12 =	vsel vm9, v12, v17;
	v15 =	vadd.f32 v59, v42;
	v14 =	vadd.f32 v58, v16  }
.Ltmp2:
0x2ee: {  	v1 =	vsel vm10, v12, v1;
	v62 =	vadd.f32 v61, v31;
	v11 =	vadd.f32 v18, v11;
	(pc) =	sbr.rel @!p0 .LBB2_3-.Ltmp2, $4  }
0x2ef: {  	s30 =	simm.s32 $0x10B00;
	s31 =	simm.s32 $0x10A00;
	s23 =	simm.s32 $0x10600;
	v63 =	vadd.f32 v15, v27;
	v1 =	vsel vm11, v1, v14  }
0x2f0: {  	s18 =	simm.s32 $0x4400;
	s22 =	simm.s32 $0xC400;
	s17 =	simm.s32 $0x5400;
	v1 =	vsel vm12, v1, v62;
	v11 =	vadd.f32 v11, v60  }
0x2f1: {  	s25 =	simm.s32 $0xD400;
	s12 =	simm.s32 $0x10680;
	s20 =	simm.s32 $0x10A80;
	v1 =	vsel vm13, v1, v63  }
0x2f2: {  	s10 =	simm.s32 $0x6400;
	s21 =	simm.s32 $0x10700;
	s24 =	simm.s32 $0xE400;
	v1 =	vsel vm14, v1, v11  }
0x2f3: {  	(v2sf) =	vpush v9, $0x7  }
0x2f4: {  	(v2sf) =	vpush v10, $0x7;
	_ =	sdelay $0xd  }
0x2f5: {  	s0 =	spop (v2sf)  }
0x2f6: {  	s7 =	sand.u32 $0x1FFFFF80, s0;
	s8 =	spop (v2sf)  }
0x2f7: {  	s0 =	sshrl.u32 s0, $0x3;
	s7 =	sadd.s32 s1, s7;
	s6 =	sand.u32 $0x1FFFFF80, s8  }
0x2f8: {  	[tilespmem:s26], [sflag:$0x1] =	stream.strided.gather [hbm4b:s7+s13], $0x1000, s9, s13, $0x38;
	[tilespmem:$0x10E00] =	vst v63  }
0x2f9: {  	s5 =	sadd.s32 $0x1, s5;
	s0 =	sand.u32 $0x1FFFFFF0, s0;
	s7 =	sadd.s32 s2, s6  }
0x2fa: {  	[tilespmem:s11], [sflag:$0x1] =	stream.strided.gather [hbm4b:s7+s13], $0x1000, s9, s13, $0x38;
	[tilespmem:$0x10E00] =	vst v63  }
0x2fb: {  	p0 =	seq.s32 s5, $0x0;
	s16 =	sshrl.u32 s8, $0x3;
	s0 =	sadd.s32 s3, s0  }
0x2fc: {  	[tilespmem:s14], [sflag:$0x1] =	stream.linear.gather [hbm4b:s0+s28], $0x80, $0x38;
	[tilespmem:$0x10E00] =	vst v63  }
.Ltmp3:
0x2fd: {  	s19 =	rddreg [dreg:$0xd];
	s0 =	sand.u32 $0x1FFFFFF0, s16;
	(pc) =	sbr.rel @!p0 .LBB2_2-.Ltmp3, $4  }
.Ltmp4:
0x2fe: {  	s16 =	rddreg [dreg:$0xc];
	s0 =	sadd.s32 s4, s0;
	(pc) =	sbr.rel @p0 .LBB2_5-.Ltmp4, $4  }
0x2ff: {  	[tilespmem:s15], [sflag:$0x1] =	stream.linear.gather [hbm4b:s0+s28], $0x80, $0x38;
	[tilespmem:$0x10E00] =	vst v63  }
0x300: {  	s6 =	simm.s32 $0x0;
	s28 =	rddreg [dreg:$0xe]  }
0x301: {  	s16 =	sadd.s32 $0x10, s16;
	s0 =	sadd.s32 $0x10, s19;
	[tilespmem:s19+$0x0] =	vst v1;
	s8 =	sadd.s32 $0x10, s28  }
0x302: {  	_ = 	snop  }
.LBB2_6:
0x303: {  	_ =	sfence.sel $0x180000  }
0x304: {  	[bflag:$0x0] =	sbarrier.arrive $0xFFFF  }
0x305: {  	_ =	strace $0x90000047  }
0x306: {  	s0 =	stileid.u32;
	[bflag:$0x2] =	sbarrier.arrive $0xFFFF  }
0x307: {  	p0 =	sne.s32 s0, $0x0;
	s0 =	rddreg [dreg:$0x6]  }
0x308: {  	s0 =	sadd.s32 @!p0 $0x100000, s0  }
0x309: {  	[sflag:s0] =	ssyncadd.tile.s32 @!p0 $0x1;
	_ =	shalt  }
.Lfunc_end2:
_tile_overlayer_lowered:
.L_overlay_start_2:
0x30a: {  	(tag) =	ssettag $0x2  }
0x30b: {  	s0 =	rddreg [dreg:$0x0];
	s2 =	stileid.u32  }
0x30c: {  	s1 =	rddreg [dreg:$0x1];
	p0 =	sne.s32 s2, $0x0  }
0x30d: {  	s3 =	rddreg [dreg:$0x2];
	[bflag:$0x3] =	sbarrier.arrive $0xFFFF;
	s2 =	simm.s32 @!p0 $0x1C02  }
0x30e: {  	[timem:s3], [sflag:s2] =	dma.local @!p0 [hbm:s0], s1  }
0x30f: {  	s0 =	simm.s32 @!p0 $0x2  }
0x310: {  	_ =	swait.ge @!p0 [sflag:s0], s1  }
0x311: {  	s1 =	ssub.s32 @!p0 $0x0, s1;
	[sflag:s0] =	ssyncset.done @!p0 $0x0  }
0x312: {  	[sflag:s0] =	ssyncadd.s32 @!p0 s1  }
0x313: {  	[bflag:$0x3] =	sbarrier.arrive $0xFFFF  }
0x314: {  	_ =	shalt  }

</sc_bundles>
